<compile_context>
chip_gen: v7x
topology: tpu7x:2x2x1
jax: 0.10.2.dev20260603
libtpu: 0.0.44.dev20260713+nightly
codegen_flags: <defaults>
</compile_context>

<pallas_src>
import functools

import jax
import jax.numpy as jnp
from jax import lax
from jax.experimental import pallas as pl
from jax.experimental.pallas import tpu as pltpu
from jax.experimental.pallas import tpu_sc as plsc

_SC_CORES = 2
_SC_SUBCORES = 16
_NW = _SC_CORES * _SC_SUBCORES
_NC = 512


def _score_sum_body(tokens_ref, w1_ref, b1_ref, w2_ref, b2_ref,
                    scores_ref, sum_ref):
    xb = tokens_ref[...]
    bb, nc, dd = xb.shape
    x = xb.reshape(bb * nc, dd)
    inv_d = jnp.float32(1.0 / dd)
    mu = jnp.sum(x, axis=1, keepdims=True) * inv_d
    xc = x - mu
    var = jnp.sum(xc * xc, axis=1, keepdims=True) * inv_d
    xn = xc * lax.rsqrt(var + 1e-5)
    h = jnp.dot(xn, w1_ref[...], preferred_element_type=jnp.float32)
    h = jnp.maximum(h + b1_ref[...], 0.0)
    s = jnp.dot(h, w2_ref[...], preferred_element_type=jnp.float32)
    s = s[:, :1] + b2_ref[0, 0]
    scores_ref[...] = s.reshape(bb, nc)

    @pl.when(pl.program_id(0) == 0)
    def _():
        sum_ref[...] = jnp.zeros_like(sum_ref)

    sum_ref[...] += jnp.sum(xb, axis=1)


def _topk_body(scores_ref, idx_ref, *, k, n):
    s = scores_ref[...]
    b = s.shape[0]
    col = lax.broadcasted_iota(jnp.int32, s.shape, 1)
    kcol = lax.broadcasted_iota(jnp.int32, (b, k), 1)
    row_off = lax.broadcasted_iota(jnp.int32, (b, k), 0) * n

    def body(j, carry):
        s, acc = carry
        m = jnp.max(s, axis=1, keepdims=True)
        cand = jnp.where(s >= m, col, jnp.int32(n))
        idx = jnp.min(cand, axis=1, keepdims=True)
        acc = jnp.where(kcol == j, idx, acc)
        s = jnp.where(col == idx, -jnp.inf, s)
        return s, acc

    acc0 = jnp.zeros((b, k), jnp.int32)
    _, acc = lax.fori_loop(0, k, body, (s, acc0))
    idx_ref[...] = acc + row_off


def _make_gather_bg(b, n, d, k):
    rpw = (k + 1) // 2
    chunks = d // 16
    inv_cnt = 1.0 / float(n - k)
    mesh = plsc.VectorSubcoreMesh(core_axis_name="c", subcore_axis_name="s")

    @functools.partial(
        pl.kernel, mesh=mesh,
        out_type=[
            jax.ShapeDtypeStruct((b, k, d), jnp.float32),
            jax.ShapeDtypeStruct((b, 1, d), jnp.float32),
        ],
        scratch_types=[
            pltpu.VMEM((rpw,), jnp.int32),
            pltpu.VMEM((rpw, d), jnp.float32),
            pltpu.VMEM((d,), jnp.float32),
            pltpu.VMEM((d,), jnp.float32),
            pltpu.VMEM((d,), jnp.float32),
            pltpu.VMEM((1, d), jnp.float32),
            pltpu.VMEM_SHARED((_NW, d), jnp.float32),
            pltpu.SemaphoreType.DMA,
        ],
    )
    def gather_bg(table_hbm, idx_hbm, sums_hbm, topk_hbm, bg_hbm,
                  idx_v, rows_v, psum_v, tmp_v, rsum_v, bg_v, shared, sem):
        cid = lax.axis_index("c")
        sid = lax.axis_index("s")
        row = cid * (b // _SC_CORES) + sid // 2
        half = sid % 2
        slot = cid * _SC_SUBCORES + sid
        pltpu.sync_copy(idx_hbm.at[pl.ds(row * k + half * rpw, rpw)], idx_v)
        pltpu.async_copy(table_hbm.at[idx_v], rows_v, sem).wait()
        pltpu.sync_copy(rows_v, topk_hbm.at[row, pl.ds(half * rpw, rpw)])
        for c in range(chunks):
            acc = rows_v[0, pl.ds(c * 16, 16)]
            for r in range(1, rpw):
                acc = acc + rows_v[r, pl.ds(c * 16, 16)]
            psum_v[pl.ds(c * 16, 16)] = acc
        pltpu.sync_copy(psum_v, shared.at[slot])
        plsc.subcore_barrier()

        @pl.when(half == 0)
        def _():
            pltpu.sync_copy(shared.at[slot + 1], tmp_v)
            pltpu.sync_copy(sums_hbm.at[pl.ds(row * d, d)], rsum_v)
            for c in range(chunks):
                sl = pl.ds(c * 16, 16)
                bg_v[0, sl] = (rsum_v[sl] - psum_v[sl] - tmp_v[sl]) * inv_cnt
            pltpu.sync_copy(bg_v, bg_hbm.at[row])

    return gather_bg


def kernel(tokens, ln_w, ln_b, w1, b1, w2, b2):
    b, n, d = tokens.shape
    hid = w1.shape[1]
    k = min(64, max(1, n - 1))

    w1p = w1 * ln_w[:, None]
    b1p = (b1 + ln_b @ w1).reshape(1, hid)
    w2col = jnp.zeros((hid, 128), jnp.float32).at[:, :1].set(w2)
    b2s = b2.reshape(1, 1)

    scores, sums = pl.pallas_call(
        _score_sum_body,
        grid=(n // _NC,),
        in_specs=[
            pl.BlockSpec((b, _NC, d), lambda j: (0, j, 0)),
            pl.BlockSpec((d, hid), lambda j: (0, 0)),
            pl.BlockSpec((1, hid), lambda j: (0, 0)),
            pl.BlockSpec((hid, 128), lambda j: (0, 0)),
            pl.BlockSpec((1, 1), lambda j: (0, 0)),
        ],
        out_specs=[
            pl.BlockSpec((b, _NC), lambda j: (0, j)),
            pl.BlockSpec((b, d), lambda j: (0, 0)),
        ],
        out_shape=[
            jax.ShapeDtypeStruct((b, n), jnp.float32),
            jax.ShapeDtypeStruct((b, d), jnp.float32),
        ],
    )(tokens, w1p, b1p, w2col, b2s)

    idx_abs = pl.pallas_call(
        functools.partial(_topk_body, k=k, n=n),
        out_shape=jax.ShapeDtypeStruct((b, k), jnp.int32),
    )(scores)

    table = tokens.reshape(b * n, d)
    idx_flat = idx_abs.reshape(b * k)
    sums_flat = sums.reshape(b * d)
    topk_toks, bg = _make_gather_bg(b, n, d, k)(table, idx_flat, sums_flat)
    return jnp.concatenate([bg, topk_toks], axis=1)

# --- scband reference (transcript-rebuilt; emitter-appended) ---
"""Pipeline reference for scband-track-token-gater-88596585382096 (READ-ONLY COPY).

The authoritative reference and input builder live on the scoring server;
editing this copy changes nothing except your own understanding.
"""

import jax, jax.numpy as jnp
import numpy as np

DIM = 256
HID = 64
K = 64


def setup_inputs(seed: int = 0) -> dict:
    key = jax.random.key(seed)
    ks = jax.random.split(key, 4)
    tokens = jax.random.normal(ks[0], (16, 8192, DIM), dtype=jnp.float32)
    ln_w = jnp.ones((DIM,), jnp.float32)
    ln_b = jnp.zeros((DIM,), jnp.float32)
    w1 = jax.random.normal(ks[1], (DIM, HID), jnp.float32) * (1.0 / np.sqrt(DIM))
    b1 = jnp.zeros((HID,), jnp.float32)
    w2 = jax.random.normal(ks[2], (HID, 1), jnp.float32) * (1.0 / np.sqrt(HID))
    b2 = jnp.zeros((1,), jnp.float32)
    return {"tokens": tokens, "ln_w": ln_w, "ln_b": ln_b, "w1": w1, "b1": b1, "w2": w2, "b2": b2}


def reference(tokens, ln_w, ln_b, w1, b1, w2, b2):
    B, N, D = tokens.shape
    # score_mlp: LayerNorm -> Linear -> ReLU -> Linear
    mu = jnp.mean(tokens, axis=-1, keepdims=True)
    var = jnp.mean((tokens - mu) ** 2, axis=-1, keepdims=True)
    h = (tokens - mu) / jnp.sqrt(var + 1e-5) * ln_w + ln_b
    h = jnp.maximum(h @ w1 + b1, 0.0)
    scores = (h @ w2 + b2).squeeze(-1)  # [B, N]
    probs = jax.nn.softmax(scores, axis=-1)  # computed in torch forward (aux)
    k = min(K, max(1, N - 1))
    topk_scores, topk_idx = jax.lax.top_k(scores, k)  # [B, k]
    topk_tokens = jnp.take_along_axis(tokens, topk_idx[..., None], axis=1)  # [B, k, D]
    bg_mask = jnp.ones((B, N), dtype=bool).at[jnp.arange(B)[:, None], topk_idx].set(False)
    bg_count = jnp.clip(jnp.sum(bg_mask, axis=1, keepdims=True), 1, None)  # [B, 1]
    bg_token = jnp.sum(tokens * bg_mask[..., None].astype(tokens.dtype), axis=1, keepdims=True) / bg_count[..., None].astype(tokens.dtype)
    tokens_gated = jnp.concatenate([bg_token, topk_tokens], axis=1)  # [B, k+1, D]
    return tokens_gated

if __name__ == "__main__":
    import jax
    _d = setup_inputs()
    print(jax.jit(kernel)(*tuple(_d.values())))

</pallas_src>

<mosaic_0001>
#map = affine_map<(d0, d1) -> (0, 0)>
#map1 = affine_map<(d0, d1) -> (0)>
#map2 = affine_map<(d0, d1) -> (0, 0, 0)>
module attributes {stable_mosaic.version = 14 : i64} {
  func.func @gather_bg(%arg0: i32, %arg1: i32, %arg2: memref<131072x256xf32, #tpu.memory_space<hbm>>, %arg3: memref<1024xi32, #tpu.memory_space<hbm>>, %arg4: memref<4096xf32, #tpu.memory_space<hbm>>, %arg5: memref<16x64x256xf32, #tpu.memory_space<hbm>>, %arg6: memref<16x1x256xf32, #tpu.memory_space<hbm>>, %arg7: memref<32xi32, #tpu.memory_space<vmem>>, %arg8: memref<32x256xf32, #tpu.memory_space<vmem>>, %arg9: memref<256xf32, #tpu.memory_space<vmem>>, %arg10: memref<256xf32, #tpu.memory_space<vmem>>, %arg11: memref<256xf32, #tpu.memory_space<vmem>>, %arg12: memref<1x256xf32, #tpu.memory_space<vmem>>, %arg13: memref<32x256xf32, #tpu.memory_space<vmem_shared>>, %arg14: memref<!tpu.dma_semaphore, #tpu.memory_space<semaphore_mem>>) attributes {dimension_semantics = [#tpu.dimension_semantics<core_parallel>, #tpu.dimension_semantics<subcore_parallel>], iteration_bounds = array<i64: 2, 16>, scalar_prefetch = 0 : i64, scratch_operands = 8 : i64, tpu.core_type = #tpu.core_type<sc_vector_subcore>, window_params = [{transform_indices = #map}, {transform_indices = #map1}, {transform_indices = #map1}, {transform_indices = #map2}, {transform_indices = #map2}]} {
    %mul3A = arith.constant 8 : i32
    %mul3A_0 = arith.muli %arg0, %mul3A : i32
    %jit3A = arith.constant 2 : i32
    %div3A = arith.divsi %arg1, %jit3A : i32
    %sign3A = arith.constant 0 : i32
    %sign3A_1 = arith.cmpi sgt, %arg1, %sign3A : i32
    %sign3A_2 = arith.extui %sign3A_1 : i1 to i32
    %sign3A_3 = arith.constant 0 : i32
    %sign3A_4 = arith.cmpi slt, %arg1, %sign3A_3 : i32
    %sign3A_5 = arith.extui %sign3A_4 : i1 to i32
    %sign3A_6 = arith.subi %sign3A_2, %sign3A_5 : i32
    %sign3A_7 = arith.constant 0 : i32
    %sign3A_8 = arith.cmpi sgt, %jit3A, %sign3A_7 : i32
    %sign3A_9 = arith.extui %sign3A_8 : i1 to i32
    %sign3A_10 = arith.constant 0 : i32
    %sign3A_11 = arith.cmpi slt, %jit3A, %sign3A_10 : i32
    %sign3A_12 = arith.extui %sign3A_11 : i1 to i32
    %sign3A_13 = arith.subi %sign3A_9, %sign3A_12 : i32
    %ne3A = arith.cmpi ne, %sign3A_6, %sign3A_13 : i32
    %rem3A = arith.remsi %arg1, %jit3A : i32
    %ne3A_14 = arith.constant 0 : i32
    %ne3A_15 = arith.cmpi ne, %rem3A, %ne3A_14 : i32
    %and3A = arith.andi %ne3A, %ne3A_15 : i1
    %sub3A = arith.constant 1 : i32
    %sub3A_16 = arith.subi %div3A, %sub3A : i32
    %select_n3A = arith.select %and3A, %sub3A_16, %div3A : i32
    %add3A = arith.addi %mul3A_0, %select_n3A : i32
    %jit3A_17 = arith.constant 2 : i32
    %eq3A = arith.constant 0 : i32
    %eq3A_18 = arith.cmpi eq, %jit3A_17, %eq3A : i32
    %jit3A_19 = arith.constant 1 : i32
    %select_n3A_20 = arith.select %eq3A_18, %jit3A_19, %jit3A_17 : i32
    %rem3A_21 = arith.remsi %arg1, %select_n3A_20 : i32
    %ne3A_22 = arith.constant 0 : i32
    %ne3A_23 = arith.cmpi ne, %rem3A_21, %ne3A_22 : i32
    %lt3A = arith.constant 0 : i32
    %lt3A_24 = arith.cmpi slt, %rem3A_21, %lt3A : i32
    %lt3A_25 = arith.constant 0 : i32
    %lt3A_26 = arith.cmpi slt, %select_n3A_20, %lt3A_25 : i32
    %ne3A_27 = arith.xori %lt3A_24, %lt3A_26 : i1
    %and3A_28 = arith.andi %ne3A_27, %ne3A_23 : i1
    %add3A_29 = arith.addi %rem3A_21, %select_n3A_20 : i32
    %select_n3A_30 = arith.select %and3A_28, %add3A_29, %rem3A_21 : i32
    %mul3A_31 = arith.constant 16 : i32
    %mul3A_32 = arith.muli %arg0, %mul3A_31 : i32
    %add3A_33 = arith.addi %mul3A_32, %arg1 : i32
    %mul3A_34 = arith.constant 64 : i32
    %mul3A_35 = arith.muli %add3A, %mul3A_34 : i32
    %mul3A_36 = arith.constant 32 : i32
    %mul3A_37 = arith.muli %select_n3A_30, %mul3A_36 : i32
    %add3A_38 = arith.addi %mul3A_35, %mul3A_37 : i32
    "tpu.region"() ({
      %run_scoped3A = tpu.sem_alloc : memref<!tpu.dma_semaphore, #tpu.memory_space<semaphore_mem>>
      %dma_start3A_3166 = tpu.memref_slice %arg3[%add3A_38] : memref<1024xi32, #tpu.memory_space<hbm>> -> memref<32xi32, #tpu.memory_space<hbm>>
      %dma_start3A_3167 = tpu.memref_slice %arg3[%add3A_38] : memref<1024xi32, #tpu.memory_space<hbm>> -> memref<32xi32, #tpu.memory_space<hbm>>
      tpu.enqueue_dma source(%dma_start3A_3167 : memref<32xi32, #tpu.memory_space<hbm>>) target(%arg7 : memref<32xi32, #tpu.memory_space<vmem>>) target_semaphore(%run_scoped3A : memref<!tpu.dma_semaphore, #tpu.memory_space<semaphore_mem>>)
      %dma_wait3A_3168 = tpu.memref_slice %arg3[%add3A_38] : memref<1024xi32, #tpu.memory_space<hbm>> -> memref<32xi32, #tpu.memory_space<hbm>>
      %dma_wait3A_3169 = tpu.memref_slice %arg3[%add3A_38] : memref<1024xi32, #tpu.memory_space<hbm>> -> memref<32xi32, #tpu.memory_space<hbm>>
      tpu.wait_dma2 semaphore(%run_scoped3A : memref<!tpu.dma_semaphore, #tpu.memory_space<semaphore_mem>>) src(%dma_wait3A_3169 : memref<32xi32, #tpu.memory_space<hbm>>) dst(%arg7 : memref<32xi32, #tpu.memory_space<vmem>>)
      tpu.yield
    }) : () -> ()
    %dma_start3A = arith.constant 0 : i32
    %dma_start3A_39 = arith.constant 0 : i32
    %dma_start3A_40 = tpu.memref_slice %arg2[%dma_start3A, %dma_start3A_39] : memref<131072x256xf32, #tpu.memory_space<hbm>> -> memref<131072x256xf32, #tpu.memory_space<hbm>>
    tpu.enqueue_indirect_dma source(%dma_start3A_40 : memref<131072x256xf32, #tpu.memory_space<hbm>>) target(%arg8 : memref<32x256xf32, #tpu.memory_space<vmem>>) offsets(%arg7 : memref<32xi32, #tpu.memory_space<vmem>>) semaphore(%arg14 : memref<!tpu.dma_semaphore, #tpu.memory_space<semaphore_mem>>)
    %dma_wait3A = arith.constant 0 : i32
    %dma_wait3A_41 = arith.constant 0 : i32
    %dma_wait3A_42 = tpu.memref_slice %arg2[%dma_wait3A, %dma_wait3A_41] : memref<131072x256xf32, #tpu.memory_space<hbm>> -> memref<131072x256xf32, #tpu.memory_space<hbm>>
    tpu.wait_indirect_dma semaphore(%arg14 : memref<!tpu.dma_semaphore, #tpu.memory_space<semaphore_mem>>) src(%dma_wait3A_42 : memref<131072x256xf32, #tpu.memory_space<hbm>>) dst(%arg8 : memref<32x256xf32, #tpu.memory_space<vmem>>)
    %mul3A_43 = arith.constant 32 : i32
    %mul3A_44 = arith.muli %select_n3A_30, %mul3A_43 : i32
    "tpu.region"() ({
      %run_scoped3A = tpu.sem_alloc : memref<!tpu.dma_semaphore, #tpu.memory_space<semaphore_mem>>
      %dma_start3A_3166 = arith.constant 0 : i32
      %dma_start3A_3167 = tpu.memref_slice %arg5[%add3A, %mul3A_44, %dma_start3A_3166] : memref<16x64x256xf32, #tpu.memory_space<hbm>> -> memref<1x32x256xf32, #tpu.memory_space<hbm>>
      %dma_start3A_3168 = tpu.memref_squeeze %dma_start3A_3167 : memref<1x32x256xf32, #tpu.memory_space<hbm>> -> memref<32x256xf32, #tpu.memory_space<hbm>>
      %dma_start3A_3169 = arith.constant 0 : i32
      %dma_start3A_3170 = tpu.memref_slice %arg5[%add3A, %mul3A_44, %dma_start3A_3169] : memref<16x64x256xf32, #tpu.memory_space<hbm>> -> memref<1x32x256xf32, #tpu.memory_space<hbm>>
      %dma_start3A_3171 = tpu.memref_squeeze %dma_start3A_3170 : memref<1x32x256xf32, #tpu.memory_space<hbm>> -> memref<32x256xf32, #tpu.memory_space<hbm>>
      tpu.enqueue_dma source(%arg8 : memref<32x256xf32, #tpu.memory_space<vmem>>) target(%dma_start3A_3171 : memref<32x256xf32, #tpu.memory_space<hbm>>) target_semaphore(%run_scoped3A : memref<!tpu.dma_semaphore, #tpu.memory_space<semaphore_mem>>)
      %dma_wait3A_3172 = arith.constant 0 : i32
      %dma_wait3A_3173 = tpu.memref_slice %arg5[%add3A, %mul3A_44, %dma_wait3A_3172] : memref<16x64x256xf32, #tpu.memory_space<hbm>> -> memref<1x32x256xf32, #tpu.memory_space<hbm>>
      %dma_wait3A_3174 = tpu.memref_squeeze %dma_wait3A_3173 : memref<1x32x256xf32, #tpu.memory_space<hbm>> -> memref<32x256xf32, #tpu.memory_space<hbm>>
      %dma_wait3A_3175 = arith.constant 0 : i32
      %dma_wait3A_3176 = tpu.memref_slice %arg5[%add3A, %mul3A_44, %dma_wait3A_3175] : memref<16x64x256xf32, #tpu.memory_space<hbm>> -> memref<1x32x256xf32, #tpu.memory_space<hbm>>
      %dma_wait3A_3177 = tpu.memref_squeeze %dma_wait3A_3176 : memref<1x32x256xf32, #tpu.memory_space<hbm>> -> memref<32x256xf32, #tpu.memory_space<hbm>>
      tpu.wait_dma2 semaphore(%run_scoped3A : memref<!tpu.dma_semaphore, #tpu.memory_space<semaphore_mem>>) src(%arg8 : memref<32x256xf32, #tpu.memory_space<vmem>>) dst(%dma_wait3A_3177 : memref<32x256xf32, #tpu.memory_space<hbm>>)
      tpu.yield
    }) : () -> ()
    %get3A = arith.constant 0 : i32
    %get3A_45 = arith.index_cast %get3A : i32 to index
    %get3A_46 = arith.constant 0 : index
    %get3A_47 = tpu.vector_load %arg8[%get3A_45, %get3A_46] {strides = array<i32>} : memref<32x256xf32, #tpu.memory_space<vmem>>, vector<1x16xf32>,
    %get3A_48 = vector.shape_cast %get3A_47 : vector<1x16xf32> to vector<16xf32>
    %get3A_49 = arith.constant 1 : i32
    %get3A_50 = arith.index_cast %get3A_49 : i32 to index
    %get3A_51 = arith.constant 0 : index
    %get3A_52 = tpu.vector_load %arg8[%get3A_50, %get3A_51] {strides = array<i32>} : memref<32x256xf32, #tpu.memory_space<vmem>>, vector<1x16xf32>,
    %get3A_53 = vector.shape_cast %get3A_52 : vector<1x16xf32> to vector<16xf32>
    %add3A_54 = arith.addf %get3A_48, %get3A_53 : vector<16xf32>
    %get3A_55 = arith.constant 2 : i32
    %get3A_56 = arith.index_cast %get3A_55 : i32 to index
    %get3A_57 = arith.constant 0 : index
    %get3A_58 = tpu.vector_load %arg8[%get3A_56, %get3A_57] {strides = array<i32>} : memref<32x256xf32, #tpu.memory_space<vmem>>, vector<1x16xf32>,
    %get3A_59 = vector.shape_cast %get3A_58 : vector<1x16xf32> to vector<16xf32>
    %add3A_60 = arith.addf %add3A_54, %get3A_59 : vector<16xf32>
    %get3A_61 = arith.constant 3 : i32
    %get3A_62 = arith.index_cast %get3A_61 : i32 to index
    %get3A_63 = arith.constant 0 : index
    %get3A_64 = tpu.vector_load %arg8[%get3A_62, %get3A_63] {strides = array<i32>} : memref<32x256xf32, #tpu.memory_space<vmem>>, vector<1x16xf32>,
    %get3A_65 = vector.shape_cast %get3A_64 : vector<1x16xf32> to vector<16xf32>
    %add3A_66 = arith.addf %add3A_60, %get3A_65 : vector<16xf32>
    %get3A_67 = arith.constant 4 : i32
    %get3A_68 = arith.index_cast %get3A_67 : i32 to index
    %get3A_69 = arith.constant 0 : index
    %get3A_70 = tpu.vector_load %arg8[%get3A_68, %get3A_69] {strides = array<i32>} : memref<32x256xf32, #tpu.memory_space<vmem>>, vector<1x16xf32>,
    %get3A_71 = vector.shape_cast %get3A_70 : vector<1x16xf32> to vector<16xf32>
    %add3A_72 = arith.addf %add3A_66, %get3A_71 : vector<16xf32>
    %get3A_73 = arith.constant 5 : i32
    %get3A_74 = arith.index_cast %get3A_73 : i32 to index
    %get3A_75 = arith.constant 0 : index
    %get3A_76 = tpu.vector_load %arg8[%get3A_74, %get3A_75] {strides = array<i32>} : memref<32x256xf32, #tpu.memory_space<vmem>>, vector<1x16xf32>,
    %get3A_77 = vector.shape_cast %get3A_76 : vector<1x16xf32> to vector<16xf32>
    %add3A_78 = arith.addf %add3A_72, %get3A_77 : vector<16xf32>
    %get3A_79 = arith.constant 6 : i32
    %get3A_80 = arith.index_cast %get3A_79 : i32 to index
    %get3A_81 = arith.constant 0 : index
    %get3A_82 = tpu.vector_load %arg8[%get3A_80, %get3A_81] {strides = array<i32>} : memref<32x256xf32, #tpu.memory_space<vmem>>, vector<1x16xf32>,
    %get3A_83 = vector.shape_cast %get3A_82 : vector<1x16xf32> to vector<16xf32>
    %add3A_84 = arith.addf %add3A_78, %get3A_83 : vector<16xf32>
    %get3A_85 = arith.constant 7 : i32
    %get3A_86 = arith.index_cast %get3A_85 : i32 to index
    %get3A_87 = arith.constant 0 : index
    %get3A_88 = tpu.vector_load %arg8[%get3A_86, %get3A_87] {strides = array<i32>} : memref<32x256xf32, #tpu.memory_space<vmem>>, vector<1x16xf32>,
    %get3A_89 = vector.shape_cast %get3A_88 : vector<1x16xf32> to vector<16xf32>
    %add3A_90 = arith.addf %add3A_84, %get3A_89 : vector<16xf32>
    %get3A_91 = arith.constant 8 : i32
    %get3A_92 = arith.index_cast %get3A_91 : i32 to index
    %get3A_93 = arith.constant 0 : index
    %get3A_94 = tpu.vector_load %arg8[%get3A_92, %get3A_93] {strides = array<i32>} : memref<32x256xf32, #tpu.memory_space<vmem>>, vector<1x16xf32>,
    %get3A_95 = vector.shape_cast %get3A_94 : vector<1x16xf32> to vector<16xf32>
    %add3A_96 = arith.addf %add3A_90, %get3A_95 : vector<16xf32>
    %get3A_97 = arith.constant 9 : i32
    %get3A_98 = arith.index_cast %get3A_97 : i32 to index
    %get3A_99 = arith.constant 0 : index
    %get3A_100 = tpu.vector_load %arg8[%get3A_98, %get3A_99] {strides = array<i32>} : memref<32x256xf32, #tpu.memory_space<vmem>>, vector<1x16xf32>,
    %get3A_101 = vector.shape_cast %get3A_100 : vector<1x16xf32> to vector<16xf32>
    %add3A_102 = arith.addf %add3A_96, %get3A_101 : vector<16xf32>
    %get3A_103 = arith.constant 10 : i32
    %get3A_104 = arith.index_cast %get3A_103 : i32 to index
    %get3A_105 = arith.constant 0 : index
    %get3A_106 = tpu.vector_load %arg8[%get3A_104, %get3A_105] {strides = array<i32>} : memref<32x256xf32, #tpu.memory_space<vmem>>, vector<1x16xf32>,
    %get3A_107 = vector.shape_cast %get3A_106 : vector<1x16xf32> to vector<16xf32>
    %add3A_108 = arith.addf %add3A_102, %get3A_107 : vector<16xf32>
    %get3A_109 = arith.constant 11 : i32
    %get3A_110 = arith.index_cast %get3A_109 : i32 to index
    %get3A_111 = arith.constant 0 : index
    %get3A_112 = tpu.vector_load %arg8[%get3A_110, %get3A_111] {strides = array<i32>} : memref<32x256xf32, #tpu.memory_space<vmem>>, vector<1x16xf32>,
    %get3A_113 = vector.shape_cast %get3A_112 : vector<1x16xf32> to vector<16xf32>
    %add3A_114 = arith.addf %add3A_108, %get3A_113 : vector<16xf32>
    %get3A_115 = arith.constant 12 : i32
    %get3A_116 = arith.index_cast %get3A_115 : i32 to index
    %get3A_117 = arith.constant 0 : index
    %get3A_118 = tpu.vector_load %arg8[%get3A_116, %get3A_117] {strides = array<i32>} : memref<32x256xf32, #tpu.memory_space<vmem>>, vector<1x16xf32>,
    %get3A_119 = vector.shape_cast %get3A_118 : vector<1x16xf32> to vector<16xf32>
    %add3A_120 = arith.addf %add3A_114, %get3A_119 : vector<16xf32>
    %get3A_121 = arith.constant 13 : i32
    %get3A_122 = arith.index_cast %get3A_121 : i32 to index
    %get3A_123 = arith.constant 0 : index
    %get3A_124 = tpu.vector_load %arg8[%get3A_122, %get3A_123] {strides = array<i32>} : memref<32x256xf32, #tpu.memory_space<vmem>>, vector<1x16xf32>,
    %get3A_125 = vector.shape_cast %get3A_124 : vector<1x16xf32> to vector<16xf32>
    %add3A_126 = arith.addf %add3A_120, %get3A_125 : vector<16xf32>
    %get3A_127 = arith.constant 14 : i32
    %get3A_128 = arith.index_cast %get3A_127 : i32 to index
    %get3A_129 = arith.constant 0 : index
    %get3A_130 = tpu.vector_load %arg8[%get3A_128, %get3A_129] {strides = array<i32>} : memref<32x256xf32, #tpu.memory_space<vmem>>, vector<1x16xf32>,
    %get3A_131 = vector.shape_cast %get3A_130 : vector<1x16xf32> to vector<16xf32>
    %add3A_132 = arith.addf %add3A_126, %get3A_131 : vector<16xf32>
    %get3A_133 = arith.constant 15 : i32
    %get3A_134 = arith.index_cast %get3A_133 : i32 to index
    %get3A_135 = arith.constant 0 : index
    %get3A_136 = tpu.vector_load %arg8[%get3A_134, %get3A_135] {strides = array<i32>} : memref<32x256xf32, #tpu.memory_space<vmem>>, vector<1x16xf32>,
    %get3A_137 = vector.shape_cast %get3A_136 : vector<1x16xf32> to vector<16xf32>
    %add3A_138 = arith.addf %add3A_132, %get3A_137 : vector<16xf32>
    %get3A_139 = arith.constant 16 : i32
    %get3A_140 = arith.index_cast %get3A_139 : i32 to index
    %get3A_141 = arith.constant 0 : index
    %get3A_142 = tpu.vector_load %arg8[%get3A_140, %get3A_141] {strides = array<i32>} : memref<32x256xf32, #tpu.memory_space<vmem>>, vector<1x16xf32>,
    %get3A_143 = vector.shape_cast %get3A_142 : vector<1x16xf32> to vector<16xf32>
    %add3A_144 = arith.addf %add3A_138, %get3A_143 : vector<16xf32>
    %get3A_145 = arith.constant 17 : i32
    %get3A_146 = arith.index_cast %get3A_145 : i32 to index
    %get3A_147 = arith.constant 0 : index
    %get3A_148 = tpu.vector_load %arg8[%get3A_146, %get3A_147] {strides = array<i32>} : memref<32x256xf32, #tpu.memory_space<vmem>>, vector<1x16xf32>,
    %get3A_149 = vector.shape_cast %get3A_148 : vector<1x16xf32> to vector<16xf32>
    %add3A_150 = arith.addf %add3A_144, %get3A_149 : vector<16xf32>
    %get3A_151 = arith.constant 18 : i32
    %get3A_152 = arith.index_cast %get3A_151 : i32 to index
    %get3A_153 = arith.constant 0 : index
    %get3A_154 = tpu.vector_load %arg8[%get3A_152, %get3A_153] {strides = array<i32>} : memref<32x256xf32, #tpu.memory_space<vmem>>, vector<1x16xf32>,
    %get3A_155 = vector.shape_cast %get3A_154 : vector<1x16xf32> to vector<16xf32>
    %add3A_156 = arith.addf %add3A_150, %get3A_155 : vector<16xf32>
    %get3A_157 = arith.constant 19 : i32
    %get3A_158 = arith.index_cast %get3A_157 : i32 to index
    %get3A_159 = arith.constant 0 : index
    %get3A_160 = tpu.vector_load %arg8[%get3A_158, %get3A_159] {strides = array<i32>} : memref<32x256xf32, #tpu.memory_space<vmem>>, vector<1x16xf32>,
    %get3A_161 = vector.shape_cast %get3A_160 : vector<1x16xf32> to vector<16xf32>
    %add3A_162 = arith.addf %add3A_156, %get3A_161 : vector<16xf32>
    %get3A_163 = arith.constant 20 : i32
    %get3A_164 = arith.index_cast %get3A_163 : i32 to index
    %get3A_165 = arith.constant 0 : index
    %get3A_166 = tpu.vector_load %arg8[%get3A_164, %get3A_165] {strides = array<i32>} : memref<32x256xf32, #tpu.memory_space<vmem>>, vector<1x16xf32>,
    %get3A_167 = vector.shape_cast %get3A_166 : vector<1x16xf32> to vector<16xf32>
    %add3A_168 = arith.addf %add3A_162, %get3A_167 : vector<16xf32>
    %get3A_169 = arith.constant 21 : i32
    %get3A_170 = arith.index_cast %get3A_169 : i32 to index
    %get3A_171 = arith.constant 0 : index
    %get3A_172 = tpu.vector_load %arg8[%get3A_170, %get3A_171] {strides = array<i32>} : memref<32x256xf32, #tpu.memory_space<vmem>>, vector<1x16xf32>,
    %get3A_173 = vector.shape_cast %get3A_172 : vector<1x16xf32> to vector<16xf32>
    %add3A_174 = arith.addf %add3A_168, %get3A_173 : vector<16xf32>
    %get3A_175 = arith.constant 22 : i32
    %get3A_176 = arith.index_cast %get3A_175 : i32 to index
    %get3A_177 = arith.constant 0 : index
    %get3A_178 = tpu.vector_load %arg8[%get3A_176, %get3A_177] {strides = array<i32>} : memref<32x256xf32, #tpu.memory_space<vmem>>, vector<1x16xf32>,
    %get3A_179 = vector.shape_cast %get3A_178 : vector<1x16xf32> to vector<16xf32>
    %add3A_180 = arith.addf %add3A_174, %get3A_179 : vector<16xf32>
    %get3A_181 = arith.constant 23 : i32
    %get3A_182 = arith.index_cast %get3A_181 : i32 to index
    %get3A_183 = arith.constant 0 : index
    %get3A_184 = tpu.vector_load %arg8[%get3A_182, %get3A_183] {strides = array<i32>} : memref<32x256xf32, #tpu.memory_space<vmem>>, vector<1x16xf32>,
    %get3A_185 = vector.shape_cast %get3A_184 : vector<1x16xf32> to vector<16xf32>
    %add3A_186 = arith.addf %add3A_180, %get3A_185 : vector<16xf32>
    %get3A_187 = arith.constant 24 : i32
    %get3A_188 = arith.index_cast %get3A_187 : i32 to index
    %get3A_189 = arith.constant 0 : index
    %get3A_190 = tpu.vector_load %arg8[%get3A_188, %get3A_189] {strides = array<i32>} : memref<32x256xf32, #tpu.memory_space<vmem>>, vector<1x16xf32>,
    %get3A_191 = vector.shape_cast %get3A_190 : vector<1x16xf32> to vector<16xf32>
    %add3A_192 = arith.addf %add3A_186, %get3A_191 : vector<16xf32>
    %get3A_193 = arith.constant 25 : i32
    %get3A_194 = arith.index_cast %get3A_193 : i32 to index
    %get3A_195 = arith.constant 0 : index
    %get3A_196 = tpu.vector_load %arg8[%get3A_194, %get3A_195] {strides = array<i32>} : memref<32x256xf32, #tpu.memory_space<vmem>>, vector<1x16xf32>,
    %get3A_197 = vector.shape_cast %get3A_196 : vector<1x16xf32> to vector<16xf32>
    %add3A_198 = arith.addf %add3A_192, %get3A_197 : vector<16xf32>
    %get3A_199 = arith.constant 26 : i32
    %get3A_200 = arith.index_cast %get3A_199 : i32 to index
    %get3A_201 = arith.constant 0 : index
    %get3A_202 = tpu.vector_load %arg8[%get3A_200, %get3A_201] {strides = array<i32>} : memref<32x256xf32, #tpu.memory_space<vmem>>, vector<1x16xf32>,
    %get3A_203 = vector.shape_cast %get3A_202 : vector<1x16xf32> to vector<16xf32>
    %add3A_204 = arith.addf %add3A_198, %get3A_203 : vector<16xf32>
    %get3A_205 = arith.constant 27 : i32
    %get3A_206 = arith.index_cast %get3A_205 : i32 to index
    %get3A_207 = arith.constant 0 : index
    %get3A_208 = tpu.vector_load %arg8[%get3A_206, %get3A_207] {strides = array<i32>} : memref<32x256xf32, #tpu.memory_space<vmem>>, vector<1x16xf32>,
    %get3A_209 = vector.shape_cast %get3A_208 : vector<1x16xf32> to vector<16xf32>
    %add3A_210 = arith.addf %add3A_204, %get3A_209 : vector<16xf32>
    %get3A_211 = arith.constant 28 : i32
    %get3A_212 = arith.index_cast %get3A_211 : i32 to index
    %get3A_213 = arith.constant 0 : index
    %get3A_214 = tpu.vector_load %arg8[%get3A_212, %get3A_213] {strides = array<i32>} : memref<32x256xf32, #tpu.memory_space<vmem>>, vector<1x16xf32>,
    %get3A_215 = vector.shape_cast %get3A_214 : vector<1x16xf32> to vector<16xf32>
    %add3A_216 = arith.addf %add3A_210, %get3A_215 : vector<16xf32>
    %get3A_217 = arith.constant 29 : i32
    %get3A_218 = arith.index_cast %get3A_217 : i32 to index
    %get3A_219 = arith.constant 0 : index
    %get3A_220 = tpu.vector_load %arg8[%get3A_218, %get3A_219] {strides = array<i32>} : memref<32x256xf32, #tpu.memory_space<vmem>>, vector<1x16xf32>,
    %get3A_221 = vector.shape_cast %get3A_220 : vector<1x16xf32> to vector<16xf32>
    %add3A_222 = arith.addf %add3A_216, %get3A_221 : vector<16xf32>
    %get3A_223 = arith.constant 30 : i32
    %get3A_224 = arith.index_cast %get3A_223 : i32 to index
    %get3A_225 = arith.constant 0 : index
    %get3A_226 = tpu.vector_load %arg8[%get3A_224, %get3A_225] {strides = array<i32>} : memref<32x256xf32, #tpu.memory_space<vmem>>, vector<1x16xf32>,
    %get3A_227 = vector.shape_cast %get3A_226 : vector<1x16xf32> to vector<16xf32>
    %add3A_228 = arith.addf %add3A_222, %get3A_227 : vector<16xf32>
    %get3A_229 = arith.constant 31 : i32
    %get3A_230 = arith.index_cast %get3A_229 : i32 to index
    %get3A_231 = arith.constant 0 : index
    %get3A_232 = tpu.vector_load %arg8[%get3A_230, %get3A_231] {strides = array<i32>} : memref<32x256xf32, #tpu.memory_space<vmem>>, vector<1x16xf32>,
    %get3A_233 = vector.shape_cast %get3A_232 : vector<1x16xf32> to vector<16xf32>
    %add3A_234 = arith.addf %add3A_228, %get3A_233 : vector<16xf32>
    %swap3A = arith.constant 0 : index
    %swap3A_235 = tpu.vector_load %arg9[%swap3A] {strides = array<i32>} : memref<256xf32, #tpu.memory_space<vmem>>, vector<16xf32>,
    %swap3A_236 = vector.shape_cast %swap3A_235 : vector<16xf32> to vector<16xf32>
    %swap3A_237 = vector.shape_cast %add3A_234 : vector<16xf32> to vector<16xf32>
    tpu.vector_store %arg9[%swap3A], %swap3A_237 {strides = array<i32>} : memref<256xf32, #tpu.memory_space<vmem>>, vector<16xf32>,
    %get3A_238 = arith.constant 0 : i32
    %get3A_239 = arith.index_cast %get3A_238 : i32 to index
    %get3A_240 = arith.constant 16 : index
    %get3A_241 = tpu.vector_load %arg8[%get3A_239, %get3A_240] {strides = array<i32>} : memref<32x256xf32, #tpu.memory_space<vmem>>, vector<1x16xf32>,
    %get3A_242 = vector.shape_cast %get3A_241 : vector<1x16xf32> to vector<16xf32>
    %get3A_243 = arith.constant 1 : i32
    %get3A_244 = arith.index_cast %get3A_243 : i32 to index
    %get3A_245 = arith.constant 16 : index
    %get3A_246 = tpu.vector_load %arg8[%get3A_244, %get3A_245] {strides = array<i32>} : memref<32x256xf32, #tpu.memory_space<vmem>>, vector<1x16xf32>,
    %get3A_247 = vector.shape_cast %get3A_246 : vector<1x16xf32> to vector<16xf32>
    %add3A_248 = arith.addf %get3A_242, %get3A_247 : vector<16xf32>
    %get3A_249 = arith.constant 2 : i32
    %get3A_250 = arith.index_cast %get3A_249 : i32 to index
    %get3A_251 = arith.constant 16 : index
    %get3A_252 = tpu.vector_load %arg8[%get3A_250, %get3A_251] {strides = array<i32>} : memref<32x256xf32, #tpu.memory_space<vmem>>, vector<1x16xf32>,
    %get3A_253 = vector.shape_cast %get3A_252 : vector<1x16xf32> to vector<16xf32>
    %add3A_254 = arith.addf %add3A_248, %get3A_253 : vector<16xf32>
    %get3A_255 = arith.constant 3 : i32
    %get3A_256 = arith.index_cast %get3A_255 : i32 to index
    %get3A_257 = arith.constant 16 : index
    %get3A_258 = tpu.vector_load %arg8[%get3A_256, %get3A_257] {strides = array<i32>} : memref<32x256xf32, #tpu.memory_space<vmem>>, vector<1x16xf32>,
    %get3A_259 = vector.shape_cast %get3A_258 : vector<1x16xf32> to vector<16xf32>
    %add3A_260 = arith.addf %add3A_254, %get3A_259 : vector<16xf32>
    %get3A_261 = arith.constant 4 : i32
    %get3A_262 = arith.index_cast %get3A_261 : i32 to index
    %get3A_263 = arith.constant 16 : index
    %get3A_264 = tpu.vector_load %arg8[%get3A_262, %get3A_263] {strides = array<i32>} : memref<32x256xf32, #tpu.memory_space<vmem>>, vector<1x16xf32>,
    %get3A_265 = vector.shape_cast %get3A_264 : vector<1x16xf32> to vector<16xf32>
    %add3A_266 = arith.addf %add3A_260, %get3A_265 : vector<16xf32>
    %get3A_267 = arith.constant 5 : i32
    %get3A_268 = arith.index_cast %get3A_267 : i32 to index
    %get3A_269 = arith.constant 16 : index
    %get3A_270 = tpu.vector_load %arg8[%get3A_268, %get3A_269] {strides = array<i32>} : memref<32x256xf32, #tpu.memory_space<vmem>>, vector<1x16xf32>,
    %get3A_271 = vector.shape_cast %get3A_270 : vector<1x16xf32> to vector<16xf32>
    %add3A_272 = arith.addf %add3A_266, %get3A_271 : vector<16xf32>
    %get3A_273 = arith.constant 6 : i32
    %get3A_274 = arith.index_cast %get3A_273 : i32 to index
    %get3A_275 = arith.constant 16 : index
    %get3A_276 = tpu.vector_load %arg8[%get3A_274, %get3A_275] {strides = array<i32>} : memref<32x256xf32, #tpu.memory_space<vmem>>, vector<1x16xf32>,
    %get3A_277 = vector.shape_cast %get3A_276 : vector<1x16xf32> to vector<16xf32>
    %add3A_278 = arith.addf %add3A_272, %get3A_277 : vector<16xf32>
    %get3A_279 = arith.constant 7 : i32
    %get3A_280 = arith.index_cast %get3A_279 : i32 to index
    %get3A_281 = arith.constant 16 : index
    %get3A_282 = tpu.vector_load %arg8[%get3A_280, %get3A_281] {strides = array<i32>} : memref<32x256xf32, #tpu.memory_space<vmem>>, vector<1x16xf32>,
    %get3A_283 = vector.shape_cast %get3A_282 : vector<1x16xf32> to vector<16xf32>
    %add3A_284 = arith.addf %add3A_278, %get3A_283 : vector<16xf32>
    %get3A_285 = arith.constant 8 : i32
    %get3A_286 = arith.index_cast %get3A_285 : i32 to index
    %get3A_287 = arith.constant 16 : index
    %get3A_288 = tpu.vector_load %arg8[%get3A_286, %get3A_287] {strides = array<i32>} : memref<32x256xf32, #tpu.memory_space<vmem>>, vector<1x16xf32>,
    %get3A_289 = vector.shape_cast %get3A_288 : vector<1x16xf32> to vector<16xf32>
    %add3A_290 = arith.addf %add3A_284, %get3A_289 : vector<16xf32>
    %get3A_291 = arith.constant 9 : i32
    %get3A_292 = arith.index_cast %get3A_291 : i32 to index
    %get3A_293 = arith.constant 16 : index
    %get3A_294 = tpu.vector_load %arg8[%get3A_292, %get3A_293] {strides = array<i32>} : memref<32x256xf32, #tpu.memory_space<vmem>>, vector<1x16xf32>,
    %get3A_295 = vector.shape_cast %get3A_294 : vector<1x16xf32> to vector<16xf32>
    %add3A_296 = arith.addf %add3A_290, %get3A_295 : vector<16xf32>
    %get3A_297 = arith.constant 10 : i32
    %get3A_298 = arith.index_cast %get3A_297 : i32 to index
    %get3A_299 = arith.constant 16 : index
    %get3A_300 = tpu.vector_load %arg8[%get3A_298, %get3A_299] {strides = array<i32>} : memref<32x256xf32, #tpu.memory_space<vmem>>, vector<1x16xf32>,
    %get3A_301 = vector.shape_cast %get3A_300 : vector<1x16xf32> to vector<16xf32>
    %add3A_302 = arith.addf %add3A_296, %get3A_301 : vector<16xf32>
    %get3A_303 = arith.constant 11 : i32
    %get3A_304 = arith.index_cast %get3A_303 : i32 to index
    %get3A_305 = arith.constant 16 : index
    %get3A_306 = tpu.vector_load %arg8[%get3A_304, %get3A_305] {strides = array<i32>} : memref<32x256xf32, #tpu.memory_space<vmem>>, vector<1x16xf32>,
    %get3A_307 = vector.shape_cast %get3A_306 : vector<1x16xf32> to vector<16xf32>
    %add3A_308 = arith.addf %add3A_302, %get3A_307 : vector<16xf32>
    %get3A_309 = arith.constant 12 : i32
    %get3A_310 = arith.index_cast %get3A_309 : i32 to index
    %get3A_311 = arith.constant 16 : index
    %get3A_312 = tpu.vector_load %arg8[%get3A_310, %get3A_311] {strides = array<i32>} : memref<32x256xf32, #tpu.memory_space<vmem>>, vector<1x16xf32>,
    %get3A_313 = vector.shape_cast %get3A_312 : vector<1x16xf32> to vector<16xf32>
    %add3A_314 = arith.addf %add3A_308, %get3A_313 : vector<16xf32>
    %get3A_315 = arith.constant 13 : i32
    %get3A_316 = arith.index_cast %get3A_315 : i32 to index
    %get3A_317 = arith.constant 16 : index
    %get3A_318 = tpu.vector_load %arg8[%get3A_316, %get3A_317] {strides = array<i32>} : memref<32x256xf32, #tpu.memory_space<vmem>>, vector<1x16xf32>,
    %get3A_319 = vector.shape_cast %get3A_318 : vector<1x16xf32> to vector<16xf32>
    %add3A_320 = arith.addf %add3A_314, %get3A_319 : vector<16xf32>
    %get3A_321 = arith.constant 14 : i32
    %get3A_322 = arith.index_cast %get3A_321 : i32 to index
    %get3A_323 = arith.constant 16 : index
    %get3A_324 = tpu.vector_load %arg8[%get3A_322, %get3A_323] {strides = array<i32>} : memref<32x256xf32, #tpu.memory_space<vmem>>, vector<1x16xf32>,
    %get3A_325 = vector.shape_cast %get3A_324 : vector<1x16xf32> to vector<16xf32>
    %add3A_326 = arith.addf %add3A_320, %get3A_325 : vector<16xf32>
    %get3A_327 = arith.constant 15 : i32
    %get3A_328 = arith.index_cast %get3A_327 : i32 to index
    %get3A_329 = arith.constant 16 : index
    %get3A_330 = tpu.vector_load %arg8[%get3A_328, %get3A_329] {strides = array<i32>} : memref<32x256xf32, #tpu.memory_space<vmem>>, vector<1x16xf32>,
    %get3A_331 = vector.shape_cast %get3A_330 : vector<1x16xf32> to vector<16xf32>
    %add3A_332 = arith.addf %add3A_326, %get3A_331 : vector<16xf32>
    %get3A_333 = arith.constant 16 : i32
    %get3A_334 = arith.index_cast %get3A_333 : i32 to index
    %get3A_335 = arith.constant 16 : index
    %get3A_336 = tpu.vector_load %arg8[%get3A_334, %get3A_335] {strides = array<i32>} : memref<32x256xf32, #tpu.memory_space<vmem>>, vector<1x16xf32>,
    %get3A_337 = vector.shape_cast %get3A_336 : vector<1x16xf32> to vector<16xf32>
    %add3A_338 = arith.addf %add3A_332, %get3A_337 : vector<16xf32>
    %get3A_339 = arith.constant 17 : i32
    %get3A_340 = arith.index_cast %get3A_339 : i32 to index
    %get3A_341 = arith.constant 16 : index
    %get3A_342 = tpu.vector_load %arg8[%get3A_340, %get3A_341] {strides = array<i32>} : memref<32x256xf32, #tpu.memory_space<vmem>>, vector<1x16xf32>,
    %get3A_343 = vector.shape_cast %get3A_342 : vector<1x16xf32> to vector<16xf32>
    %add3A_344 = arith.addf %add3A_338, %get3A_343 : vector<16xf32>
    %get3A_345 = arith.constant 18 : i32
    %get3A_346 = arith.index_cast %get3A_345 : i32 to index
    %get3A_347 = arith.constant 16 : index
    %get3A_348 = tpu.vector_load %arg8[%get3A_346, %get3A_347] {strides = array<i32>} : memref<32x256xf32, #tpu.memory_space<vmem>>, vector<1x16xf32>,
    %get3A_349 = vector.shape_cast %get3A_348 : vector<1x16xf32> to vector<16xf32>
    %add3A_350 = arith.addf %add3A_344, %get3A_349 : vector<16xf32>
    %get3A_351 = arith.constant 19 : i32
    %get3A_352 = arith.index_cast %get3A_351 : i32 to index
    %get3A_353 = arith.constant 16 : index
    %get3A_354 = tpu.vector_load %arg8[%get3A_352, %get3A_353] {strides = array<i32>} : memref<32x256xf32, #tpu.memory_space<vmem>>, vector<1x16xf32>,
    %get3A_355 = vector.shape_cast %get3A_354 : vector<1x16xf32> to vector<16xf32>
    %add3A_356 = arith.addf %add3A_350, %get3A_355 : vector<16xf32>
    %get3A_357 = arith.constant 20 : i32
    %get3A_358 = arith.index_cast %get3A_357 : i32 to index
    %get3A_359 = arith.constant 16 : index
    %get3A_360 = tpu.vector_load %arg8[%get3A_358, %get3A_359] {strides = array<i32>} : memref<32x256xf32, #tpu.memory_space<vmem>>, vector<1x16xf32>,
    %get3A_361 = vector.shape_cast %get3A_360 : vector<1x16xf32> to vector<16xf32>
    %add3A_362 = arith.addf %add3A_356, %get3A_361 : vector<16xf32>
    %get3A_363 = arith.constant 21 : i32
    %get3A_364 = arith.index_cast %get3A_363 : i32 to index
    %get3A_365 = arith.constant 16 : index
    %get3A_366 = tpu.vector_load %arg8[%get3A_364, %get3A_365] {strides = array<i32>} : memref<32x256xf32, #tpu.memory_space<vmem>>, vector<1x16xf32>,
    %get3A_367 = vector.shape_cast %get3A_366 : vector<1x16xf32> to vector<16xf32>
    %add3A_368 = arith.addf %add3A_362, %get3A_367 : vector<16xf32>
    %get3A_369 = arith.constant 22 : i32
    %get3A_370 = arith.index_cast %get3A_369 : i32 to index
    %get3A_371 = arith.constant 16 : index
    %get3A_372 = tpu.vector_load %arg8[%get3A_370, %get3A_371] {strides = array<i32>} : memref<32x256xf32, #tpu.memory_space<vmem>>, vector<1x16xf32>,
    %get3A_373 = vector.shape_cast %get3A_372 : vector<1x16xf32> to vector<16xf32>
    %add3A_374 = arith.addf %add3A_368, %get3A_373 : vector<16xf32>
    %get3A_375 = arith.constant 23 : i32
    %get3A_376 = arith.index_cast %get3A_375 : i32 to index
    %get3A_377 = arith.constant 16 : index
    %get3A_378 = tpu.vector_load %arg8[%get3A_376, %get3A_377] {strides = array<i32>} : memref<32x256xf32, #tpu.memory_space<vmem>>, vector<1x16xf32>,
    %get3A_379 = vector.shape_cast %get3A_378 : vector<1x16xf32> to vector<16xf32>
    %add3A_380 = arith.addf %add3A_374, %get3A_379 : vector<16xf32>
    %get3A_381 = arith.constant 24 : i32
    %get3A_382 = arith.index_cast %get3A_381 : i32 to index
    %get3A_383 = arith.constant 16 : index
    %get3A_384 = tpu.vector_load %arg8[%get3A_382, %get3A_383] {strides = array<i32>} : memref<32x256xf32, #tpu.memory_space<vmem>>, vector<1x16xf32>,
    %get3A_385 = vector.shape_cast %get3A_384 : vector<1x16xf32> to vector<16xf32>
    %add3A_386 = arith.addf %add3A_380, %get3A_385 : vector<16xf32>
    %get3A_387 = arith.constant 25 : i32
    %get3A_388 = arith.index_cast %get3A_387 : i32 to index
    %get3A_389 = arith.constant 16 : index
    %get3A_390 = tpu.vector_load %arg8[%get3A_388, %get3A_389] {strides = array<i32>} : memref<32x256xf32, #tpu.memory_space<vmem>>, vector<1x16xf32>,
    %get3A_391 = vector.shape_cast %get3A_390 : vector<1x16xf32> to vector<16xf32>
    %add3A_392 = arith.addf %add3A_386, %get3A_391 : vector<16xf32>
    %get3A_393 = arith.constant 26 : i32
    %get3A_394 = arith.index_cast %get3A_393 : i32 to index
    %get3A_395 = arith.constant 16 : index
    %get3A_396 = tpu.vector_load %arg8[%get3A_394, %get3A_395] {strides = array<i32>} : memref<32x256xf32, #tpu.memory_space<vmem>>, vector<1x16xf32>,
    %get3A_397 = vector.shape_cast %get3A_396 : vector<1x16xf32> to vector<16xf32>
    %add3A_398 = arith.addf %add3A_392, %get3A_397 : vector<16xf32>
    %get3A_399 = arith.constant 27 : i32
    %get3A_400 = arith.index_cast %get3A_399 : i32 to index
    %get3A_401 = arith.constant 16 : index
    %get3A_402 = tpu.vector_load %arg8[%get3A_400, %get3A_401] {strides = array<i32>} : memref<32x256xf32, #tpu.memory_space<vmem>>, vector<1x16xf32>,
    %get3A_403 = vector.shape_cast %get3A_402 : vector<1x16xf32> to vector<16xf32>
    %add3A_404 = arith.addf %add3A_398, %get3A_403 : vector<16xf32>
    %get3A_405 = arith.constant 28 : i32
    %get3A_406 = arith.index_cast %get3A_405 : i32 to index
    %get3A_407 = arith.constant 16 : index
    %get3A_408 = tpu.vector_load %arg8[%get3A_406, %get3A_407] {strides = array<i32>} : memref<32x256xf32, #tpu.memory_space<vmem>>, vector<1x16xf32>,
    %get3A_409 = vector.shape_cast %get3A_408 : vector<1x16xf32> to vector<16xf32>
    %add3A_410 = arith.addf %add3A_404, %get3A_409 : vector<16xf32>
    %get3A_411 = arith.constant 29 : i32
    %get3A_412 = arith.index_cast %get3A_411 : i32 to index
    %get3A_413 = arith.constant 16 : index
    %get3A_414 = tpu.vector_load %arg8[%get3A_412, %get3A_413] {strides = array<i32>} : memref<32x256xf32, #tpu.memory_space<vmem>>, vector<1x16xf32>,
    %get3A_415 = vector.shape_cast %get3A_414 : vector<1x16xf32> to vector<16xf32>
    %add3A_416 = arith.addf %add3A_410, %get3A_415 : vector<16xf32>
    %get3A_417 = arith.constant 30 : i32
    %get3A_418 = arith.index_cast %get3A_417 : i32 to index
    %get3A_419 = arith.constant 16 : index
    %get3A_420 = tpu.vector_load %arg8[%get3A_418, %get3A_419] {strides = array<i32>} : memref<32x256xf32, #tpu.memory_space<vmem>>, vector<1x16xf32>,
    %get3A_421 = vector.shape_cast %get3A_420 : vector<1x16xf32> to vector<16xf32>
    %add3A_422 = arith.addf %add3A_416, %get3A_421 : vector<16xf32>
    %get3A_423 = arith.constant 31 : i32
    %get3A_424 = arith.index_cast %get3A_423 : i32 to index
    %get3A_425 = arith.constant 16 : index
    %get3A_426 = tpu.vector_load %arg8[%get3A_424, %get3A_425] {strides = array<i32>} : memref<32x256xf32, #tpu.memory_space<vmem>>, vector<1x16xf32>,
    %get3A_427 = vector.shape_cast %get3A_426 : vector<1x16xf32> to vector<16xf32>
    %add3A_428 = arith.addf %add3A_422, %get3A_427 : vector<16xf32>
    %swap3A_429 = arith.constant 16 : index
    %swap3A_430 = tpu.vector_load %arg9[%swap3A_429] {strides = array<i32>} : memref<256xf32, #tpu.memory_space<vmem>>, vector<16xf32>,
    %swap3A_431 = vector.shape_cast %swap3A_430 : vector<16xf32> to vector<16xf32>
    %swap3A_432 = vector.shape_cast %add3A_428 : vector<16xf32> to vector<16xf32>
    tpu.vector_store %arg9[%swap3A_429], %swap3A_432 {strides = array<i32>} : memref<256xf32, #tpu.memory_space<vmem>>, vector<16xf32>,
    %get3A_433 = arith.constant 0 : i32
    %get3A_434 = arith.index_cast %get3A_433 : i32 to index
    %get3A_435 = arith.constant 32 : index
    %get3A_436 = tpu.vector_load %arg8[%get3A_434, %get3A_435] {strides = array<i32>} : memref<32x256xf32, #tpu.memory_space<vmem>>, vector<1x16xf32>,
    %get3A_437 = vector.shape_cast %get3A_436 : vector<1x16xf32> to vector<16xf32>
    %get3A_438 = arith.constant 1 : i32
    %get3A_439 = arith.index_cast %get3A_438 : i32 to index
    %get3A_440 = arith.constant 32 : index
    %get3A_441 = tpu.vector_load %arg8[%get3A_439, %get3A_440] {strides = array<i32>} : memref<32x256xf32, #tpu.memory_space<vmem>>, vector<1x16xf32>,
    %get3A_442 = vector.shape_cast %get3A_441 : vector<1x16xf32> to vector<16xf32>
    %add3A_443 = arith.addf %get3A_437, %get3A_442 : vector<16xf32>
    %get3A_444 = arith.constant 2 : i32
    %get3A_445 = arith.index_cast %get3A_444 : i32 to index
    %get3A_446 = arith.constant 32 : index
    %get3A_447 = tpu.vector_load %arg8[%get3A_445, %get3A_446] {strides = array<i32>} : memref<32x256xf32, #tpu.memory_space<vmem>>, vector<1x16xf32>,
    %get3A_448 = vector.shape_cast %get3A_447 : vector<1x16xf32> to vector<16xf32>
    %add3A_449 = arith.addf %add3A_443, %get3A_448 : vector<16xf32>
    %get3A_450 = arith.constant 3 : i32
    %get3A_451 = arith.index_cast %get3A_450 : i32 to index
    %get3A_452 = arith.constant 32 : index
    %get3A_453 = tpu.vector_load %arg8[%get3A_451, %get3A_452] {strides = array<i32>} : memref<32x256xf32, #tpu.memory_space<vmem>>, vector<1x16xf32>,
    %get3A_454 = vector.shape_cast %get3A_453 : vector<1x16xf32> to vector<16xf32>
    %add3A_455 = arith.addf %add3A_449, %get3A_454 : vector<16xf32>
    %get3A_456 = arith.constant 4 : i32
    %get3A_457 = arith.index_cast %get3A_456 : i32 to index
    %get3A_458 = arith.constant 32 : index
    %get3A_459 = tpu.vector_load %arg8[%get3A_457, %get3A_458] {strides = array<i32>} : memref<32x256xf32, #tpu.memory_space<vmem>>, vector<1x16xf32>,
    %get3A_460 = vector.shape_cast %get3A_459 : vector<1x16xf32> to vector<16xf32>
    %add3A_461 = arith.addf %add3A_455, %get3A_460 : vector<16xf32>
    %get3A_462 = arith.constant 5 : i32
    %get3A_463 = arith.index_cast %get3A_462 : i32 to index
    %get3A_464 = arith.constant 32 : index
    %get3A_465 = tpu.vector_load %arg8[%get3A_463, %get3A_464] {strides = array<i32>} : memref<32x256xf32, #tpu.memory_space<vmem>>, vector<1x16xf32>,
    %get3A_466 = vector.shape_cast %get3A_465 : vector<1x16xf32> to vector<16xf32>
    %add3A_467 = arith.addf %add3A_461, %get3A_466 : vector<16xf32>
    %get3A_468 = arith.constant 6 : i32
    %get3A_469 = arith.index_cast %get3A_468 : i32 to index
    %get3A_470 = arith.constant 32 : index
    %get3A_471 = tpu.vector_load %arg8[%get3A_469, %get3A_470] {strides = array<i32>} : memref<32x256xf32, #tpu.memory_space<vmem>>, vector<1x16xf32>,
    %get3A_472 = vector.shape_cast %get3A_471 : vector<1x16xf32> to vector<16xf32>
    %add3A_473 = arith.addf %add3A_467, %get3A_472 : vector<16xf32>
    %get3A_474 = arith.constant 7 : i32
    %get3A_475 = arith.index_cast %get3A_474 : i32 to index
    %get3A_476 = arith.constant 32 : index
    %get3A_477 = tpu.vector_load %arg8[%get3A_475, %get3A_476] {strides = array<i32>} : memref<32x256xf32, #tpu.memory_space<vmem>>, vector<1x16xf32>,
    %get3A_478 = vector.shape_cast %get3A_477 : vector<1x16xf32> to vector<16xf32>
    %add3A_479 = arith.addf %add3A_473, %get3A_478 : vector<16xf32>
    %get3A_480 = arith.constant 8 : i32
    %get3A_481 = arith.index_cast %get3A_480 : i32 to index
    %get3A_482 = arith.constant 32 : index
    %get3A_483 = tpu.vector_load %arg8[%get3A_481, %get3A_482] {strides = array<i32>} : memref<32x256xf32, #tpu.memory_space<vmem>>, vector<1x16xf32>,
    %get3A_484 = vector.shape_cast %get3A_483 : vector<1x16xf32> to vector<16xf32>
    %add3A_485 = arith.addf %add3A_479, %get3A_484 : vector<16xf32>
    %get3A_486 = arith.constant 9 : i32
    %get3A_487 = arith.index_cast %get3A_486 : i32 to index
    %get3A_488 = arith.constant 32 : index
    %get3A_489 = tpu.vector_load %arg8[%get3A_487, %get3A_488] {strides = array<i32>} : memref<32x256xf32, #tpu.memory_space<vmem>>, vector<1x16xf32>,
    %get3A_490 = vector.shape_cast %get3A_489 : vector<1x16xf32> to vector<16xf32>
    %add3A_491 = arith.addf %add3A_485, %get3A_490 : vector<16xf32>
    %get3A_492 = arith.constant 10 : i32
    %get3A_493 = arith.index_cast %get3A_492 : i32 to index
    %get3A_494 = arith.constant 32 : index
    %get3A_495 = tpu.vector_load %arg8[%get3A_493, %get3A_494] {strides = array<i32>} : memref<32x256xf32, #tpu.memory_space<vmem>>, vector<1x16xf32>,
    %get3A_496 = vector.shape_cast %get3A_495 : vector<1x16xf32> to vector<16xf32>
    %add3A_497 = arith.addf %add3A_491, %get3A_496 : vector<16xf32>
    %get3A_498 = arith.constant 11 : i32
    %get3A_499 = arith.index_cast %get3A_498 : i32 to index
    %get3A_500 = arith.constant 32 : index
    %get3A_501 = tpu.vector_load %arg8[%get3A_499, %get3A_500] {strides = array<i32>} : memref<32x256xf32, #tpu.memory_space<vmem>>, vector<1x16xf32>,
    %get3A_502 = vector.shape_cast %get3A_501 : vector<1x16xf32> to vector<16xf32>
    %add3A_503 = arith.addf %add3A_497, %get3A_502 : vector<16xf32>
    %get3A_504 = arith.constant 12 : i32
    %get3A_505 = arith.index_cast %get3A_504 : i32 to index
    %get3A_506 = arith.constant 32 : index
    %get3A_507 = tpu.vector_load %arg8[%get3A_505, %get3A_506] {strides = array<i32>} : memref<32x256xf32, #tpu.memory_space<vmem>>, vector<1x16xf32>,
    %get3A_508 = vector.shape_cast %get3A_507 : vector<1x16xf32> to vector<16xf32>
    %add3A_509 = arith.addf %add3A_503, %get3A_508 : vector<16xf32>
    %get3A_510 = arith.constant 13 : i32
    %get3A_511 = arith.index_cast %get3A_510 : i32 to index
    %get3A_512 = arith.constant 32 : index
    %get3A_513 = tpu.vector_load %arg8[%get3A_511, %get3A_512] {strides = array<i32>} : memref<32x256xf32, #tpu.memory_space<vmem>>, vector<1x16xf32>,
    %get3A_514 = vector.shape_cast %get3A_513 : vector<1x16xf32> to vector<16xf32>
    %add3A_515 = arith.addf %add3A_509, %get3A_514 : vector<16xf32>
    %get3A_516 = arith.constant 14 : i32
    %get3A_517 = arith.index_cast %get3A_516 : i32 to index
    %get3A_518 = arith.constant 32 : index
    %get3A_519 = tpu.vector_load %arg8[%get3A_517, %get3A_518] {strides = array<i32>} : memref<32x256xf32, #tpu.memory_space<vmem>>, vector<1x16xf32>,
    %get3A_520 = vector.shape_cast %get3A_519 : vector<1x16xf32> to vector<16xf32>
    %add3A_521 = arith.addf %add3A_515, %get3A_520 : vector<16xf32>
    %get3A_522 = arith.constant 15 : i32
    %get3A_523 = arith.index_cast %get3A_522 : i32 to index
    %get3A_524 = arith.constant 32 : index
    %get3A_525 = tpu.vector_load %arg8[%get3A_523, %get3A_524] {strides = array<i32>} : memref<32x256xf32, #tpu.memory_space<vmem>>, vector<1x16xf32>,
    %get3A_526 = vector.shape_cast %get3A_525 : vector<1x16xf32> to vector<16xf32>
    %add3A_527 = arith.addf %add3A_521, %get3A_526 : vector<16xf32>
    %get3A_528 = arith.constant 16 : i32
    %get3A_529 = arith.index_cast %get3A_528 : i32 to index
    %get3A_530 = arith.constant 32 : index
    %get3A_531 = tpu.vector_load %arg8[%get3A_529, %get3A_530] {strides = array<i32>} : memref<32x256xf32, #tpu.memory_space<vmem>>, vector<1x16xf32>,
    %get3A_532 = vector.shape_cast %get3A_531 : vector<1x16xf32> to vector<16xf32>
    %add3A_533 = arith.addf %add3A_527, %get3A_532 : vector<16xf32>
    %get3A_534 = arith.constant 17 : i32
    %get3A_535 = arith.index_cast %get3A_534 : i32 to index
    %get3A_536 = arith.constant 32 : index
    %get3A_537 = tpu.vector_load %arg8[%get3A_535, %get3A_536] {strides = array<i32>} : memref<32x256xf32, #tpu.memory_space<vmem>>, vector<1x16xf32>,
    %get3A_538 = vector.shape_cast %get3A_537 : vector<1x16xf32> to vector<16xf32>
    %add3A_539 = arith.addf %add3A_533, %get3A_538 : vector<16xf32>
    %get3A_540 = arith.constant 18 : i32
    %get3A_541 = arith.index_cast %get3A_540 : i32 to index
    %get3A_542 = arith.constant 32 : index
    %get3A_543 = tpu.vector_load %arg8[%get3A_541, %get3A_542] {strides = array<i32>} : memref<32x256xf32, #tpu.memory_space<vmem>>, vector<1x16xf32>,
    %get3A_544 = vector.shape_cast %get3A_543 : vector<1x16xf32> to vector<16xf32>
    %add3A_545 = arith.addf %add3A_539, %get3A_544 : vector<16xf32>
    %get3A_546 = arith.constant 19 : i32
    %get3A_547 = arith.index_cast %get3A_546 : i32 to index
    %get3A_548 = arith.constant 32 : index
    %get3A_549 = tpu.vector_load %arg8[%get3A_547, %get3A_548] {strides = array<i32>} : memref<32x256xf32, #tpu.memory_space<vmem>>, vector<1x16xf32>,
    %get3A_550 = vector.shape_cast %get3A_549 : vector<1x16xf32> to vector<16xf32>
    %add3A_551 = arith.addf %add3A_545, %get3A_550 : vector<16xf32>
    %get3A_552 = arith.constant 20 : i32
    %get3A_553 = arith.index_cast %get3A_552 : i32 to index
    %get3A_554 = arith.constant 32 : index
    %get3A_555 = tpu.vector_load %arg8[%get3A_553, %get3A_554] {strides = array<i32>} : memref<32x256xf32, #tpu.memory_space<vmem>>, vector<1x16xf32>,
    %get3A_556 = vector.shape_cast %get3A_555 : vector<1x16xf32> to vector<16xf32>
    %add3A_557 = arith.addf %add3A_551, %get3A_556 : vector<16xf32>
    %get3A_558 = arith.constant 21 : i32
    %get3A_559 = arith.index_cast %get3A_558 : i32 to index
    %get3A_560 = arith.constant 32 : index
    %get3A_561 = tpu.vector_load %arg8[%get3A_559, %get3A_560] {strides = array<i32>} : memref<32x256xf32, #tpu.memory_space<vmem>>, vector<1x16xf32>,
    %get3A_562 = vector.shape_cast %get3A_561 : vector<1x16xf32> to vector<16xf32>
    %add3A_563 = arith.addf %add3A_557, %get3A_562 : vector<16xf32>
    %get3A_564 = arith.constant 22 : i32
    %get3A_565 = arith.index_cast %get3A_564 : i32 to index
    %get3A_566 = arith.constant 32 : index
    %get3A_567 = tpu.vector_load %arg8[%get3A_565, %get3A_566] {strides = array<i32>} : memref<32x256xf32, #tpu.memory_space<vmem>>, vector<1x16xf32>,
    %get3A_568 = vector.shape_cast %get3A_567 : vector<1x16xf32> to vector<16xf32>
    %add3A_569 = arith.addf %add3A_563, %get3A_568 : vector<16xf32>
    %get3A_570 = arith.constant 23 : i32
    %get3A_571 = arith.index_cast %get3A_570 : i32 to index
    %get3A_572 = arith.constant 32 : index
    %get3A_573 = tpu.vector_load %arg8[%get3A_571, %get3A_572] {strides = array<i32>} : memref<32x256xf32, #tpu.memory_space<vmem>>, vector<1x16xf32>,
    %get3A_574 = vector.shape_cast %get3A_573 : vector<1x16xf32> to vector<16xf32>
    %add3A_575 = arith.addf %add3A_569, %get3A_574 : vector<16xf32>
    %get3A_576 = arith.constant 24 : i32
    %get3A_577 = arith.index_cast %get3A_576 : i32 to index
    %get3A_578 = arith.constant 32 : index
    %get3A_579 = tpu.vector_load %arg8[%get3A_577, %get3A_578] {strides = array<i32>} : memref<32x256xf32, #tpu.memory_space<vmem>>, vector<1x16xf32>,
    %get3A_580 = vector.shape_cast %get3A_579 : vector<1x16xf32> to vector<16xf32>
    %add3A_581 = arith.addf %add3A_575, %get3A_580 : vector<16xf32>
    %get3A_582 = arith.constant 25 : i32
    %get3A_583 = arith.index_cast %get3A_582 : i32 to index
    %get3A_584 = arith.constant 32 : index
    %get3A_585 = tpu.vector_load %arg8[%get3A_583, %get3A_584] {strides = array<i32>} : memref<32x256xf32, #tpu.memory_space<vmem>>, vector<1x16xf32>,
    %get3A_586 = vector.shape_cast %get3A_585 : vector<1x16xf32> to vector<16xf32>
    %add3A_587 = arith.addf %add3A_581, %get3A_586 : vector<16xf32>
    %get3A_588 = arith.constant 26 : i32
    %get3A_589 = arith.index_cast %get3A_588 : i32 to index
    %get3A_590 = arith.constant 32 : index
    %get3A_591 = tpu.vector_load %arg8[%get3A_589, %get3A_590] {strides = array<i32>} : memref<32x256xf32, #tpu.memory_space<vmem>>, vector<1x16xf32>,
    %get3A_592 = vector.shape_cast %get3A_591 : vector<1x16xf32> to vector<16xf32>
    %add3A_593 = arith.addf %add3A_587, %get3A_592 : vector<16xf32>
    %get3A_594 = arith.constant 27 : i32
    %get3A_595 = arith.index_cast %get3A_594 : i32 to index
    %get3A_596 = arith.constant 32 : index
    %get3A_597 = tpu.vector_load %arg8[%get3A_595, %get3A_596] {strides = array<i32>} : memref<32x256xf32, #tpu.memory_space<vmem>>, vector<1x16xf32>,
    %get3A_598 = vector.shape_cast %get3A_597 : vector<1x16xf32> to vector<16xf32>
    %add3A_599 = arith.addf %add3A_593, %get3A_598 : vector<16xf32>
    %get3A_600 = arith.constant 28 : i32
    %get3A_601 = arith.index_cast %get3A_600 : i32 to index
    %get3A_602 = arith.constant 32 : index
    %get3A_603 = tpu.vector_load %arg8[%get3A_601, %get3A_602] {strides = array<i32>} : memref<32x256xf32, #tpu.memory_space<vmem>>, vector<1x16xf32>,
    %get3A_604 = vector.shape_cast %get3A_603 : vector<1x16xf32> to vector<16xf32>
    %add3A_605 = arith.addf %add3A_599, %get3A_604 : vector<16xf32>
    %get3A_606 = arith.constant 29 : i32
    %get3A_607 = arith.index_cast %get3A_606 : i32 to index
    %get3A_608 = arith.constant 32 : index
    %get3A_609 = tpu.vector_load %arg8[%get3A_607, %get3A_608] {strides = array<i32>} : memref<32x256xf32, #tpu.memory_space<vmem>>, vector<1x16xf32>,
    %get3A_610 = vector.shape_cast %get3A_609 : vector<1x16xf32> to vector<16xf32>
    %add3A_611 = arith.addf %add3A_605, %get3A_610 : vector<16xf32>
    %get3A_612 = arith.constant 30 : i32
    %get3A_613 = arith.index_cast %get3A_612 : i32 to index
    %get3A_614 = arith.constant 32 : index
    %get3A_615 = tpu.vector_load %arg8[%get3A_613, %get3A_614] {strides = array<i32>} : memref<32x256xf32, #tpu.memory_space<vmem>>, vector<1x16xf32>,
    %get3A_616 = vector.shape_cast %get3A_615 : vector<1x16xf32> to vector<16xf32>
    %add3A_617 = arith.addf %add3A_611, %get3A_616 : vector<16xf32>
    %get3A_618 = arith.constant 31 : i32
    %get3A_619 = arith.index_cast %get3A_618 : i32 to index
    %get3A_620 = arith.constant 32 : index
    %get3A_621 = tpu.vector_load %arg8[%get3A_619, %get3A_620] {strides = array<i32>} : memref<32x256xf32, #tpu.memory_space<vmem>>, vector<1x16xf32>,
    %get3A_622 = vector.shape_cast %get3A_621 : vector<1x16xf32> to vector<16xf32>
    %add3A_623 = arith.addf %add3A_617, %get3A_622 : vector<16xf32>
    %swap3A_624 = arith.constant 32 : index
    %swap3A_625 = tpu.vector_load %arg9[%swap3A_624] {strides = array<i32>} : memref<256xf32, #tpu.memory_space<vmem>>, vector<16xf32>,
    %swap3A_626 = vector.shape_cast %swap3A_625 : vector<16xf32> to vector<16xf32>
    %swap3A_627 = vector.shape_cast %add3A_623 : vector<16xf32> to vector<16xf32>
    tpu.vector_store %arg9[%swap3A_624], %swap3A_627 {strides = array<i32>} : memref<256xf32, #tpu.memory_space<vmem>>, vector<16xf32>,
    %get3A_628 = arith.constant 0 : i32
    %get3A_629 = arith.index_cast %get3A_628 : i32 to index
    %get3A_630 = arith.constant 48 : index
    %get3A_631 = tpu.vector_load %arg8[%get3A_629, %get3A_630] {strides = array<i32>} : memref<32x256xf32, #tpu.memory_space<vmem>>, vector<1x16xf32>,
    %get3A_632 = vector.shape_cast %get3A_631 : vector<1x16xf32> to vector<16xf32>
    %get3A_633 = arith.constant 1 : i32
    %get3A_634 = arith.index_cast %get3A_633 : i32 to index
    %get3A_635 = arith.constant 48 : index
    %get3A_636 = tpu.vector_load %arg8[%get3A_634, %get3A_635] {strides = array<i32>} : memref<32x256xf32, #tpu.memory_space<vmem>>, vector<1x16xf32>,
    %get3A_637 = vector.shape_cast %get3A_636 : vector<1x16xf32> to vector<16xf32>
    %add3A_638 = arith.addf %get3A_632, %get3A_637 : vector<16xf32>
    %get3A_639 = arith.constant 2 : i32
    %get3A_640 = arith.index_cast %get3A_639 : i32 to index
    %get3A_641 = arith.constant 48 : index
    %get3A_642 = tpu.vector_load %arg8[%get3A_640, %get3A_641] {strides = array<i32>} : memref<32x256xf32, #tpu.memory_space<vmem>>, vector<1x16xf32>,
    %get3A_643 = vector.shape_cast %get3A_642 : vector<1x16xf32> to vector<16xf32>
    %add3A_644 = arith.addf %add3A_638, %get3A_643 : vector<16xf32>
    %get3A_645 = arith.constant 3 : i32
    %get3A_646 = arith.index_cast %get3A_645 : i32 to index
    %get3A_647 = arith.constant 48 : index
    %get3A_648 = tpu.vector_load %arg8[%get3A_646, %get3A_647] {strides = array<i32>} : memref<32x256xf32, #tpu.memory_space<vmem>>, vector<1x16xf32>,
    %get3A_649 = vector.shape_cast %get3A_648 : vector<1x16xf32> to vector<16xf32>
    %add3A_650 = arith.addf %add3A_644, %get3A_649 : vector<16xf32>
    %get3A_651 = arith.constant 4 : i32
    %get3A_652 = arith.index_cast %get3A_651 : i32 to index
    %get3A_653 = arith.constant 48 : index
    %get3A_654 = tpu.vector_load %arg8[%get3A_652, %get3A_653] {strides = array<i32>} : memref<32x256xf32, #tpu.memory_space<vmem>>, vector<1x16xf32>,
    %get3A_655 = vector.shape_cast %get3A_654 : vector<1x16xf32> to vector<16xf32>
    %add3A_656 = arith.addf %add3A_650, %get3A_655 : vector<16xf32>
    %get3A_657 = arith.constant 5 : i32
    %get3A_658 = arith.index_cast %get3A_657 : i32 to index
    %get3A_659 = arith.constant 48 : index
    %get3A_660 = tpu.vector_load %arg8[%get3A_658, %get3A_659] {strides = array<i32>} : memref<32x256xf32, #tpu.memory_space<vmem>>, vector<1x16xf32>,
    %get3A_661 = vector.shape_cast %get3A_660 : vector<1x16xf32> to vector<16xf32>
    %add3A_662 = arith.addf %add3A_656, %get3A_661 : vector<16xf32>
    %get3A_663 = arith.constant 6 : i32
    %get3A_664 = arith.index_cast %get3A_663 : i32 to index
    %get3A_665 = arith.constant 48 : index
    %get3A_666 = tpu.vector_load %arg8[%get3A_664, %get3A_665] {strides = array<i32>} : memref<32x256xf32, #tpu.memory_space<vmem>>, vector<1x16xf32>,
    %get3A_667 = vector.shape_cast %get3A_666 : vector<1x16xf32> to vector<16xf32>
    %add3A_668 = arith.addf %add3A_662, %get3A_667 : vector<16xf32>
    %get3A_669 = arith.constant 7 : i32
    %get3A_670 = arith.index_cast %get3A_669 : i32 to index
    %get3A_671 = arith.constant 48 : index
    %get3A_672 = tpu.vector_load %arg8[%get3A_670, %get3A_671] {strides = array<i32>} : memref<32x256xf32, #tpu.memory_space<vmem>>, vector<1x16xf32>,
    %get3A_673 = vector.shape_cast %get3A_672 : vector<1x16xf32> to vector<16xf32>
    %add3A_674 = arith.addf %add3A_668, %get3A_673 : vector<16xf32>
    %get3A_675 = arith.constant 8 : i32
    %get3A_676 = arith.index_cast %get3A_675 : i32 to index
    %get3A_677 = arith.constant 48 : index
    %get3A_678 = tpu.vector_load %arg8[%get3A_676, %get3A_677] {strides = array<i32>} : memref<32x256xf32, #tpu.memory_space<vmem>>, vector<1x16xf32>,
    %get3A_679 = vector.shape_cast %get3A_678 : vector<1x16xf32> to vector<16xf32>
    %add3A_680 = arith.addf %add3A_674, %get3A_679 : vector<16xf32>
    %get3A_681 = arith.constant 9 : i32
    %get3A_682 = arith.index_cast %get3A_681 : i32 to index
    %get3A_683 = arith.constant 48 : index
    %get3A_684 = tpu.vector_load %arg8[%get3A_682, %get3A_683] {strides = array<i32>} : memref<32x256xf32, #tpu.memory_space<vmem>>, vector<1x16xf32>,
    %get3A_685 = vector.shape_cast %get3A_684 : vector<1x16xf32> to vector<16xf32>
    %add3A_686 = arith.addf %add3A_680, %get3A_685 : vector<16xf32>
    %get3A_687 = arith.constant 10 : i32
    %get3A_688 = arith.index_cast %get3A_687 : i32 to index
    %get3A_689 = arith.constant 48 : index
    %get3A_690 = tpu.vector_load %arg8[%get3A_688, %get3A_689] {strides = array<i32>} : memref<32x256xf32, #tpu.memory_space<vmem>>, vector<1x16xf32>,
    %get3A_691 = vector.shape_cast %get3A_690 : vector<1x16xf32> to vector<16xf32>
    %add3A_692 = arith.addf %add3A_686, %get3A_691 : vector<16xf32>
    %get3A_693 = arith.constant 11 : i32
    %get3A_694 = arith.index_cast %get3A_693 : i32 to index
    %get3A_695 = arith.constant 48 : index
    %get3A_696 = tpu.vector_load %arg8[%get3A_694, %get3A_695] {strides = array<i32>} : memref<32x256xf32, #tpu.memory_space<vmem>>, vector<1x16xf32>,
    %get3A_697 = vector.shape_cast %get3A_696 : vector<1x16xf32> to vector<16xf32>
    %add3A_698 = arith.addf %add3A_692, %get3A_697 : vector<16xf32>
    %get3A_699 = arith.constant 12 : i32
    %get3A_700 = arith.index_cast %get3A_699 : i32 to index
    %get3A_701 = arith.constant 48 : index
    %get3A_702 = tpu.vector_load %arg8[%get3A_700, %get3A_701] {strides = array<i32>} : memref<32x256xf32, #tpu.memory_space<vmem>>, vector<1x16xf32>,
    %get3A_703 = vector.shape_cast %get3A_702 : vector<1x16xf32> to vector<16xf32>
    %add3A_704 = arith.addf %add3A_698, %get3A_703 : vector<16xf32>
    %get3A_705 = arith.constant 13 : i32
    %get3A_706 = arith.index_cast %get3A_705 : i32 to index
    %get3A_707 = arith.constant 48 : index
    %get3A_708 = tpu.vector_load %arg8[%get3A_706, %get3A_707] {strides = array<i32>} : memref<32x256xf32, #tpu.memory_space<vmem>>, vector<1x16xf32>,
    %get3A_709 = vector.shape_cast %get3A_708 : vector<1x16xf32> to vector<16xf32>
    %add3A_710 = arith.addf %add3A_704, %get3A_709 : vector<16xf32>
    %get3A_711 = arith.constant 14 : i32
    %get3A_712 = arith.index_cast %get3A_711 : i32 to index
    %get3A_713 = arith.constant 48 : index
    %get3A_714 = tpu.vector_load %arg8[%get3A_712, %get3A_713] {strides = array<i32>} : memref<32x256xf32, #tpu.memory_space<vmem>>, vector<1x16xf32>,
    %get3A_715 = vector.shape_cast %get3A_714 : vector<1x16xf32> to vector<16xf32>
    %add3A_716 = arith.addf %add3A_710, %get3A_715 : vector<16xf32>
    %get3A_717 = arith.constant 15 : i32
    %get3A_718 = arith.index_cast %get3A_717 : i32 to index
    %get3A_719 = arith.constant 48 : index
    %get3A_720 = tpu.vector_load %arg8[%get3A_718, %get3A_719] {strides = array<i32>} : memref<32x256xf32, #tpu.memory_space<vmem>>, vector<1x16xf32>,
    %get3A_721 = vector.shape_cast %get3A_720 : vector<1x16xf32> to vector<16xf32>
    %add3A_722 = arith.addf %add3A_716, %get3A_721 : vector<16xf32>
    %get3A_723 = arith.constant 16 : i32
    %get3A_724 = arith.index_cast %get3A_723 : i32 to index
    %get3A_725 = arith.constant 48 : index
    %get3A_726 = tpu.vector_load %arg8[%get3A_724, %get3A_725] {strides = array<i32>} : memref<32x256xf32, #tpu.memory_space<vmem>>, vector<1x16xf32>,
    %get3A_727 = vector.shape_cast %get3A_726 : vector<1x16xf32> to vector<16xf32>
    %add3A_728 = arith.addf %add3A_722, %get3A_727 : vector<16xf32>
    %get3A_729 = arith.constant 17 : i32
    %get3A_730 = arith.index_cast %get3A_729 : i32 to index
    %get3A_731 = arith.constant 48 : index
    %get3A_732 = tpu.vector_load %arg8[%get3A_730, %get3A_731] {strides = array<i32>} : memref<32x256xf32, #tpu.memory_space<vmem>>, vector<1x16xf32>,
    %get3A_733 = vector.shape_cast %get3A_732 : vector<1x16xf32> to vector<16xf32>
    %add3A_734 = arith.addf %add3A_728, %get3A_733 : vector<16xf32>
    %get3A_735 = arith.constant 18 : i32
    %get3A_736 = arith.index_cast %get3A_735 : i32 to index
    %get3A_737 = arith.constant 48 : index
    %get3A_738 = tpu.vector_load %arg8[%get3A_736, %get3A_737] {strides = array<i32>} : memref<32x256xf32, #tpu.memory_space<vmem>>, vector<1x16xf32>,
    %get3A_739 = vector.shape_cast %get3A_738 : vector<1x16xf32> to vector<16xf32>
    %add3A_740 = arith.addf %add3A_734, %get3A_739 : vector<16xf32>
    %get3A_741 = arith.constant 19 : i32
    %get3A_742 = arith.index_cast %get3A_741 : i32 to index
    %get3A_743 = arith.constant 48 : index
    %get3A_744 = tpu.vector_load %arg8[%get3A_742, %get3A_743] {strides = array<i32>} : memref<32x256xf32, #tpu.memory_space<vmem>>, vector<1x16xf32>,
    %get3A_745 = vector.shape_cast %get3A_744 : vector<1x16xf32> to vector<16xf32>
    %add3A_746 = arith.addf %add3A_740, %get3A_745 : vector<16xf32>
    %get3A_747 = arith.constant 20 : i32
    %get3A_748 = arith.index_cast %get3A_747 : i32 to index
    %get3A_749 = arith.constant 48 : index
    %get3A_750 = tpu.vector_load %arg8[%get3A_748, %get3A_749] {strides = array<i32>} : memref<32x256xf32, #tpu.memory_space<vmem>>, vector<1x16xf32>,
    %get3A_751 = vector.shape_cast %get3A_750 : vector<1x16xf32> to vector<16xf32>
    %add3A_752 = arith.addf %add3A_746, %get3A_751 : vector<16xf32>
    %get3A_753 = arith.constant 21 : i32
    %get3A_754 = arith.index_cast %get3A_753 : i32 to index
    %get3A_755 = arith.constant 48 : index
    %get3A_756 = tpu.vector_load %arg8[%get3A_754, %get3A_755] {strides = array<i32>} : memref<32x256xf32, #tpu.memory_space<vmem>>, vector<1x16xf32>,
    %get3A_757 = vector.shape_cast %get3A_756 : vector<1x16xf32> to vector<16xf32>
    %add3A_758 = arith.addf %add3A_752, %get3A_757 : vector<16xf32>
    %get3A_759 = arith.constant 22 : i32
    %get3A_760 = arith.index_cast %get3A_759 : i32 to index
    %get3A_761 = arith.constant 48 : index
    %get3A_762 = tpu.vector_load %arg8[%get3A_760, %get3A_761] {strides = array<i32>} : memref<32x256xf32, #tpu.memory_space<vmem>>, vector<1x16xf32>,
    %get3A_763 = vector.shape_cast %get3A_762 : vector<1x16xf32> to vector<16xf32>
    %add3A_764 = arith.addf %add3A_758, %get3A_763 : vector<16xf32>
    %get3A_765 = arith.constant 23 : i32
    %get3A_766 = arith.index_cast %get3A_765 : i32 to index
    %get3A_767 = arith.constant 48 : index
    %get3A_768 = tpu.vector_load %arg8[%get3A_766, %get3A_767] {strides = array<i32>} : memref<32x256xf32, #tpu.memory_space<vmem>>, vector<1x16xf32>,
    %get3A_769 = vector.shape_cast %get3A_768 : vector<1x16xf32> to vector<16xf32>
    %add3A_770 = arith.addf %add3A_764, %get3A_769 : vector<16xf32>
    %get3A_771 = arith.constant 24 : i32
    %get3A_772 = arith.index_cast %get3A_771 : i32 to index
    %get3A_773 = arith.constant 48 : index
    %get3A_774 = tpu.vector_load %arg8[%get3A_772, %get3A_773] {strides = array<i32>} : memref<32x256xf32, #tpu.memory_space<vmem>>, vector<1x16xf32>,
    %get3A_775 = vector.shape_cast %get3A_774 : vector<1x16xf32> to vector<16xf32>
    %add3A_776 = arith.addf %add3A_770, %get3A_775 : vector<16xf32>
    %get3A_777 = arith.constant 25 : i32
    %get3A_778 = arith.index_cast %get3A_777 : i32 to index
    %get3A_779 = arith.constant 48 : index
    %get3A_780 = tpu.vector_load %arg8[%get3A_778, %get3A_779] {strides = array<i32>} : memref<32x256xf32, #tpu.memory_space<vmem>>, vector<1x16xf32>,
    %get3A_781 = vector.shape_cast %get3A_780 : vector<1x16xf32> to vector<16xf32>
    %add3A_782 = arith.addf %add3A_776, %get3A_781 : vector<16xf32>
    %get3A_783 = arith.constant 26 : i32
    %get3A_784 = arith.index_cast %get3A_783 : i32 to index
    %get3A_785 = arith.constant 48 : index
    %get3A_786 = tpu.vector_load %arg8[%get3A_784, %get3A_785] {strides = array<i32>} : memref<32x256xf32, #tpu.memory_space<vmem>>, vector<1x16xf32>,
    %get3A_787 = vector.shape_cast %get3A_786 : vector<1x16xf32> to vector<16xf32>
    %add3A_788 = arith.addf %add3A_782, %get3A_787 : vector<16xf32>
    %get3A_789 = arith.constant 27 : i32
    %get3A_790 = arith.index_cast %get3A_789 : i32 to index
    %get3A_791 = arith.constant 48 : index
    %get3A_792 = tpu.vector_load %arg8[%get3A_790, %get3A_791] {strides = array<i32>} : memref<32x256xf32, #tpu.memory_space<vmem>>, vector<1x16xf32>,
    %get3A_793 = vector.shape_cast %get3A_792 : vector<1x16xf32> to vector<16xf32>
    %add3A_794 = arith.addf %add3A_788, %get3A_793 : vector<16xf32>
    %get3A_795 = arith.constant 28 : i32
    %get3A_796 = arith.index_cast %get3A_795 : i32 to index
    %get3A_797 = arith.constant 48 : index
    %get3A_798 = tpu.vector_load %arg8[%get3A_796, %get3A_797] {strides = array<i32>} : memref<32x256xf32, #tpu.memory_space<vmem>>, vector<1x16xf32>,
    %get3A_799 = vector.shape_cast %get3A_798 : vector<1x16xf32> to vector<16xf32>
    %add3A_800 = arith.addf %add3A_794, %get3A_799 : vector<16xf32>
    %get3A_801 = arith.constant 29 : i32
    %get3A_802 = arith.index_cast %get3A_801 : i32 to index
    %get3A_803 = arith.constant 48 : index
    %get3A_804 = tpu.vector_load %arg8[%get3A_802, %get3A_803] {strides = array<i32>} : memref<32x256xf32, #tpu.memory_space<vmem>>, vector<1x16xf32>,
    %get3A_805 = vector.shape_cast %get3A_804 : vector<1x16xf32> to vector<16xf32>
    %add3A_806 = arith.addf %add3A_800, %get3A_805 : vector<16xf32>
    %get3A_807 = arith.constant 30 : i32
    %get3A_808 = arith.index_cast %get3A_807 : i32 to index
    %get3A_809 = arith.constant 48 : index
    %get3A_810 = tpu.vector_load %arg8[%get3A_808, %get3A_809] {strides = array<i32>} : memref<32x256xf32, #tpu.memory_space<vmem>>, vector<1x16xf32>,
    %get3A_811 = vector.shape_cast %get3A_810 : vector<1x16xf32> to vector<16xf32>
    %add3A_812 = arith.addf %add3A_806, %get3A_811 : vector<16xf32>
    %get3A_813 = arith.constant 31 : i32
    %get3A_814 = arith.index_cast %get3A_813 : i32 to index
    %get3A_815 = arith.constant 48 : index
    %get3A_816 = tpu.vector_load %arg8[%get3A_814, %get3A_815] {strides = array<i32>} : memref<32x256xf32, #tpu.memory_space<vmem>>, vector<1x16xf32>,
    %get3A_817 = vector.shape_cast %get3A_816 : vector<1x16xf32> to vector<16xf32>
    %add3A_818 = arith.addf %add3A_812, %get3A_817 : vector<16xf32>
    %swap3A_819 = arith.constant 48 : index
    %swap3A_820 = tpu.vector_load %arg9[%swap3A_819] {strides = array<i32>} : memref<256xf32, #tpu.memory_space<vmem>>, vector<16xf32>,
    %swap3A_821 = vector.shape_cast %swap3A_820 : vector<16xf32> to vector<16xf32>
    %swap3A_822 = vector.shape_cast %add3A_818 : vector<16xf32> to vector<16xf32>
    tpu.vector_store %arg9[%swap3A_819], %swap3A_822 {strides = array<i32>} : memref<256xf32, #tpu.memory_space<vmem>>, vector<16xf32>,
    %get3A_823 = arith.constant 0 : i32
    %get3A_824 = arith.index_cast %get3A_823 : i32 to index
    %get3A_825 = arith.constant 64 : index
    %get3A_826 = tpu.vector_load %arg8[%get3A_824, %get3A_825] {strides = array<i32>} : memref<32x256xf32, #tpu.memory_space<vmem>>, vector<1x16xf32>,
    %get3A_827 = vector.shape_cast %get3A_826 : vector<1x16xf32> to vector<16xf32>
    %get3A_828 = arith.constant 1 : i32
    %get3A_829 = arith.index_cast %get3A_828 : i32 to index
    %get3A_830 = arith.constant 64 : index
    %get3A_831 = tpu.vector_load %arg8[%get3A_829, %get3A_830] {strides = array<i32>} : memref<32x256xf32, #tpu.memory_space<vmem>>, vector<1x16xf32>,
    %get3A_832 = vector.shape_cast %get3A_831 : vector<1x16xf32> to vector<16xf32>
    %add3A_833 = arith.addf %get3A_827, %get3A_832 : vector<16xf32>
    %get3A_834 = arith.constant 2 : i32
    %get3A_835 = arith.index_cast %get3A_834 : i32 to index
    %get3A_836 = arith.constant 64 : index
    %get3A_837 = tpu.vector_load %arg8[%get3A_835, %get3A_836] {strides = array<i32>} : memref<32x256xf32, #tpu.memory_space<vmem>>, vector<1x16xf32>,
    %get3A_838 = vector.shape_cast %get3A_837 : vector<1x16xf32> to vector<16xf32>
    %add3A_839 = arith.addf %add3A_833, %get3A_838 : vector<16xf32>
    %get3A_840 = arith.constant 3 : i32
    %get3A_841 = arith.index_cast %get3A_840 : i32 to index
    %get3A_842 = arith.constant 64 : index
    %get3A_843 = tpu.vector_load %arg8[%get3A_841, %get3A_842] {strides = array<i32>} : memref<32x256xf32, #tpu.memory_space<vmem>>, vector<1x16xf32>,
    %get3A_844 = vector.shape_cast %get3A_843 : vector<1x16xf32> to vector<16xf32>
    %add3A_845 = arith.addf %add3A_839, %get3A_844 : vector<16xf32>
    %get3A_846 = arith.constant 4 : i32
    %get3A_847 = arith.index_cast %get3A_846 : i32 to index
    %get3A_848 = arith.constant 64 : index
    %get3A_849 = tpu.vector_load %arg8[%get3A_847, %get3A_848] {strides = array<i32>} : memref<32x256xf32, #tpu.memory_space<vmem>>, vector<1x16xf32>,
    %get3A_850 = vector.shape_cast %get3A_849 : vector<1x16xf32> to vector<16xf32>
    %add3A_851 = arith.addf %add3A_845, %get3A_850 : vector<16xf32>
    %get3A_852 = arith.constant 5 : i32
    %get3A_853 = arith.index_cast %get3A_852 : i32 to index
    %get3A_854 = arith.constant 64 : index
    %get3A_855 = tpu.vector_load %arg8[%get3A_853, %get3A_854] {strides = array<i32>} : memref<32x256xf32, #tpu.memory_space<vmem>>, vector<1x16xf32>,
    %get3A_856 = vector.shape_cast %get3A_855 : vector<1x16xf32> to vector<16xf32>
    %add3A_857 = arith.addf %add3A_851, %get3A_856 : vector<16xf32>
    %get3A_858 = arith.constant 6 : i32
    %get3A_859 = arith.index_cast %get3A_858 : i32 to index
    %get3A_860 = arith.constant 64 : index
    %get3A_861 = tpu.vector_load %arg8[%get3A_859, %get3A_860] {strides = array<i32>} : memref<32x256xf32, #tpu.memory_space<vmem>>, vector<1x16xf32>,
    %get3A_862 = vector.shape_cast %get3A_861 : vector<1x16xf32> to vector<16xf32>
    %add3A_863 = arith.addf %add3A_857, %get3A_862 : vector<16xf32>
    %get3A_864 = arith.constant 7 : i32
    %get3A_865 = arith.index_cast %get3A_864 : i32 to index
    %get3A_866 = arith.constant 64 : index
    %get3A_867 = tpu.vector_load %arg8[%get3A_865, %get3A_866] {strides = array<i32>} : memref<32x256xf32, #tpu.memory_space<vmem>>, vector<1x16xf32>,
    %get3A_868 = vector.shape_cast %get3A_867 : vector<1x16xf32> to vector<16xf32>
    %add3A_869 = arith.addf %add3A_863, %get3A_868 : vector<16xf32>
    %get3A_870 = arith.constant 8 : i32
    %get3A_871 = arith.index_cast %get3A_870 : i32 to index
    %get3A_872 = arith.constant 64 : index
    %get3A_873 = tpu.vector_load %arg8[%get3A_871, %get3A_872] {strides = array<i32>} : memref<32x256xf32, #tpu.memory_space<vmem>>, vector<1x16xf32>,
    %get3A_874 = vector.shape_cast %get3A_873 : vector<1x16xf32> to vector<16xf32>
    %add3A_875 = arith.addf %add3A_869, %get3A_874 : vector<16xf32>
    %get3A_876 = arith.constant 9 : i32
    %get3A_877 = arith.index_cast %get3A_876 : i32 to index
    %get3A_878 = arith.constant 64 : index
    %get3A_879 = tpu.vector_load %arg8[%get3A_877, %get3A_878] {strides = array<i32>} : memref<32x256xf32, #tpu.memory_space<vmem>>, vector<1x16xf32>,
    %get3A_880 = vector.shape_cast %get3A_879 : vector<1x16xf32> to vector<16xf32>
    %add3A_881 = arith.addf %add3A_875, %get3A_880 : vector<16xf32>
    %get3A_882 = arith.constant 10 : i32
    %get3A_883 = arith.index_cast %get3A_882 : i32 to index
    %get3A_884 = arith.constant 64 : index
    %get3A_885 = tpu.vector_load %arg8[%get3A_883, %get3A_884] {strides = array<i32>} : memref<32x256xf32, #tpu.memory_space<vmem>>, vector<1x16xf32>,
    %get3A_886 = vector.shape_cast %get3A_885 : vector<1x16xf32> to vector<16xf32>
    %add3A_887 = arith.addf %add3A_881, %get3A_886 : vector<16xf32>
    %get3A_888 = arith.constant 11 : i32
    %get3A_889 = arith.index_cast %get3A_888 : i32 to index
    %get3A_890 = arith.constant 64 : index
    %get3A_891 = tpu.vector_load %arg8[%get3A_889, %get3A_890] {strides = array<i32>} : memref<32x256xf32, #tpu.memory_space<vmem>>, vector<1x16xf32>,
    %get3A_892 = vector.shape_cast %get3A_891 : vector<1x16xf32> to vector<16xf32>
    %add3A_893 = arith.addf %add3A_887, %get3A_892 : vector<16xf32>
    %get3A_894 = arith.constant 12 : i32
    %get3A_895 = arith.index_cast %get3A_894 : i32 to index
    %get3A_896 = arith.constant 64 : index
    %get3A_897 = tpu.vector_load %arg8[%get3A_895, %get3A_896] {strides = array<i32>} : memref<32x256xf32, #tpu.memory_space<vmem>>, vector<1x16xf32>,
    %get3A_898 = vector.shape_cast %get3A_897 : vector<1x16xf32> to vector<16xf32>
    %add3A_899 = arith.addf %add3A_893, %get3A_898 : vector<16xf32>
    %get3A_900 = arith.constant 13 : i32
    %get3A_901 = arith.index_cast %get3A_900 : i32 to index
    %get3A_902 = arith.constant 64 : index
    %get3A_903 = tpu.vector_load %arg8[%get3A_901, %get3A_902] {strides = array<i32>} : memref<32x256xf32, #tpu.memory_space<vmem>>, vector<1x16xf32>,
    %get3A_904 = vector.shape_cast %get3A_903 : vector<1x16xf32> to vector<16xf32>
    %add3A_905 = arith.addf %add3A_899, %get3A_904 : vector<16xf32>
    %get3A_906 = arith.constant 14 : i32
    %get3A_907 = arith.index_cast %get3A_906 : i32 to index
    %get3A_908 = arith.constant 64 : index
    %get3A_909 = tpu.vector_load %arg8[%get3A_907, %get3A_908] {strides = array<i32>} : memref<32x256xf32, #tpu.memory_space<vmem>>, vector<1x16xf32>,
    %get3A_910 = vector.shape_cast %get3A_909 : vector<1x16xf32> to vector<16xf32>
    %add3A_911 = arith.addf %add3A_905, %get3A_910 : vector<16xf32>
    %get3A_912 = arith.constant 15 : i32
    %get3A_913 = arith.index_cast %get3A_912 : i32 to index
    %get3A_914 = arith.constant 64 : index
    %get3A_915 = tpu.vector_load %arg8[%get3A_913, %get3A_914] {strides = array<i32>} : memref<32x256xf32, #tpu.memory_space<vmem>>, vector<1x16xf32>,
    %get3A_916 = vector.shape_cast %get3A_915 : vector<1x16xf32> to vector<16xf32>
    %add3A_917 = arith.addf %add3A_911, %get3A_916 : vector<16xf32>
    %get3A_918 = arith.constant 16 : i32
    %get3A_919 = arith.index_cast %get3A_918 : i32 to index
    %get3A_920 = arith.constant 64 : index
    %get3A_921 = tpu.vector_load %arg8[%get3A_919, %get3A_920] {strides = array<i32>} : memref<32x256xf32, #tpu.memory_space<vmem>>, vector<1x16xf32>,
    %get3A_922 = vector.shape_cast %get3A_921 : vector<1x16xf32> to vector<16xf32>
    %add3A_923 = arith.addf %add3A_917, %get3A_922 : vector<16xf32>
    %get3A_924 = arith.constant 17 : i32
    %get3A_925 = arith.index_cast %get3A_924 : i32 to index
    %get3A_926 = arith.constant 64 : index
    %get3A_927 = tpu.vector_load %arg8[%get3A_925, %get3A_926] {strides = array<i32>} : memref<32x256xf32, #tpu.memory_space<vmem>>, vector<1x16xf32>,
    %get3A_928 = vector.shape_cast %get3A_927 : vector<1x16xf32> to vector<16xf32>
    %add3A_929 = arith.addf %add3A_923, %get3A_928 : vector<16xf32>
    %get3A_930 = arith.constant 18 : i32
    %get3A_931 = arith.index_cast %get3A_930 : i32 to index
    %get3A_932 = arith.constant 64 : index
    %get3A_933 = tpu.vector_load %arg8[%get3A_931, %get3A_932] {strides = array<i32>} : memref<32x256xf32, #tpu.memory_space<vmem>>, vector<1x16xf32>,
    %get3A_934 = vector.shape_cast %get3A_933 : vector<1x16xf32> to vector<16xf32>
    %add3A_935 = arith.addf %add3A_929, %get3A_934 : vector<16xf32>
    %get3A_936 = arith.constant 19 : i32
    %get3A_937 = arith.index_cast %get3A_936 : i32 to index
    %get3A_938 = arith.constant 64 : index
    %get3A_939 = tpu.vector_load %arg8[%get3A_937, %get3A_938] {strides = array<i32>} : memref<32x256xf32, #tpu.memory_space<vmem>>, vector<1x16xf32>,
    %get3A_940 = vector.shape_cast %get3A_939 : vector<1x16xf32> to vector<16xf32>
    %add3A_941 = arith.addf %add3A_935, %get3A_940 : vector<16xf32>
    %get3A_942 = arith.constant 20 : i32
    %get3A_943 = arith.index_cast %get3A_942 : i32 to index
    %get3A_944 = arith.constant 64 : index
    %get3A_945 = tpu.vector_load %arg8[%get3A_943, %get3A_944] {strides = array<i32>} : memref<32x256xf32, #tpu.memory_space<vmem>>, vector<1x16xf32>,
    %get3A_946 = vector.shape_cast %get3A_945 : vector<1x16xf32> to vector<16xf32>
    %add3A_947 = arith.addf %add3A_941, %get3A_946 : vector<16xf32>
    %get3A_948 = arith.constant 21 : i32
    %get3A_949 = arith.index_cast %get3A_948 : i32 to index
    %get3A_950 = arith.constant 64 : index
    %get3A_951 = tpu.vector_load %arg8[%get3A_949, %get3A_950] {strides = array<i32>} : memref<32x256xf32, #tpu.memory_space<vmem>>, vector<1x16xf32>,
    %get3A_952 = vector.shape_cast %get3A_951 : vector<1x16xf32> to vector<16xf32>
    %add3A_953 = arith.addf %add3A_947, %get3A_952 : vector<16xf32>
    %get3A_954 = arith.constant 22 : i32
    %get3A_955 = arith.index_cast %get3A_954 : i32 to index
    %get3A_956 = arith.constant 64 : index
    %get3A_957 = tpu.vector_load %arg8[%get3A_955, %get3A_956] {strides = array<i32>} : memref<32x256xf32, #tpu.memory_space<vmem>>, vector<1x16xf32>,
    %get3A_958 = vector.shape_cast %get3A_957 : vector<1x16xf32> to vector<16xf32>
    %add3A_959 = arith.addf %add3A_953, %get3A_958 : vector<16xf32>
    %get3A_960 = arith.constant 23 : i32
    %get3A_961 = arith.index_cast %get3A_960 : i32 to index
    %get3A_962 = arith.constant 64 : index
    %get3A_963 = tpu.vector_load %arg8[%get3A_961, %get3A_962] {strides = array<i32>} : memref<32x256xf32, #tpu.memory_space<vmem>>, vector<1x16xf32>,
    %get3A_964 = vector.shape_cast %get3A_963 : vector<1x16xf32> to vector<16xf32>
    %add3A_965 = arith.addf %add3A_959, %get3A_964 : vector<16xf32>
    %get3A_966 = arith.constant 24 : i32
    %get3A_967 = arith.index_cast %get3A_966 : i32 to index
    %get3A_968 = arith.constant 64 : index
    %get3A_969 = tpu.vector_load %arg8[%get3A_967, %get3A_968] {strides = array<i32>} : memref<32x256xf32, #tpu.memory_space<vmem>>, vector<1x16xf32>,
    %get3A_970 = vector.shape_cast %get3A_969 : vector<1x16xf32> to vector<16xf32>
    %add3A_971 = arith.addf %add3A_965, %get3A_970 : vector<16xf32>
    %get3A_972 = arith.constant 25 : i32
    %get3A_973 = arith.index_cast %get3A_972 : i32 to index
    %get3A_974 = arith.constant 64 : index
    %get3A_975 = tpu.vector_load %arg8[%get3A_973, %get3A_974] {strides = array<i32>} : memref<32x256xf32, #tpu.memory_space<vmem>>, vector<1x16xf32>,
    %get3A_976 = vector.shape_cast %get3A_975 : vector<1x16xf32> to vector<16xf32>
    %add3A_977 = arith.addf %add3A_971, %get3A_976 : vector<16xf32>
    %get3A_978 = arith.constant 26 : i32
    %get3A_979 = arith.index_cast %get3A_978 : i32 to index
    %get3A_980 = arith.constant 64 : index
    %get3A_981 = tpu.vector_load %arg8[%get3A_979, %get3A_980] {strides = array<i32>} : memref<32x256xf32, #tpu.memory_space<vmem>>, vector<1x16xf32>,
    %get3A_982 = vector.shape_cast %get3A_981 : vector<1x16xf32> to vector<16xf32>
    %add3A_983 = arith.addf %add3A_977, %get3A_982 : vector<16xf32>
    %get3A_984 = arith.constant 27 : i32
    %get3A_985 = arith.index_cast %get3A_984 : i32 to index
    %get3A_986 = arith.constant 64 : index
    %get3A_987 = tpu.vector_load %arg8[%get3A_985, %get3A_986] {strides = array<i32>} : memref<32x256xf32, #tpu.memory_space<vmem>>, vector<1x16xf32>,
    %get3A_988 = vector.shape_cast %get3A_987 : vector<1x16xf32> to vector<16xf32>
    %add3A_989 = arith.addf %add3A_983, %get3A_988 : vector<16xf32>
    %get3A_990 = arith.constant 28 : i32
    %get3A_991 = arith.index_cast %get3A_990 : i32 to index
    %get3A_992 = arith.constant 64 : index
    %get3A_993 = tpu.vector_load %arg8[%get3A_991, %get3A_992] {strides = array<i32>} : memref<32x256xf32, #tpu.memory_space<vmem>>, vector<1x16xf32>,
    %get3A_994 = vector.shape_cast %get3A_993 : vector<1x16xf32> to vector<16xf32>
    %add3A_995 = arith.addf %add3A_989, %get3A_994 : vector<16xf32>
    %get3A_996 = arith.constant 29 : i32
    %get3A_997 = arith.index_cast %get3A_996 : i32 to index
    %get3A_998 = arith.constant 64 : index
    %get3A_999 = tpu.vector_load %arg8[%get3A_997, %get3A_998] {strides = array<i32>} : memref<32x256xf32, #tpu.memory_space<vmem>>, vector<1x16xf32>,
    %get3A_1000 = vector.shape_cast %get3A_999 : vector<1x16xf32> to vector<16xf32>
    %add3A_1001 = arith.addf %add3A_995, %get3A_1000 : vector<16xf32>
    %get3A_1002 = arith.constant 30 : i32
    %get3A_1003 = arith.index_cast %get3A_1002 : i32 to index
    %get3A_1004 = arith.constant 64 : index
    %get3A_1005 = tpu.vector_load %arg8[%get3A_1003, %get3A_1004] {strides = array<i32>} : memref<32x256xf32, #tpu.memory_space<vmem>>, vector<1x16xf32>,
    %get3A_1006 = vector.shape_cast %get3A_1005 : vector<1x16xf32> to vector<16xf32>
    %add3A_1007 = arith.addf %add3A_1001, %get3A_1006 : vector<16xf32>
    %get3A_1008 = arith.constant 31 : i32
    %get3A_1009 = arith.index_cast %get3A_1008 : i32 to index
    %get3A_1010 = arith.constant 64 : index
    %get3A_1011 = tpu.vector_load %arg8[%get3A_1009, %get3A_1010] {strides = array<i32>} : memref<32x256xf32, #tpu.memory_space<vmem>>, vector<1x16xf32>,
    %get3A_1012 = vector.shape_cast %get3A_1011 : vector<1x16xf32> to vector<16xf32>
    %add3A_1013 = arith.addf %add3A_1007, %get3A_1012 : vector<16xf32>
    %swap3A_1014 = arith.constant 64 : index
    %swap3A_1015 = tpu.vector_load %arg9[%swap3A_1014] {strides = array<i32>} : memref<256xf32, #tpu.memory_space<vmem>>, vector<16xf32>,
    %swap3A_1016 = vector.shape_cast %swap3A_1015 : vector<16xf32> to vector<16xf32>
    %swap3A_1017 = vector.shape_cast %add3A_1013 : vector<16xf32> to vector<16xf32>
    tpu.vector_store %arg9[%swap3A_1014], %swap3A_1017 {strides = array<i32>} : memref<256xf32, #tpu.memory_space<vmem>>, vector<16xf32>,
    %get3A_1018 = arith.constant 0 : i32
    %get3A_1019 = arith.index_cast %get3A_1018 : i32 to index
    %get3A_1020 = arith.constant 80 : index
    %get3A_1021 = tpu.vector_load %arg8[%get3A_1019, %get3A_1020] {strides = array<i32>} : memref<32x256xf32, #tpu.memory_space<vmem>>, vector<1x16xf32>,
    %get3A_1022 = vector.shape_cast %get3A_1021 : vector<1x16xf32> to vector<16xf32>
    %get3A_1023 = arith.constant 1 : i32
    %get3A_1024 = arith.index_cast %get3A_1023 : i32 to index
    %get3A_1025 = arith.constant 80 : index
    %get3A_1026 = tpu.vector_load %arg8[%get3A_1024, %get3A_1025] {strides = array<i32>} : memref<32x256xf32, #tpu.memory_space<vmem>>, vector<1x16xf32>,
    %get3A_1027 = vector.shape_cast %get3A_1026 : vector<1x16xf32> to vector<16xf32>
    %add3A_1028 = arith.addf %get3A_1022, %get3A_1027 : vector<16xf32>
    %get3A_1029 = arith.constant 2 : i32
    %get3A_1030 = arith.index_cast %get3A_1029 : i32 to index
    %get3A_1031 = arith.constant 80 : index
    %get3A_1032 = tpu.vector_load %arg8[%get3A_1030, %get3A_1031] {strides = array<i32>} : memref<32x256xf32, #tpu.memory_space<vmem>>, vector<1x16xf32>,
    %get3A_1033 = vector.shape_cast %get3A_1032 : vector<1x16xf32> to vector<16xf32>
    %add3A_1034 = arith.addf %add3A_1028, %get3A_1033 : vector<16xf32>
    %get3A_1035 = arith.constant 3 : i32
    %get3A_1036 = arith.index_cast %get3A_1035 : i32 to index
    %get3A_1037 = arith.constant 80 : index
    %get3A_1038 = tpu.vector_load %arg8[%get3A_1036, %get3A_1037] {strides = array<i32>} : memref<32x256xf32, #tpu.memory_space<vmem>>, vector<1x16xf32>,
    %get3A_1039 = vector.shape_cast %get3A_1038 : vector<1x16xf32> to vector<16xf32>
    %add3A_1040 = arith.addf %add3A_1034, %get3A_1039 : vector<16xf32>
    %get3A_1041 = arith.constant 4 : i32
    %get3A_1042 = arith.index_cast %get3A_1041 : i32 to index
    %get3A_1043 = arith.constant 80 : index
    %get3A_1044 = tpu.vector_load %arg8[%get3A_1042, %get3A_1043] {strides = array<i32>} : memref<32x256xf32, #tpu.memory_space<vmem>>, vector<1x16xf32>,
    %get3A_1045 = vector.shape_cast %get3A_1044 : vector<1x16xf32> to vector<16xf32>
    %add3A_1046 = arith.addf %add3A_1040, %get3A_1045 : vector<16xf32>
    %get3A_1047 = arith.constant 5 : i32
    %get3A_1048 = arith.index_cast %get3A_1047 : i32 to index
    %get3A_1049 = arith.constant 80 : index
    %get3A_1050 = tpu.vector_load %arg8[%get3A_1048, %get3A_1049] {strides = array<i32>} : memref<32x256xf32, #tpu.memory_space<vmem>>, vector<1x16xf32>,
    %get3A_1051 = vector.shape_cast %get3A_1050 : vector<1x16xf32> to vector<16xf32>
    %add3A_1052 = arith.addf %add3A_1046, %get3A_1051 : vector<16xf32>
    %get3A_1053 = arith.constant 6 : i32
    %get3A_1054 = arith.index_cast %get3A_1053 : i32 to index
    %get3A_1055 = arith.constant 80 : index
    %get3A_1056 = tpu.vector_load %arg8[%get3A_1054, %get3A_1055] {strides = array<i32>} : memref<32x256xf32, #tpu.memory_space<vmem>>, vector<1x16xf32>,
    %get3A_1057 = vector.shape_cast %get3A_1056 : vector<1x16xf32> to vector<16xf32>
    %add3A_1058 = arith.addf %add3A_1052, %get3A_1057 : vector<16xf32>
    %get3A_1059 = arith.constant 7 : i32
    %get3A_1060 = arith.index_cast %get3A_1059 : i32 to index
    %get3A_1061 = arith.constant 80 : index
    %get3A_1062 = tpu.vector_load %arg8[%get3A_1060, %get3A_1061] {strides = array<i32>} : memref<32x256xf32, #tpu.memory_space<vmem>>, vector<1x16xf32>,
    %get3A_1063 = vector.shape_cast %get3A_1062 : vector<1x16xf32> to vector<16xf32>
    %add3A_1064 = arith.addf %add3A_1058, %get3A_1063 : vector<16xf32>
    %get3A_1065 = arith.constant 8 : i32
    %get3A_1066 = arith.index_cast %get3A_1065 : i32 to index
    %get3A_1067 = arith.constant 80 : index
    %get3A_1068 = tpu.vector_load %arg8[%get3A_1066, %get3A_1067] {strides = array<i32>} : memref<32x256xf32, #tpu.memory_space<vmem>>, vector<1x16xf32>,
    %get3A_1069 = vector.shape_cast %get3A_1068 : vector<1x16xf32> to vector<16xf32>
    %add3A_1070 = arith.addf %add3A_1064, %get3A_1069 : vector<16xf32>
    %get3A_1071 = arith.constant 9 : i32
    %get3A_1072 = arith.index_cast %get3A_1071 : i32 to index
    %get3A_1073 = arith.constant 80 : index
    %get3A_1074 = tpu.vector_load %arg8[%get3A_1072, %get3A_1073] {strides = array<i32>} : memref<32x256xf32, #tpu.memory_space<vmem>>, vector<1x16xf32>,
    %get3A_1075 = vector.shape_cast %get3A_1074 : vector<1x16xf32> to vector<16xf32>
    %add3A_1076 = arith.addf %add3A_1070, %get3A_1075 : vector<16xf32>
    %get3A_1077 = arith.constant 10 : i32
    %get3A_1078 = arith.index_cast %get3A_1077 : i32 to index
    %get3A_1079 = arith.constant 80 : index
    %get3A_1080 = tpu.vector_load %arg8[%get3A_1078, %get3A_1079] {strides = array<i32>} : memref<32x256xf32, #tpu.memory_space<vmem>>, vector<1x16xf32>,
    %get3A_1081 = vector.shape_cast %get3A_1080 : vector<1x16xf32> to vector<16xf32>
    %add3A_1082 = arith.addf %add3A_1076, %get3A_1081 : vector<16xf32>
    %get3A_1083 = arith.constant 11 : i32
    %get3A_1084 = arith.index_cast %get3A_1083 : i32 to index
    %get3A_1085 = arith.constant 80 : index
    %get3A_1086 = tpu.vector_load %arg8[%get3A_1084, %get3A_1085] {strides = array<i32>} : memref<32x256xf32, #tpu.memory_space<vmem>>, vector<1x16xf32>,
    %get3A_1087 = vector.shape_cast %get3A_1086 : vector<1x16xf32> to vector<16xf32>
    %add3A_1088 = arith.addf %add3A_1082, %get3A_1087 : vector<16xf32>
    %get3A_1089 = arith.constant 12 : i32
    %get3A_1090 = arith.index_cast %get3A_1089 : i32 to index
    %get3A_1091 = arith.constant 80 : index
    %get3A_1092 = tpu.vector_load %arg8[%get3A_1090, %get3A_1091] {strides = array<i32>} : memref<32x256xf32, #tpu.memory_space<vmem>>, vector<1x16xf32>,
    %get3A_1093 = vector.shape_cast %get3A_1092 : vector<1x16xf32> to vector<16xf32>
    %add3A_1094 = arith.addf %add3A_1088, %get3A_1093 : vector<16xf32>
    %get3A_1095 = arith.constant 13 : i32
    %get3A_1096 = arith.index_cast %get3A_1095 : i32 to index
    %get3A_1097 = arith.constant 80 : index
    %get3A_1098 = tpu.vector_load %arg8[%get3A_1096, %get3A_1097] {strides = array<i32>} : memref<32x256xf32, #tpu.memory_space<vmem>>, vector<1x16xf32>,
    %get3A_1099 = vector.shape_cast %get3A_1098 : vector<1x16xf32> to vector<16xf32>
    %add3A_1100 = arith.addf %add3A_1094, %get3A_1099 : vector<16xf32>
    %get3A_1101 = arith.constant 14 : i32
    %get3A_1102 = arith.index_cast %get3A_1101 : i32 to index
    %get3A_1103 = arith.constant 80 : index
    %get3A_1104 = tpu.vector_load %arg8[%get3A_1102, %get3A_1103] {strides = array<i32>} : memref<32x256xf32, #tpu.memory_space<vmem>>, vector<1x16xf32>,
    %get3A_1105 = vector.shape_cast %get3A_1104 : vector<1x16xf32> to vector<16xf32>
    %add3A_1106 = arith.addf %add3A_1100, %get3A_1105 : vector<16xf32>
    %get3A_1107 = arith.constant 15 : i32
    %get3A_1108 = arith.index_cast %get3A_1107 : i32 to index
    %get3A_1109 = arith.constant 80 : index
    %get3A_1110 = tpu.vector_load %arg8[%get3A_1108, %get3A_1109] {strides = array<i32>} : memref<32x256xf32, #tpu.memory_space<vmem>>, vector<1x16xf32>,
    %get3A_1111 = vector.shape_cast %get3A_1110 : vector<1x16xf32> to vector<16xf32>
    %add3A_1112 = arith.addf %add3A_1106, %get3A_1111 : vector<16xf32>
    %get3A_1113 = arith.constant 16 : i32
    %get3A_1114 = arith.index_cast %get3A_1113 : i32 to index
    %get3A_1115 = arith.constant 80 : index
    %get3A_1116 = tpu.vector_load %arg8[%get3A_1114, %get3A_1115] {strides = array<i32>} : memref<32x256xf32, #tpu.memory_space<vmem>>, vector<1x16xf32>,
    %get3A_1117 = vector.shape_cast %get3A_1116 : vector<1x16xf32> to vector<16xf32>
    %add3A_1118 = arith.addf %add3A_1112, %get3A_1117 : vector<16xf32>
    %get3A_1119 = arith.constant 17 : i32
    %get3A_1120 = arith.index_cast %get3A_1119 : i32 to index
    %get3A_1121 = arith.constant 80 : index
    %get3A_1122 = tpu.vector_load %arg8[%get3A_1120, %get3A_1121] {strides = array<i32>} : memref<32x256xf32, #tpu.memory_space<vmem>>, vector<1x16xf32>,
    %get3A_1123 = vector.shape_cast %get3A_1122 : vector<1x16xf32> to vector<16xf32>
    %add3A_1124 = arith.addf %add3A_1118, %get3A_1123 : vector<16xf32>
    %get3A_1125 = arith.constant 18 : i32
    %get3A_1126 = arith.index_cast %get3A_1125 : i32 to index
    %get3A_1127 = arith.constant 80 : index
    %get3A_1128 = tpu.vector_load %arg8[%get3A_1126, %get3A_1127] {strides = array<i32>} : memref<32x256xf32, #tpu.memory_space<vmem>>, vector<1x16xf32>,
    %get3A_1129 = vector.shape_cast %get3A_1128 : vector<1x16xf32> to vector<16xf32>
    %add3A_1130 = arith.addf %add3A_1124, %get3A_1129 : vector<16xf32>
    %get3A_1131 = arith.constant 19 : i32
    %get3A_1132 = arith.index_cast %get3A_1131 : i32 to index
    %get3A_1133 = arith.constant 80 : index
    %get3A_1134 = tpu.vector_load %arg8[%get3A_1132, %get3A_1133] {strides = array<i32>} : memref<32x256xf32, #tpu.memory_space<vmem>>, vector<1x16xf32>,
    %get3A_1135 = vector.shape_cast %get3A_1134 : vector<1x16xf32> to vector<16xf32>
    %add3A_1136 = arith.addf %add3A_1130, %get3A_1135 : vector<16xf32>
    %get3A_1137 = arith.constant 20 : i32
    %get3A_1138 = arith.index_cast %get3A_1137 : i32 to index
    %get3A_1139 = arith.constant 80 : index
    %get3A_1140 = tpu.vector_load %arg8[%get3A_1138, %get3A_1139] {strides = array<i32>} : memref<32x256xf32, #tpu.memory_space<vmem>>, vector<1x16xf32>,
    %get3A_1141 = vector.shape_cast %get3A_1140 : vector<1x16xf32> to vector<16xf32>
    %add3A_1142 = arith.addf %add3A_1136, %get3A_1141 : vector<16xf32>
    %get3A_1143 = arith.constant 21 : i32
    %get3A_1144 = arith.index_cast %get3A_1143 : i32 to index
    %get3A_1145 = arith.constant 80 : index
    %get3A_1146 = tpu.vector_load %arg8[%get3A_1144, %get3A_1145] {strides = array<i32>} : memref<32x256xf32, #tpu.memory_space<vmem>>, vector<1x16xf32>,
    %get3A_1147 = vector.shape_cast %get3A_1146 : vector<1x16xf32> to vector<16xf32>
    %add3A_1148 = arith.addf %add3A_1142, %get3A_1147 : vector<16xf32>
    %get3A_1149 = arith.constant 22 : i32
    %get3A_1150 = arith.index_cast %get3A_1149 : i32 to index
    %get3A_1151 = arith.constant 80 : index
    %get3A_1152 = tpu.vector_load %arg8[%get3A_1150, %get3A_1151] {strides = array<i32>} : memref<32x256xf32, #tpu.memory_space<vmem>>, vector<1x16xf32>,
    %get3A_1153 = vector.shape_cast %get3A_1152 : vector<1x16xf32> to vector<16xf32>
    %add3A_1154 = arith.addf %add3A_1148, %get3A_1153 : vector<16xf32>
    %get3A_1155 = arith.constant 23 : i32
    %get3A_1156 = arith.index_cast %get3A_1155 : i32 to index
    %get3A_1157 = arith.constant 80 : index
    %get3A_1158 = tpu.vector_load %arg8[%get3A_1156, %get3A_1157] {strides = array<i32>} : memref<32x256xf32, #tpu.memory_space<vmem>>, vector<1x16xf32>,
    %get3A_1159 = vector.shape_cast %get3A_1158 : vector<1x16xf32> to vector<16xf32>
    %add3A_1160 = arith.addf %add3A_1154, %get3A_1159 : vector<16xf32>
    %get3A_1161 = arith.constant 24 : i32
    %get3A_1162 = arith.index_cast %get3A_1161 : i32 to index
    %get3A_1163 = arith.constant 80 : index
    %get3A_1164 = tpu.vector_load %arg8[%get3A_1162, %get3A_1163] {strides = array<i32>} : memref<32x256xf32, #tpu.memory_space<vmem>>, vector<1x16xf32>,
    %get3A_1165 = vector.shape_cast %get3A_1164 : vector<1x16xf32> to vector<16xf32>
    %add3A_1166 = arith.addf %add3A_1160, %get3A_1165 : vector<16xf32>
    %get3A_1167 = arith.constant 25 : i32
    %get3A_1168 = arith.index_cast %get3A_1167 : i32 to index
    %get3A_1169 = arith.constant 80 : index
    %get3A_1170 = tpu.vector_load %arg8[%get3A_1168, %get3A_1169] {strides = array<i32>} : memref<32x256xf32, #tpu.memory_space<vmem>>, vector<1x16xf32>,
    %get3A_1171 = vector.shape_cast %get3A_1170 : vector<1x16xf32> to vector<16xf32>
    %add3A_1172 = arith.addf %add3A_1166, %get3A_1171 : vector<16xf32>
    %get3A_1173 = arith.constant 26 : i32
    %get3A_1174 = arith.index_cast %get3A_1173 : i32 to index
    %get3A_1175 = arith.constant 80 : index
    %get3A_1176 = tpu.vector_load %arg8[%get3A_1174, %get3A_1175] {strides = array<i32>} : memref<32x256xf32, #tpu.memory_space<vmem>>, vector<1x16xf32>,
    %get3A_1177 = vector.shape_cast %get3A_1176 : vector<1x16xf32> to vector<16xf32>
    %add3A_1178 = arith.addf %add3A_1172, %get3A_1177 : vector<16xf32>
    %get3A_1179 = arith.constant 27 : i32
    %get3A_1180 = arith.index_cast %get3A_1179 : i32 to index
    %get3A_1181 = arith.constant 80 : index
    %get3A_1182 = tpu.vector_load %arg8[%get3A_1180, %get3A_1181] {strides = array<i32>} : memref<32x256xf32, #tpu.memory_space<vmem>>, vector<1x16xf32>,
    %get3A_1183 = vector.shape_cast %get3A_1182 : vector<1x16xf32> to vector<16xf32>
    %add3A_1184 = arith.addf %add3A_1178, %get3A_1183 : vector<16xf32>
    %get3A_1185 = arith.constant 28 : i32
    %get3A_1186 = arith.index_cast %get3A_1185 : i32 to index
    %get3A_1187 = arith.constant 80 : index
    %get3A_1188 = tpu.vector_load %arg8[%get3A_1186, %get3A_1187] {strides = array<i32>} : memref<32x256xf32, #tpu.memory_space<vmem>>, vector<1x16xf32>,
    %get3A_1189 = vector.shape_cast %get3A_1188 : vector<1x16xf32> to vector<16xf32>
    %add3A_1190 = arith.addf %add3A_1184, %get3A_1189 : vector<16xf32>
    %get3A_1191 = arith.constant 29 : i32
    %get3A_1192 = arith.index_cast %get3A_1191 : i32 to index
    %get3A_1193 = arith.constant 80 : index
    %get3A_1194 = tpu.vector_load %arg8[%get3A_1192, %get3A_1193] {strides = array<i32>} : memref<32x256xf32, #tpu.memory_space<vmem>>, vector<1x16xf32>,
    %get3A_1195 = vector.shape_cast %get3A_1194 : vector<1x16xf32> to vector<16xf32>
    %add3A_1196 = arith.addf %add3A_1190, %get3A_1195 : vector<16xf32>
    %get3A_1197 = arith.constant 30 : i32
    %get3A_1198 = arith.index_cast %get3A_1197 : i32 to index
    %get3A_1199 = arith.constant 80 : index
    %get3A_1200 = tpu.vector_load %arg8[%get3A_1198, %get3A_1199] {strides = array<i32>} : memref<32x256xf32, #tpu.memory_space<vmem>>, vector<1x16xf32>,
    %get3A_1201 = vector.shape_cast %get3A_1200 : vector<1x16xf32> to vector<16xf32>
    %add3A_1202 = arith.addf %add3A_1196, %get3A_1201 : vector<16xf32>
    %get3A_1203 = arith.constant 31 : i32
    %get3A_1204 = arith.index_cast %get3A_1203 : i32 to index
    %get3A_1205 = arith.constant 80 : index
    %get3A_1206 = tpu.vector_load %arg8[%get3A_1204, %get3A_1205] {strides = array<i32>} : memref<32x256xf32, #tpu.memory_space<vmem>>, vector<1x16xf32>,
    %get3A_1207 = vector.shape_cast %get3A_1206 : vector<1x16xf32> to vector<16xf32>
    %add3A_1208 = arith.addf %add3A_1202, %get3A_1207 : vector<16xf32>
    %swap3A_1209 = arith.constant 80 : index
    %swap3A_1210 = tpu.vector_load %arg9[%swap3A_1209] {strides = array<i32>} : memref<256xf32, #tpu.memory_space<vmem>>, vector<16xf32>,
    %swap3A_1211 = vector.shape_cast %swap3A_1210 : vector<16xf32> to vector<16xf32>
    %swap3A_1212 = vector.shape_cast %add3A_1208 : vector<16xf32> to vector<16xf32>
    tpu.vector_store %arg9[%swap3A_1209], %swap3A_1212 {strides = array<i32>} : memref<256xf32, #tpu.memory_space<vmem>>, vector<16xf32>,
    %get3A_1213 = arith.constant 0 : i32
    %get3A_1214 = arith.index_cast %get3A_1213 : i32 to index
    %get3A_1215 = arith.constant 96 : index
    %get3A_1216 = tpu.vector_load %arg8[%get3A_1214, %get3A_1215] {strides = array<i32>} : memref<32x256xf32, #tpu.memory_space<vmem>>, vector<1x16xf32>,
    %get3A_1217 = vector.shape_cast %get3A_1216 : vector<1x16xf32> to vector<16xf32>
    %get3A_1218 = arith.constant 1 : i32
    %get3A_1219 = arith.index_cast %get3A_1218 : i32 to index
    %get3A_1220 = arith.constant 96 : index
    %get3A_1221 = tpu.vector_load %arg8[%get3A_1219, %get3A_1220] {strides = array<i32>} : memref<32x256xf32, #tpu.memory_space<vmem>>, vector<1x16xf32>,
    %get3A_1222 = vector.shape_cast %get3A_1221 : vector<1x16xf32> to vector<16xf32>
    %add3A_1223 = arith.addf %get3A_1217, %get3A_1222 : vector<16xf32>
    %get3A_1224 = arith.constant 2 : i32
    %get3A_1225 = arith.index_cast %get3A_1224 : i32 to index
    %get3A_1226 = arith.constant 96 : index
    %get3A_1227 = tpu.vector_load %arg8[%get3A_1225, %get3A_1226] {strides = array<i32>} : memref<32x256xf32, #tpu.memory_space<vmem>>, vector<1x16xf32>,
    %get3A_1228 = vector.shape_cast %get3A_1227 : vector<1x16xf32> to vector<16xf32>
    %add3A_1229 = arith.addf %add3A_1223, %get3A_1228 : vector<16xf32>
    %get3A_1230 = arith.constant 3 : i32
    %get3A_1231 = arith.index_cast %get3A_1230 : i32 to index
    %get3A_1232 = arith.constant 96 : index
    %get3A_1233 = tpu.vector_load %arg8[%get3A_1231, %get3A_1232] {strides = array<i32>} : memref<32x256xf32, #tpu.memory_space<vmem>>, vector<1x16xf32>,
    %get3A_1234 = vector.shape_cast %get3A_1233 : vector<1x16xf32> to vector<16xf32>
    %add3A_1235 = arith.addf %add3A_1229, %get3A_1234 : vector<16xf32>
    %get3A_1236 = arith.constant 4 : i32
    %get3A_1237 = arith.index_cast %get3A_1236 : i32 to index
    %get3A_1238 = arith.constant 96 : index
    %get3A_1239 = tpu.vector_load %arg8[%get3A_1237, %get3A_1238] {strides = array<i32>} : memref<32x256xf32, #tpu.memory_space<vmem>>, vector<1x16xf32>,
    %get3A_1240 = vector.shape_cast %get3A_1239 : vector<1x16xf32> to vector<16xf32>
    %add3A_1241 = arith.addf %add3A_1235, %get3A_1240 : vector<16xf32>
    %get3A_1242 = arith.constant 5 : i32
    %get3A_1243 = arith.index_cast %get3A_1242 : i32 to index
    %get3A_1244 = arith.constant 96 : index
    %get3A_1245 = tpu.vector_load %arg8[%get3A_1243, %get3A_1244] {strides = array<i32>} : memref<32x256xf32, #tpu.memory_space<vmem>>, vector<1x16xf32>,
    %get3A_1246 = vector.shape_cast %get3A_1245 : vector<1x16xf32> to vector<16xf32>
    %add3A_1247 = arith.addf %add3A_1241, %get3A_1246 : vector<16xf32>
    %get3A_1248 = arith.constant 6 : i32
    %get3A_1249 = arith.index_cast %get3A_1248 : i32 to index
    %get3A_1250 = arith.constant 96 : index
    %get3A_1251 = tpu.vector_load %arg8[%get3A_1249, %get3A_1250] {strides = array<i32>} : memref<32x256xf32, #tpu.memory_space<vmem>>, vector<1x16xf32>,
    %get3A_1252 = vector.shape_cast %get3A_1251 : vector<1x16xf32> to vector<16xf32>
    %add3A_1253 = arith.addf %add3A_1247, %get3A_1252 : vector<16xf32>
    %get3A_1254 = arith.constant 7 : i32
    %get3A_1255 = arith.index_cast %get3A_1254 : i32 to index
    %get3A_1256 = arith.constant 96 : index
    %get3A_1257 = tpu.vector_load %arg8[%get3A_1255, %get3A_1256] {strides = array<i32>} : memref<32x256xf32, #tpu.memory_space<vmem>>, vector<1x16xf32>,
    %get3A_1258 = vector.shape_cast %get3A_1257 : vector<1x16xf32> to vector<16xf32>
    %add3A_1259 = arith.addf %add3A_1253, %get3A_1258 : vector<16xf32>
    %get3A_1260 = arith.constant 8 : i32
    %get3A_1261 = arith.index_cast %get3A_1260 : i32 to index
    %get3A_1262 = arith.constant 96 : index
    %get3A_1263 = tpu.vector_load %arg8[%get3A_1261, %get3A_1262] {strides = array<i32>} : memref<32x256xf32, #tpu.memory_space<vmem>>, vector<1x16xf32>,
    %get3A_1264 = vector.shape_cast %get3A_1263 : vector<1x16xf32> to vector<16xf32>
    %add3A_1265 = arith.addf %add3A_1259, %get3A_1264 : vector<16xf32>
    %get3A_1266 = arith.constant 9 : i32
    %get3A_1267 = arith.index_cast %get3A_1266 : i32 to index
    %get3A_1268 = arith.constant 96 : index
    %get3A_1269 = tpu.vector_load %arg8[%get3A_1267, %get3A_1268] {strides = array<i32>} : memref<32x256xf32, #tpu.memory_space<vmem>>, vector<1x16xf32>,
    %get3A_1270 = vector.shape_cast %get3A_1269 : vector<1x16xf32> to vector<16xf32>
    %add3A_1271 = arith.addf %add3A_1265, %get3A_1270 : vector<16xf32>
    %get3A_1272 = arith.constant 10 : i32
    %get3A_1273 = arith.index_cast %get3A_1272 : i32 to index
    %get3A_1274 = arith.constant 96 : index
    %get3A_1275 = tpu.vector_load %arg8[%get3A_1273, %get3A_1274] {strides = array<i32>} : memref<32x256xf32, #tpu.memory_space<vmem>>, vector<1x16xf32>,
    %get3A_1276 = vector.shape_cast %get3A_1275 : vector<1x16xf32> to vector<16xf32>
    %add3A_1277 = arith.addf %add3A_1271, %get3A_1276 : vector<16xf32>
    %get3A_1278 = arith.constant 11 : i32
    %get3A_1279 = arith.index_cast %get3A_1278 : i32 to index
    %get3A_1280 = arith.constant 96 : index
    %get3A_1281 = tpu.vector_load %arg8[%get3A_1279, %get3A_1280] {strides = array<i32>} : memref<32x256xf32, #tpu.memory_space<vmem>>, vector<1x16xf32>,
    %get3A_1282 = vector.shape_cast %get3A_1281 : vector<1x16xf32> to vector<16xf32>
    %add3A_1283 = arith.addf %add3A_1277, %get3A_1282 : vector<16xf32>
    %get3A_1284 = arith.constant 12 : i32
    %get3A_1285 = arith.index_cast %get3A_1284 : i32 to index
    %get3A_1286 = arith.constant 96 : index
    %get3A_1287 = tpu.vector_load %arg8[%get3A_1285, %get3A_1286] {strides = array<i32>} : memref<32x256xf32, #tpu.memory_space<vmem>>, vector<1x16xf32>,
    %get3A_1288 = vector.shape_cast %get3A_1287 : vector<1x16xf32> to vector<16xf32>
    %add3A_1289 = arith.addf %add3A_1283, %get3A_1288 : vector<16xf32>
    %get3A_1290 = arith.constant 13 : i32
    %get3A_1291 = arith.index_cast %get3A_1290 : i32 to index
    %get3A_1292 = arith.constant 96 : index
    %get3A_1293 = tpu.vector_load %arg8[%get3A_1291, %get3A_1292] {strides = array<i32>} : memref<32x256xf32, #tpu.memory_space<vmem>>, vector<1x16xf32>,
    %get3A_1294 = vector.shape_cast %get3A_1293 : vector<1x16xf32> to vector<16xf32>
    %add3A_1295 = arith.addf %add3A_1289, %get3A_1294 : vector<16xf32>
    %get3A_1296 = arith.constant 14 : i32
    %get3A_1297 = arith.index_cast %get3A_1296 : i32 to index
    %get3A_1298 = arith.constant 96 : index
    %get3A_1299 = tpu.vector_load %arg8[%get3A_1297, %get3A_1298] {strides = array<i32>} : memref<32x256xf32, #tpu.memory_space<vmem>>, vector<1x16xf32>,
    %get3A_1300 = vector.shape_cast %get3A_1299 : vector<1x16xf32> to vector<16xf32>
    %add3A_1301 = arith.addf %add3A_1295, %get3A_1300 : vector<16xf32>
    %get3A_1302 = arith.constant 15 : i32
    %get3A_1303 = arith.index_cast %get3A_1302 : i32 to index
    %get3A_1304 = arith.constant 96 : index
    %get3A_1305 = tpu.vector_load %arg8[%get3A_1303, %get3A_1304] {strides = array<i32>} : memref<32x256xf32, #tpu.memory_space<vmem>>, vector<1x16xf32>,
    %get3A_1306 = vector.shape_cast %get3A_1305 : vector<1x16xf32> to vector<16xf32>
    %add3A_1307 = arith.addf %add3A_1301, %get3A_1306 : vector<16xf32>
    %get3A_1308 = arith.constant 16 : i32
    %get3A_1309 = arith.index_cast %get3A_1308 : i32 to index
    %get3A_1310 = arith.constant 96 : index
    %get3A_1311 = tpu.vector_load %arg8[%get3A_1309, %get3A_1310] {strides = array<i32>} : memref<32x256xf32, #tpu.memory_space<vmem>>, vector<1x16xf32>,
    %get3A_1312 = vector.shape_cast %get3A_1311 : vector<1x16xf32> to vector<16xf32>
    %add3A_1313 = arith.addf %add3A_1307, %get3A_1312 : vector<16xf32>
    %get3A_1314 = arith.constant 17 : i32
    %get3A_1315 = arith.index_cast %get3A_1314 : i32 to index
    %get3A_1316 = arith.constant 96 : index
    %get3A_1317 = tpu.vector_load %arg8[%get3A_1315, %get3A_1316] {strides = array<i32>} : memref<32x256xf32, #tpu.memory_space<vmem>>, vector<1x16xf32>,
    %get3A_1318 = vector.shape_cast %get3A_1317 : vector<1x16xf32> to vector<16xf32>
    %add3A_1319 = arith.addf %add3A_1313, %get3A_1318 : vector<16xf32>
    %get3A_1320 = arith.constant 18 : i32
    %get3A_1321 = arith.index_cast %get3A_1320 : i32 to index
    %get3A_1322 = arith.constant 96 : index
    %get3A_1323 = tpu.vector_load %arg8[%get3A_1321, %get3A_1322] {strides = array<i32>} : memref<32x256xf32, #tpu.memory_space<vmem>>, vector<1x16xf32>,
    %get3A_1324 = vector.shape_cast %get3A_1323 : vector<1x16xf32> to vector<16xf32>
    %add3A_1325 = arith.addf %add3A_1319, %get3A_1324 : vector<16xf32>
    %get3A_1326 = arith.constant 19 : i32
    %get3A_1327 = arith.index_cast %get3A_1326 : i32 to index
    %get3A_1328 = arith.constant 96 : index
    %get3A_1329 = tpu.vector_load %arg8[%get3A_1327, %get3A_1328] {strides = array<i32>} : memref<32x256xf32, #tpu.memory_space<vmem>>, vector<1x16xf32>,
    %get3A_1330 = vector.shape_cast %get3A_1329 : vector<1x16xf32> to vector<16xf32>
    %add3A_1331 = arith.addf %add3A_1325, %get3A_1330 : vector<16xf32>
    %get3A_1332 = arith.constant 20 : i32
    %get3A_1333 = arith.index_cast %get3A_1332 : i32 to index
    %get3A_1334 = arith.constant 96 : index
    %get3A_1335 = tpu.vector_load %arg8[%get3A_1333, %get3A_1334] {strides = array<i32>} : memref<32x256xf32, #tpu.memory_space<vmem>>, vector<1x16xf32>,
    %get3A_1336 = vector.shape_cast %get3A_1335 : vector<1x16xf32> to vector<16xf32>
    %add3A_1337 = arith.addf %add3A_1331, %get3A_1336 : vector<16xf32>
    %get3A_1338 = arith.constant 21 : i32
    %get3A_1339 = arith.index_cast %get3A_1338 : i32 to index
    %get3A_1340 = arith.constant 96 : index
    %get3A_1341 = tpu.vector_load %arg8[%get3A_1339, %get3A_1340] {strides = array<i32>} : memref<32x256xf32, #tpu.memory_space<vmem>>, vector<1x16xf32>,
    %get3A_1342 = vector.shape_cast %get3A_1341 : vector<1x16xf32> to vector<16xf32>
    %add3A_1343 = arith.addf %add3A_1337, %get3A_1342 : vector<16xf32>
    %get3A_1344 = arith.constant 22 : i32
    %get3A_1345 = arith.index_cast %get3A_1344 : i32 to index
    %get3A_1346 = arith.constant 96 : index
    %get3A_1347 = tpu.vector_load %arg8[%get3A_1345, %get3A_1346] {strides = array<i32>} : memref<32x256xf32, #tpu.memory_space<vmem>>, vector<1x16xf32>,
    %get3A_1348 = vector.shape_cast %get3A_1347 : vector<1x16xf32> to vector<16xf32>
    %add3A_1349 = arith.addf %add3A_1343, %get3A_1348 : vector<16xf32>
    %get3A_1350 = arith.constant 23 : i32
    %get3A_1351 = arith.index_cast %get3A_1350 : i32 to index
    %get3A_1352 = arith.constant 96 : index
    %get3A_1353 = tpu.vector_load %arg8[%get3A_1351, %get3A_1352] {strides = array<i32>} : memref<32x256xf32, #tpu.memory_space<vmem>>, vector<1x16xf32>,
    %get3A_1354 = vector.shape_cast %get3A_1353 : vector<1x16xf32> to vector<16xf32>
    %add3A_1355 = arith.addf %add3A_1349, %get3A_1354 : vector<16xf32>
    %get3A_1356 = arith.constant 24 : i32
    %get3A_1357 = arith.index_cast %get3A_1356 : i32 to index
    %get3A_1358 = arith.constant 96 : index
    %get3A_1359 = tpu.vector_load %arg8[%get3A_1357, %get3A_1358] {strides = array<i32>} : memref<32x256xf32, #tpu.memory_space<vmem>>, vector<1x16xf32>,
    %get3A_1360 = vector.shape_cast %get3A_1359 : vector<1x16xf32> to vector<16xf32>
    %add3A_1361 = arith.addf %add3A_1355, %get3A_1360 : vector<16xf32>
    %get3A_1362 = arith.constant 25 : i32
    %get3A_1363 = arith.index_cast %get3A_1362 : i32 to index
    %get3A_1364 = arith.constant 96 : index
    %get3A_1365 = tpu.vector_load %arg8[%get3A_1363, %get3A_1364] {strides = array<i32>} : memref<32x256xf32, #tpu.memory_space<vmem>>, vector<1x16xf32>,
    %get3A_1366 = vector.shape_cast %get3A_1365 : vector<1x16xf32> to vector<16xf32>
    %add3A_1367 = arith.addf %add3A_1361, %get3A_1366 : vector<16xf32>
    %get3A_1368 = arith.constant 26 : i32
    %get3A_1369 = arith.index_cast %get3A_1368 : i32 to index
    %get3A_1370 = arith.constant 96 : index
    %get3A_1371 = tpu.vector_load %arg8[%get3A_1369, %get3A_1370] {strides = array<i32>} : memref<32x256xf32, #tpu.memory_space<vmem>>, vector<1x16xf32>,
    %get3A_1372 = vector.shape_cast %get3A_1371 : vector<1x16xf32> to vector<16xf32>
    %add3A_1373 = arith.addf %add3A_1367, %get3A_1372 : vector<16xf32>
    %get3A_1374 = arith.constant 27 : i32
    %get3A_1375 = arith.index_cast %get3A_1374 : i32 to index
    %get3A_1376 = arith.constant 96 : index
    %get3A_1377 = tpu.vector_load %arg8[%get3A_1375, %get3A_1376] {strides = array<i32>} : memref<32x256xf32, #tpu.memory_space<vmem>>, vector<1x16xf32>,
    %get3A_1378 = vector.shape_cast %get3A_1377 : vector<1x16xf32> to vector<16xf32>
    %add3A_1379 = arith.addf %add3A_1373, %get3A_1378 : vector<16xf32>
    %get3A_1380 = arith.constant 28 : i32
    %get3A_1381 = arith.index_cast %get3A_1380 : i32 to index
    %get3A_1382 = arith.constant 96 : index
    %get3A_1383 = tpu.vector_load %arg8[%get3A_1381, %get3A_1382] {strides = array<i32>} : memref<32x256xf32, #tpu.memory_space<vmem>>, vector<1x16xf32>,
    %get3A_1384 = vector.shape_cast %get3A_1383 : vector<1x16xf32> to vector<16xf32>
    %add3A_1385 = arith.addf %add3A_1379, %get3A_1384 : vector<16xf32>
    %get3A_1386 = arith.constant 29 : i32
    %get3A_1387 = arith.index_cast %get3A_1386 : i32 to index
    %get3A_1388 = arith.constant 96 : index
    %get3A_1389 = tpu.vector_load %arg8[%get3A_1387, %get3A_1388] {strides = array<i32>} : memref<32x256xf32, #tpu.memory_space<vmem>>, vector<1x16xf32>,
    %get3A_1390 = vector.shape_cast %get3A_1389 : vector<1x16xf32> to vector<16xf32>
    %add3A_1391 = arith.addf %add3A_1385, %get3A_1390 : vector<16xf32>
    %get3A_1392 = arith.constant 30 : i32
    %get3A_1393 = arith.index_cast %get3A_1392 : i32 to index
    %get3A_1394 = arith.constant 96 : index
    %get3A_1395 = tpu.vector_load %arg8[%get3A_1393, %get3A_1394] {strides = array<i32>} : memref<32x256xf32, #tpu.memory_space<vmem>>, vector<1x16xf32>,
    %get3A_1396 = vector.shape_cast %get3A_1395 : vector<1x16xf32> to vector<16xf32>
    %add3A_1397 = arith.addf %add3A_1391, %get3A_1396 : vector<16xf32>
    %get3A_1398 = arith.constant 31 : i32
    %get3A_1399 = arith.index_cast %get3A_1398 : i32 to index
    %get3A_1400 = arith.constant 96 : index
    %get3A_1401 = tpu.vector_load %arg8[%get3A_1399, %get3A_1400] {strides = array<i32>} : memref<32x256xf32, #tpu.memory_space<vmem>>, vector<1x16xf32>,
    %get3A_1402 = vector.shape_cast %get3A_1401 : vector<1x16xf32> to vector<16xf32>
    %add3A_1403 = arith.addf %add3A_1397, %get3A_1402 : vector<16xf32>
    %swap3A_1404 = arith.constant 96 : index
    %swap3A_1405 = tpu.vector_load %arg9[%swap3A_1404] {strides = array<i32>} : memref<256xf32, #tpu.memory_space<vmem>>, vector<16xf32>,
    %swap3A_1406 = vector.shape_cast %swap3A_1405 : vector<16xf32> to vector<16xf32>
    %swap3A_1407 = vector.shape_cast %add3A_1403 : vector<16xf32> to vector<16xf32>
    tpu.vector_store %arg9[%swap3A_1404], %swap3A_1407 {strides = array<i32>} : memref<256xf32, #tpu.memory_space<vmem>>, vector<16xf32>,
    %get3A_1408 = arith.constant 0 : i32
    %get3A_1409 = arith.index_cast %get3A_1408 : i32 to index
    %get3A_1410 = arith.constant 112 : index
    %get3A_1411 = tpu.vector_load %arg8[%get3A_1409, %get3A_1410] {strides = array<i32>} : memref<32x256xf32, #tpu.memory_space<vmem>>, vector<1x16xf32>,
    %get3A_1412 = vector.shape_cast %get3A_1411 : vector<1x16xf32> to vector<16xf32>
    %get3A_1413 = arith.constant 1 : i32
    %get3A_1414 = arith.index_cast %get3A_1413 : i32 to index
    %get3A_1415 = arith.constant 112 : index
    %get3A_1416 = tpu.vector_load %arg8[%get3A_1414, %get3A_1415] {strides = array<i32>} : memref<32x256xf32, #tpu.memory_space<vmem>>, vector<1x16xf32>,
    %get3A_1417 = vector.shape_cast %get3A_1416 : vector<1x16xf32> to vector<16xf32>
    %add3A_1418 = arith.addf %get3A_1412, %get3A_1417 : vector<16xf32>
    %get3A_1419 = arith.constant 2 : i32
    %get3A_1420 = arith.index_cast %get3A_1419 : i32 to index
    %get3A_1421 = arith.constant 112 : index
    %get3A_1422 = tpu.vector_load %arg8[%get3A_1420, %get3A_1421] {strides = array<i32>} : memref<32x256xf32, #tpu.memory_space<vmem>>, vector<1x16xf32>,
    %get3A_1423 = vector.shape_cast %get3A_1422 : vector<1x16xf32> to vector<16xf32>
    %add3A_1424 = arith.addf %add3A_1418, %get3A_1423 : vector<16xf32>
    %get3A_1425 = arith.constant 3 : i32
    %get3A_1426 = arith.index_cast %get3A_1425 : i32 to index
    %get3A_1427 = arith.constant 112 : index
    %get3A_1428 = tpu.vector_load %arg8[%get3A_1426, %get3A_1427] {strides = array<i32>} : memref<32x256xf32, #tpu.memory_space<vmem>>, vector<1x16xf32>,
    %get3A_1429 = vector.shape_cast %get3A_1428 : vector<1x16xf32> to vector<16xf32>
    %add3A_1430 = arith.addf %add3A_1424, %get3A_1429 : vector<16xf32>
    %get3A_1431 = arith.constant 4 : i32
    %get3A_1432 = arith.index_cast %get3A_1431 : i32 to index
    %get3A_1433 = arith.constant 112 : index
    %get3A_1434 = tpu.vector_load %arg8[%get3A_1432, %get3A_1433] {strides = array<i32>} : memref<32x256xf32, #tpu.memory_space<vmem>>, vector<1x16xf32>,
    %get3A_1435 = vector.shape_cast %get3A_1434 : vector<1x16xf32> to vector<16xf32>
    %add3A_1436 = arith.addf %add3A_1430, %get3A_1435 : vector<16xf32>
    %get3A_1437 = arith.constant 5 : i32
    %get3A_1438 = arith.index_cast %get3A_1437 : i32 to index
    %get3A_1439 = arith.constant 112 : index
    %get3A_1440 = tpu.vector_load %arg8[%get3A_1438, %get3A_1439] {strides = array<i32>} : memref<32x256xf32, #tpu.memory_space<vmem>>, vector<1x16xf32>,
    %get3A_1441 = vector.shape_cast %get3A_1440 : vector<1x16xf32> to vector<16xf32>
    %add3A_1442 = arith.addf %add3A_1436, %get3A_1441 : vector<16xf32>
    %get3A_1443 = arith.constant 6 : i32
    %get3A_1444 = arith.index_cast %get3A_1443 : i32 to index
    %get3A_1445 = arith.constant 112 : index
    %get3A_1446 = tpu.vector_load %arg8[%get3A_1444, %get3A_1445] {strides = array<i32>} : memref<32x256xf32, #tpu.memory_space<vmem>>, vector<1x16xf32>,
    %get3A_1447 = vector.shape_cast %get3A_1446 : vector<1x16xf32> to vector<16xf32>
    %add3A_1448 = arith.addf %add3A_1442, %get3A_1447 : vector<16xf32>
    %get3A_1449 = arith.constant 7 : i32
    %get3A_1450 = arith.index_cast %get3A_1449 : i32 to index
    %get3A_1451 = arith.constant 112 : index
    %get3A_1452 = tpu.vector_load %arg8[%get3A_1450, %get3A_1451] {strides = array<i32>} : memref<32x256xf32, #tpu.memory_space<vmem>>, vector<1x16xf32>,
    %get3A_1453 = vector.shape_cast %get3A_1452 : vector<1x16xf32> to vector<16xf32>
    %add3A_1454 = arith.addf %add3A_1448, %get3A_1453 : vector<16xf32>
    %get3A_1455 = arith.constant 8 : i32
    %get3A_1456 = arith.index_cast %get3A_1455 : i32 to index
    %get3A_1457 = arith.constant 112 : index
    %get3A_1458 = tpu.vector_load %arg8[%get3A_1456, %get3A_1457] {strides = array<i32>} : memref<32x256xf32, #tpu.memory_space<vmem>>, vector<1x16xf32>,
    %get3A_1459 = vector.shape_cast %get3A_1458 : vector<1x16xf32> to vector<16xf32>
    %add3A_1460 = arith.addf %add3A_1454, %get3A_1459 : vector<16xf32>
    %get3A_1461 = arith.constant 9 : i32
    %get3A_1462 = arith.index_cast %get3A_1461 : i32 to index
    %get3A_1463 = arith.constant 112 : index
    %get3A_1464 = tpu.vector_load %arg8[%get3A_1462, %get3A_1463] {strides = array<i32>} : memref<32x256xf32, #tpu.memory_space<vmem>>, vector<1x16xf32>,
    %get3A_1465 = vector.shape_cast %get3A_1464 : vector<1x16xf32> to vector<16xf32>
    %add3A_1466 = arith.addf %add3A_1460, %get3A_1465 : vector<16xf32>
    %get3A_1467 = arith.constant 10 : i32
    %get3A_1468 = arith.index_cast %get3A_1467 : i32 to index
    %get3A_1469 = arith.constant 112 : index
    %get3A_1470 = tpu.vector_load %arg8[%get3A_1468, %get3A_1469] {strides = array<i32>} : memref<32x256xf32, #tpu.memory_space<vmem>>, vector<1x16xf32>,
    %get3A_1471 = vector.shape_cast %get3A_1470 : vector<1x16xf32> to vector<16xf32>
    %add3A_1472 = arith.addf %add3A_1466, %get3A_1471 : vector<16xf32>
    %get3A_1473 = arith.constant 11 : i32
    %get3A_1474 = arith.index_cast %get3A_1473 : i32 to index
    %get3A_1475 = arith.constant 112 : index
    %get3A_1476 = tpu.vector_load %arg8[%get3A_1474, %get3A_1475] {strides = array<i32>} : memref<32x256xf32, #tpu.memory_space<vmem>>, vector<1x16xf32>,
    %get3A_1477 = vector.shape_cast %get3A_1476 : vector<1x16xf32> to vector<16xf32>
    %add3A_1478 = arith.addf %add3A_1472, %get3A_1477 : vector<16xf32>
    %get3A_1479 = arith.constant 12 : i32
    %get3A_1480 = arith.index_cast %get3A_1479 : i32 to index
    %get3A_1481 = arith.constant 112 : index
    %get3A_1482 = tpu.vector_load %arg8[%get3A_1480, %get3A_1481] {strides = array<i32>} : memref<32x256xf32, #tpu.memory_space<vmem>>, vector<1x16xf32>,
    %get3A_1483 = vector.shape_cast %get3A_1482 : vector<1x16xf32> to vector<16xf32>
    %add3A_1484 = arith.addf %add3A_1478, %get3A_1483 : vector<16xf32>
    %get3A_1485 = arith.constant 13 : i32
    %get3A_1486 = arith.index_cast %get3A_1485 : i32 to index
    %get3A_1487 = arith.constant 112 : index
    %get3A_1488 = tpu.vector_load %arg8[%get3A_1486, %get3A_1487] {strides = array<i32>} : memref<32x256xf32, #tpu.memory_space<vmem>>, vector<1x16xf32>,
    %get3A_1489 = vector.shape_cast %get3A_1488 : vector<1x16xf32> to vector<16xf32>
    %add3A_1490 = arith.addf %add3A_1484, %get3A_1489 : vector<16xf32>
    %get3A_1491 = arith.constant 14 : i32
    %get3A_1492 = arith.index_cast %get3A_1491 : i32 to index
    %get3A_1493 = arith.constant 112 : index
    %get3A_1494 = tpu.vector_load %arg8[%get3A_1492, %get3A_1493] {strides = array<i32>} : memref<32x256xf32, #tpu.memory_space<vmem>>, vector<1x16xf32>,
    %get3A_1495 = vector.shape_cast %get3A_1494 : vector<1x16xf32> to vector<16xf32>
    %add3A_1496 = arith.addf %add3A_1490, %get3A_1495 : vector<16xf32>
    %get3A_1497 = arith.constant 15 : i32
    %get3A_1498 = arith.index_cast %get3A_1497 : i32 to index
    %get3A_1499 = arith.constant 112 : index
    %get3A_1500 = tpu.vector_load %arg8[%get3A_1498, %get3A_1499] {strides = array<i32>} : memref<32x256xf32, #tpu.memory_space<vmem>>, vector<1x16xf32>,
    %get3A_1501 = vector.shape_cast %get3A_1500 : vector<1x16xf32> to vector<16xf32>
    %add3A_1502 = arith.addf %add3A_1496, %get3A_1501 : vector<16xf32>
    %get3A_1503 = arith.constant 16 : i32
    %get3A_1504 = arith.index_cast %get3A_1503 : i32 to index
    %get3A_1505 = arith.constant 112 : index
    %get3A_1506 = tpu.vector_load %arg8[%get3A_1504, %get3A_1505] {strides = array<i32>} : memref<32x256xf32, #tpu.memory_space<vmem>>, vector<1x16xf32>,
    %get3A_1507 = vector.shape_cast %get3A_1506 : vector<1x16xf32> to vector<16xf32>
    %add3A_1508 = arith.addf %add3A_1502, %get3A_1507 : vector<16xf32>
    %get3A_1509 = arith.constant 17 : i32
    %get3A_1510 = arith.index_cast %get3A_1509 : i32 to index
    %get3A_1511 = arith.constant 112 : index
    %get3A_1512 = tpu.vector_load %arg8[%get3A_1510, %get3A_1511] {strides = array<i32>} : memref<32x256xf32, #tpu.memory_space<vmem>>, vector<1x16xf32>,
    %get3A_1513 = vector.shape_cast %get3A_1512 : vector<1x16xf32> to vector<16xf32>
    %add3A_1514 = arith.addf %add3A_1508, %get3A_1513 : vector<16xf32>
    %get3A_1515 = arith.constant 18 : i32
    %get3A_1516 = arith.index_cast %get3A_1515 : i32 to index
    %get3A_1517 = arith.constant 112 : index
    %get3A_1518 = tpu.vector_load %arg8[%get3A_1516, %get3A_1517] {strides = array<i32>} : memref<32x256xf32, #tpu.memory_space<vmem>>, vector<1x16xf32>,
    %get3A_1519 = vector.shape_cast %get3A_1518 : vector<1x16xf32> to vector<16xf32>
    %add3A_1520 = arith.addf %add3A_1514, %get3A_1519 : vector<16xf32>
    %get3A_1521 = arith.constant 19 : i32
    %get3A_1522 = arith.index_cast %get3A_1521 : i32 to index
    %get3A_1523 = arith.constant 112 : index
    %get3A_1524 = tpu.vector_load %arg8[%get3A_1522, %get3A_1523] {strides = array<i32>} : memref<32x256xf32, #tpu.memory_space<vmem>>, vector<1x16xf32>,
    %get3A_1525 = vector.shape_cast %get3A_1524 : vector<1x16xf32> to vector<16xf32>
    %add3A_1526 = arith.addf %add3A_1520, %get3A_1525 : vector<16xf32>
    %get3A_1527 = arith.constant 20 : i32
    %get3A_1528 = arith.index_cast %get3A_1527 : i32 to index
    %get3A_1529 = arith.constant 112 : index
    %get3A_1530 = tpu.vector_load %arg8[%get3A_1528, %get3A_1529] {strides = array<i32>} : memref<32x256xf32, #tpu.memory_space<vmem>>, vector<1x16xf32>,
    %get3A_1531 = vector.shape_cast %get3A_1530 : vector<1x16xf32> to vector<16xf32>
    %add3A_1532 = arith.addf %add3A_1526, %get3A_1531 : vector<16xf32>
    %get3A_1533 = arith.constant 21 : i32
    %get3A_1534 = arith.index_cast %get3A_1533 : i32 to index
    %get3A_1535 = arith.constant 112 : index
    %get3A_1536 = tpu.vector_load %arg8[%get3A_1534, %get3A_1535] {strides = array<i32>} : memref<32x256xf32, #tpu.memory_space<vmem>>, vector<1x16xf32>,
    %get3A_1537 = vector.shape_cast %get3A_1536 : vector<1x16xf32> to vector<16xf32>
    %add3A_1538 = arith.addf %add3A_1532, %get3A_1537 : vector<16xf32>
    %get3A_1539 = arith.constant 22 : i32
    %get3A_1540 = arith.index_cast %get3A_1539 : i32 to index
    %get3A_1541 = arith.constant 112 : index
    %get3A_1542 = tpu.vector_load %arg8[%get3A_1540, %get3A_1541] {strides = array<i32>} : memref<32x256xf32, #tpu.memory_space<vmem>>, vector<1x16xf32>,
    %get3A_1543 = vector.shape_cast %get3A_1542 : vector<1x16xf32> to vector<16xf32>
    %add3A_1544 = arith.addf %add3A_1538, %get3A_1543 : vector<16xf32>
    %get3A_1545 = arith.constant 23 : i32
    %get3A_1546 = arith.index_cast %get3A_1545 : i32 to index
    %get3A_1547 = arith.constant 112 : index
    %get3A_1548 = tpu.vector_load %arg8[%get3A_1546, %get3A_1547] {strides = array<i32>} : memref<32x256xf32, #tpu.memory_space<vmem>>, vector<1x16xf32>,
    %get3A_1549 = vector.shape_cast %get3A_1548 : vector<1x16xf32> to vector<16xf32>
    %add3A_1550 = arith.addf %add3A_1544, %get3A_1549 : vector<16xf32>
    %get3A_1551 = arith.constant 24 : i32
    %get3A_1552 = arith.index_cast %get3A_1551 : i32 to index
    %get3A_1553 = arith.constant 112 : index
    %get3A_1554 = tpu.vector_load %arg8[%get3A_1552, %get3A_1553] {strides = array<i32>} : memref<32x256xf32, #tpu.memory_space<vmem>>, vector<1x16xf32>,
    %get3A_1555 = vector.shape_cast %get3A_1554 : vector<1x16xf32> to vector<16xf32>
    %add3A_1556 = arith.addf %add3A_1550, %get3A_1555 : vector<16xf32>
    %get3A_1557 = arith.constant 25 : i32
    %get3A_1558 = arith.index_cast %get3A_1557 : i32 to index
    %get3A_1559 = arith.constant 112 : index
    %get3A_1560 = tpu.vector_load %arg8[%get3A_1558, %get3A_1559] {strides = array<i32>} : memref<32x256xf32, #tpu.memory_space<vmem>>, vector<1x16xf32>,
    %get3A_1561 = vector.shape_cast %get3A_1560 : vector<1x16xf32> to vector<16xf32>
    %add3A_1562 = arith.addf %add3A_1556, %get3A_1561 : vector<16xf32>
    %get3A_1563 = arith.constant 26 : i32
    %get3A_1564 = arith.index_cast %get3A_1563 : i32 to index
    %get3A_1565 = arith.constant 112 : index
    %get3A_1566 = tpu.vector_load %arg8[%get3A_1564, %get3A_1565] {strides = array<i32>} : memref<32x256xf32, #tpu.memory_space<vmem>>, vector<1x16xf32>,
    %get3A_1567 = vector.shape_cast %get3A_1566 : vector<1x16xf32> to vector<16xf32>
    %add3A_1568 = arith.addf %add3A_1562, %get3A_1567 : vector<16xf32>
    %get3A_1569 = arith.constant 27 : i32
    %get3A_1570 = arith.index_cast %get3A_1569 : i32 to index
    %get3A_1571 = arith.constant 112 : index
    %get3A_1572 = tpu.vector_load %arg8[%get3A_1570, %get3A_1571] {strides = array<i32>} : memref<32x256xf32, #tpu.memory_space<vmem>>, vector<1x16xf32>,
    %get3A_1573 = vector.shape_cast %get3A_1572 : vector<1x16xf32> to vector<16xf32>
    %add3A_1574 = arith.addf %add3A_1568, %get3A_1573 : vector<16xf32>
    %get3A_1575 = arith.constant 28 : i32
    %get3A_1576 = arith.index_cast %get3A_1575 : i32 to index
    %get3A_1577 = arith.constant 112 : index
    %get3A_1578 = tpu.vector_load %arg8[%get3A_1576, %get3A_1577] {strides = array<i32>} : memref<32x256xf32, #tpu.memory_space<vmem>>, vector<1x16xf32>,
    %get3A_1579 = vector.shape_cast %get3A_1578 : vector<1x16xf32> to vector<16xf32>
    %add3A_1580 = arith.addf %add3A_1574, %get3A_1579 : vector<16xf32>
    %get3A_1581 = arith.constant 29 : i32
    %get3A_1582 = arith.index_cast %get3A_1581 : i32 to index
    %get3A_1583 = arith.constant 112 : index
    %get3A_1584 = tpu.vector_load %arg8[%get3A_1582, %get3A_1583] {strides = array<i32>} : memref<32x256xf32, #tpu.memory_space<vmem>>, vector<1x16xf32>,
    %get3A_1585 = vector.shape_cast %get3A_1584 : vector<1x16xf32> to vector<16xf32>
    %add3A_1586 = arith.addf %add3A_1580, %get3A_1585 : vector<16xf32>
    %get3A_1587 = arith.constant 30 : i32
    %get3A_1588 = arith.index_cast %get3A_1587 : i32 to index
    %get3A_1589 = arith.constant 112 : index
    %get3A_1590 = tpu.vector_load %arg8[%get3A_1588, %get3A_1589] {strides = array<i32>} : memref<32x256xf32, #tpu.memory_space<vmem>>, vector<1x16xf32>,
    %get3A_1591 = vector.shape_cast %get3A_1590 : vector<1x16xf32> to vector<16xf32>
    %add3A_1592 = arith.addf %add3A_1586, %get3A_1591 : vector<16xf32>
    %get3A_1593 = arith.constant 31 : i32
    %get3A_1594 = arith.index_cast %get3A_1593 : i32 to index
    %get3A_1595 = arith.constant 112 : index
    %get3A_1596 = tpu.vector_load %arg8[%get3A_1594, %get3A_1595] {strides = array<i32>} : memref<32x256xf32, #tpu.memory_space<vmem>>, vector<1x16xf32>,
    %get3A_1597 = vector.shape_cast %get3A_1596 : vector<1x16xf32> to vector<16xf32>
    %add3A_1598 = arith.addf %add3A_1592, %get3A_1597 : vector<16xf32>
    %swap3A_1599 = arith.constant 112 : index
    %swap3A_1600 = tpu.vector_load %arg9[%swap3A_1599] {strides = array<i32>} : memref<256xf32, #tpu.memory_space<vmem>>, vector<16xf32>,
    %swap3A_1601 = vector.shape_cast %swap3A_1600 : vector<16xf32> to vector<16xf32>
    %swap3A_1602 = vector.shape_cast %add3A_1598 : vector<16xf32> to vector<16xf32>
    tpu.vector_store %arg9[%swap3A_1599], %swap3A_1602 {strides = array<i32>} : memref<256xf32, #tpu.memory_space<vmem>>, vector<16xf32>,
    %get3A_1603 = arith.constant 0 : i32
    %get3A_1604 = arith.index_cast %get3A_1603 : i32 to index
    %get3A_1605 = arith.constant 128 : index
    %get3A_1606 = tpu.vector_load %arg8[%get3A_1604, %get3A_1605] {strides = array<i32>} : memref<32x256xf32, #tpu.memory_space<vmem>>, vector<1x16xf32>,
    %get3A_1607 = vector.shape_cast %get3A_1606 : vector<1x16xf32> to vector<16xf32>
    %get3A_1608 = arith.constant 1 : i32
    %get3A_1609 = arith.index_cast %get3A_1608 : i32 to index
    %get3A_1610 = arith.constant 128 : index
    %get3A_1611 = tpu.vector_load %arg8[%get3A_1609, %get3A_1610] {strides = array<i32>} : memref<32x256xf32, #tpu.memory_space<vmem>>, vector<1x16xf32>,
    %get3A_1612 = vector.shape_cast %get3A_1611 : vector<1x16xf32> to vector<16xf32>
    %add3A_1613 = arith.addf %get3A_1607, %get3A_1612 : vector<16xf32>
    %get3A_1614 = arith.constant 2 : i32
    %get3A_1615 = arith.index_cast %get3A_1614 : i32 to index
    %get3A_1616 = arith.constant 128 : index
    %get3A_1617 = tpu.vector_load %arg8[%get3A_1615, %get3A_1616] {strides = array<i32>} : memref<32x256xf32, #tpu.memory_space<vmem>>, vector<1x16xf32>,
    %get3A_1618 = vector.shape_cast %get3A_1617 : vector<1x16xf32> to vector<16xf32>
    %add3A_1619 = arith.addf %add3A_1613, %get3A_1618 : vector<16xf32>
    %get3A_1620 = arith.constant 3 : i32
    %get3A_1621 = arith.index_cast %get3A_1620 : i32 to index
    %get3A_1622 = arith.constant 128 : index
    %get3A_1623 = tpu.vector_load %arg8[%get3A_1621, %get3A_1622] {strides = array<i32>} : memref<32x256xf32, #tpu.memory_space<vmem>>, vector<1x16xf32>,
    %get3A_1624 = vector.shape_cast %get3A_1623 : vector<1x16xf32> to vector<16xf32>
    %add3A_1625 = arith.addf %add3A_1619, %get3A_1624 : vector<16xf32>
    %get3A_1626 = arith.constant 4 : i32
    %get3A_1627 = arith.index_cast %get3A_1626 : i32 to index
    %get3A_1628 = arith.constant 128 : index
    %get3A_1629 = tpu.vector_load %arg8[%get3A_1627, %get3A_1628] {strides = array<i32>} : memref<32x256xf32, #tpu.memory_space<vmem>>, vector<1x16xf32>,
    %get3A_1630 = vector.shape_cast %get3A_1629 : vector<1x16xf32> to vector<16xf32>
    %add3A_1631 = arith.addf %add3A_1625, %get3A_1630 : vector<16xf32>
    %get3A_1632 = arith.constant 5 : i32
    %get3A_1633 = arith.index_cast %get3A_1632 : i32 to index
    %get3A_1634 = arith.constant 128 : index
    %get3A_1635 = tpu.vector_load %arg8[%get3A_1633, %get3A_1634] {strides = array<i32>} : memref<32x256xf32, #tpu.memory_space<vmem>>, vector<1x16xf32>,
    %get3A_1636 = vector.shape_cast %get3A_1635 : vector<1x16xf32> to vector<16xf32>
    %add3A_1637 = arith.addf %add3A_1631, %get3A_1636 : vector<16xf32>
    %get3A_1638 = arith.constant 6 : i32
    %get3A_1639 = arith.index_cast %get3A_1638 : i32 to index
    %get3A_1640 = arith.constant 128 : index
    %get3A_1641 = tpu.vector_load %arg8[%get3A_1639, %get3A_1640] {strides = array<i32>} : memref<32x256xf32, #tpu.memory_space<vmem>>, vector<1x16xf32>,
    %get3A_1642 = vector.shape_cast %get3A_1641 : vector<1x16xf32> to vector<16xf32>
    %add3A_1643 = arith.addf %add3A_1637, %get3A_1642 : vector<16xf32>
    %get3A_1644 = arith.constant 7 : i32
    %get3A_1645 = arith.index_cast %get3A_1644 : i32 to index
    %get3A_1646 = arith.constant 128 : index
    %get3A_1647 = tpu.vector_load %arg8[%get3A_1645, %get3A_1646] {strides = array<i32>} : memref<32x256xf32, #tpu.memory_space<vmem>>, vector<1x16xf32>,
    %get3A_1648 = vector.shape_cast %get3A_1647 : vector<1x16xf32> to vector<16xf32>
    %add3A_1649 = arith.addf %add3A_1643, %get3A_1648 : vector<16xf32>
    %get3A_1650 = arith.constant 8 : i32
    %get3A_1651 = arith.index_cast %get3A_1650 : i32 to index
    %get3A_1652 = arith.constant 128 : index
    %get3A_1653 = tpu.vector_load %arg8[%get3A_1651, %get3A_1652] {strides = array<i32>} : memref<32x256xf32, #tpu.memory_space<vmem>>, vector<1x16xf32>,
    %get3A_1654 = vector.shape_cast %get3A_1653 : vector<1x16xf32> to vector<16xf32>
    %add3A_1655 = arith.addf %add3A_1649, %get3A_1654 : vector<16xf32>
    %get3A_1656 = arith.constant 9 : i32
    %get3A_1657 = arith.index_cast %get3A_1656 : i32 to index
    %get3A_1658 = arith.constant 128 : index
    %get3A_1659 = tpu.vector_load %arg8[%get3A_1657, %get3A_1658] {strides = array<i32>} : memref<32x256xf32, #tpu.memory_space<vmem>>, vector<1x16xf32>,
    %get3A_1660 = vector.shape_cast %get3A_1659 : vector<1x16xf32> to vector<16xf32>
    %add3A_1661 = arith.addf %add3A_1655, %get3A_1660 : vector<16xf32>
    %get3A_1662 = arith.constant 10 : i32
    %get3A_1663 = arith.index_cast %get3A_1662 : i32 to index
    %get3A_1664 = arith.constant 128 : index
    %get3A_1665 = tpu.vector_load %arg8[%get3A_1663, %get3A_1664] {strides = array<i32>} : memref<32x256xf32, #tpu.memory_space<vmem>>, vector<1x16xf32>,
    %get3A_1666 = vector.shape_cast %get3A_1665 : vector<1x16xf32> to vector<16xf32>
    %add3A_1667 = arith.addf %add3A_1661, %get3A_1666 : vector<16xf32>
    %get3A_1668 = arith.constant 11 : i32
    %get3A_1669 = arith.index_cast %get3A_1668 : i32 to index
    %get3A_1670 = arith.constant 128 : index
    %get3A_1671 = tpu.vector_load %arg8[%get3A_1669, %get3A_1670] {strides = array<i32>} : memref<32x256xf32, #tpu.memory_space<vmem>>, vector<1x16xf32>,
    %get3A_1672 = vector.shape_cast %get3A_1671 : vector<1x16xf32> to vector<16xf32>
    %add3A_1673 = arith.addf %add3A_1667, %get3A_1672 : vector<16xf32>
    %get3A_1674 = arith.constant 12 : i32
    %get3A_1675 = arith.index_cast %get3A_1674 : i32 to index
    %get3A_1676 = arith.constant 128 : index
    %get3A_1677 = tpu.vector_load %arg8[%get3A_1675, %get3A_1676] {strides = array<i32>} : memref<32x256xf32, #tpu.memory_space<vmem>>, vector<1x16xf32>,
    %get3A_1678 = vector.shape_cast %get3A_1677 : vector<1x16xf32> to vector<16xf32>
    %add3A_1679 = arith.addf %add3A_1673, %get3A_1678 : vector<16xf32>
    %get3A_1680 = arith.constant 13 : i32
    %get3A_1681 = arith.index_cast %get3A_1680 : i32 to index
    %get3A_1682 = arith.constant 128 : index
    %get3A_1683 = tpu.vector_load %arg8[%get3A_1681, %get3A_1682] {strides = array<i32>} : memref<32x256xf32, #tpu.memory_space<vmem>>, vector<1x16xf32>,
    %get3A_1684 = vector.shape_cast %get3A_1683 : vector<1x16xf32> to vector<16xf32>
    %add3A_1685 = arith.addf %add3A_1679, %get3A_1684 : vector<16xf32>
    %get3A_1686 = arith.constant 14 : i32
    %get3A_1687 = arith.index_cast %get3A_1686 : i32 to index
    %get3A_1688 = arith.constant 128 : index
    %get3A_1689 = tpu.vector_load %arg8[%get3A_1687, %get3A_1688] {strides = array<i32>} : memref<32x256xf32, #tpu.memory_space<vmem>>, vector<1x16xf32>,
    %get3A_1690 = vector.shape_cast %get3A_1689 : vector<1x16xf32> to vector<16xf32>
    %add3A_1691 = arith.addf %add3A_1685, %get3A_1690 : vector<16xf32>
    %get3A_1692 = arith.constant 15 : i32
    %get3A_1693 = arith.index_cast %get3A_1692 : i32 to index
    %get3A_1694 = arith.constant 128 : index
    %get3A_1695 = tpu.vector_load %arg8[%get3A_1693, %get3A_1694] {strides = array<i32>} : memref<32x256xf32, #tpu.memory_space<vmem>>, vector<1x16xf32>,
    %get3A_1696 = vector.shape_cast %get3A_1695 : vector<1x16xf32> to vector<16xf32>
    %add3A_1697 = arith.addf %add3A_1691, %get3A_1696 : vector<16xf32>
    %get3A_1698 = arith.constant 16 : i32
    %get3A_1699 = arith.index_cast %get3A_1698 : i32 to index
    %get3A_1700 = arith.constant 128 : index
    %get3A_1701 = tpu.vector_load %arg8[%get3A_1699, %get3A_1700] {strides = array<i32>} : memref<32x256xf32, #tpu.memory_space<vmem>>, vector<1x16xf32>,
    %get3A_1702 = vector.shape_cast %get3A_1701 : vector<1x16xf32> to vector<16xf32>
    %add3A_1703 = arith.addf %add3A_1697, %get3A_1702 : vector<16xf32>
    %get3A_1704 = arith.constant 17 : i32
    %get3A_1705 = arith.index_cast %get3A_1704 : i32 to index
    %get3A_1706 = arith.constant 128 : index
    %get3A_1707 = tpu.vector_load %arg8[%get3A_1705, %get3A_1706] {strides = array<i32>} : memref<32x256xf32, #tpu.memory_space<vmem>>, vector<1x16xf32>,
    %get3A_1708 = vector.shape_cast %get3A_1707 : vector<1x16xf32> to vector<16xf32>
    %add3A_1709 = arith.addf %add3A_1703, %get3A_1708 : vector<16xf32>
    %get3A_1710 = arith.constant 18 : i32
    %get3A_1711 = arith.index_cast %get3A_1710 : i32 to index
    %get3A_1712 = arith.constant 128 : index
    %get3A_1713 = tpu.vector_load %arg8[%get3A_1711, %get3A_1712] {strides = array<i32>} : memref<32x256xf32, #tpu.memory_space<vmem>>, vector<1x16xf32>,
    %get3A_1714 = vector.shape_cast %get3A_1713 : vector<1x16xf32> to vector<16xf32>
    %add3A_1715 = arith.addf %add3A_1709, %get3A_1714 : vector<16xf32>
    %get3A_1716 = arith.constant 19 : i32
    %get3A_1717 = arith.index_cast %get3A_1716 : i32 to index
    %get3A_1718 = arith.constant 128 : index
    %get3A_1719 = tpu.vector_load %arg8[%get3A_1717, %get3A_1718] {strides = array<i32>} : memref<32x256xf32, #tpu.memory_space<vmem>>, vector<1x16xf32>,
    %get3A_1720 = vector.shape_cast %get3A_1719 : vector<1x16xf32> to vector<16xf32>
    %add3A_1721 = arith.addf %add3A_1715, %get3A_1720 : vector<16xf32>
    %get3A_1722 = arith.constant 20 : i32
    %get3A_1723 = arith.index_cast %get3A_1722 : i32 to index
    %get3A_1724 = arith.constant 128 : index
    %get3A_1725 = tpu.vector_load %arg8[%get3A_1723, %get3A_1724] {strides = array<i32>} : memref<32x256xf32, #tpu.memory_space<vmem>>, vector<1x16xf32>,
    %get3A_1726 = vector.shape_cast %get3A_1725 : vector<1x16xf32> to vector<16xf32>
    %add3A_1727 = arith.addf %add3A_1721, %get3A_1726 : vector<16xf32>
    %get3A_1728 = arith.constant 21 : i32
    %get3A_1729 = arith.index_cast %get3A_1728 : i32 to index
    %get3A_1730 = arith.constant 128 : index
    %get3A_1731 = tpu.vector_load %arg8[%get3A_1729, %get3A_1730] {strides = array<i32>} : memref<32x256xf32, #tpu.memory_space<vmem>>, vector<1x16xf32>,
    %get3A_1732 = vector.shape_cast %get3A_1731 : vector<1x16xf32> to vector<16xf32>
    %add3A_1733 = arith.addf %add3A_1727, %get3A_1732 : vector<16xf32>
    %get3A_1734 = arith.constant 22 : i32
    %get3A_1735 = arith.index_cast %get3A_1734 : i32 to index
    %get3A_1736 = arith.constant 128 : index
    %get3A_1737 = tpu.vector_load %arg8[%get3A_1735, %get3A_1736] {strides = array<i32>} : memref<32x256xf32, #tpu.memory_space<vmem>>, vector<1x16xf32>,
    %get3A_1738 = vector.shape_cast %get3A_1737 : vector<1x16xf32> to vector<16xf32>
    %add3A_1739 = arith.addf %add3A_1733, %get3A_1738 : vector<16xf32>
    %get3A_1740 = arith.constant 23 : i32
    %get3A_1741 = arith.index_cast %get3A_1740 : i32 to index
    %get3A_1742 = arith.constant 128 : index
    %get3A_1743 = tpu.vector_load %arg8[%get3A_1741, %get3A_1742] {strides = array<i32>} : memref<32x256xf32, #tpu.memory_space<vmem>>, vector<1x16xf32>,
    %get3A_1744 = vector.shape_cast %get3A_1743 : vector<1x16xf32> to vector<16xf32>
    %add3A_1745 = arith.addf %add3A_1739, %get3A_1744 : vector<16xf32>
    %get3A_1746 = arith.constant 24 : i32
    %get3A_1747 = arith.index_cast %get3A_1746 : i32 to index
    %get3A_1748 = arith.constant 128 : index
    %get3A_1749 = tpu.vector_load %arg8[%get3A_1747, %get3A_1748] {strides = array<i32>} : memref<32x256xf32, #tpu.memory_space<vmem>>, vector<1x16xf32>,
    %get3A_1750 = vector.shape_cast %get3A_1749 : vector<1x16xf32> to vector<16xf32>
    %add3A_1751 = arith.addf %add3A_1745, %get3A_1750 : vector<16xf32>
    %get3A_1752 = arith.constant 25 : i32
    %get3A_1753 = arith.index_cast %get3A_1752 : i32 to index
    %get3A_1754 = arith.constant 128 : index
    %get3A_1755 = tpu.vector_load %arg8[%get3A_1753, %get3A_1754] {strides = array<i32>} : memref<32x256xf32, #tpu.memory_space<vmem>>, vector<1x16xf32>,
    %get3A_1756 = vector.shape_cast %get3A_1755 : vector<1x16xf32> to vector<16xf32>
    %add3A_1757 = arith.addf %add3A_1751, %get3A_1756 : vector<16xf32>
    %get3A_1758 = arith.constant 26 : i32
    %get3A_1759 = arith.index_cast %get3A_1758 : i32 to index
    %get3A_1760 = arith.constant 128 : index
    %get3A_1761 = tpu.vector_load %arg8[%get3A_1759, %get3A_1760] {strides = array<i32>} : memref<32x256xf32, #tpu.memory_space<vmem>>, vector<1x16xf32>,
    %get3A_1762 = vector.shape_cast %get3A_1761 : vector<1x16xf32> to vector<16xf32>
    %add3A_1763 = arith.addf %add3A_1757, %get3A_1762 : vector<16xf32>
    %get3A_1764 = arith.constant 27 : i32
    %get3A_1765 = arith.index_cast %get3A_1764 : i32 to index
    %get3A_1766 = arith.constant 128 : index
    %get3A_1767 = tpu.vector_load %arg8[%get3A_1765, %get3A_1766] {strides = array<i32>} : memref<32x256xf32, #tpu.memory_space<vmem>>, vector<1x16xf32>,
    %get3A_1768 = vector.shape_cast %get3A_1767 : vector<1x16xf32> to vector<16xf32>
    %add3A_1769 = arith.addf %add3A_1763, %get3A_1768 : vector<16xf32>
    %get3A_1770 = arith.constant 28 : i32
    %get3A_1771 = arith.index_cast %get3A_1770 : i32 to index
    %get3A_1772 = arith.constant 128 : index
    %get3A_1773 = tpu.vector_load %arg8[%get3A_1771, %get3A_1772] {strides = array<i32>} : memref<32x256xf32, #tpu.memory_space<vmem>>, vector<1x16xf32>,
    %get3A_1774 = vector.shape_cast %get3A_1773 : vector<1x16xf32> to vector<16xf32>
    %add3A_1775 = arith.addf %add3A_1769, %get3A_1774 : vector<16xf32>
    %get3A_1776 = arith.constant 29 : i32
    %get3A_1777 = arith.index_cast %get3A_1776 : i32 to index
    %get3A_1778 = arith.constant 128 : index
    %get3A_1779 = tpu.vector_load %arg8[%get3A_1777, %get3A_1778] {strides = array<i32>} : memref<32x256xf32, #tpu.memory_space<vmem>>, vector<1x16xf32>,
    %get3A_1780 = vector.shape_cast %get3A_1779 : vector<1x16xf32> to vector<16xf32>
    %add3A_1781 = arith.addf %add3A_1775, %get3A_1780 : vector<16xf32>
    %get3A_1782 = arith.constant 30 : i32
    %get3A_1783 = arith.index_cast %get3A_1782 : i32 to index
    %get3A_1784 = arith.constant 128 : index
    %get3A_1785 = tpu.vector_load %arg8[%get3A_1783, %get3A_1784] {strides = array<i32>} : memref<32x256xf32, #tpu.memory_space<vmem>>, vector<1x16xf32>,
    %get3A_1786 = vector.shape_cast %get3A_1785 : vector<1x16xf32> to vector<16xf32>
    %add3A_1787 = arith.addf %add3A_1781, %get3A_1786 : vector<16xf32>
    %get3A_1788 = arith.constant 31 : i32
    %get3A_1789 = arith.index_cast %get3A_1788 : i32 to index
    %get3A_1790 = arith.constant 128 : index
    %get3A_1791 = tpu.vector_load %arg8[%get3A_1789, %get3A_1790] {strides = array<i32>} : memref<32x256xf32, #tpu.memory_space<vmem>>, vector<1x16xf32>,
    %get3A_1792 = vector.shape_cast %get3A_1791 : vector<1x16xf32> to vector<16xf32>
    %add3A_1793 = arith.addf %add3A_1787, %get3A_1792 : vector<16xf32>
    %swap3A_1794 = arith.constant 128 : index
    %swap3A_1795 = tpu.vector_load %arg9[%swap3A_1794] {strides = array<i32>} : memref<256xf32, #tpu.memory_space<vmem>>, vector<16xf32>,
    %swap3A_1796 = vector.shape_cast %swap3A_1795 : vector<16xf32> to vector<16xf32>
    %swap3A_1797 = vector.shape_cast %add3A_1793 : vector<16xf32> to vector<16xf32>
    tpu.vector_store %arg9[%swap3A_1794], %swap3A_1797 {strides = array<i32>} : memref<256xf32, #tpu.memory_space<vmem>>, vector<16xf32>,
    %get3A_1798 = arith.constant 0 : i32
    %get3A_1799 = arith.index_cast %get3A_1798 : i32 to index
    %get3A_1800 = arith.constant 144 : index
    %get3A_1801 = tpu.vector_load %arg8[%get3A_1799, %get3A_1800] {strides = array<i32>} : memref<32x256xf32, #tpu.memory_space<vmem>>, vector<1x16xf32>,
    %get3A_1802 = vector.shape_cast %get3A_1801 : vector<1x16xf32> to vector<16xf32>
    %get3A_1803 = arith.constant 1 : i32
    %get3A_1804 = arith.index_cast %get3A_1803 : i32 to index
    %get3A_1805 = arith.constant 144 : index
    %get3A_1806 = tpu.vector_load %arg8[%get3A_1804, %get3A_1805] {strides = array<i32>} : memref<32x256xf32, #tpu.memory_space<vmem>>, vector<1x16xf32>,
    %get3A_1807 = vector.shape_cast %get3A_1806 : vector<1x16xf32> to vector<16xf32>
    %add3A_1808 = arith.addf %get3A_1802, %get3A_1807 : vector<16xf32>
    %get3A_1809 = arith.constant 2 : i32
    %get3A_1810 = arith.index_cast %get3A_1809 : i32 to index
    %get3A_1811 = arith.constant 144 : index
    %get3A_1812 = tpu.vector_load %arg8[%get3A_1810, %get3A_1811] {strides = array<i32>} : memref<32x256xf32, #tpu.memory_space<vmem>>, vector<1x16xf32>,
    %get3A_1813 = vector.shape_cast %get3A_1812 : vector<1x16xf32> to vector<16xf32>
    %add3A_1814 = arith.addf %add3A_1808, %get3A_1813 : vector<16xf32>
    %get3A_1815 = arith.constant 3 : i32
    %get3A_1816 = arith.index_cast %get3A_1815 : i32 to index
    %get3A_1817 = arith.constant 144 : index
    %get3A_1818 = tpu.vector_load %arg8[%get3A_1816, %get3A_1817] {strides = array<i32>} : memref<32x256xf32, #tpu.memory_space<vmem>>, vector<1x16xf32>,
    %get3A_1819 = vector.shape_cast %get3A_1818 : vector<1x16xf32> to vector<16xf32>
    %add3A_1820 = arith.addf %add3A_1814, %get3A_1819 : vector<16xf32>
    %get3A_1821 = arith.constant 4 : i32
    %get3A_1822 = arith.index_cast %get3A_1821 : i32 to index
    %get3A_1823 = arith.constant 144 : index
    %get3A_1824 = tpu.vector_load %arg8[%get3A_1822, %get3A_1823] {strides = array<i32>} : memref<32x256xf32, #tpu.memory_space<vmem>>, vector<1x16xf32>,
    %get3A_1825 = vector.shape_cast %get3A_1824 : vector<1x16xf32> to vector<16xf32>
    %add3A_1826 = arith.addf %add3A_1820, %get3A_1825 : vector<16xf32>
    %get3A_1827 = arith.constant 5 : i32
    %get3A_1828 = arith.index_cast %get3A_1827 : i32 to index
    %get3A_1829 = arith.constant 144 : index
    %get3A_1830 = tpu.vector_load %arg8[%get3A_1828, %get3A_1829] {strides = array<i32>} : memref<32x256xf32, #tpu.memory_space<vmem>>, vector<1x16xf32>,
    %get3A_1831 = vector.shape_cast %get3A_1830 : vector<1x16xf32> to vector<16xf32>
    %add3A_1832 = arith.addf %add3A_1826, %get3A_1831 : vector<16xf32>
    %get3A_1833 = arith.constant 6 : i32
    %get3A_1834 = arith.index_cast %get3A_1833 : i32 to index
    %get3A_1835 = arith.constant 144 : index
    %get3A_1836 = tpu.vector_load %arg8[%get3A_1834, %get3A_1835] {strides = array<i32>} : memref<32x256xf32, #tpu.memory_space<vmem>>, vector<1x16xf32>,
    %get3A_1837 = vector.shape_cast %get3A_1836 : vector<1x16xf32> to vector<16xf32>
    %add3A_1838 = arith.addf %add3A_1832, %get3A_1837 : vector<16xf32>
    %get3A_1839 = arith.constant 7 : i32
    %get3A_1840 = arith.index_cast %get3A_1839 : i32 to index
    %get3A_1841 = arith.constant 144 : index
    %get3A_1842 = tpu.vector_load %arg8[%get3A_1840, %get3A_1841] {strides = array<i32>} : memref<32x256xf32, #tpu.memory_space<vmem>>, vector<1x16xf32>,
    %get3A_1843 = vector.shape_cast %get3A_1842 : vector<1x16xf32> to vector<16xf32>
    %add3A_1844 = arith.addf %add3A_1838, %get3A_1843 : vector<16xf32>
    %get3A_1845 = arith.constant 8 : i32
    %get3A_1846 = arith.index_cast %get3A_1845 : i32 to index
    %get3A_1847 = arith.constant 144 : index
    %get3A_1848 = tpu.vector_load %arg8[%get3A_1846, %get3A_1847] {strides = array<i32>} : memref<32x256xf32, #tpu.memory_space<vmem>>, vector<1x16xf32>,
    %get3A_1849 = vector.shape_cast %get3A_1848 : vector<1x16xf32> to vector<16xf32>
    %add3A_1850 = arith.addf %add3A_1844, %get3A_1849 : vector<16xf32>
    %get3A_1851 = arith.constant 9 : i32
    %get3A_1852 = arith.index_cast %get3A_1851 : i32 to index
    %get3A_1853 = arith.constant 144 : index
    %get3A_1854 = tpu.vector_load %arg8[%get3A_1852, %get3A_1853] {strides = array<i32>} : memref<32x256xf32, #tpu.memory_space<vmem>>, vector<1x16xf32>,
    %get3A_1855 = vector.shape_cast %get3A_1854 : vector<1x16xf32> to vector<16xf32>
    %add3A_1856 = arith.addf %add3A_1850, %get3A_1855 : vector<16xf32>
    %get3A_1857 = arith.constant 10 : i32
    %get3A_1858 = arith.index_cast %get3A_1857 : i32 to index
    %get3A_1859 = arith.constant 144 : index
    %get3A_1860 = tpu.vector_load %arg8[%get3A_1858, %get3A_1859] {strides = array<i32>} : memref<32x256xf32, #tpu.memory_space<vmem>>, vector<1x16xf32>,
    %get3A_1861 = vector.shape_cast %get3A_1860 : vector<1x16xf32> to vector<16xf32>
    %add3A_1862 = arith.addf %add3A_1856, %get3A_1861 : vector<16xf32>
    %get3A_1863 = arith.constant 11 : i32
    %get3A_1864 = arith.index_cast %get3A_1863 : i32 to index
    %get3A_1865 = arith.constant 144 : index
    %get3A_1866 = tpu.vector_load %arg8[%get3A_1864, %get3A_1865] {strides = array<i32>} : memref<32x256xf32, #tpu.memory_space<vmem>>, vector<1x16xf32>,
    %get3A_1867 = vector.shape_cast %get3A_1866 : vector<1x16xf32> to vector<16xf32>
    %add3A_1868 = arith.addf %add3A_1862, %get3A_1867 : vector<16xf32>
    %get3A_1869 = arith.constant 12 : i32
    %get3A_1870 = arith.index_cast %get3A_1869 : i32 to index
    %get3A_1871 = arith.constant 144 : index
    %get3A_1872 = tpu.vector_load %arg8[%get3A_1870, %get3A_1871] {strides = array<i32>} : memref<32x256xf32, #tpu.memory_space<vmem>>, vector<1x16xf32>,
    %get3A_1873 = vector.shape_cast %get3A_1872 : vector<1x16xf32> to vector<16xf32>
    %add3A_1874 = arith.addf %add3A_1868, %get3A_1873 : vector<16xf32>
    %get3A_1875 = arith.constant 13 : i32
    %get3A_1876 = arith.index_cast %get3A_1875 : i32 to index
    %get3A_1877 = arith.constant 144 : index
    %get3A_1878 = tpu.vector_load %arg8[%get3A_1876, %get3A_1877] {strides = array<i32>} : memref<32x256xf32, #tpu.memory_space<vmem>>, vector<1x16xf32>,
    %get3A_1879 = vector.shape_cast %get3A_1878 : vector<1x16xf32> to vector<16xf32>
    %add3A_1880 = arith.addf %add3A_1874, %get3A_1879 : vector<16xf32>
    %get3A_1881 = arith.constant 14 : i32
    %get3A_1882 = arith.index_cast %get3A_1881 : i32 to index
    %get3A_1883 = arith.constant 144 : index
    %get3A_1884 = tpu.vector_load %arg8[%get3A_1882, %get3A_1883] {strides = array<i32>} : memref<32x256xf32, #tpu.memory_space<vmem>>, vector<1x16xf32>,
    %get3A_1885 = vector.shape_cast %get3A_1884 : vector<1x16xf32> to vector<16xf32>
    %add3A_1886 = arith.addf %add3A_1880, %get3A_1885 : vector<16xf32>
    %get3A_1887 = arith.constant 15 : i32
    %get3A_1888 = arith.index_cast %get3A_1887 : i32 to index
    %get3A_1889 = arith.constant 144 : index
    %get3A_1890 = tpu.vector_load %arg8[%get3A_1888, %get3A_1889] {strides = array<i32>} : memref<32x256xf32, #tpu.memory_space<vmem>>, vector<1x16xf32>,
    %get3A_1891 = vector.shape_cast %get3A_1890 : vector<1x16xf32> to vector<16xf32>
    %add3A_1892 = arith.addf %add3A_1886, %get3A_1891 : vector<16xf32>
    %get3A_1893 = arith.constant 16 : i32
    %get3A_1894 = arith.index_cast %get3A_1893 : i32 to index
    %get3A_1895 = arith.constant 144 : index
    %get3A_1896 = tpu.vector_load %arg8[%get3A_1894, %get3A_1895] {strides = array<i32>} : memref<32x256xf32, #tpu.memory_space<vmem>>, vector<1x16xf32>,
    %get3A_1897 = vector.shape_cast %get3A_1896 : vector<1x16xf32> to vector<16xf32>
    %add3A_1898 = arith.addf %add3A_1892, %get3A_1897 : vector<16xf32>
    %get3A_1899 = arith.constant 17 : i32
    %get3A_1900 = arith.index_cast %get3A_1899 : i32 to index
    %get3A_1901 = arith.constant 144 : index
    %get3A_1902 = tpu.vector_load %arg8[%get3A_1900, %get3A_1901] {strides = array<i32>} : memref<32x256xf32, #tpu.memory_space<vmem>>, vector<1x16xf32>,
    %get3A_1903 = vector.shape_cast %get3A_1902 : vector<1x16xf32> to vector<16xf32>
    %add3A_1904 = arith.addf %add3A_1898, %get3A_1903 : vector<16xf32>
    %get3A_1905 = arith.constant 18 : i32
    %get3A_1906 = arith.index_cast %get3A_1905 : i32 to index
    %get3A_1907 = arith.constant 144 : index
    %get3A_1908 = tpu.vector_load %arg8[%get3A_1906, %get3A_1907] {strides = array<i32>} : memref<32x256xf32, #tpu.memory_space<vmem>>, vector<1x16xf32>,
    %get3A_1909 = vector.shape_cast %get3A_1908 : vector<1x16xf32> to vector<16xf32>
    %add3A_1910 = arith.addf %add3A_1904, %get3A_1909 : vector<16xf32>
    %get3A_1911 = arith.constant 19 : i32
    %get3A_1912 = arith.index_cast %get3A_1911 : i32 to index
    %get3A_1913 = arith.constant 144 : index
    %get3A_1914 = tpu.vector_load %arg8[%get3A_1912, %get3A_1913] {strides = array<i32>} : memref<32x256xf32, #tpu.memory_space<vmem>>, vector<1x16xf32>,
    %get3A_1915 = vector.shape_cast %get3A_1914 : vector<1x16xf32> to vector<16xf32>
    %add3A_1916 = arith.addf %add3A_1910, %get3A_1915 : vector<16xf32>
    %get3A_1917 = arith.constant 20 : i32
    %get3A_1918 = arith.index_cast %get3A_1917 : i32 to index
    %get3A_1919 = arith.constant 144 : index
    %get3A_1920 = tpu.vector_load %arg8[%get3A_1918, %get3A_1919] {strides = array<i32>} : memref<32x256xf32, #tpu.memory_space<vmem>>, vector<1x16xf32>,
    %get3A_1921 = vector.shape_cast %get3A_1920 : vector<1x16xf32> to vector<16xf32>
    %add3A_1922 = arith.addf %add3A_1916, %get3A_1921 : vector<16xf32>
    %get3A_1923 = arith.constant 21 : i32
    %get3A_1924 = arith.index_cast %get3A_1923 : i32 to index
    %get3A_1925 = arith.constant 144 : index
    %get3A_1926 = tpu.vector_load %arg8[%get3A_1924, %get3A_1925] {strides = array<i32>} : memref<32x256xf32, #tpu.memory_space<vmem>>, vector<1x16xf32>,
    %get3A_1927 = vector.shape_cast %get3A_1926 : vector<1x16xf32> to vector<16xf32>
    %add3A_1928 = arith.addf %add3A_1922, %get3A_1927 : vector<16xf32>
    %get3A_1929 = arith.constant 22 : i32
    %get3A_1930 = arith.index_cast %get3A_1929 : i32 to index
    %get3A_1931 = arith.constant 144 : index
    %get3A_1932 = tpu.vector_load %arg8[%get3A_1930, %get3A_1931] {strides = array<i32>} : memref<32x256xf32, #tpu.memory_space<vmem>>, vector<1x16xf32>,
    %get3A_1933 = vector.shape_cast %get3A_1932 : vector<1x16xf32> to vector<16xf32>
    %add3A_1934 = arith.addf %add3A_1928, %get3A_1933 : vector<16xf32>
    %get3A_1935 = arith.constant 23 : i32
    %get3A_1936 = arith.index_cast %get3A_1935 : i32 to index
    %get3A_1937 = arith.constant 144 : index
    %get3A_1938 = tpu.vector_load %arg8[%get3A_1936, %get3A_1937] {strides = array<i32>} : memref<32x256xf32, #tpu.memory_space<vmem>>, vector<1x16xf32>,
    %get3A_1939 = vector.shape_cast %get3A_1938 : vector<1x16xf32> to vector<16xf32>
    %add3A_1940 = arith.addf %add3A_1934, %get3A_1939 : vector<16xf32>
    %get3A_1941 = arith.constant 24 : i32
    %get3A_1942 = arith.index_cast %get3A_1941 : i32 to index
    %get3A_1943 = arith.constant 144 : index
    %get3A_1944 = tpu.vector_load %arg8[%get3A_1942, %get3A_1943] {strides = array<i32>} : memref<32x256xf32, #tpu.memory_space<vmem>>, vector<1x16xf32>,
    %get3A_1945 = vector.shape_cast %get3A_1944 : vector<1x16xf32> to vector<16xf32>
    %add3A_1946 = arith.addf %add3A_1940, %get3A_1945 : vector<16xf32>
    %get3A_1947 = arith.constant 25 : i32
    %get3A_1948 = arith.index_cast %get3A_1947 : i32 to index
    %get3A_1949 = arith.constant 144 : index
    %get3A_1950 = tpu.vector_load %arg8[%get3A_1948, %get3A_1949] {strides = array<i32>} : memref<32x256xf32, #tpu.memory_space<vmem>>, vector<1x16xf32>,
    %get3A_1951 = vector.shape_cast %get3A_1950 : vector<1x16xf32> to vector<16xf32>
    %add3A_1952 = arith.addf %add3A_1946, %get3A_1951 : vector<16xf32>
    %get3A_1953 = arith.constant 26 : i32
    %get3A_1954 = arith.index_cast %get3A_1953 : i32 to index
    %get3A_1955 = arith.constant 144 : index
    %get3A_1956 = tpu.vector_load %arg8[%get3A_1954, %get3A_1955] {strides = array<i32>} : memref<32x256xf32, #tpu.memory_space<vmem>>, vector<1x16xf32>,
    %get3A_1957 = vector.shape_cast %get3A_1956 : vector<1x16xf32> to vector<16xf32>
    %add3A_1958 = arith.addf %add3A_1952, %get3A_1957 : vector<16xf32>
    %get3A_1959 = arith.constant 27 : i32
    %get3A_1960 = arith.index_cast %get3A_1959 : i32 to index
    %get3A_1961 = arith.constant 144 : index
    %get3A_1962 = tpu.vector_load %arg8[%get3A_1960, %get3A_1961] {strides = array<i32>} : memref<32x256xf32, #tpu.memory_space<vmem>>, vector<1x16xf32>,
    %get3A_1963 = vector.shape_cast %get3A_1962 : vector<1x16xf32> to vector<16xf32>
    %add3A_1964 = arith.addf %add3A_1958, %get3A_1963 : vector<16xf32>
    %get3A_1965 = arith.constant 28 : i32
    %get3A_1966 = arith.index_cast %get3A_1965 : i32 to index
    %get3A_1967 = arith.constant 144 : index
    %get3A_1968 = tpu.vector_load %arg8[%get3A_1966, %get3A_1967] {strides = array<i32>} : memref<32x256xf32, #tpu.memory_space<vmem>>, vector<1x16xf32>,
    %get3A_1969 = vector.shape_cast %get3A_1968 : vector<1x16xf32> to vector<16xf32>
    %add3A_1970 = arith.addf %add3A_1964, %get3A_1969 : vector<16xf32>
    %get3A_1971 = arith.constant 29 : i32
    %get3A_1972 = arith.index_cast %get3A_1971 : i32 to index
    %get3A_1973 = arith.constant 144 : index
    %get3A_1974 = tpu.vector_load %arg8[%get3A_1972, %get3A_1973] {strides = array<i32>} : memref<32x256xf32, #tpu.memory_space<vmem>>, vector<1x16xf32>,
    %get3A_1975 = vector.shape_cast %get3A_1974 : vector<1x16xf32> to vector<16xf32>
    %add3A_1976 = arith.addf %add3A_1970, %get3A_1975 : vector<16xf32>
    %get3A_1977 = arith.constant 30 : i32
    %get3A_1978 = arith.index_cast %get3A_1977 : i32 to index
    %get3A_1979 = arith.constant 144 : index
    %get3A_1980 = tpu.vector_load %arg8[%get3A_1978, %get3A_1979] {strides = array<i32>} : memref<32x256xf32, #tpu.memory_space<vmem>>, vector<1x16xf32>,
    %get3A_1981 = vector.shape_cast %get3A_1980 : vector<1x16xf32> to vector<16xf32>
    %add3A_1982 = arith.addf %add3A_1976, %get3A_1981 : vector<16xf32>
    %get3A_1983 = arith.constant 31 : i32
    %get3A_1984 = arith.index_cast %get3A_1983 : i32 to index
    %get3A_1985 = arith.constant 144 : index
    %get3A_1986 = tpu.vector_load %arg8[%get3A_1984, %get3A_1985] {strides = array<i32>} : memref<32x256xf32, #tpu.memory_space<vmem>>, vector<1x16xf32>,
    %get3A_1987 = vector.shape_cast %get3A_1986 : vector<1x16xf32> to vector<16xf32>
    %add3A_1988 = arith.addf %add3A_1982, %get3A_1987 : vector<16xf32>
    %swap3A_1989 = arith.constant 144 : index
    %swap3A_1990 = tpu.vector_load %arg9[%swap3A_1989] {strides = array<i32>} : memref<256xf32, #tpu.memory_space<vmem>>, vector<16xf32>,
    %swap3A_1991 = vector.shape_cast %swap3A_1990 : vector<16xf32> to vector<16xf32>
    %swap3A_1992 = vector.shape_cast %add3A_1988 : vector<16xf32> to vector<16xf32>
    tpu.vector_store %arg9[%swap3A_1989], %swap3A_1992 {strides = array<i32>} : memref<256xf32, #tpu.memory_space<vmem>>, vector<16xf32>,
    %get3A_1993 = arith.constant 0 : i32
    %get3A_1994 = arith.index_cast %get3A_1993 : i32 to index
    %get3A_1995 = arith.constant 160 : index
    %get3A_1996 = tpu.vector_load %arg8[%get3A_1994, %get3A_1995] {strides = array<i32>} : memref<32x256xf32, #tpu.memory_space<vmem>>, vector<1x16xf32>,
    %get3A_1997 = vector.shape_cast %get3A_1996 : vector<1x16xf32> to vector<16xf32>
    %get3A_1998 = arith.constant 1 : i32
    %get3A_1999 = arith.index_cast %get3A_1998 : i32 to index
    %get3A_2000 = arith.constant 160 : index
    %get3A_2001 = tpu.vector_load %arg8[%get3A_1999, %get3A_2000] {strides = array<i32>} : memref<32x256xf32, #tpu.memory_space<vmem>>, vector<1x16xf32>,
    %get3A_2002 = vector.shape_cast %get3A_2001 : vector<1x16xf32> to vector<16xf32>
    %add3A_2003 = arith.addf %get3A_1997, %get3A_2002 : vector<16xf32>
    %get3A_2004 = arith.constant 2 : i32
    %get3A_2005 = arith.index_cast %get3A_2004 : i32 to index
    %get3A_2006 = arith.constant 160 : index
    %get3A_2007 = tpu.vector_load %arg8[%get3A_2005, %get3A_2006] {strides = array<i32>} : memref<32x256xf32, #tpu.memory_space<vmem>>, vector<1x16xf32>,
    %get3A_2008 = vector.shape_cast %get3A_2007 : vector<1x16xf32> to vector<16xf32>
    %add3A_2009 = arith.addf %add3A_2003, %get3A_2008 : vector<16xf32>
    %get3A_2010 = arith.constant 3 : i32
    %get3A_2011 = arith.index_cast %get3A_2010 : i32 to index
    %get3A_2012 = arith.constant 160 : index
    %get3A_2013 = tpu.vector_load %arg8[%get3A_2011, %get3A_2012] {strides = array<i32>} : memref<32x256xf32, #tpu.memory_space<vmem>>, vector<1x16xf32>,
    %get3A_2014 = vector.shape_cast %get3A_2013 : vector<1x16xf32> to vector<16xf32>
    %add3A_2015 = arith.addf %add3A_2009, %get3A_2014 : vector<16xf32>
    %get3A_2016 = arith.constant 4 : i32
    %get3A_2017 = arith.index_cast %get3A_2016 : i32 to index
    %get3A_2018 = arith.constant 160 : index
    %get3A_2019 = tpu.vector_load %arg8[%get3A_2017, %get3A_2018] {strides = array<i32>} : memref<32x256xf32, #tpu.memory_space<vmem>>, vector<1x16xf32>,
    %get3A_2020 = vector.shape_cast %get3A_2019 : vector<1x16xf32> to vector<16xf32>
    %add3A_2021 = arith.addf %add3A_2015, %get3A_2020 : vector<16xf32>
    %get3A_2022 = arith.constant 5 : i32
    %get3A_2023 = arith.index_cast %get3A_2022 : i32 to index
    %get3A_2024 = arith.constant 160 : index
    %get3A_2025 = tpu.vector_load %arg8[%get3A_2023, %get3A_2024] {strides = array<i32>} : memref<32x256xf32, #tpu.memory_space<vmem>>, vector<1x16xf32>,
    %get3A_2026 = vector.shape_cast %get3A_2025 : vector<1x16xf32> to vector<16xf32>
    %add3A_2027 = arith.addf %add3A_2021, %get3A_2026 : vector<16xf32>
    %get3A_2028 = arith.constant 6 : i32
    %get3A_2029 = arith.index_cast %get3A_2028 : i32 to index
    %get3A_2030 = arith.constant 160 : index
    %get3A_2031 = tpu.vector_load %arg8[%get3A_2029, %get3A_2030] {strides = array<i32>} : memref<32x256xf32, #tpu.memory_space<vmem>>, vector<1x16xf32>,
    %get3A_2032 = vector.shape_cast %get3A_2031 : vector<1x16xf32> to vector<16xf32>
    %add3A_2033 = arith.addf %add3A_2027, %get3A_2032 : vector<16xf32>
    %get3A_2034 = arith.constant 7 : i32
    %get3A_2035 = arith.index_cast %get3A_2034 : i32 to index
    %get3A_2036 = arith.constant 160 : index
    %get3A_2037 = tpu.vector_load %arg8[%get3A_2035, %get3A_2036] {strides = array<i32>} : memref<32x256xf32, #tpu.memory_space<vmem>>, vector<1x16xf32>,
    %get3A_2038 = vector.shape_cast %get3A_2037 : vector<1x16xf32> to vector<16xf32>
    %add3A_2039 = arith.addf %add3A_2033, %get3A_2038 : vector<16xf32>
    %get3A_2040 = arith.constant 8 : i32
    %get3A_2041 = arith.index_cast %get3A_2040 : i32 to index
    %get3A_2042 = arith.constant 160 : index
    %get3A_2043 = tpu.vector_load %arg8[%get3A_2041, %get3A_2042] {strides = array<i32>} : memref<32x256xf32, #tpu.memory_space<vmem>>, vector<1x16xf32>,
    %get3A_2044 = vector.shape_cast %get3A_2043 : vector<1x16xf32> to vector<16xf32>
    %add3A_2045 = arith.addf %add3A_2039, %get3A_2044 : vector<16xf32>
    %get3A_2046 = arith.constant 9 : i32
    %get3A_2047 = arith.index_cast %get3A_2046 : i32 to index
    %get3A_2048 = arith.constant 160 : index
    %get3A_2049 = tpu.vector_load %arg8[%get3A_2047, %get3A_2048] {strides = array<i32>} : memref<32x256xf32, #tpu.memory_space<vmem>>, vector<1x16xf32>,
    %get3A_2050 = vector.shape_cast %get3A_2049 : vector<1x16xf32> to vector<16xf32>
    %add3A_2051 = arith.addf %add3A_2045, %get3A_2050 : vector<16xf32>
    %get3A_2052 = arith.constant 10 : i32
    %get3A_2053 = arith.index_cast %get3A_2052 : i32 to index
    %get3A_2054 = arith.constant 160 : index
    %get3A_2055 = tpu.vector_load %arg8[%get3A_2053, %get3A_2054] {strides = array<i32>} : memref<32x256xf32, #tpu.memory_space<vmem>>, vector<1x16xf32>,
    %get3A_2056 = vector.shape_cast %get3A_2055 : vector<1x16xf32> to vector<16xf32>
    %add3A_2057 = arith.addf %add3A_2051, %get3A_2056 : vector<16xf32>
    %get3A_2058 = arith.constant 11 : i32
    %get3A_2059 = arith.index_cast %get3A_2058 : i32 to index
    %get3A_2060 = arith.constant 160 : index
    %get3A_2061 = tpu.vector_load %arg8[%get3A_2059, %get3A_2060] {strides = array<i32>} : memref<32x256xf32, #tpu.memory_space<vmem>>, vector<1x16xf32>,
    %get3A_2062 = vector.shape_cast %get3A_2061 : vector<1x16xf32> to vector<16xf32>
    %add3A_2063 = arith.addf %add3A_2057, %get3A_2062 : vector<16xf32>
    %get3A_2064 = arith.constant 12 : i32
    %get3A_2065 = arith.index_cast %get3A_2064 : i32 to index
    %get3A_2066 = arith.constant 160 : index
    %get3A_2067 = tpu.vector_load %arg8[%get3A_2065, %get3A_2066] {strides = array<i32>} : memref<32x256xf32, #tpu.memory_space<vmem>>, vector<1x16xf32>,
    %get3A_2068 = vector.shape_cast %get3A_2067 : vector<1x16xf32> to vector<16xf32>
    %add3A_2069 = arith.addf %add3A_2063, %get3A_2068 : vector<16xf32>
    %get3A_2070 = arith.constant 13 : i32
    %get3A_2071 = arith.index_cast %get3A_2070 : i32 to index
    %get3A_2072 = arith.constant 160 : index
    %get3A_2073 = tpu.vector_load %arg8[%get3A_2071, %get3A_2072] {strides = array<i32>} : memref<32x256xf32, #tpu.memory_space<vmem>>, vector<1x16xf32>,
    %get3A_2074 = vector.shape_cast %get3A_2073 : vector<1x16xf32> to vector<16xf32>
    %add3A_2075 = arith.addf %add3A_2069, %get3A_2074 : vector<16xf32>
    %get3A_2076 = arith.constant 14 : i32
    %get3A_2077 = arith.index_cast %get3A_2076 : i32 to index
    %get3A_2078 = arith.constant 160 : index
    %get3A_2079 = tpu.vector_load %arg8[%get3A_2077, %get3A_2078] {strides = array<i32>} : memref<32x256xf32, #tpu.memory_space<vmem>>, vector<1x16xf32>,
    %get3A_2080 = vector.shape_cast %get3A_2079 : vector<1x16xf32> to vector<16xf32>
    %add3A_2081 = arith.addf %add3A_2075, %get3A_2080 : vector<16xf32>
    %get3A_2082 = arith.constant 15 : i32
    %get3A_2083 = arith.index_cast %get3A_2082 : i32 to index
    %get3A_2084 = arith.constant 160 : index
    %get3A_2085 = tpu.vector_load %arg8[%get3A_2083, %get3A_2084] {strides = array<i32>} : memref<32x256xf32, #tpu.memory_space<vmem>>, vector<1x16xf32>,
    %get3A_2086 = vector.shape_cast %get3A_2085 : vector<1x16xf32> to vector<16xf32>
    %add3A_2087 = arith.addf %add3A_2081, %get3A_2086 : vector<16xf32>
    %get3A_2088 = arith.constant 16 : i32
    %get3A_2089 = arith.index_cast %get3A_2088 : i32 to index
    %get3A_2090 = arith.constant 160 : index
    %get3A_2091 = tpu.vector_load %arg8[%get3A_2089, %get3A_2090] {strides = array<i32>} : memref<32x256xf32, #tpu.memory_space<vmem>>, vector<1x16xf32>,
    %get3A_2092 = vector.shape_cast %get3A_2091 : vector<1x16xf32> to vector<16xf32>
    %add3A_2093 = arith.addf %add3A_2087, %get3A_2092 : vector<16xf32>
    %get3A_2094 = arith.constant 17 : i32
    %get3A_2095 = arith.index_cast %get3A_2094 : i32 to index
    %get3A_2096 = arith.constant 160 : index
    %get3A_2097 = tpu.vector_load %arg8[%get3A_2095, %get3A_2096] {strides = array<i32>} : memref<32x256xf32, #tpu.memory_space<vmem>>, vector<1x16xf32>,
    %get3A_2098 = vector.shape_cast %get3A_2097 : vector<1x16xf32> to vector<16xf32>
    %add3A_2099 = arith.addf %add3A_2093, %get3A_2098 : vector<16xf32>
    %get3A_2100 = arith.constant 18 : i32
    %get3A_2101 = arith.index_cast %get3A_2100 : i32 to index
    %get3A_2102 = arith.constant 160 : index
    %get3A_2103 = tpu.vector_load %arg8[%get3A_2101, %get3A_2102] {strides = array<i32>} : memref<32x256xf32, #tpu.memory_space<vmem>>, vector<1x16xf32>,
    %get3A_2104 = vector.shape_cast %get3A_2103 : vector<1x16xf32> to vector<16xf32>
    %add3A_2105 = arith.addf %add3A_2099, %get3A_2104 : vector<16xf32>
    %get3A_2106 = arith.constant 19 : i32
    %get3A_2107 = arith.index_cast %get3A_2106 : i32 to index
    %get3A_2108 = arith.constant 160 : index
    %get3A_2109 = tpu.vector_load %arg8[%get3A_2107, %get3A_2108] {strides = array<i32>} : memref<32x256xf32, #tpu.memory_space<vmem>>, vector<1x16xf32>,
    %get3A_2110 = vector.shape_cast %get3A_2109 : vector<1x16xf32> to vector<16xf32>
    %add3A_2111 = arith.addf %add3A_2105, %get3A_2110 : vector<16xf32>
    %get3A_2112 = arith.constant 20 : i32
    %get3A_2113 = arith.index_cast %get3A_2112 : i32 to index
    %get3A_2114 = arith.constant 160 : index
    %get3A_2115 = tpu.vector_load %arg8[%get3A_2113, %get3A_2114] {strides = array<i32>} : memref<32x256xf32, #tpu.memory_space<vmem>>, vector<1x16xf32>,
    %get3A_2116 = vector.shape_cast %get3A_2115 : vector<1x16xf32> to vector<16xf32>
    %add3A_2117 = arith.addf %add3A_2111, %get3A_2116 : vector<16xf32>
    %get3A_2118 = arith.constant 21 : i32
    %get3A_2119 = arith.index_cast %get3A_2118 : i32 to index
    %get3A_2120 = arith.constant 160 : index
    %get3A_2121 = tpu.vector_load %arg8[%get3A_2119, %get3A_2120] {strides = array<i32>} : memref<32x256xf32, #tpu.memory_space<vmem>>, vector<1x16xf32>,
    %get3A_2122 = vector.shape_cast %get3A_2121 : vector<1x16xf32> to vector<16xf32>
    %add3A_2123 = arith.addf %add3A_2117, %get3A_2122 : vector<16xf32>
    %get3A_2124 = arith.constant 22 : i32
    %get3A_2125 = arith.index_cast %get3A_2124 : i32 to index
    %get3A_2126 = arith.constant 160 : index
    %get3A_2127 = tpu.vector_load %arg8[%get3A_2125, %get3A_2126] {strides = array<i32>} : memref<32x256xf32, #tpu.memory_space<vmem>>, vector<1x16xf32>,
    %get3A_2128 = vector.shape_cast %get3A_2127 : vector<1x16xf32> to vector<16xf32>
    %add3A_2129 = arith.addf %add3A_2123, %get3A_2128 : vector<16xf32>
    %get3A_2130 = arith.constant 23 : i32
    %get3A_2131 = arith.index_cast %get3A_2130 : i32 to index
    %get3A_2132 = arith.constant 160 : index
    %get3A_2133 = tpu.vector_load %arg8[%get3A_2131, %get3A_2132] {strides = array<i32>} : memref<32x256xf32, #tpu.memory_space<vmem>>, vector<1x16xf32>,
    %get3A_2134 = vector.shape_cast %get3A_2133 : vector<1x16xf32> to vector<16xf32>
    %add3A_2135 = arith.addf %add3A_2129, %get3A_2134 : vector<16xf32>
    %get3A_2136 = arith.constant 24 : i32
    %get3A_2137 = arith.index_cast %get3A_2136 : i32 to index
    %get3A_2138 = arith.constant 160 : index
    %get3A_2139 = tpu.vector_load %arg8[%get3A_2137, %get3A_2138] {strides = array<i32>} : memref<32x256xf32, #tpu.memory_space<vmem>>, vector<1x16xf32>,
    %get3A_2140 = vector.shape_cast %get3A_2139 : vector<1x16xf32> to vector<16xf32>
    %add3A_2141 = arith.addf %add3A_2135, %get3A_2140 : vector<16xf32>
    %get3A_2142 = arith.constant 25 : i32
    %get3A_2143 = arith.index_cast %get3A_2142 : i32 to index
    %get3A_2144 = arith.constant 160 : index
    %get3A_2145 = tpu.vector_load %arg8[%get3A_2143, %get3A_2144] {strides = array<i32>} : memref<32x256xf32, #tpu.memory_space<vmem>>, vector<1x16xf32>,
    %get3A_2146 = vector.shape_cast %get3A_2145 : vector<1x16xf32> to vector<16xf32>
    %add3A_2147 = arith.addf %add3A_2141, %get3A_2146 : vector<16xf32>
    %get3A_2148 = arith.constant 26 : i32
    %get3A_2149 = arith.index_cast %get3A_2148 : i32 to index
    %get3A_2150 = arith.constant 160 : index
    %get3A_2151 = tpu.vector_load %arg8[%get3A_2149, %get3A_2150] {strides = array<i32>} : memref<32x256xf32, #tpu.memory_space<vmem>>, vector<1x16xf32>,
    %get3A_2152 = vector.shape_cast %get3A_2151 : vector<1x16xf32> to vector<16xf32>
    %add3A_2153 = arith.addf %add3A_2147, %get3A_2152 : vector<16xf32>
    %get3A_2154 = arith.constant 27 : i32
    %get3A_2155 = arith.index_cast %get3A_2154 : i32 to index
    %get3A_2156 = arith.constant 160 : index
    %get3A_2157 = tpu.vector_load %arg8[%get3A_2155, %get3A_2156] {strides = array<i32>} : memref<32x256xf32, #tpu.memory_space<vmem>>, vector<1x16xf32>,
    %get3A_2158 = vector.shape_cast %get3A_2157 : vector<1x16xf32> to vector<16xf32>
    %add3A_2159 = arith.addf %add3A_2153, %get3A_2158 : vector<16xf32>
    %get3A_2160 = arith.constant 28 : i32
    %get3A_2161 = arith.index_cast %get3A_2160 : i32 to index
    %get3A_2162 = arith.constant 160 : index
    %get3A_2163 = tpu.vector_load %arg8[%get3A_2161, %get3A_2162] {strides = array<i32>} : memref<32x256xf32, #tpu.memory_space<vmem>>, vector<1x16xf32>,
    %get3A_2164 = vector.shape_cast %get3A_2163 : vector<1x16xf32> to vector<16xf32>
    %add3A_2165 = arith.addf %add3A_2159, %get3A_2164 : vector<16xf32>
    %get3A_2166 = arith.constant 29 : i32
    %get3A_2167 = arith.index_cast %get3A_2166 : i32 to index
    %get3A_2168 = arith.constant 160 : index
    %get3A_2169 = tpu.vector_load %arg8[%get3A_2167, %get3A_2168] {strides = array<i32>} : memref<32x256xf32, #tpu.memory_space<vmem>>, vector<1x16xf32>,
    %get3A_2170 = vector.shape_cast %get3A_2169 : vector<1x16xf32> to vector<16xf32>
    %add3A_2171 = arith.addf %add3A_2165, %get3A_2170 : vector<16xf32>
    %get3A_2172 = arith.constant 30 : i32
    %get3A_2173 = arith.index_cast %get3A_2172 : i32 to index
    %get3A_2174 = arith.constant 160 : index
    %get3A_2175 = tpu.vector_load %arg8[%get3A_2173, %get3A_2174] {strides = array<i32>} : memref<32x256xf32, #tpu.memory_space<vmem>>, vector<1x16xf32>,
    %get3A_2176 = vector.shape_cast %get3A_2175 : vector<1x16xf32> to vector<16xf32>
    %add3A_2177 = arith.addf %add3A_2171, %get3A_2176 : vector<16xf32>
    %get3A_2178 = arith.constant 31 : i32
    %get3A_2179 = arith.index_cast %get3A_2178 : i32 to index
    %get3A_2180 = arith.constant 160 : index
    %get3A_2181 = tpu.vector_load %arg8[%get3A_2179, %get3A_2180] {strides = array<i32>} : memref<32x256xf32, #tpu.memory_space<vmem>>, vector<1x16xf32>,
    %get3A_2182 = vector.shape_cast %get3A_2181 : vector<1x16xf32> to vector<16xf32>
    %add3A_2183 = arith.addf %add3A_2177, %get3A_2182 : vector<16xf32>
    %swap3A_2184 = arith.constant 160 : index
    %swap3A_2185 = tpu.vector_load %arg9[%swap3A_2184] {strides = array<i32>} : memref<256xf32, #tpu.memory_space<vmem>>, vector<16xf32>,
    %swap3A_2186 = vector.shape_cast %swap3A_2185 : vector<16xf32> to vector<16xf32>
    %swap3A_2187 = vector.shape_cast %add3A_2183 : vector<16xf32> to vector<16xf32>
    tpu.vector_store %arg9[%swap3A_2184], %swap3A_2187 {strides = array<i32>} : memref<256xf32, #tpu.memory_space<vmem>>, vector<16xf32>,
    %get3A_2188 = arith.constant 0 : i32
    %get3A_2189 = arith.index_cast %get3A_2188 : i32 to index
    %get3A_2190 = arith.constant 176 : index
    %get3A_2191 = tpu.vector_load %arg8[%get3A_2189, %get3A_2190] {strides = array<i32>} : memref<32x256xf32, #tpu.memory_space<vmem>>, vector<1x16xf32>,
    %get3A_2192 = vector.shape_cast %get3A_2191 : vector<1x16xf32> to vector<16xf32>
    %get3A_2193 = arith.constant 1 : i32
    %get3A_2194 = arith.index_cast %get3A_2193 : i32 to index
    %get3A_2195 = arith.constant 176 : index
    %get3A_2196 = tpu.vector_load %arg8[%get3A_2194, %get3A_2195] {strides = array<i32>} : memref<32x256xf32, #tpu.memory_space<vmem>>, vector<1x16xf32>,
    %get3A_2197 = vector.shape_cast %get3A_2196 : vector<1x16xf32> to vector<16xf32>
    %add3A_2198 = arith.addf %get3A_2192, %get3A_2197 : vector<16xf32>
    %get3A_2199 = arith.constant 2 : i32
    %get3A_2200 = arith.index_cast %get3A_2199 : i32 to index
    %get3A_2201 = arith.constant 176 : index
    %get3A_2202 = tpu.vector_load %arg8[%get3A_2200, %get3A_2201] {strides = array<i32>} : memref<32x256xf32, #tpu.memory_space<vmem>>, vector<1x16xf32>,
    %get3A_2203 = vector.shape_cast %get3A_2202 : vector<1x16xf32> to vector<16xf32>
    %add3A_2204 = arith.addf %add3A_2198, %get3A_2203 : vector<16xf32>
    %get3A_2205 = arith.constant 3 : i32
    %get3A_2206 = arith.index_cast %get3A_2205 : i32 to index
    %get3A_2207 = arith.constant 176 : index
    %get3A_2208 = tpu.vector_load %arg8[%get3A_2206, %get3A_2207] {strides = array<i32>} : memref<32x256xf32, #tpu.memory_space<vmem>>, vector<1x16xf32>,
    %get3A_2209 = vector.shape_cast %get3A_2208 : vector<1x16xf32> to vector<16xf32>
    %add3A_2210 = arith.addf %add3A_2204, %get3A_2209 : vector<16xf32>
    %get3A_2211 = arith.constant 4 : i32
    %get3A_2212 = arith.index_cast %get3A_2211 : i32 to index
    %get3A_2213 = arith.constant 176 : index
    %get3A_2214 = tpu.vector_load %arg8[%get3A_2212, %get3A_2213] {strides = array<i32>} : memref<32x256xf32, #tpu.memory_space<vmem>>, vector<1x16xf32>,
    %get3A_2215 = vector.shape_cast %get3A_2214 : vector<1x16xf32> to vector<16xf32>
    %add3A_2216 = arith.addf %add3A_2210, %get3A_2215 : vector<16xf32>
    %get3A_2217 = arith.constant 5 : i32
    %get3A_2218 = arith.index_cast %get3A_2217 : i32 to index
    %get3A_2219 = arith.constant 176 : index
    %get3A_2220 = tpu.vector_load %arg8[%get3A_2218, %get3A_2219] {strides = array<i32>} : memref<32x256xf32, #tpu.memory_space<vmem>>, vector<1x16xf32>,
    %get3A_2221 = vector.shape_cast %get3A_2220 : vector<1x16xf32> to vector<16xf32>
    %add3A_2222 = arith.addf %add3A_2216, %get3A_2221 : vector<16xf32>
    %get3A_2223 = arith.constant 6 : i32
    %get3A_2224 = arith.index_cast %get3A_2223 : i32 to index
    %get3A_2225 = arith.constant 176 : index
    %get3A_2226 = tpu.vector_load %arg8[%get3A_2224, %get3A_2225] {strides = array<i32>} : memref<32x256xf32, #tpu.memory_space<vmem>>, vector<1x16xf32>,
    %get3A_2227 = vector.shape_cast %get3A_2226 : vector<1x16xf32> to vector<16xf32>
    %add3A_2228 = arith.addf %add3A_2222, %get3A_2227 : vector<16xf32>
    %get3A_2229 = arith.constant 7 : i32
    %get3A_2230 = arith.index_cast %get3A_2229 : i32 to index
    %get3A_2231 = arith.constant 176 : index
    %get3A_2232 = tpu.vector_load %arg8[%get3A_2230, %get3A_2231] {strides = array<i32>} : memref<32x256xf32, #tpu.memory_space<vmem>>, vector<1x16xf32>,
    %get3A_2233 = vector.shape_cast %get3A_2232 : vector<1x16xf32> to vector<16xf32>
    %add3A_2234 = arith.addf %add3A_2228, %get3A_2233 : vector<16xf32>
    %get3A_2235 = arith.constant 8 : i32
    %get3A_2236 = arith.index_cast %get3A_2235 : i32 to index
    %get3A_2237 = arith.constant 176 : index
    %get3A_2238 = tpu.vector_load %arg8[%get3A_2236, %get3A_2237] {strides = array<i32>} : memref<32x256xf32, #tpu.memory_space<vmem>>, vector<1x16xf32>,
    %get3A_2239 = vector.shape_cast %get3A_2238 : vector<1x16xf32> to vector<16xf32>
    %add3A_2240 = arith.addf %add3A_2234, %get3A_2239 : vector<16xf32>
    %get3A_2241 = arith.constant 9 : i32
    %get3A_2242 = arith.index_cast %get3A_2241 : i32 to index
    %get3A_2243 = arith.constant 176 : index
    %get3A_2244 = tpu.vector_load %arg8[%get3A_2242, %get3A_2243] {strides = array<i32>} : memref<32x256xf32, #tpu.memory_space<vmem>>, vector<1x16xf32>,
    %get3A_2245 = vector.shape_cast %get3A_2244 : vector<1x16xf32> to vector<16xf32>
    %add3A_2246 = arith.addf %add3A_2240, %get3A_2245 : vector<16xf32>
    %get3A_2247 = arith.constant 10 : i32
    %get3A_2248 = arith.index_cast %get3A_2247 : i32 to index
    %get3A_2249 = arith.constant 176 : index
    %get3A_2250 = tpu.vector_load %arg8[%get3A_2248, %get3A_2249] {strides = array<i32>} : memref<32x256xf32, #tpu.memory_space<vmem>>, vector<1x16xf32>,
    %get3A_2251 = vector.shape_cast %get3A_2250 : vector<1x16xf32> to vector<16xf32>
    %add3A_2252 = arith.addf %add3A_2246, %get3A_2251 : vector<16xf32>
    %get3A_2253 = arith.constant 11 : i32
    %get3A_2254 = arith.index_cast %get3A_2253 : i32 to index
    %get3A_2255 = arith.constant 176 : index
    %get3A_2256 = tpu.vector_load %arg8[%get3A_2254, %get3A_2255] {strides = array<i32>} : memref<32x256xf32, #tpu.memory_space<vmem>>, vector<1x16xf32>,
    %get3A_2257 = vector.shape_cast %get3A_2256 : vector<1x16xf32> to vector<16xf32>
    %add3A_2258 = arith.addf %add3A_2252, %get3A_2257 : vector<16xf32>
    %get3A_2259 = arith.constant 12 : i32
    %get3A_2260 = arith.index_cast %get3A_2259 : i32 to index
    %get3A_2261 = arith.constant 176 : index
    %get3A_2262 = tpu.vector_load %arg8[%get3A_2260, %get3A_2261] {strides = array<i32>} : memref<32x256xf32, #tpu.memory_space<vmem>>, vector<1x16xf32>,
    %get3A_2263 = vector.shape_cast %get3A_2262 : vector<1x16xf32> to vector<16xf32>
    %add3A_2264 = arith.addf %add3A_2258, %get3A_2263 : vector<16xf32>
    %get3A_2265 = arith.constant 13 : i32
    %get3A_2266 = arith.index_cast %get3A_2265 : i32 to index
    %get3A_2267 = arith.constant 176 : index
    %get3A_2268 = tpu.vector_load %arg8[%get3A_2266, %get3A_2267] {strides = array<i32>} : memref<32x256xf32, #tpu.memory_space<vmem>>, vector<1x16xf32>,
    %get3A_2269 = vector.shape_cast %get3A_2268 : vector<1x16xf32> to vector<16xf32>
    %add3A_2270 = arith.addf %add3A_2264, %get3A_2269 : vector<16xf32>
    %get3A_2271 = arith.constant 14 : i32
    %get3A_2272 = arith.index_cast %get3A_2271 : i32 to index
    %get3A_2273 = arith.constant 176 : index
    %get3A_2274 = tpu.vector_load %arg8[%get3A_2272, %get3A_2273] {strides = array<i32>} : memref<32x256xf32, #tpu.memory_space<vmem>>, vector<1x16xf32>,
    %get3A_2275 = vector.shape_cast %get3A_2274 : vector<1x16xf32> to vector<16xf32>
    %add3A_2276 = arith.addf %add3A_2270, %get3A_2275 : vector<16xf32>
    %get3A_2277 = arith.constant 15 : i32
    %get3A_2278 = arith.index_cast %get3A_2277 : i32 to index
    %get3A_2279 = arith.constant 176 : index
    %get3A_2280 = tpu.vector_load %arg8[%get3A_2278, %get3A_2279] {strides = array<i32>} : memref<32x256xf32, #tpu.memory_space<vmem>>, vector<1x16xf32>,
    %get3A_2281 = vector.shape_cast %get3A_2280 : vector<1x16xf32> to vector<16xf32>
    %add3A_2282 = arith.addf %add3A_2276, %get3A_2281 : vector<16xf32>
    %get3A_2283 = arith.constant 16 : i32
    %get3A_2284 = arith.index_cast %get3A_2283 : i32 to index
    %get3A_2285 = arith.constant 176 : index
    %get3A_2286 = tpu.vector_load %arg8[%get3A_2284, %get3A_2285] {strides = array<i32>} : memref<32x256xf32, #tpu.memory_space<vmem>>, vector<1x16xf32>,
    %get3A_2287 = vector.shape_cast %get3A_2286 : vector<1x16xf32> to vector<16xf32>
    %add3A_2288 = arith.addf %add3A_2282, %get3A_2287 : vector<16xf32>
    %get3A_2289 = arith.constant 17 : i32
    %get3A_2290 = arith.index_cast %get3A_2289 : i32 to index
    %get3A_2291 = arith.constant 176 : index
    %get3A_2292 = tpu.vector_load %arg8[%get3A_2290, %get3A_2291] {strides = array<i32>} : memref<32x256xf32, #tpu.memory_space<vmem>>, vector<1x16xf32>,
    %get3A_2293 = vector.shape_cast %get3A_2292 : vector<1x16xf32> to vector<16xf32>
    %add3A_2294 = arith.addf %add3A_2288, %get3A_2293 : vector<16xf32>
    %get3A_2295 = arith.constant 18 : i32
    %get3A_2296 = arith.index_cast %get3A_2295 : i32 to index
    %get3A_2297 = arith.constant 176 : index
    %get3A_2298 = tpu.vector_load %arg8[%get3A_2296, %get3A_2297] {strides = array<i32>} : memref<32x256xf32, #tpu.memory_space<vmem>>, vector<1x16xf32>,
    %get3A_2299 = vector.shape_cast %get3A_2298 : vector<1x16xf32> to vector<16xf32>
    %add3A_2300 = arith.addf %add3A_2294, %get3A_2299 : vector<16xf32>
    %get3A_2301 = arith.constant 19 : i32
    %get3A_2302 = arith.index_cast %get3A_2301 : i32 to index
    %get3A_2303 = arith.constant 176 : index
    %get3A_2304 = tpu.vector_load %arg8[%get3A_2302, %get3A_2303] {strides = array<i32>} : memref<32x256xf32, #tpu.memory_space<vmem>>, vector<1x16xf32>,
    %get3A_2305 = vector.shape_cast %get3A_2304 : vector<1x16xf32> to vector<16xf32>
    %add3A_2306 = arith.addf %add3A_2300, %get3A_2305 : vector<16xf32>
    %get3A_2307 = arith.constant 20 : i32
    %get3A_2308 = arith.index_cast %get3A_2307 : i32 to index
    %get3A_2309 = arith.constant 176 : index
    %get3A_2310 = tpu.vector_load %arg8[%get3A_2308, %get3A_2309] {strides = array<i32>} : memref<32x256xf32, #tpu.memory_space<vmem>>, vector<1x16xf32>,
    %get3A_2311 = vector.shape_cast %get3A_2310 : vector<1x16xf32> to vector<16xf32>
    %add3A_2312 = arith.addf %add3A_2306, %get3A_2311 : vector<16xf32>
    %get3A_2313 = arith.constant 21 : i32
    %get3A_2314 = arith.index_cast %get3A_2313 : i32 to index
    %get3A_2315 = arith.constant 176 : index
    %get3A_2316 = tpu.vector_load %arg8[%get3A_2314, %get3A_2315] {strides = array<i32>} : memref<32x256xf32, #tpu.memory_space<vmem>>, vector<1x16xf32>,
    %get3A_2317 = vector.shape_cast %get3A_2316 : vector<1x16xf32> to vector<16xf32>
    %add3A_2318 = arith.addf %add3A_2312, %get3A_2317 : vector<16xf32>
    %get3A_2319 = arith.constant 22 : i32
    %get3A_2320 = arith.index_cast %get3A_2319 : i32 to index
    %get3A_2321 = arith.constant 176 : index
    %get3A_2322 = tpu.vector_load %arg8[%get3A_2320, %get3A_2321] {strides = array<i32>} : memref<32x256xf32, #tpu.memory_space<vmem>>, vector<1x16xf32>,
    %get3A_2323 = vector.shape_cast %get3A_2322 : vector<1x16xf32> to vector<16xf32>
    %add3A_2324 = arith.addf %add3A_2318, %get3A_2323 : vector<16xf32>
    %get3A_2325 = arith.constant 23 : i32
    %get3A_2326 = arith.index_cast %get3A_2325 : i32 to index
    %get3A_2327 = arith.constant 176 : index
    %get3A_2328 = tpu.vector_load %arg8[%get3A_2326, %get3A_2327] {strides = array<i32>} : memref<32x256xf32, #tpu.memory_space<vmem>>, vector<1x16xf32>,
    %get3A_2329 = vector.shape_cast %get3A_2328 : vector<1x16xf32> to vector<16xf32>
    %add3A_2330 = arith.addf %add3A_2324, %get3A_2329 : vector<16xf32>
    %get3A_2331 = arith.constant 24 : i32
    %get3A_2332 = arith.index_cast %get3A_2331 : i32 to index
    %get3A_2333 = arith.constant 176 : index
    %get3A_2334 = tpu.vector_load %arg8[%get3A_2332, %get3A_2333] {strides = array<i32>} : memref<32x256xf32, #tpu.memory_space<vmem>>, vector<1x16xf32>,
    %get3A_2335 = vector.shape_cast %get3A_2334 : vector<1x16xf32> to vector<16xf32>
    %add3A_2336 = arith.addf %add3A_2330, %get3A_2335 : vector<16xf32>
    %get3A_2337 = arith.constant 25 : i32
    %get3A_2338 = arith.index_cast %get3A_2337 : i32 to index
    %get3A_2339 = arith.constant 176 : index
    %get3A_2340 = tpu.vector_load %arg8[%get3A_2338, %get3A_2339] {strides = array<i32>} : memref<32x256xf32, #tpu.memory_space<vmem>>, vector<1x16xf32>,
    %get3A_2341 = vector.shape_cast %get3A_2340 : vector<1x16xf32> to vector<16xf32>
    %add3A_2342 = arith.addf %add3A_2336, %get3A_2341 : vector<16xf32>
    %get3A_2343 = arith.constant 26 : i32
    %get3A_2344 = arith.index_cast %get3A_2343 : i32 to index
    %get3A_2345 = arith.constant 176 : index
    %get3A_2346 = tpu.vector_load %arg8[%get3A_2344, %get3A_2345] {strides = array<i32>} : memref<32x256xf32, #tpu.memory_space<vmem>>, vector<1x16xf32>,
    %get3A_2347 = vector.shape_cast %get3A_2346 : vector<1x16xf32> to vector<16xf32>
    %add3A_2348 = arith.addf %add3A_2342, %get3A_2347 : vector<16xf32>
    %get3A_2349 = arith.constant 27 : i32
    %get3A_2350 = arith.index_cast %get3A_2349 : i32 to index
    %get3A_2351 = arith.constant 176 : index
    %get3A_2352 = tpu.vector_load %arg8[%get3A_2350, %get3A_2351] {strides = array<i32>} : memref<32x256xf32, #tpu.memory_space<vmem>>, vector<1x16xf32>,
    %get3A_2353 = vector.shape_cast %get3A_2352 : vector<1x16xf32> to vector<16xf32>
    %add3A_2354 = arith.addf %add3A_2348, %get3A_2353 : vector<16xf32>
    %get3A_2355 = arith.constant 28 : i32
    %get3A_2356 = arith.index_cast %get3A_2355 : i32 to index
    %get3A_2357 = arith.constant 176 : index
    %get3A_2358 = tpu.vector_load %arg8[%get3A_2356, %get3A_2357] {strides = array<i32>} : memref<32x256xf32, #tpu.memory_space<vmem>>, vector<1x16xf32>,
    %get3A_2359 = vector.shape_cast %get3A_2358 : vector<1x16xf32> to vector<16xf32>
    %add3A_2360 = arith.addf %add3A_2354, %get3A_2359 : vector<16xf32>
    %get3A_2361 = arith.constant 29 : i32
    %get3A_2362 = arith.index_cast %get3A_2361 : i32 to index
    %get3A_2363 = arith.constant 176 : index
    %get3A_2364 = tpu.vector_load %arg8[%get3A_2362, %get3A_2363] {strides = array<i32>} : memref<32x256xf32, #tpu.memory_space<vmem>>, vector<1x16xf32>,
    %get3A_2365 = vector.shape_cast %get3A_2364 : vector<1x16xf32> to vector<16xf32>
    %add3A_2366 = arith.addf %add3A_2360, %get3A_2365 : vector<16xf32>
    %get3A_2367 = arith.constant 30 : i32
    %get3A_2368 = arith.index_cast %get3A_2367 : i32 to index
    %get3A_2369 = arith.constant 176 : index
    %get3A_2370 = tpu.vector_load %arg8[%get3A_2368, %get3A_2369] {strides = array<i32>} : memref<32x256xf32, #tpu.memory_space<vmem>>, vector<1x16xf32>,
    %get3A_2371 = vector.shape_cast %get3A_2370 : vector<1x16xf32> to vector<16xf32>
    %add3A_2372 = arith.addf %add3A_2366, %get3A_2371 : vector<16xf32>
    %get3A_2373 = arith.constant 31 : i32
    %get3A_2374 = arith.index_cast %get3A_2373 : i32 to index
    %get3A_2375 = arith.constant 176 : index
    %get3A_2376 = tpu.vector_load %arg8[%get3A_2374, %get3A_2375] {strides = array<i32>} : memref<32x256xf32, #tpu.memory_space<vmem>>, vector<1x16xf32>,
    %get3A_2377 = vector.shape_cast %get3A_2376 : vector<1x16xf32> to vector<16xf32>
    %add3A_2378 = arith.addf %add3A_2372, %get3A_2377 : vector<16xf32>
    %swap3A_2379 = arith.constant 176 : index
    %swap3A_2380 = tpu.vector_load %arg9[%swap3A_2379] {strides = array<i32>} : memref<256xf32, #tpu.memory_space<vmem>>, vector<16xf32>,
    %swap3A_2381 = vector.shape_cast %swap3A_2380 : vector<16xf32> to vector<16xf32>
    %swap3A_2382 = vector.shape_cast %add3A_2378 : vector<16xf32> to vector<16xf32>
    tpu.vector_store %arg9[%swap3A_2379], %swap3A_2382 {strides = array<i32>} : memref<256xf32, #tpu.memory_space<vmem>>, vector<16xf32>,
    %get3A_2383 = arith.constant 0 : i32
    %get3A_2384 = arith.index_cast %get3A_2383 : i32 to index
    %get3A_2385 = arith.constant 192 : index
    %get3A_2386 = tpu.vector_load %arg8[%get3A_2384, %get3A_2385] {strides = array<i32>} : memref<32x256xf32, #tpu.memory_space<vmem>>, vector<1x16xf32>,
    %get3A_2387 = vector.shape_cast %get3A_2386 : vector<1x16xf32> to vector<16xf32>
    %get3A_2388 = arith.constant 1 : i32
    %get3A_2389 = arith.index_cast %get3A_2388 : i32 to index
    %get3A_2390 = arith.constant 192 : index
    %get3A_2391 = tpu.vector_load %arg8[%get3A_2389, %get3A_2390] {strides = array<i32>} : memref<32x256xf32, #tpu.memory_space<vmem>>, vector<1x16xf32>,
    %get3A_2392 = vector.shape_cast %get3A_2391 : vector<1x16xf32> to vector<16xf32>
    %add3A_2393 = arith.addf %get3A_2387, %get3A_2392 : vector<16xf32>
    %get3A_2394 = arith.constant 2 : i32
    %get3A_2395 = arith.index_cast %get3A_2394 : i32 to index
    %get3A_2396 = arith.constant 192 : index
    %get3A_2397 = tpu.vector_load %arg8[%get3A_2395, %get3A_2396] {strides = array<i32>} : memref<32x256xf32, #tpu.memory_space<vmem>>, vector<1x16xf32>,
    %get3A_2398 = vector.shape_cast %get3A_2397 : vector<1x16xf32> to vector<16xf32>
    %add3A_2399 = arith.addf %add3A_2393, %get3A_2398 : vector<16xf32>
    %get3A_2400 = arith.constant 3 : i32
    %get3A_2401 = arith.index_cast %get3A_2400 : i32 to index
    %get3A_2402 = arith.constant 192 : index
    %get3A_2403 = tpu.vector_load %arg8[%get3A_2401, %get3A_2402] {strides = array<i32>} : memref<32x256xf32, #tpu.memory_space<vmem>>, vector<1x16xf32>,
    %get3A_2404 = vector.shape_cast %get3A_2403 : vector<1x16xf32> to vector<16xf32>
    %add3A_2405 = arith.addf %add3A_2399, %get3A_2404 : vector<16xf32>
    %get3A_2406 = arith.constant 4 : i32
    %get3A_2407 = arith.index_cast %get3A_2406 : i32 to index
    %get3A_2408 = arith.constant 192 : index
    %get3A_2409 = tpu.vector_load %arg8[%get3A_2407, %get3A_2408] {strides = array<i32>} : memref<32x256xf32, #tpu.memory_space<vmem>>, vector<1x16xf32>,
    %get3A_2410 = vector.shape_cast %get3A_2409 : vector<1x16xf32> to vector<16xf32>
    %add3A_2411 = arith.addf %add3A_2405, %get3A_2410 : vector<16xf32>
    %get3A_2412 = arith.constant 5 : i32
    %get3A_2413 = arith.index_cast %get3A_2412 : i32 to index
    %get3A_2414 = arith.constant 192 : index
    %get3A_2415 = tpu.vector_load %arg8[%get3A_2413, %get3A_2414] {strides = array<i32>} : memref<32x256xf32, #tpu.memory_space<vmem>>, vector<1x16xf32>,
    %get3A_2416 = vector.shape_cast %get3A_2415 : vector<1x16xf32> to vector<16xf32>
    %add3A_2417 = arith.addf %add3A_2411, %get3A_2416 : vector<16xf32>
    %get3A_2418 = arith.constant 6 : i32
    %get3A_2419 = arith.index_cast %get3A_2418 : i32 to index
    %get3A_2420 = arith.constant 192 : index
    %get3A_2421 = tpu.vector_load %arg8[%get3A_2419, %get3A_2420] {strides = array<i32>} : memref<32x256xf32, #tpu.memory_space<vmem>>, vector<1x16xf32>,
    %get3A_2422 = vector.shape_cast %get3A_2421 : vector<1x16xf32> to vector<16xf32>
    %add3A_2423 = arith.addf %add3A_2417, %get3A_2422 : vector<16xf32>
    %get3A_2424 = arith.constant 7 : i32
    %get3A_2425 = arith.index_cast %get3A_2424 : i32 to index
    %get3A_2426 = arith.constant 192 : index
    %get3A_2427 = tpu.vector_load %arg8[%get3A_2425, %get3A_2426] {strides = array<i32>} : memref<32x256xf32, #tpu.memory_space<vmem>>, vector<1x16xf32>,
    %get3A_2428 = vector.shape_cast %get3A_2427 : vector<1x16xf32> to vector<16xf32>
    %add3A_2429 = arith.addf %add3A_2423, %get3A_2428 : vector<16xf32>
    %get3A_2430 = arith.constant 8 : i32
    %get3A_2431 = arith.index_cast %get3A_2430 : i32 to index
    %get3A_2432 = arith.constant 192 : index
    %get3A_2433 = tpu.vector_load %arg8[%get3A_2431, %get3A_2432] {strides = array<i32>} : memref<32x256xf32, #tpu.memory_space<vmem>>, vector<1x16xf32>,
    %get3A_2434 = vector.shape_cast %get3A_2433 : vector<1x16xf32> to vector<16xf32>
    %add3A_2435 = arith.addf %add3A_2429, %get3A_2434 : vector<16xf32>
    %get3A_2436 = arith.constant 9 : i32
    %get3A_2437 = arith.index_cast %get3A_2436 : i32 to index
    %get3A_2438 = arith.constant 192 : index
    %get3A_2439 = tpu.vector_load %arg8[%get3A_2437, %get3A_2438] {strides = array<i32>} : memref<32x256xf32, #tpu.memory_space<vmem>>, vector<1x16xf32>,
    %get3A_2440 = vector.shape_cast %get3A_2439 : vector<1x16xf32> to vector<16xf32>
    %add3A_2441 = arith.addf %add3A_2435, %get3A_2440 : vector<16xf32>
    %get3A_2442 = arith.constant 10 : i32
    %get3A_2443 = arith.index_cast %get3A_2442 : i32 to index
    %get3A_2444 = arith.constant 192 : index
    %get3A_2445 = tpu.vector_load %arg8[%get3A_2443, %get3A_2444] {strides = array<i32>} : memref<32x256xf32, #tpu.memory_space<vmem>>, vector<1x16xf32>,
    %get3A_2446 = vector.shape_cast %get3A_2445 : vector<1x16xf32> to vector<16xf32>
    %add3A_2447 = arith.addf %add3A_2441, %get3A_2446 : vector<16xf32>
    %get3A_2448 = arith.constant 11 : i32
    %get3A_2449 = arith.index_cast %get3A_2448 : i32 to index
    %get3A_2450 = arith.constant 192 : index
    %get3A_2451 = tpu.vector_load %arg8[%get3A_2449, %get3A_2450] {strides = array<i32>} : memref<32x256xf32, #tpu.memory_space<vmem>>, vector<1x16xf32>,
    %get3A_2452 = vector.shape_cast %get3A_2451 : vector<1x16xf32> to vector<16xf32>
    %add3A_2453 = arith.addf %add3A_2447, %get3A_2452 : vector<16xf32>
    %get3A_2454 = arith.constant 12 : i32
    %get3A_2455 = arith.index_cast %get3A_2454 : i32 to index
    %get3A_2456 = arith.constant 192 : index
    %get3A_2457 = tpu.vector_load %arg8[%get3A_2455, %get3A_2456] {strides = array<i32>} : memref<32x256xf32, #tpu.memory_space<vmem>>, vector<1x16xf32>,
    %get3A_2458 = vector.shape_cast %get3A_2457 : vector<1x16xf32> to vector<16xf32>
    %add3A_2459 = arith.addf %add3A_2453, %get3A_2458 : vector<16xf32>
    %get3A_2460 = arith.constant 13 : i32
    %get3A_2461 = arith.index_cast %get3A_2460 : i32 to index
    %get3A_2462 = arith.constant 192 : index
    %get3A_2463 = tpu.vector_load %arg8[%get3A_2461, %get3A_2462] {strides = array<i32>} : memref<32x256xf32, #tpu.memory_space<vmem>>, vector<1x16xf32>,
    %get3A_2464 = vector.shape_cast %get3A_2463 : vector<1x16xf32> to vector<16xf32>
    %add3A_2465 = arith.addf %add3A_2459, %get3A_2464 : vector<16xf32>
    %get3A_2466 = arith.constant 14 : i32
    %get3A_2467 = arith.index_cast %get3A_2466 : i32 to index
    %get3A_2468 = arith.constant 192 : index
    %get3A_2469 = tpu.vector_load %arg8[%get3A_2467, %get3A_2468] {strides = array<i32>} : memref<32x256xf32, #tpu.memory_space<vmem>>, vector<1x16xf32>,
    %get3A_2470 = vector.shape_cast %get3A_2469 : vector<1x16xf32> to vector<16xf32>
    %add3A_2471 = arith.addf %add3A_2465, %get3A_2470 : vector<16xf32>
    %get3A_2472 = arith.constant 15 : i32
    %get3A_2473 = arith.index_cast %get3A_2472 : i32 to index
    %get3A_2474 = arith.constant 192 : index
    %get3A_2475 = tpu.vector_load %arg8[%get3A_2473, %get3A_2474] {strides = array<i32>} : memref<32x256xf32, #tpu.memory_space<vmem>>, vector<1x16xf32>,
    %get3A_2476 = vector.shape_cast %get3A_2475 : vector<1x16xf32> to vector<16xf32>
    %add3A_2477 = arith.addf %add3A_2471, %get3A_2476 : vector<16xf32>
    %get3A_2478 = arith.constant 16 : i32
    %get3A_2479 = arith.index_cast %get3A_2478 : i32 to index
    %get3A_2480 = arith.constant 192 : index
    %get3A_2481 = tpu.vector_load %arg8[%get3A_2479, %get3A_2480] {strides = array<i32>} : memref<32x256xf32, #tpu.memory_space<vmem>>, vector<1x16xf32>,
    %get3A_2482 = vector.shape_cast %get3A_2481 : vector<1x16xf32> to vector<16xf32>
    %add3A_2483 = arith.addf %add3A_2477, %get3A_2482 : vector<16xf32>
    %get3A_2484 = arith.constant 17 : i32
    %get3A_2485 = arith.index_cast %get3A_2484 : i32 to index
    %get3A_2486 = arith.constant 192 : index
    %get3A_2487 = tpu.vector_load %arg8[%get3A_2485, %get3A_2486] {strides = array<i32>} : memref<32x256xf32, #tpu.memory_space<vmem>>, vector<1x16xf32>,
    %get3A_2488 = vector.shape_cast %get3A_2487 : vector<1x16xf32> to vector<16xf32>
    %add3A_2489 = arith.addf %add3A_2483, %get3A_2488 : vector<16xf32>
    %get3A_2490 = arith.constant 18 : i32
    %get3A_2491 = arith.index_cast %get3A_2490 : i32 to index
    %get3A_2492 = arith.constant 192 : index
    %get3A_2493 = tpu.vector_load %arg8[%get3A_2491, %get3A_2492] {strides = array<i32>} : memref<32x256xf32, #tpu.memory_space<vmem>>, vector<1x16xf32>,
    %get3A_2494 = vector.shape_cast %get3A_2493 : vector<1x16xf32> to vector<16xf32>
    %add3A_2495 = arith.addf %add3A_2489, %get3A_2494 : vector<16xf32>
    %get3A_2496 = arith.constant 19 : i32
    %get3A_2497 = arith.index_cast %get3A_2496 : i32 to index
    %get3A_2498 = arith.constant 192 : index
    %get3A_2499 = tpu.vector_load %arg8[%get3A_2497, %get3A_2498] {strides = array<i32>} : memref<32x256xf32, #tpu.memory_space<vmem>>, vector<1x16xf32>,
    %get3A_2500 = vector.shape_cast %get3A_2499 : vector<1x16xf32> to vector<16xf32>
    %add3A_2501 = arith.addf %add3A_2495, %get3A_2500 : vector<16xf32>
    %get3A_2502 = arith.constant 20 : i32
    %get3A_2503 = arith.index_cast %get3A_2502 : i32 to index
    %get3A_2504 = arith.constant 192 : index
    %get3A_2505 = tpu.vector_load %arg8[%get3A_2503, %get3A_2504] {strides = array<i32>} : memref<32x256xf32, #tpu.memory_space<vmem>>, vector<1x16xf32>,
    %get3A_2506 = vector.shape_cast %get3A_2505 : vector<1x16xf32> to vector<16xf32>
    %add3A_2507 = arith.addf %add3A_2501, %get3A_2506 : vector<16xf32>
    %get3A_2508 = arith.constant 21 : i32
    %get3A_2509 = arith.index_cast %get3A_2508 : i32 to index
    %get3A_2510 = arith.constant 192 : index
    %get3A_2511 = tpu.vector_load %arg8[%get3A_2509, %get3A_2510] {strides = array<i32>} : memref<32x256xf32, #tpu.memory_space<vmem>>, vector<1x16xf32>,
    %get3A_2512 = vector.shape_cast %get3A_2511 : vector<1x16xf32> to vector<16xf32>
    %add3A_2513 = arith.addf %add3A_2507, %get3A_2512 : vector<16xf32>
    %get3A_2514 = arith.constant 22 : i32
    %get3A_2515 = arith.index_cast %get3A_2514 : i32 to index
    %get3A_2516 = arith.constant 192 : index
    %get3A_2517 = tpu.vector_load %arg8[%get3A_2515, %get3A_2516] {strides = array<i32>} : memref<32x256xf32, #tpu.memory_space<vmem>>, vector<1x16xf32>,
    %get3A_2518 = vector.shape_cast %get3A_2517 : vector<1x16xf32> to vector<16xf32>
    %add3A_2519 = arith.addf %add3A_2513, %get3A_2518 : vector<16xf32>
    %get3A_2520 = arith.constant 23 : i32
    %get3A_2521 = arith.index_cast %get3A_2520 : i32 to index
    %get3A_2522 = arith.constant 192 : index
    %get3A_2523 = tpu.vector_load %arg8[%get3A_2521, %get3A_2522] {strides = array<i32>} : memref<32x256xf32, #tpu.memory_space<vmem>>, vector<1x16xf32>,
    %get3A_2524 = vector.shape_cast %get3A_2523 : vector<1x16xf32> to vector<16xf32>
    %add3A_2525 = arith.addf %add3A_2519, %get3A_2524 : vector<16xf32>
    %get3A_2526 = arith.constant 24 : i32
    %get3A_2527 = arith.index_cast %get3A_2526 : i32 to index
    %get3A_2528 = arith.constant 192 : index
    %get3A_2529 = tpu.vector_load %arg8[%get3A_2527, %get3A_2528] {strides = array<i32>} : memref<32x256xf32, #tpu.memory_space<vmem>>, vector<1x16xf32>,
    %get3A_2530 = vector.shape_cast %get3A_2529 : vector<1x16xf32> to vector<16xf32>
    %add3A_2531 = arith.addf %add3A_2525, %get3A_2530 : vector<16xf32>
    %get3A_2532 = arith.constant 25 : i32
    %get3A_2533 = arith.index_cast %get3A_2532 : i32 to index
    %get3A_2534 = arith.constant 192 : index
    %get3A_2535 = tpu.vector_load %arg8[%get3A_2533, %get3A_2534] {strides = array<i32>} : memref<32x256xf32, #tpu.memory_space<vmem>>, vector<1x16xf32>,
    %get3A_2536 = vector.shape_cast %get3A_2535 : vector<1x16xf32> to vector<16xf32>
    %add3A_2537 = arith.addf %add3A_2531, %get3A_2536 : vector<16xf32>
    %get3A_2538 = arith.constant 26 : i32
    %get3A_2539 = arith.index_cast %get3A_2538 : i32 to index
    %get3A_2540 = arith.constant 192 : index
    %get3A_2541 = tpu.vector_load %arg8[%get3A_2539, %get3A_2540] {strides = array<i32>} : memref<32x256xf32, #tpu.memory_space<vmem>>, vector<1x16xf32>,
    %get3A_2542 = vector.shape_cast %get3A_2541 : vector<1x16xf32> to vector<16xf32>
    %add3A_2543 = arith.addf %add3A_2537, %get3A_2542 : vector<16xf32>
    %get3A_2544 = arith.constant 27 : i32
    %get3A_2545 = arith.index_cast %get3A_2544 : i32 to index
    %get3A_2546 = arith.constant 192 : index
    %get3A_2547 = tpu.vector_load %arg8[%get3A_2545, %get3A_2546] {strides = array<i32>} : memref<32x256xf32, #tpu.memory_space<vmem>>, vector<1x16xf32>,
    %get3A_2548 = vector.shape_cast %get3A_2547 : vector<1x16xf32> to vector<16xf32>
    %add3A_2549 = arith.addf %add3A_2543, %get3A_2548 : vector<16xf32>
    %get3A_2550 = arith.constant 28 : i32
    %get3A_2551 = arith.index_cast %get3A_2550 : i32 to index
    %get3A_2552 = arith.constant 192 : index
    %get3A_2553 = tpu.vector_load %arg8[%get3A_2551, %get3A_2552] {strides = array<i32>} : memref<32x256xf32, #tpu.memory_space<vmem>>, vector<1x16xf32>,
    %get3A_2554 = vector.shape_cast %get3A_2553 : vector<1x16xf32> to vector<16xf32>
    %add3A_2555 = arith.addf %add3A_2549, %get3A_2554 : vector<16xf32>
    %get3A_2556 = arith.constant 29 : i32
    %get3A_2557 = arith.index_cast %get3A_2556 : i32 to index
    %get3A_2558 = arith.constant 192 : index
    %get3A_2559 = tpu.vector_load %arg8[%get3A_2557, %get3A_2558] {strides = array<i32>} : memref<32x256xf32, #tpu.memory_space<vmem>>, vector<1x16xf32>,
    %get3A_2560 = vector.shape_cast %get3A_2559 : vector<1x16xf32> to vector<16xf32>
    %add3A_2561 = arith.addf %add3A_2555, %get3A_2560 : vector<16xf32>
    %get3A_2562 = arith.constant 30 : i32
    %get3A_2563 = arith.index_cast %get3A_2562 : i32 to index
    %get3A_2564 = arith.constant 192 : index
    %get3A_2565 = tpu.vector_load %arg8[%get3A_2563, %get3A_2564] {strides = array<i32>} : memref<32x256xf32, #tpu.memory_space<vmem>>, vector<1x16xf32>,
    %get3A_2566 = vector.shape_cast %get3A_2565 : vector<1x16xf32> to vector<16xf32>
    %add3A_2567 = arith.addf %add3A_2561, %get3A_2566 : vector<16xf32>
    %get3A_2568 = arith.constant 31 : i32
    %get3A_2569 = arith.index_cast %get3A_2568 : i32 to index
    %get3A_2570 = arith.constant 192 : index
    %get3A_2571 = tpu.vector_load %arg8[%get3A_2569, %get3A_2570] {strides = array<i32>} : memref<32x256xf32, #tpu.memory_space<vmem>>, vector<1x16xf32>,
    %get3A_2572 = vector.shape_cast %get3A_2571 : vector<1x16xf32> to vector<16xf32>
    %add3A_2573 = arith.addf %add3A_2567, %get3A_2572 : vector<16xf32>
    %swap3A_2574 = arith.constant 192 : index
    %swap3A_2575 = tpu.vector_load %arg9[%swap3A_2574] {strides = array<i32>} : memref<256xf32, #tpu.memory_space<vmem>>, vector<16xf32>,
    %swap3A_2576 = vector.shape_cast %swap3A_2575 : vector<16xf32> to vector<16xf32>
    %swap3A_2577 = vector.shape_cast %add3A_2573 : vector<16xf32> to vector<16xf32>
    tpu.vector_store %arg9[%swap3A_2574], %swap3A_2577 {strides = array<i32>} : memref<256xf32, #tpu.memory_space<vmem>>, vector<16xf32>,
    %get3A_2578 = arith.constant 0 : i32
    %get3A_2579 = arith.index_cast %get3A_2578 : i32 to index
    %get3A_2580 = arith.constant 208 : index
    %get3A_2581 = tpu.vector_load %arg8[%get3A_2579, %get3A_2580] {strides = array<i32>} : memref<32x256xf32, #tpu.memory_space<vmem>>, vector<1x16xf32>,
    %get3A_2582 = vector.shape_cast %get3A_2581 : vector<1x16xf32> to vector<16xf32>
    %get3A_2583 = arith.constant 1 : i32
    %get3A_2584 = arith.index_cast %get3A_2583 : i32 to index
    %get3A_2585 = arith.constant 208 : index
    %get3A_2586 = tpu.vector_load %arg8[%get3A_2584, %get3A_2585] {strides = array<i32>} : memref<32x256xf32, #tpu.memory_space<vmem>>, vector<1x16xf32>,
    %get3A_2587 = vector.shape_cast %get3A_2586 : vector<1x16xf32> to vector<16xf32>
    %add3A_2588 = arith.addf %get3A_2582, %get3A_2587 : vector<16xf32>
    %get3A_2589 = arith.constant 2 : i32
    %get3A_2590 = arith.index_cast %get3A_2589 : i32 to index
    %get3A_2591 = arith.constant 208 : index
    %get3A_2592 = tpu.vector_load %arg8[%get3A_2590, %get3A_2591] {strides = array<i32>} : memref<32x256xf32, #tpu.memory_space<vmem>>, vector<1x16xf32>,
    %get3A_2593 = vector.shape_cast %get3A_2592 : vector<1x16xf32> to vector<16xf32>
    %add3A_2594 = arith.addf %add3A_2588, %get3A_2593 : vector<16xf32>
    %get3A_2595 = arith.constant 3 : i32
    %get3A_2596 = arith.index_cast %get3A_2595 : i32 to index
    %get3A_2597 = arith.constant 208 : index
    %get3A_2598 = tpu.vector_load %arg8[%get3A_2596, %get3A_2597] {strides = array<i32>} : memref<32x256xf32, #tpu.memory_space<vmem>>, vector<1x16xf32>,
    %get3A_2599 = vector.shape_cast %get3A_2598 : vector<1x16xf32> to vector<16xf32>
    %add3A_2600 = arith.addf %add3A_2594, %get3A_2599 : vector<16xf32>
    %get3A_2601 = arith.constant 4 : i32
    %get3A_2602 = arith.index_cast %get3A_2601 : i32 to index
    %get3A_2603 = arith.constant 208 : index
    %get3A_2604 = tpu.vector_load %arg8[%get3A_2602, %get3A_2603] {strides = array<i32>} : memref<32x256xf32, #tpu.memory_space<vmem>>, vector<1x16xf32>,
    %get3A_2605 = vector.shape_cast %get3A_2604 : vector<1x16xf32> to vector<16xf32>
    %add3A_2606 = arith.addf %add3A_2600, %get3A_2605 : vector<16xf32>
    %get3A_2607 = arith.constant 5 : i32
    %get3A_2608 = arith.index_cast %get3A_2607 : i32 to index
    %get3A_2609 = arith.constant 208 : index
    %get3A_2610 = tpu.vector_load %arg8[%get3A_2608, %get3A_2609] {strides = array<i32>} : memref<32x256xf32, #tpu.memory_space<vmem>>, vector<1x16xf32>,
    %get3A_2611 = vector.shape_cast %get3A_2610 : vector<1x16xf32> to vector<16xf32>
    %add3A_2612 = arith.addf %add3A_2606, %get3A_2611 : vector<16xf32>
    %get3A_2613 = arith.constant 6 : i32
    %get3A_2614 = arith.index_cast %get3A_2613 : i32 to index
    %get3A_2615 = arith.constant 208 : index
    %get3A_2616 = tpu.vector_load %arg8[%get3A_2614, %get3A_2615] {strides = array<i32>} : memref<32x256xf32, #tpu.memory_space<vmem>>, vector<1x16xf32>,
    %get3A_2617 = vector.shape_cast %get3A_2616 : vector<1x16xf32> to vector<16xf32>
    %add3A_2618 = arith.addf %add3A_2612, %get3A_2617 : vector<16xf32>
    %get3A_2619 = arith.constant 7 : i32
    %get3A_2620 = arith.index_cast %get3A_2619 : i32 to index
    %get3A_2621 = arith.constant 208 : index
    %get3A_2622 = tpu.vector_load %arg8[%get3A_2620, %get3A_2621] {strides = array<i32>} : memref<32x256xf32, #tpu.memory_space<vmem>>, vector<1x16xf32>,
    %get3A_2623 = vector.shape_cast %get3A_2622 : vector<1x16xf32> to vector<16xf32>
    %add3A_2624 = arith.addf %add3A_2618, %get3A_2623 : vector<16xf32>
    %get3A_2625 = arith.constant 8 : i32
    %get3A_2626 = arith.index_cast %get3A_2625 : i32 to index
    %get3A_2627 = arith.constant 208 : index
    %get3A_2628 = tpu.vector_load %arg8[%get3A_2626, %get3A_2627] {strides = array<i32>} : memref<32x256xf32, #tpu.memory_space<vmem>>, vector<1x16xf32>,
    %get3A_2629 = vector.shape_cast %get3A_2628 : vector<1x16xf32> to vector<16xf32>
    %add3A_2630 = arith.addf %add3A_2624, %get3A_2629 : vector<16xf32>
    %get3A_2631 = arith.constant 9 : i32
    %get3A_2632 = arith.index_cast %get3A_2631 : i32 to index
    %get3A_2633 = arith.constant 208 : index
    %get3A_2634 = tpu.vector_load %arg8[%get3A_2632, %get3A_2633] {strides = array<i32>} : memref<32x256xf32, #tpu.memory_space<vmem>>, vector<1x16xf32>,
    %get3A_2635 = vector.shape_cast %get3A_2634 : vector<1x16xf32> to vector<16xf32>
    %add3A_2636 = arith.addf %add3A_2630, %get3A_2635 : vector<16xf32>
    %get3A_2637 = arith.constant 10 : i32
    %get3A_2638 = arith.index_cast %get3A_2637 : i32 to index
    %get3A_2639 = arith.constant 208 : index
    %get3A_2640 = tpu.vector_load %arg8[%get3A_2638, %get3A_2639] {strides = array<i32>} : memref<32x256xf32, #tpu.memory_space<vmem>>, vector<1x16xf32>,
    %get3A_2641 = vector.shape_cast %get3A_2640 : vector<1x16xf32> to vector<16xf32>
    %add3A_2642 = arith.addf %add3A_2636, %get3A_2641 : vector<16xf32>
    %get3A_2643 = arith.constant 11 : i32
    %get3A_2644 = arith.index_cast %get3A_2643 : i32 to index
    %get3A_2645 = arith.constant 208 : index
    %get3A_2646 = tpu.vector_load %arg8[%get3A_2644, %get3A_2645] {strides = array<i32>} : memref<32x256xf32, #tpu.memory_space<vmem>>, vector<1x16xf32>,
    %get3A_2647 = vector.shape_cast %get3A_2646 : vector<1x16xf32> to vector<16xf32>
    %add3A_2648 = arith.addf %add3A_2642, %get3A_2647 : vector<16xf32>
    %get3A_2649 = arith.constant 12 : i32
    %get3A_2650 = arith.index_cast %get3A_2649 : i32 to index
    %get3A_2651 = arith.constant 208 : index
    %get3A_2652 = tpu.vector_load %arg8[%get3A_2650, %get3A_2651] {strides = array<i32>} : memref<32x256xf32, #tpu.memory_space<vmem>>, vector<1x16xf32>,
    %get3A_2653 = vector.shape_cast %get3A_2652 : vector<1x16xf32> to vector<16xf32>
    %add3A_2654 = arith.addf %add3A_2648, %get3A_2653 : vector<16xf32>
    %get3A_2655 = arith.constant 13 : i32
    %get3A_2656 = arith.index_cast %get3A_2655 : i32 to index
    %get3A_2657 = arith.constant 208 : index
    %get3A_2658 = tpu.vector_load %arg8[%get3A_2656, %get3A_2657] {strides = array<i32>} : memref<32x256xf32, #tpu.memory_space<vmem>>, vector<1x16xf32>,
    %get3A_2659 = vector.shape_cast %get3A_2658 : vector<1x16xf32> to vector<16xf32>
    %add3A_2660 = arith.addf %add3A_2654, %get3A_2659 : vector<16xf32>
    %get3A_2661 = arith.constant 14 : i32
    %get3A_2662 = arith.index_cast %get3A_2661 : i32 to index
    %get3A_2663 = arith.constant 208 : index
    %get3A_2664 = tpu.vector_load %arg8[%get3A_2662, %get3A_2663] {strides = array<i32>} : memref<32x256xf32, #tpu.memory_space<vmem>>, vector<1x16xf32>,
    %get3A_2665 = vector.shape_cast %get3A_2664 : vector<1x16xf32> to vector<16xf32>
    %add3A_2666 = arith.addf %add3A_2660, %get3A_2665 : vector<16xf32>
    %get3A_2667 = arith.constant 15 : i32
    %get3A_2668 = arith.index_cast %get3A_2667 : i32 to index
    %get3A_2669 = arith.constant 208 : index
    %get3A_2670 = tpu.vector_load %arg8[%get3A_2668, %get3A_2669] {strides = array<i32>} : memref<32x256xf32, #tpu.memory_space<vmem>>, vector<1x16xf32>,
    %get3A_2671 = vector.shape_cast %get3A_2670 : vector<1x16xf32> to vector<16xf32>
    %add3A_2672 = arith.addf %add3A_2666, %get3A_2671 : vector<16xf32>
    %get3A_2673 = arith.constant 16 : i32
    %get3A_2674 = arith.index_cast %get3A_2673 : i32 to index
    %get3A_2675 = arith.constant 208 : index
    %get3A_2676 = tpu.vector_load %arg8[%get3A_2674, %get3A_2675] {strides = array<i32>} : memref<32x256xf32, #tpu.memory_space<vmem>>, vector<1x16xf32>,
    %get3A_2677 = vector.shape_cast %get3A_2676 : vector<1x16xf32> to vector<16xf32>
    %add3A_2678 = arith.addf %add3A_2672, %get3A_2677 : vector<16xf32>
    %get3A_2679 = arith.constant 17 : i32
    %get3A_2680 = arith.index_cast %get3A_2679 : i32 to index
    %get3A_2681 = arith.constant 208 : index
    %get3A_2682 = tpu.vector_load %arg8[%get3A_2680, %get3A_2681] {strides = array<i32>} : memref<32x256xf32, #tpu.memory_space<vmem>>, vector<1x16xf32>,
    %get3A_2683 = vector.shape_cast %get3A_2682 : vector<1x16xf32> to vector<16xf32>
    %add3A_2684 = arith.addf %add3A_2678, %get3A_2683 : vector<16xf32>
    %get3A_2685 = arith.constant 18 : i32
    %get3A_2686 = arith.index_cast %get3A_2685 : i32 to index
    %get3A_2687 = arith.constant 208 : index
    %get3A_2688 = tpu.vector_load %arg8[%get3A_2686, %get3A_2687] {strides = array<i32>} : memref<32x256xf32, #tpu.memory_space<vmem>>, vector<1x16xf32>,
    %get3A_2689 = vector.shape_cast %get3A_2688 : vector<1x16xf32> to vector<16xf32>
    %add3A_2690 = arith.addf %add3A_2684, %get3A_2689 : vector<16xf32>
    %get3A_2691 = arith.constant 19 : i32
    %get3A_2692 = arith.index_cast %get3A_2691 : i32 to index
    %get3A_2693 = arith.constant 208 : index
    %get3A_2694 = tpu.vector_load %arg8[%get3A_2692, %get3A_2693] {strides = array<i32>} : memref<32x256xf32, #tpu.memory_space<vmem>>, vector<1x16xf32>,
    %get3A_2695 = vector.shape_cast %get3A_2694 : vector<1x16xf32> to vector<16xf32>
    %add3A_2696 = arith.addf %add3A_2690, %get3A_2695 : vector<16xf32>
    %get3A_2697 = arith.constant 20 : i32
    %get3A_2698 = arith.index_cast %get3A_2697 : i32 to index
    %get3A_2699 = arith.constant 208 : index
    %get3A_2700 = tpu.vector_load %arg8[%get3A_2698, %get3A_2699] {strides = array<i32>} : memref<32x256xf32, #tpu.memory_space<vmem>>, vector<1x16xf32>,
    %get3A_2701 = vector.shape_cast %get3A_2700 : vector<1x16xf32> to vector<16xf32>
    %add3A_2702 = arith.addf %add3A_2696, %get3A_2701 : vector<16xf32>
    %get3A_2703 = arith.constant 21 : i32
    %get3A_2704 = arith.index_cast %get3A_2703 : i32 to index
    %get3A_2705 = arith.constant 208 : index
    %get3A_2706 = tpu.vector_load %arg8[%get3A_2704, %get3A_2705] {strides = array<i32>} : memref<32x256xf32, #tpu.memory_space<vmem>>, vector<1x16xf32>,
    %get3A_2707 = vector.shape_cast %get3A_2706 : vector<1x16xf32> to vector<16xf32>
    %add3A_2708 = arith.addf %add3A_2702, %get3A_2707 : vector<16xf32>
    %get3A_2709 = arith.constant 22 : i32
    %get3A_2710 = arith.index_cast %get3A_2709 : i32 to index
    %get3A_2711 = arith.constant 208 : index
    %get3A_2712 = tpu.vector_load %arg8[%get3A_2710, %get3A_2711] {strides = array<i32>} : memref<32x256xf32, #tpu.memory_space<vmem>>, vector<1x16xf32>,
    %get3A_2713 = vector.shape_cast %get3A_2712 : vector<1x16xf32> to vector<16xf32>
    %add3A_2714 = arith.addf %add3A_2708, %get3A_2713 : vector<16xf32>
    %get3A_2715 = arith.constant 23 : i32
    %get3A_2716 = arith.index_cast %get3A_2715 : i32 to index
    %get3A_2717 = arith.constant 208 : index
    %get3A_2718 = tpu.vector_load %arg8[%get3A_2716, %get3A_2717] {strides = array<i32>} : memref<32x256xf32, #tpu.memory_space<vmem>>, vector<1x16xf32>,
    %get3A_2719 = vector.shape_cast %get3A_2718 : vector<1x16xf32> to vector<16xf32>
    %add3A_2720 = arith.addf %add3A_2714, %get3A_2719 : vector<16xf32>
    %get3A_2721 = arith.constant 24 : i32
    %get3A_2722 = arith.index_cast %get3A_2721 : i32 to index
    %get3A_2723 = arith.constant 208 : index
    %get3A_2724 = tpu.vector_load %arg8[%get3A_2722, %get3A_2723] {strides = array<i32>} : memref<32x256xf32, #tpu.memory_space<vmem>>, vector<1x16xf32>,
    %get3A_2725 = vector.shape_cast %get3A_2724 : vector<1x16xf32> to vector<16xf32>
    %add3A_2726 = arith.addf %add3A_2720, %get3A_2725 : vector<16xf32>
    %get3A_2727 = arith.constant 25 : i32
    %get3A_2728 = arith.index_cast %get3A_2727 : i32 to index
    %get3A_2729 = arith.constant 208 : index
    %get3A_2730 = tpu.vector_load %arg8[%get3A_2728, %get3A_2729] {strides = array<i32>} : memref<32x256xf32, #tpu.memory_space<vmem>>, vector<1x16xf32>,
    %get3A_2731 = vector.shape_cast %get3A_2730 : vector<1x16xf32> to vector<16xf32>
    %add3A_2732 = arith.addf %add3A_2726, %get3A_2731 : vector<16xf32>
    %get3A_2733 = arith.constant 26 : i32
    %get3A_2734 = arith.index_cast %get3A_2733 : i32 to index
    %get3A_2735 = arith.constant 208 : index
    %get3A_2736 = tpu.vector_load %arg8[%get3A_2734, %get3A_2735] {strides = array<i32>} : memref<32x256xf32, #tpu.memory_space<vmem>>, vector<1x16xf32>,
    %get3A_2737 = vector.shape_cast %get3A_2736 : vector<1x16xf32> to vector<16xf32>
    %add3A_2738 = arith.addf %add3A_2732, %get3A_2737 : vector<16xf32>
    %get3A_2739 = arith.constant 27 : i32
    %get3A_2740 = arith.index_cast %get3A_2739 : i32 to index
    %get3A_2741 = arith.constant 208 : index
    %get3A_2742 = tpu.vector_load %arg8[%get3A_2740, %get3A_2741] {strides = array<i32>} : memref<32x256xf32, #tpu.memory_space<vmem>>, vector<1x16xf32>,
    %get3A_2743 = vector.shape_cast %get3A_2742 : vector<1x16xf32> to vector<16xf32>
    %add3A_2744 = arith.addf %add3A_2738, %get3A_2743 : vector<16xf32>
    %get3A_2745 = arith.constant 28 : i32
    %get3A_2746 = arith.index_cast %get3A_2745 : i32 to index
    %get3A_2747 = arith.constant 208 : index
    %get3A_2748 = tpu.vector_load %arg8[%get3A_2746, %get3A_2747] {strides = array<i32>} : memref<32x256xf32, #tpu.memory_space<vmem>>, vector<1x16xf32>,
    %get3A_2749 = vector.shape_cast %get3A_2748 : vector<1x16xf32> to vector<16xf32>
    %add3A_2750 = arith.addf %add3A_2744, %get3A_2749 : vector<16xf32>
    %get3A_2751 = arith.constant 29 : i32
    %get3A_2752 = arith.index_cast %get3A_2751 : i32 to index
    %get3A_2753 = arith.constant 208 : index
    %get3A_2754 = tpu.vector_load %arg8[%get3A_2752, %get3A_2753] {strides = array<i32>} : memref<32x256xf32, #tpu.memory_space<vmem>>, vector<1x16xf32>,
    %get3A_2755 = vector.shape_cast %get3A_2754 : vector<1x16xf32> to vector<16xf32>
    %add3A_2756 = arith.addf %add3A_2750, %get3A_2755 : vector<16xf32>
    %get3A_2757 = arith.constant 30 : i32
    %get3A_2758 = arith.index_cast %get3A_2757 : i32 to index
    %get3A_2759 = arith.constant 208 : index
    %get3A_2760 = tpu.vector_load %arg8[%get3A_2758, %get3A_2759] {strides = array<i32>} : memref<32x256xf32, #tpu.memory_space<vmem>>, vector<1x16xf32>,
    %get3A_2761 = vector.shape_cast %get3A_2760 : vector<1x16xf32> to vector<16xf32>
    %add3A_2762 = arith.addf %add3A_2756, %get3A_2761 : vector<16xf32>
    %get3A_2763 = arith.constant 31 : i32
    %get3A_2764 = arith.index_cast %get3A_2763 : i32 to index
    %get3A_2765 = arith.constant 208 : index
    %get3A_2766 = tpu.vector_load %arg8[%get3A_2764, %get3A_2765] {strides = array<i32>} : memref<32x256xf32, #tpu.memory_space<vmem>>, vector<1x16xf32>,
    %get3A_2767 = vector.shape_cast %get3A_2766 : vector<1x16xf32> to vector<16xf32>
    %add3A_2768 = arith.addf %add3A_2762, %get3A_2767 : vector<16xf32>
    %swap3A_2769 = arith.constant 208 : index
    %swap3A_2770 = tpu.vector_load %arg9[%swap3A_2769] {strides = array<i32>} : memref<256xf32, #tpu.memory_space<vmem>>, vector<16xf32>,
    %swap3A_2771 = vector.shape_cast %swap3A_2770 : vector<16xf32> to vector<16xf32>
    %swap3A_2772 = vector.shape_cast %add3A_2768 : vector<16xf32> to vector<16xf32>
    tpu.vector_store %arg9[%swap3A_2769], %swap3A_2772 {strides = array<i32>} : memref<256xf32, #tpu.memory_space<vmem>>, vector<16xf32>,
    %get3A_2773 = arith.constant 0 : i32
    %get3A_2774 = arith.index_cast %get3A_2773 : i32 to index
    %get3A_2775 = arith.constant 224 : index
    %get3A_2776 = tpu.vector_load %arg8[%get3A_2774, %get3A_2775] {strides = array<i32>} : memref<32x256xf32, #tpu.memory_space<vmem>>, vector<1x16xf32>,
    %get3A_2777 = vector.shape_cast %get3A_2776 : vector<1x16xf32> to vector<16xf32>
    %get3A_2778 = arith.constant 1 : i32
    %get3A_2779 = arith.index_cast %get3A_2778 : i32 to index
    %get3A_2780 = arith.constant 224 : index
    %get3A_2781 = tpu.vector_load %arg8[%get3A_2779, %get3A_2780] {strides = array<i32>} : memref<32x256xf32, #tpu.memory_space<vmem>>, vector<1x16xf32>,
    %get3A_2782 = vector.shape_cast %get3A_2781 : vector<1x16xf32> to vector<16xf32>
    %add3A_2783 = arith.addf %get3A_2777, %get3A_2782 : vector<16xf32>
    %get3A_2784 = arith.constant 2 : i32
    %get3A_2785 = arith.index_cast %get3A_2784 : i32 to index
    %get3A_2786 = arith.constant 224 : index
    %get3A_2787 = tpu.vector_load %arg8[%get3A_2785, %get3A_2786] {strides = array<i32>} : memref<32x256xf32, #tpu.memory_space<vmem>>, vector<1x16xf32>,
    %get3A_2788 = vector.shape_cast %get3A_2787 : vector<1x16xf32> to vector<16xf32>
    %add3A_2789 = arith.addf %add3A_2783, %get3A_2788 : vector<16xf32>
    %get3A_2790 = arith.constant 3 : i32
    %get3A_2791 = arith.index_cast %get3A_2790 : i32 to index
    %get3A_2792 = arith.constant 224 : index
    %get3A_2793 = tpu.vector_load %arg8[%get3A_2791, %get3A_2792] {strides = array<i32>} : memref<32x256xf32, #tpu.memory_space<vmem>>, vector<1x16xf32>,
    %get3A_2794 = vector.shape_cast %get3A_2793 : vector<1x16xf32> to vector<16xf32>
    %add3A_2795 = arith.addf %add3A_2789, %get3A_2794 : vector<16xf32>
    %get3A_2796 = arith.constant 4 : i32
    %get3A_2797 = arith.index_cast %get3A_2796 : i32 to index
    %get3A_2798 = arith.constant 224 : index
    %get3A_2799 = tpu.vector_load %arg8[%get3A_2797, %get3A_2798] {strides = array<i32>} : memref<32x256xf32, #tpu.memory_space<vmem>>, vector<1x16xf32>,
    %get3A_2800 = vector.shape_cast %get3A_2799 : vector<1x16xf32> to vector<16xf32>
    %add3A_2801 = arith.addf %add3A_2795, %get3A_2800 : vector<16xf32>
    %get3A_2802 = arith.constant 5 : i32
    %get3A_2803 = arith.index_cast %get3A_2802 : i32 to index
    %get3A_2804 = arith.constant 224 : index
    %get3A_2805 = tpu.vector_load %arg8[%get3A_2803, %get3A_2804] {strides = array<i32>} : memref<32x256xf32, #tpu.memory_space<vmem>>, vector<1x16xf32>,
    %get3A_2806 = vector.shape_cast %get3A_2805 : vector<1x16xf32> to vector<16xf32>
    %add3A_2807 = arith.addf %add3A_2801, %get3A_2806 : vector<16xf32>
    %get3A_2808 = arith.constant 6 : i32
    %get3A_2809 = arith.index_cast %get3A_2808 : i32 to index
    %get3A_2810 = arith.constant 224 : index
    %get3A_2811 = tpu.vector_load %arg8[%get3A_2809, %get3A_2810] {strides = array<i32>} : memref<32x256xf32, #tpu.memory_space<vmem>>, vector<1x16xf32>,
    %get3A_2812 = vector.shape_cast %get3A_2811 : vector<1x16xf32> to vector<16xf32>
    %add3A_2813 = arith.addf %add3A_2807, %get3A_2812 : vector<16xf32>
    %get3A_2814 = arith.constant 7 : i32
    %get3A_2815 = arith.index_cast %get3A_2814 : i32 to index
    %get3A_2816 = arith.constant 224 : index
    %get3A_2817 = tpu.vector_load %arg8[%get3A_2815, %get3A_2816] {strides = array<i32>} : memref<32x256xf32, #tpu.memory_space<vmem>>, vector<1x16xf32>,
    %get3A_2818 = vector.shape_cast %get3A_2817 : vector<1x16xf32> to vector<16xf32>
    %add3A_2819 = arith.addf %add3A_2813, %get3A_2818 : vector<16xf32>
    %get3A_2820 = arith.constant 8 : i32
    %get3A_2821 = arith.index_cast %get3A_2820 : i32 to index
    %get3A_2822 = arith.constant 224 : index
    %get3A_2823 = tpu.vector_load %arg8[%get3A_2821, %get3A_2822] {strides = array<i32>} : memref<32x256xf32, #tpu.memory_space<vmem>>, vector<1x16xf32>,
    %get3A_2824 = vector.shape_cast %get3A_2823 : vector<1x16xf32> to vector<16xf32>
    %add3A_2825 = arith.addf %add3A_2819, %get3A_2824 : vector<16xf32>
    %get3A_2826 = arith.constant 9 : i32
    %get3A_2827 = arith.index_cast %get3A_2826 : i32 to index
    %get3A_2828 = arith.constant 224 : index
    %get3A_2829 = tpu.vector_load %arg8[%get3A_2827, %get3A_2828] {strides = array<i32>} : memref<32x256xf32, #tpu.memory_space<vmem>>, vector<1x16xf32>,
    %get3A_2830 = vector.shape_cast %get3A_2829 : vector<1x16xf32> to vector<16xf32>
    %add3A_2831 = arith.addf %add3A_2825, %get3A_2830 : vector<16xf32>
    %get3A_2832 = arith.constant 10 : i32
    %get3A_2833 = arith.index_cast %get3A_2832 : i32 to index
    %get3A_2834 = arith.constant 224 : index
    %get3A_2835 = tpu.vector_load %arg8[%get3A_2833, %get3A_2834] {strides = array<i32>} : memref<32x256xf32, #tpu.memory_space<vmem>>, vector<1x16xf32>,
    %get3A_2836 = vector.shape_cast %get3A_2835 : vector<1x16xf32> to vector<16xf32>
    %add3A_2837 = arith.addf %add3A_2831, %get3A_2836 : vector<16xf32>
    %get3A_2838 = arith.constant 11 : i32
    %get3A_2839 = arith.index_cast %get3A_2838 : i32 to index
    %get3A_2840 = arith.constant 224 : index
    %get3A_2841 = tpu.vector_load %arg8[%get3A_2839, %get3A_2840] {strides = array<i32>} : memref<32x256xf32, #tpu.memory_space<vmem>>, vector<1x16xf32>,
    %get3A_2842 = vector.shape_cast %get3A_2841 : vector<1x16xf32> to vector<16xf32>
    %add3A_2843 = arith.addf %add3A_2837, %get3A_2842 : vector<16xf32>
    %get3A_2844 = arith.constant 12 : i32
    %get3A_2845 = arith.index_cast %get3A_2844 : i32 to index
    %get3A_2846 = arith.constant 224 : index
    %get3A_2847 = tpu.vector_load %arg8[%get3A_2845, %get3A_2846] {strides = array<i32>} : memref<32x256xf32, #tpu.memory_space<vmem>>, vector<1x16xf32>,
    %get3A_2848 = vector.shape_cast %get3A_2847 : vector<1x16xf32> to vector<16xf32>
    %add3A_2849 = arith.addf %add3A_2843, %get3A_2848 : vector<16xf32>
    %get3A_2850 = arith.constant 13 : i32
    %get3A_2851 = arith.index_cast %get3A_2850 : i32 to index
    %get3A_2852 = arith.constant 224 : index
    %get3A_2853 = tpu.vector_load %arg8[%get3A_2851, %get3A_2852] {strides = array<i32>} : memref<32x256xf32, #tpu.memory_space<vmem>>, vector<1x16xf32>,
    %get3A_2854 = vector.shape_cast %get3A_2853 : vector<1x16xf32> to vector<16xf32>
    %add3A_2855 = arith.addf %add3A_2849, %get3A_2854 : vector<16xf32>
    %get3A_2856 = arith.constant 14 : i32
    %get3A_2857 = arith.index_cast %get3A_2856 : i32 to index
    %get3A_2858 = arith.constant 224 : index
    %get3A_2859 = tpu.vector_load %arg8[%get3A_2857, %get3A_2858] {strides = array<i32>} : memref<32x256xf32, #tpu.memory_space<vmem>>, vector<1x16xf32>,
    %get3A_2860 = vector.shape_cast %get3A_2859 : vector<1x16xf32> to vector<16xf32>
    %add3A_2861 = arith.addf %add3A_2855, %get3A_2860 : vector<16xf32>
    %get3A_2862 = arith.constant 15 : i32
    %get3A_2863 = arith.index_cast %get3A_2862 : i32 to index
    %get3A_2864 = arith.constant 224 : index
    %get3A_2865 = tpu.vector_load %arg8[%get3A_2863, %get3A_2864] {strides = array<i32>} : memref<32x256xf32, #tpu.memory_space<vmem>>, vector<1x16xf32>,
    %get3A_2866 = vector.shape_cast %get3A_2865 : vector<1x16xf32> to vector<16xf32>
    %add3A_2867 = arith.addf %add3A_2861, %get3A_2866 : vector<16xf32>
    %get3A_2868 = arith.constant 16 : i32
    %get3A_2869 = arith.index_cast %get3A_2868 : i32 to index
    %get3A_2870 = arith.constant 224 : index
    %get3A_2871 = tpu.vector_load %arg8[%get3A_2869, %get3A_2870] {strides = array<i32>} : memref<32x256xf32, #tpu.memory_space<vmem>>, vector<1x16xf32>,
    %get3A_2872 = vector.shape_cast %get3A_2871 : vector<1x16xf32> to vector<16xf32>
    %add3A_2873 = arith.addf %add3A_2867, %get3A_2872 : vector<16xf32>
    %get3A_2874 = arith.constant 17 : i32
    %get3A_2875 = arith.index_cast %get3A_2874 : i32 to index
    %get3A_2876 = arith.constant 224 : index
    %get3A_2877 = tpu.vector_load %arg8[%get3A_2875, %get3A_2876] {strides = array<i32>} : memref<32x256xf32, #tpu.memory_space<vmem>>, vector<1x16xf32>,
    %get3A_2878 = vector.shape_cast %get3A_2877 : vector<1x16xf32> to vector<16xf32>
    %add3A_2879 = arith.addf %add3A_2873, %get3A_2878 : vector<16xf32>
    %get3A_2880 = arith.constant 18 : i32
    %get3A_2881 = arith.index_cast %get3A_2880 : i32 to index
    %get3A_2882 = arith.constant 224 : index
    %get3A_2883 = tpu.vector_load %arg8[%get3A_2881, %get3A_2882] {strides = array<i32>} : memref<32x256xf32, #tpu.memory_space<vmem>>, vector<1x16xf32>,
    %get3A_2884 = vector.shape_cast %get3A_2883 : vector<1x16xf32> to vector<16xf32>
    %add3A_2885 = arith.addf %add3A_2879, %get3A_2884 : vector<16xf32>
    %get3A_2886 = arith.constant 19 : i32
    %get3A_2887 = arith.index_cast %get3A_2886 : i32 to index
    %get3A_2888 = arith.constant 224 : index
    %get3A_2889 = tpu.vector_load %arg8[%get3A_2887, %get3A_2888] {strides = array<i32>} : memref<32x256xf32, #tpu.memory_space<vmem>>, vector<1x16xf32>,
    %get3A_2890 = vector.shape_cast %get3A_2889 : vector<1x16xf32> to vector<16xf32>
    %add3A_2891 = arith.addf %add3A_2885, %get3A_2890 : vector<16xf32>
    %get3A_2892 = arith.constant 20 : i32
    %get3A_2893 = arith.index_cast %get3A_2892 : i32 to index
    %get3A_2894 = arith.constant 224 : index
    %get3A_2895 = tpu.vector_load %arg8[%get3A_2893, %get3A_2894] {strides = array<i32>} : memref<32x256xf32, #tpu.memory_space<vmem>>, vector<1x16xf32>,
    %get3A_2896 = vector.shape_cast %get3A_2895 : vector<1x16xf32> to vector<16xf32>
    %add3A_2897 = arith.addf %add3A_2891, %get3A_2896 : vector<16xf32>
    %get3A_2898 = arith.constant 21 : i32
    %get3A_2899 = arith.index_cast %get3A_2898 : i32 to index
    %get3A_2900 = arith.constant 224 : index
    %get3A_2901 = tpu.vector_load %arg8[%get3A_2899, %get3A_2900] {strides = array<i32>} : memref<32x256xf32, #tpu.memory_space<vmem>>, vector<1x16xf32>,
    %get3A_2902 = vector.shape_cast %get3A_2901 : vector<1x16xf32> to vector<16xf32>
    %add3A_2903 = arith.addf %add3A_2897, %get3A_2902 : vector<16xf32>
    %get3A_2904 = arith.constant 22 : i32
    %get3A_2905 = arith.index_cast %get3A_2904 : i32 to index
    %get3A_2906 = arith.constant 224 : index
    %get3A_2907 = tpu.vector_load %arg8[%get3A_2905, %get3A_2906] {strides = array<i32>} : memref<32x256xf32, #tpu.memory_space<vmem>>, vector<1x16xf32>,
    %get3A_2908 = vector.shape_cast %get3A_2907 : vector<1x16xf32> to vector<16xf32>
    %add3A_2909 = arith.addf %add3A_2903, %get3A_2908 : vector<16xf32>
    %get3A_2910 = arith.constant 23 : i32
    %get3A_2911 = arith.index_cast %get3A_2910 : i32 to index
    %get3A_2912 = arith.constant 224 : index
    %get3A_2913 = tpu.vector_load %arg8[%get3A_2911, %get3A_2912] {strides = array<i32>} : memref<32x256xf32, #tpu.memory_space<vmem>>, vector<1x16xf32>,
    %get3A_2914 = vector.shape_cast %get3A_2913 : vector<1x16xf32> to vector<16xf32>
    %add3A_2915 = arith.addf %add3A_2909, %get3A_2914 : vector<16xf32>
    %get3A_2916 = arith.constant 24 : i32
    %get3A_2917 = arith.index_cast %get3A_2916 : i32 to index
    %get3A_2918 = arith.constant 224 : index
    %get3A_2919 = tpu.vector_load %arg8[%get3A_2917, %get3A_2918] {strides = array<i32>} : memref<32x256xf32, #tpu.memory_space<vmem>>, vector<1x16xf32>,
    %get3A_2920 = vector.shape_cast %get3A_2919 : vector<1x16xf32> to vector<16xf32>
    %add3A_2921 = arith.addf %add3A_2915, %get3A_2920 : vector<16xf32>
    %get3A_2922 = arith.constant 25 : i32
    %get3A_2923 = arith.index_cast %get3A_2922 : i32 to index
    %get3A_2924 = arith.constant 224 : index
    %get3A_2925 = tpu.vector_load %arg8[%get3A_2923, %get3A_2924] {strides = array<i32>} : memref<32x256xf32, #tpu.memory_space<vmem>>, vector<1x16xf32>,
    %get3A_2926 = vector.shape_cast %get3A_2925 : vector<1x16xf32> to vector<16xf32>
    %add3A_2927 = arith.addf %add3A_2921, %get3A_2926 : vector<16xf32>
    %get3A_2928 = arith.constant 26 : i32
    %get3A_2929 = arith.index_cast %get3A_2928 : i32 to index
    %get3A_2930 = arith.constant 224 : index
    %get3A_2931 = tpu.vector_load %arg8[%get3A_2929, %get3A_2930] {strides = array<i32>} : memref<32x256xf32, #tpu.memory_space<vmem>>, vector<1x16xf32>,
    %get3A_2932 = vector.shape_cast %get3A_2931 : vector<1x16xf32> to vector<16xf32>
    %add3A_2933 = arith.addf %add3A_2927, %get3A_2932 : vector<16xf32>
    %get3A_2934 = arith.constant 27 : i32
    %get3A_2935 = arith.index_cast %get3A_2934 : i32 to index
    %get3A_2936 = arith.constant 224 : index
    %get3A_2937 = tpu.vector_load %arg8[%get3A_2935, %get3A_2936] {strides = array<i32>} : memref<32x256xf32, #tpu.memory_space<vmem>>, vector<1x16xf32>,
    %get3A_2938 = vector.shape_cast %get3A_2937 : vector<1x16xf32> to vector<16xf32>
    %add3A_2939 = arith.addf %add3A_2933, %get3A_2938 : vector<16xf32>
    %get3A_2940 = arith.constant 28 : i32
    %get3A_2941 = arith.index_cast %get3A_2940 : i32 to index
    %get3A_2942 = arith.constant 224 : index
    %get3A_2943 = tpu.vector_load %arg8[%get3A_2941, %get3A_2942] {strides = array<i32>} : memref<32x256xf32, #tpu.memory_space<vmem>>, vector<1x16xf32>,
    %get3A_2944 = vector.shape_cast %get3A_2943 : vector<1x16xf32> to vector<16xf32>
    %add3A_2945 = arith.addf %add3A_2939, %get3A_2944 : vector<16xf32>
    %get3A_2946 = arith.constant 29 : i32
    %get3A_2947 = arith.index_cast %get3A_2946 : i32 to index
    %get3A_2948 = arith.constant 224 : index
    %get3A_2949 = tpu.vector_load %arg8[%get3A_2947, %get3A_2948] {strides = array<i32>} : memref<32x256xf32, #tpu.memory_space<vmem>>, vector<1x16xf32>,
    %get3A_2950 = vector.shape_cast %get3A_2949 : vector<1x16xf32> to vector<16xf32>
    %add3A_2951 = arith.addf %add3A_2945, %get3A_2950 : vector<16xf32>
    %get3A_2952 = arith.constant 30 : i32
    %get3A_2953 = arith.index_cast %get3A_2952 : i32 to index
    %get3A_2954 = arith.constant 224 : index
    %get3A_2955 = tpu.vector_load %arg8[%get3A_2953, %get3A_2954] {strides = array<i32>} : memref<32x256xf32, #tpu.memory_space<vmem>>, vector<1x16xf32>,
    %get3A_2956 = vector.shape_cast %get3A_2955 : vector<1x16xf32> to vector<16xf32>
    %add3A_2957 = arith.addf %add3A_2951, %get3A_2956 : vector<16xf32>
    %get3A_2958 = arith.constant 31 : i32
    %get3A_2959 = arith.index_cast %get3A_2958 : i32 to index
    %get3A_2960 = arith.constant 224 : index
    %get3A_2961 = tpu.vector_load %arg8[%get3A_2959, %get3A_2960] {strides = array<i32>} : memref<32x256xf32, #tpu.memory_space<vmem>>, vector<1x16xf32>,
    %get3A_2962 = vector.shape_cast %get3A_2961 : vector<1x16xf32> to vector<16xf32>
    %add3A_2963 = arith.addf %add3A_2957, %get3A_2962 : vector<16xf32>
    %swap3A_2964 = arith.constant 224 : index
    %swap3A_2965 = tpu.vector_load %arg9[%swap3A_2964] {strides = array<i32>} : memref<256xf32, #tpu.memory_space<vmem>>, vector<16xf32>,
    %swap3A_2966 = vector.shape_cast %swap3A_2965 : vector<16xf32> to vector<16xf32>
    %swap3A_2967 = vector.shape_cast %add3A_2963 : vector<16xf32> to vector<16xf32>
    tpu.vector_store %arg9[%swap3A_2964], %swap3A_2967 {strides = array<i32>} : memref<256xf32, #tpu.memory_space<vmem>>, vector<16xf32>,
    %get3A_2968 = arith.constant 0 : i32
    %get3A_2969 = arith.index_cast %get3A_2968 : i32 to index
    %get3A_2970 = arith.constant 240 : index
    %get3A_2971 = tpu.vector_load %arg8[%get3A_2969, %get3A_2970] {strides = array<i32>} : memref<32x256xf32, #tpu.memory_space<vmem>>, vector<1x16xf32>,
    %get3A_2972 = vector.shape_cast %get3A_2971 : vector<1x16xf32> to vector<16xf32>
    %get3A_2973 = arith.constant 1 : i32
    %get3A_2974 = arith.index_cast %get3A_2973 : i32 to index
    %get3A_2975 = arith.constant 240 : index
    %get3A_2976 = tpu.vector_load %arg8[%get3A_2974, %get3A_2975] {strides = array<i32>} : memref<32x256xf32, #tpu.memory_space<vmem>>, vector<1x16xf32>,
    %get3A_2977 = vector.shape_cast %get3A_2976 : vector<1x16xf32> to vector<16xf32>
    %add3A_2978 = arith.addf %get3A_2972, %get3A_2977 : vector<16xf32>
    %get3A_2979 = arith.constant 2 : i32
    %get3A_2980 = arith.index_cast %get3A_2979 : i32 to index
    %get3A_2981 = arith.constant 240 : index
    %get3A_2982 = tpu.vector_load %arg8[%get3A_2980, %get3A_2981] {strides = array<i32>} : memref<32x256xf32, #tpu.memory_space<vmem>>, vector<1x16xf32>,
    %get3A_2983 = vector.shape_cast %get3A_2982 : vector<1x16xf32> to vector<16xf32>
    %add3A_2984 = arith.addf %add3A_2978, %get3A_2983 : vector<16xf32>
    %get3A_2985 = arith.constant 3 : i32
    %get3A_2986 = arith.index_cast %get3A_2985 : i32 to index
    %get3A_2987 = arith.constant 240 : index
    %get3A_2988 = tpu.vector_load %arg8[%get3A_2986, %get3A_2987] {strides = array<i32>} : memref<32x256xf32, #tpu.memory_space<vmem>>, vector<1x16xf32>,
    %get3A_2989 = vector.shape_cast %get3A_2988 : vector<1x16xf32> to vector<16xf32>
    %add3A_2990 = arith.addf %add3A_2984, %get3A_2989 : vector<16xf32>
    %get3A_2991 = arith.constant 4 : i32
    %get3A_2992 = arith.index_cast %get3A_2991 : i32 to index
    %get3A_2993 = arith.constant 240 : index
    %get3A_2994 = tpu.vector_load %arg8[%get3A_2992, %get3A_2993] {strides = array<i32>} : memref<32x256xf32, #tpu.memory_space<vmem>>, vector<1x16xf32>,
    %get3A_2995 = vector.shape_cast %get3A_2994 : vector<1x16xf32> to vector<16xf32>
    %add3A_2996 = arith.addf %add3A_2990, %get3A_2995 : vector<16xf32>
    %get3A_2997 = arith.constant 5 : i32
    %get3A_2998 = arith.index_cast %get3A_2997 : i32 to index
    %get3A_2999 = arith.constant 240 : index
    %get3A_3000 = tpu.vector_load %arg8[%get3A_2998, %get3A_2999] {strides = array<i32>} : memref<32x256xf32, #tpu.memory_space<vmem>>, vector<1x16xf32>,
    %get3A_3001 = vector.shape_cast %get3A_3000 : vector<1x16xf32> to vector<16xf32>
    %add3A_3002 = arith.addf %add3A_2996, %get3A_3001 : vector<16xf32>
    %get3A_3003 = arith.constant 6 : i32
    %get3A_3004 = arith.index_cast %get3A_3003 : i32 to index
    %get3A_3005 = arith.constant 240 : index
    %get3A_3006 = tpu.vector_load %arg8[%get3A_3004, %get3A_3005] {strides = array<i32>} : memref<32x256xf32, #tpu.memory_space<vmem>>, vector<1x16xf32>,
    %get3A_3007 = vector.shape_cast %get3A_3006 : vector<1x16xf32> to vector<16xf32>
    %add3A_3008 = arith.addf %add3A_3002, %get3A_3007 : vector<16xf32>
    %get3A_3009 = arith.constant 7 : i32
    %get3A_3010 = arith.index_cast %get3A_3009 : i32 to index
    %get3A_3011 = arith.constant 240 : index
    %get3A_3012 = tpu.vector_load %arg8[%get3A_3010, %get3A_3011] {strides = array<i32>} : memref<32x256xf32, #tpu.memory_space<vmem>>, vector<1x16xf32>,
    %get3A_3013 = vector.shape_cast %get3A_3012 : vector<1x16xf32> to vector<16xf32>
    %add3A_3014 = arith.addf %add3A_3008, %get3A_3013 : vector<16xf32>
    %get3A_3015 = arith.constant 8 : i32
    %get3A_3016 = arith.index_cast %get3A_3015 : i32 to index
    %get3A_3017 = arith.constant 240 : index
    %get3A_3018 = tpu.vector_load %arg8[%get3A_3016, %get3A_3017] {strides = array<i32>} : memref<32x256xf32, #tpu.memory_space<vmem>>, vector<1x16xf32>,
    %get3A_3019 = vector.shape_cast %get3A_3018 : vector<1x16xf32> to vector<16xf32>
    %add3A_3020 = arith.addf %add3A_3014, %get3A_3019 : vector<16xf32>
    %get3A_3021 = arith.constant 9 : i32
    %get3A_3022 = arith.index_cast %get3A_3021 : i32 to index
    %get3A_3023 = arith.constant 240 : index
    %get3A_3024 = tpu.vector_load %arg8[%get3A_3022, %get3A_3023] {strides = array<i32>} : memref<32x256xf32, #tpu.memory_space<vmem>>, vector<1x16xf32>,
    %get3A_3025 = vector.shape_cast %get3A_3024 : vector<1x16xf32> to vector<16xf32>
    %add3A_3026 = arith.addf %add3A_3020, %get3A_3025 : vector<16xf32>
    %get3A_3027 = arith.constant 10 : i32
    %get3A_3028 = arith.index_cast %get3A_3027 : i32 to index
    %get3A_3029 = arith.constant 240 : index
    %get3A_3030 = tpu.vector_load %arg8[%get3A_3028, %get3A_3029] {strides = array<i32>} : memref<32x256xf32, #tpu.memory_space<vmem>>, vector<1x16xf32>,
    %get3A_3031 = vector.shape_cast %get3A_3030 : vector<1x16xf32> to vector<16xf32>
    %add3A_3032 = arith.addf %add3A_3026, %get3A_3031 : vector<16xf32>
    %get3A_3033 = arith.constant 11 : i32
    %get3A_3034 = arith.index_cast %get3A_3033 : i32 to index
    %get3A_3035 = arith.constant 240 : index
    %get3A_3036 = tpu.vector_load %arg8[%get3A_3034, %get3A_3035] {strides = array<i32>} : memref<32x256xf32, #tpu.memory_space<vmem>>, vector<1x16xf32>,
    %get3A_3037 = vector.shape_cast %get3A_3036 : vector<1x16xf32> to vector<16xf32>
    %add3A_3038 = arith.addf %add3A_3032, %get3A_3037 : vector<16xf32>
    %get3A_3039 = arith.constant 12 : i32
    %get3A_3040 = arith.index_cast %get3A_3039 : i32 to index
    %get3A_3041 = arith.constant 240 : index
    %get3A_3042 = tpu.vector_load %arg8[%get3A_3040, %get3A_3041] {strides = array<i32>} : memref<32x256xf32, #tpu.memory_space<vmem>>, vector<1x16xf32>,
    %get3A_3043 = vector.shape_cast %get3A_3042 : vector<1x16xf32> to vector<16xf32>
    %add3A_3044 = arith.addf %add3A_3038, %get3A_3043 : vector<16xf32>
    %get3A_3045 = arith.constant 13 : i32
    %get3A_3046 = arith.index_cast %get3A_3045 : i32 to index
    %get3A_3047 = arith.constant 240 : index
    %get3A_3048 = tpu.vector_load %arg8[%get3A_3046, %get3A_3047] {strides = array<i32>} : memref<32x256xf32, #tpu.memory_space<vmem>>, vector<1x16xf32>,
    %get3A_3049 = vector.shape_cast %get3A_3048 : vector<1x16xf32> to vector<16xf32>
    %add3A_3050 = arith.addf %add3A_3044, %get3A_3049 : vector<16xf32>
    %get3A_3051 = arith.constant 14 : i32
    %get3A_3052 = arith.index_cast %get3A_3051 : i32 to index
    %get3A_3053 = arith.constant 240 : index
    %get3A_3054 = tpu.vector_load %arg8[%get3A_3052, %get3A_3053] {strides = array<i32>} : memref<32x256xf32, #tpu.memory_space<vmem>>, vector<1x16xf32>,
    %get3A_3055 = vector.shape_cast %get3A_3054 : vector<1x16xf32> to vector<16xf32>
    %add3A_3056 = arith.addf %add3A_3050, %get3A_3055 : vector<16xf32>
    %get3A_3057 = arith.constant 15 : i32
    %get3A_3058 = arith.index_cast %get3A_3057 : i32 to index
    %get3A_3059 = arith.constant 240 : index
    %get3A_3060 = tpu.vector_load %arg8[%get3A_3058, %get3A_3059] {strides = array<i32>} : memref<32x256xf32, #tpu.memory_space<vmem>>, vector<1x16xf32>,
    %get3A_3061 = vector.shape_cast %get3A_3060 : vector<1x16xf32> to vector<16xf32>
    %add3A_3062 = arith.addf %add3A_3056, %get3A_3061 : vector<16xf32>
    %get3A_3063 = arith.constant 16 : i32
    %get3A_3064 = arith.index_cast %get3A_3063 : i32 to index
    %get3A_3065 = arith.constant 240 : index
    %get3A_3066 = tpu.vector_load %arg8[%get3A_3064, %get3A_3065] {strides = array<i32>} : memref<32x256xf32, #tpu.memory_space<vmem>>, vector<1x16xf32>,
    %get3A_3067 = vector.shape_cast %get3A_3066 : vector<1x16xf32> to vector<16xf32>
    %add3A_3068 = arith.addf %add3A_3062, %get3A_3067 : vector<16xf32>
    %get3A_3069 = arith.constant 17 : i32
    %get3A_3070 = arith.index_cast %get3A_3069 : i32 to index
    %get3A_3071 = arith.constant 240 : index
    %get3A_3072 = tpu.vector_load %arg8[%get3A_3070, %get3A_3071] {strides = array<i32>} : memref<32x256xf32, #tpu.memory_space<vmem>>, vector<1x16xf32>,
    %get3A_3073 = vector.shape_cast %get3A_3072 : vector<1x16xf32> to vector<16xf32>
    %add3A_3074 = arith.addf %add3A_3068, %get3A_3073 : vector<16xf32>
    %get3A_3075 = arith.constant 18 : i32
    %get3A_3076 = arith.index_cast %get3A_3075 : i32 to index
    %get3A_3077 = arith.constant 240 : index
    %get3A_3078 = tpu.vector_load %arg8[%get3A_3076, %get3A_3077] {strides = array<i32>} : memref<32x256xf32, #tpu.memory_space<vmem>>, vector<1x16xf32>,
    %get3A_3079 = vector.shape_cast %get3A_3078 : vector<1x16xf32> to vector<16xf32>
    %add3A_3080 = arith.addf %add3A_3074, %get3A_3079 : vector<16xf32>
    %get3A_3081 = arith.constant 19 : i32
    %get3A_3082 = arith.index_cast %get3A_3081 : i32 to index
    %get3A_3083 = arith.constant 240 : index
    %get3A_3084 = tpu.vector_load %arg8[%get3A_3082, %get3A_3083] {strides = array<i32>} : memref<32x256xf32, #tpu.memory_space<vmem>>, vector<1x16xf32>,
    %get3A_3085 = vector.shape_cast %get3A_3084 : vector<1x16xf32> to vector<16xf32>
    %add3A_3086 = arith.addf %add3A_3080, %get3A_3085 : vector<16xf32>
    %get3A_3087 = arith.constant 20 : i32
    %get3A_3088 = arith.index_cast %get3A_3087 : i32 to index
    %get3A_3089 = arith.constant 240 : index
    %get3A_3090 = tpu.vector_load %arg8[%get3A_3088, %get3A_3089] {strides = array<i32>} : memref<32x256xf32, #tpu.memory_space<vmem>>, vector<1x16xf32>,
    %get3A_3091 = vector.shape_cast %get3A_3090 : vector<1x16xf32> to vector<16xf32>
    %add3A_3092 = arith.addf %add3A_3086, %get3A_3091 : vector<16xf32>
    %get3A_3093 = arith.constant 21 : i32
    %get3A_3094 = arith.index_cast %get3A_3093 : i32 to index
    %get3A_3095 = arith.constant 240 : index
    %get3A_3096 = tpu.vector_load %arg8[%get3A_3094, %get3A_3095] {strides = array<i32>} : memref<32x256xf32, #tpu.memory_space<vmem>>, vector<1x16xf32>,
    %get3A_3097 = vector.shape_cast %get3A_3096 : vector<1x16xf32> to vector<16xf32>
    %add3A_3098 = arith.addf %add3A_3092, %get3A_3097 : vector<16xf32>
    %get3A_3099 = arith.constant 22 : i32
    %get3A_3100 = arith.index_cast %get3A_3099 : i32 to index
    %get3A_3101 = arith.constant 240 : index
    %get3A_3102 = tpu.vector_load %arg8[%get3A_3100, %get3A_3101] {strides = array<i32>} : memref<32x256xf32, #tpu.memory_space<vmem>>, vector<1x16xf32>,
    %get3A_3103 = vector.shape_cast %get3A_3102 : vector<1x16xf32> to vector<16xf32>
    %add3A_3104 = arith.addf %add3A_3098, %get3A_3103 : vector<16xf32>
    %get3A_3105 = arith.constant 23 : i32
    %get3A_3106 = arith.index_cast %get3A_3105 : i32 to index
    %get3A_3107 = arith.constant 240 : index
    %get3A_3108 = tpu.vector_load %arg8[%get3A_3106, %get3A_3107] {strides = array<i32>} : memref<32x256xf32, #tpu.memory_space<vmem>>, vector<1x16xf32>,
    %get3A_3109 = vector.shape_cast %get3A_3108 : vector<1x16xf32> to vector<16xf32>
    %add3A_3110 = arith.addf %add3A_3104, %get3A_3109 : vector<16xf32>
    %get3A_3111 = arith.constant 24 : i32
    %get3A_3112 = arith.index_cast %get3A_3111 : i32 to index
    %get3A_3113 = arith.constant 240 : index
    %get3A_3114 = tpu.vector_load %arg8[%get3A_3112, %get3A_3113] {strides = array<i32>} : memref<32x256xf32, #tpu.memory_space<vmem>>, vector<1x16xf32>,
    %get3A_3115 = vector.shape_cast %get3A_3114 : vector<1x16xf32> to vector<16xf32>
    %add3A_3116 = arith.addf %add3A_3110, %get3A_3115 : vector<16xf32>
    %get3A_3117 = arith.constant 25 : i32
    %get3A_3118 = arith.index_cast %get3A_3117 : i32 to index
    %get3A_3119 = arith.constant 240 : index
    %get3A_3120 = tpu.vector_load %arg8[%get3A_3118, %get3A_3119] {strides = array<i32>} : memref<32x256xf32, #tpu.memory_space<vmem>>, vector<1x16xf32>,
    %get3A_3121 = vector.shape_cast %get3A_3120 : vector<1x16xf32> to vector<16xf32>
    %add3A_3122 = arith.addf %add3A_3116, %get3A_3121 : vector<16xf32>
    %get3A_3123 = arith.constant 26 : i32
    %get3A_3124 = arith.index_cast %get3A_3123 : i32 to index
    %get3A_3125 = arith.constant 240 : index
    %get3A_3126 = tpu.vector_load %arg8[%get3A_3124, %get3A_3125] {strides = array<i32>} : memref<32x256xf32, #tpu.memory_space<vmem>>, vector<1x16xf32>,
    %get3A_3127 = vector.shape_cast %get3A_3126 : vector<1x16xf32> to vector<16xf32>
    %add3A_3128 = arith.addf %add3A_3122, %get3A_3127 : vector<16xf32>
    %get3A_3129 = arith.constant 27 : i32
    %get3A_3130 = arith.index_cast %get3A_3129 : i32 to index
    %get3A_3131 = arith.constant 240 : index
    %get3A_3132 = tpu.vector_load %arg8[%get3A_3130, %get3A_3131] {strides = array<i32>} : memref<32x256xf32, #tpu.memory_space<vmem>>, vector<1x16xf32>,
    %get3A_3133 = vector.shape_cast %get3A_3132 : vector<1x16xf32> to vector<16xf32>
    %add3A_3134 = arith.addf %add3A_3128, %get3A_3133 : vector<16xf32>
    %get3A_3135 = arith.constant 28 : i32
    %get3A_3136 = arith.index_cast %get3A_3135 : i32 to index
    %get3A_3137 = arith.constant 240 : index
    %get3A_3138 = tpu.vector_load %arg8[%get3A_3136, %get3A_3137] {strides = array<i32>} : memref<32x256xf32, #tpu.memory_space<vmem>>, vector<1x16xf32>,
    %get3A_3139 = vector.shape_cast %get3A_3138 : vector<1x16xf32> to vector<16xf32>
    %add3A_3140 = arith.addf %add3A_3134, %get3A_3139 : vector<16xf32>
    %get3A_3141 = arith.constant 29 : i32
    %get3A_3142 = arith.index_cast %get3A_3141 : i32 to index
    %get3A_3143 = arith.constant 240 : index
    %get3A_3144 = tpu.vector_load %arg8[%get3A_3142, %get3A_3143] {strides = array<i32>} : memref<32x256xf32, #tpu.memory_space<vmem>>, vector<1x16xf32>,
    %get3A_3145 = vector.shape_cast %get3A_3144 : vector<1x16xf32> to vector<16xf32>
    %add3A_3146 = arith.addf %add3A_3140, %get3A_3145 : vector<16xf32>
    %get3A_3147 = arith.constant 30 : i32
    %get3A_3148 = arith.index_cast %get3A_3147 : i32 to index
    %get3A_3149 = arith.constant 240 : index
    %get3A_3150 = tpu.vector_load %arg8[%get3A_3148, %get3A_3149] {strides = array<i32>} : memref<32x256xf32, #tpu.memory_space<vmem>>, vector<1x16xf32>,
    %get3A_3151 = vector.shape_cast %get3A_3150 : vector<1x16xf32> to vector<16xf32>
    %add3A_3152 = arith.addf %add3A_3146, %get3A_3151 : vector<16xf32>
    %get3A_3153 = arith.constant 31 : i32
    %get3A_3154 = arith.index_cast %get3A_3153 : i32 to index
    %get3A_3155 = arith.constant 240 : index
    %get3A_3156 = tpu.vector_load %arg8[%get3A_3154, %get3A_3155] {strides = array<i32>} : memref<32x256xf32, #tpu.memory_space<vmem>>, vector<1x16xf32>,
    %get3A_3157 = vector.shape_cast %get3A_3156 : vector<1x16xf32> to vector<16xf32>
    %add3A_3158 = arith.addf %add3A_3152, %get3A_3157 : vector<16xf32>
    %swap3A_3159 = arith.constant 240 : index
    %swap3A_3160 = tpu.vector_load %arg9[%swap3A_3159] {strides = array<i32>} : memref<256xf32, #tpu.memory_space<vmem>>, vector<16xf32>,
    %swap3A_3161 = vector.shape_cast %swap3A_3160 : vector<16xf32> to vector<16xf32>
    %swap3A_3162 = vector.shape_cast %add3A_3158 : vector<16xf32> to vector<16xf32>
    tpu.vector_store %arg9[%swap3A_3159], %swap3A_3162 {strides = array<i32>} : memref<256xf32, #tpu.memory_space<vmem>>, vector<16xf32>,
    "tpu.region"() ({
      %run_scoped3A = tpu.sem_alloc : memref<!tpu.dma_semaphore, #tpu.memory_space<semaphore_mem>>
      %dma_start3A_3166 = arith.constant 0 : i32
      %dma_start3A_3167 = tpu.memref_slice %arg13[%add3A_33, %dma_start3A_3166] : memref<32x256xf32, #tpu.memory_space<vmem_shared>> -> memref<1x256xf32, #tpu.memory_space<vmem_shared>>
      %dma_start3A_3168 = tpu.memref_squeeze %dma_start3A_3167 : memref<1x256xf32, #tpu.memory_space<vmem_shared>> -> memref<256xf32, #tpu.memory_space<vmem_shared>>
      %dma_start3A_3169 = arith.constant 0 : i32
      %dma_start3A_3170 = tpu.memref_slice %arg13[%add3A_33, %dma_start3A_3169] : memref<32x256xf32, #tpu.memory_space<vmem_shared>> -> memref<1x256xf32, #tpu.memory_space<vmem_shared>>
      %dma_start3A_3171 = tpu.memref_squeeze %dma_start3A_3170 : memref<1x256xf32, #tpu.memory_space<vmem_shared>> -> memref<256xf32, #tpu.memory_space<vmem_shared>>
      tpu.enqueue_dma source(%arg9 : memref<256xf32, #tpu.memory_space<vmem>>) target(%dma_start3A_3171 : memref<256xf32, #tpu.memory_space<vmem_shared>>) target_semaphore(%run_scoped3A : memref<!tpu.dma_semaphore, #tpu.memory_space<semaphore_mem>>)
      %dma_wait3A_3172 = arith.constant 0 : i32
      %dma_wait3A_3173 = tpu.memref_slice %arg13[%add3A_33, %dma_wait3A_3172] : memref<32x256xf32, #tpu.memory_space<vmem_shared>> -> memref<1x256xf32, #tpu.memory_space<vmem_shared>>
      %dma_wait3A_3174 = tpu.memref_squeeze %dma_wait3A_3173 : memref<1x256xf32, #tpu.memory_space<vmem_shared>> -> memref<256xf32, #tpu.memory_space<vmem_shared>>
      %dma_wait3A_3175 = arith.constant 0 : i32
      %dma_wait3A_3176 = tpu.memref_slice %arg13[%add3A_33, %dma_wait3A_3175] : memref<32x256xf32, #tpu.memory_space<vmem_shared>> -> memref<1x256xf32, #tpu.memory_space<vmem_shared>>
      %dma_wait3A_3177 = tpu.memref_squeeze %dma_wait3A_3176 : memref<1x256xf32, #tpu.memory_space<vmem_shared>> -> memref<256xf32, #tpu.memory_space<vmem_shared>>
      tpu.wait_dma2 semaphore(%run_scoped3A : memref<!tpu.dma_semaphore, #tpu.memory_space<semaphore_mem>>) src(%arg9 : memref<256xf32, #tpu.memory_space<vmem>>) dst(%dma_wait3A_3177 : memref<256xf32, #tpu.memory_space<vmem_shared>>)
      tpu.yield
    }) : () -> ()
    %barrier3A = arith.constant 0 : index
    tpu.barrier barrier_id(%barrier3A)
    %eq3A_3163 = arith.constant 0 : i32
    %eq3A_3164 = arith.cmpi eq, %select_n3A_30, %eq3A_3163 : i32
    %convert_element_type3A = arith.extui %eq3A_3164 : i1 to i32
    %cond3A = arith.constant 0 : i32
    %cond3A_3165 = arith.cmpi ne, %convert_element_type3A, %cond3A : i32
    scf.if %cond3A_3165 {
      %add3A_3166 = arith.constant 1 : i32
      %add3A_3167 = arith.addi %add3A_33, %add3A_3166 : i32
      "tpu.region"() ({
        %run_scoped3A = tpu.sem_alloc : memref<!tpu.dma_semaphore, #tpu.memory_space<semaphore_mem>>
        %dma_start3A_3490 = arith.constant 0 : i32
        %dma_start3A_3491 = tpu.memref_slice %arg13[%add3A_3167, %dma_start3A_3490] : memref<32x256xf32, #tpu.memory_space<vmem_shared>> -> memref<1x256xf32, #tpu.memory_space<vmem_shared>>
        %dma_start3A_3492 = tpu.memref_squeeze %dma_start3A_3491 : memref<1x256xf32, #tpu.memory_space<vmem_shared>> -> memref<256xf32, #tpu.memory_space<vmem_shared>>
        %dma_start3A_3493 = arith.constant 0 : i32
        %dma_start3A_3494 = tpu.memref_slice %arg13[%add3A_3167, %dma_start3A_3493] : memref<32x256xf32, #tpu.memory_space<vmem_shared>> -> memref<1x256xf32, #tpu.memory_space<vmem_shared>>
        %dma_start3A_3495 = tpu.memref_squeeze %dma_start3A_3494 : memref<1x256xf32, #tpu.memory_space<vmem_shared>> -> memref<256xf32, #tpu.memory_space<vmem_shared>>
        tpu.enqueue_dma source(%dma_start3A_3495 : memref<256xf32, #tpu.memory_space<vmem_shared>>) target(%arg10 : memref<256xf32, #tpu.memory_space<vmem>>) target_semaphore(%run_scoped3A : memref<!tpu.dma_semaphore, #tpu.memory_space<semaphore_mem>>)
        %dma_wait3A_3496 = arith.constant 0 : i32
        %dma_wait3A_3497 = tpu.memref_slice %arg13[%add3A_3167, %dma_wait3A_3496] : memref<32x256xf32, #tpu.memory_space<vmem_shared>> -> memref<1x256xf32, #tpu.memory_space<vmem_shared>>
        %dma_wait3A_3498 = tpu.memref_squeeze %dma_wait3A_3497 : memref<1x256xf32, #tpu.memory_space<vmem_shared>> -> memref<256xf32, #tpu.memory_space<vmem_shared>>
        %dma_wait3A_3499 = arith.constant 0 : i32
        %dma_wait3A_3500 = tpu.memref_slice %arg13[%add3A_3167, %dma_wait3A_3499] : memref<32x256xf32, #tpu.memory_space<vmem_shared>> -> memref<1x256xf32, #tpu.memory_space<vmem_shared>>
        %dma_wait3A_3501 = tpu.memref_squeeze %dma_wait3A_3500 : memref<1x256xf32, #tpu.memory_space<vmem_shared>> -> memref<256xf32, #tpu.memory_space<vmem_shared>>
        tpu.wait_dma2 semaphore(%run_scoped3A : memref<!tpu.dma_semaphore, #tpu.memory_space<semaphore_mem>>) src(%dma_wait3A_3501 : memref<256xf32, #tpu.memory_space<vmem_shared>>) dst(%arg10 : memref<256xf32, #tpu.memory_space<vmem>>)
        tpu.yield
      }) : () -> ()
      %mul3A_3168 = arith.constant 256 : i32
      %mul3A_3169 = arith.muli %add3A, %mul3A_3168 : i32
      "tpu.region"() ({
        %run_scoped3A = tpu.sem_alloc : memref<!tpu.dma_semaphore, #tpu.memory_space<semaphore_mem>>
        %dma_start3A_3490 = tpu.memref_slice %arg4[%mul3A_3169] : memref<4096xf32, #tpu.memory_space<hbm>> -> memref<256xf32, #tpu.memory_space<hbm>>
        %dma_start3A_3491 = tpu.memref_slice %arg4[%mul3A_3169] : memref<4096xf32, #tpu.memory_space<hbm>> -> memref<256xf32, #tpu.memory_space<hbm>>
        tpu.enqueue_dma source(%dma_start3A_3491 : memref<256xf32, #tpu.memory_space<hbm>>) target(%arg11 : memref<256xf32, #tpu.memory_space<vmem>>) target_semaphore(%run_scoped3A : memref<!tpu.dma_semaphore, #tpu.memory_space<semaphore_mem>>)
        %dma_wait3A_3492 = tpu.memref_slice %arg4[%mul3A_3169] : memref<4096xf32, #tpu.memory_space<hbm>> -> memref<256xf32, #tpu.memory_space<hbm>>
        %dma_wait3A_3493 = tpu.memref_slice %arg4[%mul3A_3169] : memref<4096xf32, #tpu.memory_space<hbm>> -> memref<256xf32, #tpu.memory_space<hbm>>
        tpu.wait_dma2 semaphore(%run_scoped3A : memref<!tpu.dma_semaphore, #tpu.memory_space<semaphore_mem>>) src(%dma_wait3A_3493 : memref<256xf32, #tpu.memory_space<hbm>>) dst(%arg11 : memref<256xf32, #tpu.memory_space<vmem>>)
        tpu.yield
      }) : () -> ()
      %get3A_3170 = arith.constant 0 : index
      %get3A_3171 = tpu.vector_load %arg11[%get3A_3170] {strides = array<i32>} : memref<256xf32, #tpu.memory_space<vmem>>, vector<16xf32>,
      %get3A_3172 = vector.shape_cast %get3A_3171 : vector<16xf32> to vector<16xf32>
      %get3A_3173 = arith.constant 0 : index
      %get3A_3174 = tpu.vector_load %arg9[%get3A_3173] {strides = array<i32>} : memref<256xf32, #tpu.memory_space<vmem>>, vector<16xf32>,
      %get3A_3175 = vector.shape_cast %get3A_3174 : vector<16xf32> to vector<16xf32>
      %sub3A_3176 = arith.subf %get3A_3172, %get3A_3175 : vector<16xf32>
      %get3A_3177 = arith.constant 0 : index
      %get3A_3178 = tpu.vector_load %arg10[%get3A_3177] {strides = array<i32>} : memref<256xf32, #tpu.memory_space<vmem>>, vector<16xf32>,
      %get3A_3179 = vector.shape_cast %get3A_3178 : vector<16xf32> to vector<16xf32>
      %sub3A_3180 = arith.subf %sub3A_3176, %get3A_3179 : vector<16xf32>
      %mul3A_3181 = arith.constant 1.23031496E-4 : f32
      %mul3A_3182 = vector.broadcast %mul3A_3181 : f32 to vector<16xf32>
      %mul3A_3183 = arith.mulf %sub3A_3180, %mul3A_3182 : vector<16xf32>
      %swap3A_3184 = arith.constant 0 : i32
      %swap3A_3185 = arith.index_cast %swap3A_3184 : i32 to index
      %swap3A_3186 = arith.constant 0 : index
      %swap3A_3187 = tpu.vector_load %arg12[%swap3A_3185, %swap3A_3186] {strides = array<i32>} : memref<1x256xf32, #tpu.memory_space<vmem>>, vector<1x16xf32>,
      %swap3A_3188 = vector.shape_cast %swap3A_3187 : vector<1x16xf32> to vector<16xf32>
      %swap3A_3189 = vector.shape_cast %mul3A_3183 : vector<16xf32> to vector<1x16xf32>
      tpu.vector_store %arg12[%swap3A_3185, %swap3A_3186], %swap3A_3189 {strides = array<i32>} : memref<1x256xf32, #tpu.memory_space<vmem>>, vector<1x16xf32>,
      %get3A_3190 = arith.constant 16 : index
      %get3A_3191 = tpu.vector_load %arg11[%get3A_3190] {strides = array<i32>} : memref<256xf32, #tpu.memory_space<vmem>>, vector<16xf32>,
      %get3A_3192 = vector.shape_cast %get3A_3191 : vector<16xf32> to vector<16xf32>
      %get3A_3193 = arith.constant 16 : index
      %get3A_3194 = tpu.vector_load %arg9[%get3A_3193] {strides = array<i32>} : memref<256xf32, #tpu.memory_space<vmem>>, vector<16xf32>,
      %get3A_3195 = vector.shape_cast %get3A_3194 : vector<16xf32> to vector<16xf32>
      %sub3A_3196 = arith.subf %get3A_3192, %get3A_3195 : vector<16xf32>
      %get3A_3197 = arith.constant 16 : index
      %get3A_3198 = tpu.vector_load %arg10[%get3A_3197] {strides = array<i32>} : memref<256xf32, #tpu.memory_space<vmem>>, vector<16xf32>,
      %get3A_3199 = vector.shape_cast %get3A_3198 : vector<16xf32> to vector<16xf32>
      %sub3A_3200 = arith.subf %sub3A_3196, %get3A_3199 : vector<16xf32>
      %mul3A_3201 = arith.constant 1.23031496E-4 : f32
      %mul3A_3202 = vector.broadcast %mul3A_3201 : f32 to vector<16xf32>
      %mul3A_3203 = arith.mulf %sub3A_3200, %mul3A_3202 : vector<16xf32>
      %swap3A_3204 = arith.constant 0 : i32
      %swap3A_3205 = arith.index_cast %swap3A_3204 : i32 to index
      %swap3A_3206 = arith.constant 16 : index
      %swap3A_3207 = tpu.vector_load %arg12[%swap3A_3205, %swap3A_3206] {strides = array<i32>} : memref<1x256xf32, #tpu.memory_space<vmem>>, vector<1x16xf32>,
      %swap3A_3208 = vector.shape_cast %swap3A_3207 : vector<1x16xf32> to vector<16xf32>
      %swap3A_3209 = vector.shape_cast %mul3A_3203 : vector<16xf32> to vector<1x16xf32>
      tpu.vector_store %arg12[%swap3A_3205, %swap3A_3206], %swap3A_3209 {strides = array<i32>} : memref<1x256xf32, #tpu.memory_space<vmem>>, vector<1x16xf32>,
      %get3A_3210 = arith.constant 32 : index
      %get3A_3211 = tpu.vector_load %arg11[%get3A_3210] {strides = array<i32>} : memref<256xf32, #tpu.memory_space<vmem>>, vector<16xf32>,
      %get3A_3212 = vector.shape_cast %get3A_3211 : vector<16xf32> to vector<16xf32>
      %get3A_3213 = arith.constant 32 : index
      %get3A_3214 = tpu.vector_load %arg9[%get3A_3213] {strides = array<i32>} : memref<256xf32, #tpu.memory_space<vmem>>, vector<16xf32>,
      %get3A_3215 = vector.shape_cast %get3A_3214 : vector<16xf32> to vector<16xf32>
      %sub3A_3216 = arith.subf %get3A_3212, %get3A_3215 : vector<16xf32>
      %get3A_3217 = arith.constant 32 : index
      %get3A_3218 = tpu.vector_load %arg10[%get3A_3217] {strides = array<i32>} : memref<256xf32, #tpu.memory_space<vmem>>, vector<16xf32>,
      %get3A_3219 = vector.shape_cast %get3A_3218 : vector<16xf32> to vector<16xf32>
      %sub3A_3220 = arith.subf %sub3A_3216, %get3A_3219 : vector<16xf32>
      %mul3A_3221 = arith.constant 1.23031496E-4 : f32
      %mul3A_3222 = vector.broadcast %mul3A_3221 : f32 to vector<16xf32>
      %mul3A_3223 = arith.mulf %sub3A_3220, %mul3A_3222 : vector<16xf32>
      %swap3A_3224 = arith.constant 0 : i32
      %swap3A_3225 = arith.index_cast %swap3A_3224 : i32 to index
      %swap3A_3226 = arith.constant 32 : index
      %swap3A_3227 = tpu.vector_load %arg12[%swap3A_3225, %swap3A_3226] {strides = array<i32>} : memref<1x256xf32, #tpu.memory_space<vmem>>, vector<1x16xf32>,
      %swap3A_3228 = vector.shape_cast %swap3A_3227 : vector<1x16xf32> to vector<16xf32>
      %swap3A_3229 = vector.shape_cast %mul3A_3223 : vector<16xf32> to vector<1x16xf32>
      tpu.vector_store %arg12[%swap3A_3225, %swap3A_3226], %swap3A_3229 {strides = array<i32>} : memref<1x256xf32, #tpu.memory_space<vmem>>, vector<1x16xf32>,
      %get3A_3230 = arith.constant 48 : index
      %get3A_3231 = tpu.vector_load %arg11[%get3A_3230] {strides = array<i32>} : memref<256xf32, #tpu.memory_space<vmem>>, vector<16xf32>,
      %get3A_3232 = vector.shape_cast %get3A_3231 : vector<16xf32> to vector<16xf32>
      %get3A_3233 = arith.constant 48 : index
      %get3A_3234 = tpu.vector_load %arg9[%get3A_3233] {strides = array<i32>} : memref<256xf32, #tpu.memory_space<vmem>>, vector<16xf32>,
      %get3A_3235 = vector.shape_cast %get3A_3234 : vector<16xf32> to vector<16xf32>
      %sub3A_3236 = arith.subf %get3A_3232, %get3A_3235 : vector<16xf32>
      %get3A_3237 = arith.constant 48 : index
      %get3A_3238 = tpu.vector_load %arg10[%get3A_3237] {strides = array<i32>} : memref<256xf32, #tpu.memory_space<vmem>>, vector<16xf32>,
      %get3A_3239 = vector.shape_cast %get3A_3238 : vector<16xf32> to vector<16xf32>
      %sub3A_3240 = arith.subf %sub3A_3236, %get3A_3239 : vector<16xf32>
      %mul3A_3241 = arith.constant 1.23031496E-4 : f32
      %mul3A_3242 = vector.broadcast %mul3A_3241 : f32 to vector<16xf32>
      %mul3A_3243 = arith.mulf %sub3A_3240, %mul3A_3242 : vector<16xf32>
      %swap3A_3244 = arith.constant 0 : i32
      %swap3A_3245 = arith.index_cast %swap3A_3244 : i32 to index
      %swap3A_3246 = arith.constant 48 : index
      %swap3A_3247 = tpu.vector_load %arg12[%swap3A_3245, %swap3A_3246] {strides = array<i32>} : memref<1x256xf32, #tpu.memory_space<vmem>>, vector<1x16xf32>,
      %swap3A_3248 = vector.shape_cast %swap3A_3247 : vector<1x16xf32> to vector<16xf32>
      %swap3A_3249 = vector.shape_cast %mul3A_3243 : vector<16xf32> to vector<1x16xf32>
      tpu.vector_store %arg12[%swap3A_3245, %swap3A_3246], %swap3A_3249 {strides = array<i32>} : memref<1x256xf32, #tpu.memory_space<vmem>>, vector<1x16xf32>,
      %get3A_3250 = arith.constant 64 : index
      %get3A_3251 = tpu.vector_load %arg11[%get3A_3250] {strides = array<i32>} : memref<256xf32, #tpu.memory_space<vmem>>, vector<16xf32>,
      %get3A_3252 = vector.shape_cast %get3A_3251 : vector<16xf32> to vector<16xf32>
      %get3A_3253 = arith.constant 64 : index
      %get3A_3254 = tpu.vector_load %arg9[%get3A_3253] {strides = array<i32>} : memref<256xf32, #tpu.memory_space<vmem>>, vector<16xf32>,
      %get3A_3255 = vector.shape_cast %get3A_3254 : vector<16xf32> to vector<16xf32>
      %sub3A_3256 = arith.subf %get3A_3252, %get3A_3255 : vector<16xf32>
      %get3A_3257 = arith.constant 64 : index
      %get3A_3258 = tpu.vector_load %arg10[%get3A_3257] {strides = array<i32>} : memref<256xf32, #tpu.memory_space<vmem>>, vector<16xf32>,
      %get3A_3259 = vector.shape_cast %get3A_3258 : vector<16xf32> to vector<16xf32>
      %sub3A_3260 = arith.subf %sub3A_3256, %get3A_3259 : vector<16xf32>
      %mul3A_3261 = arith.constant 1.23031496E-4 : f32
      %mul3A_3262 = vector.broadcast %mul3A_3261 : f32 to vector<16xf32>
      %mul3A_3263 = arith.mulf %sub3A_3260, %mul3A_3262 : vector<16xf32>
      %swap3A_3264 = arith.constant 0 : i32
      %swap3A_3265 = arith.index_cast %swap3A_3264 : i32 to index
      %swap3A_3266 = arith.constant 64 : index
      %swap3A_3267 = tpu.vector_load %arg12[%swap3A_3265, %swap3A_3266] {strides = array<i32>} : memref<1x256xf32, #tpu.memory_space<vmem>>, vector<1x16xf32>,
      %swap3A_3268 = vector.shape_cast %swap3A_3267 : vector<1x16xf32> to vector<16xf32>
      %swap3A_3269 = vector.shape_cast %mul3A_3263 : vector<16xf32> to vector<1x16xf32>
      tpu.vector_store %arg12[%swap3A_3265, %swap3A_3266], %swap3A_3269 {strides = array<i32>} : memref<1x256xf32, #tpu.memory_space<vmem>>, vector<1x16xf32>,
      %get3A_3270 = arith.constant 80 : index
      %get3A_3271 = tpu.vector_load %arg11[%get3A_3270] {strides = array<i32>} : memref<256xf32, #tpu.memory_space<vmem>>, vector<16xf32>,
      %get3A_3272 = vector.shape_cast %get3A_3271 : vector<16xf32> to vector<16xf32>
      %get3A_3273 = arith.constant 80 : index
      %get3A_3274 = tpu.vector_load %arg9[%get3A_3273] {strides = array<i32>} : memref<256xf32, #tpu.memory_space<vmem>>, vector<16xf32>,
      %get3A_3275 = vector.shape_cast %get3A_3274 : vector<16xf32> to vector<16xf32>
      %sub3A_3276 = arith.subf %get3A_3272, %get3A_3275 : vector<16xf32>
      %get3A_3277 = arith.constant 80 : index
      %get3A_3278 = tpu.vector_load %arg10[%get3A_3277] {strides = array<i32>} : memref<256xf32, #tpu.memory_space<vmem>>, vector<16xf32>,
      %get3A_3279 = vector.shape_cast %get3A_3278 : vector<16xf32> to vector<16xf32>
      %sub3A_3280 = arith.subf %sub3A_3276, %get3A_3279 : vector<16xf32>
      %mul3A_3281 = arith.constant 1.23031496E-4 : f32
      %mul3A_3282 = vector.broadcast %mul3A_3281 : f32 to vector<16xf32>
      %mul3A_3283 = arith.mulf %sub3A_3280, %mul3A_3282 : vector<16xf32>
      %swap3A_3284 = arith.constant 0 : i32
      %swap3A_3285 = arith.index_cast %swap3A_3284 : i32 to index
      %swap3A_3286 = arith.constant 80 : index
      %swap3A_3287 = tpu.vector_load %arg12[%swap3A_3285, %swap3A_3286] {strides = array<i32>} : memref<1x256xf32, #tpu.memory_space<vmem>>, vector<1x16xf32>,
      %swap3A_3288 = vector.shape_cast %swap3A_3287 : vector<1x16xf32> to vector<16xf32>
      %swap3A_3289 = vector.shape_cast %mul3A_3283 : vector<16xf32> to vector<1x16xf32>
      tpu.vector_store %arg12[%swap3A_3285, %swap3A_3286], %swap3A_3289 {strides = array<i32>} : memref<1x256xf32, #tpu.memory_space<vmem>>, vector<1x16xf32>,
      %get3A_3290 = arith.constant 96 : index
      %get3A_3291 = tpu.vector_load %arg11[%get3A_3290] {strides = array<i32>} : memref<256xf32, #tpu.memory_space<vmem>>, vector<16xf32>,
      %get3A_3292 = vector.shape_cast %get3A_3291 : vector<16xf32> to vector<16xf32>
      %get3A_3293 = arith.constant 96 : index
      %get3A_3294 = tpu.vector_load %arg9[%get3A_3293] {strides = array<i32>} : memref<256xf32, #tpu.memory_space<vmem>>, vector<16xf32>,
      %get3A_3295 = vector.shape_cast %get3A_3294 : vector<16xf32> to vector<16xf32>
      %sub3A_3296 = arith.subf %get3A_3292, %get3A_3295 : vector<16xf32>
      %get3A_3297 = arith.constant 96 : index
      %get3A_3298 = tpu.vector_load %arg10[%get3A_3297] {strides = array<i32>} : memref<256xf32, #tpu.memory_space<vmem>>, vector<16xf32>,
      %get3A_3299 = vector.shape_cast %get3A_3298 : vector<16xf32> to vector<16xf32>
      %sub3A_3300 = arith.subf %sub3A_3296, %get3A_3299 : vector<16xf32>
      %mul3A_3301 = arith.constant 1.23031496E-4 : f32
      %mul3A_3302 = vector.broadcast %mul3A_3301 : f32 to vector<16xf32>
      %mul3A_3303 = arith.mulf %sub3A_3300, %mul3A_3302 : vector<16xf32>
      %swap3A_3304 = arith.constant 0 : i32
      %swap3A_3305 = arith.index_cast %swap3A_3304 : i32 to index
      %swap3A_3306 = arith.constant 96 : index
      %swap3A_3307 = tpu.vector_load %arg12[%swap3A_3305, %swap3A_3306] {strides = array<i32>} : memref<1x256xf32, #tpu.memory_space<vmem>>, vector<1x16xf32>,
      %swap3A_3308 = vector.shape_cast %swap3A_3307 : vector<1x16xf32> to vector<16xf32>
      %swap3A_3309 = vector.shape_cast %mul3A_3303 : vector<16xf32> to vector<1x16xf32>
      tpu.vector_store %arg12[%swap3A_3305, %swap3A_3306], %swap3A_3309 {strides = array<i32>} : memref<1x256xf32, #tpu.memory_space<vmem>>, vector<1x16xf32>,
      %get3A_3310 = arith.constant 112 : index
      %get3A_3311 = tpu.vector_load %arg11[%get3A_3310] {strides = array<i32>} : memref<256xf32, #tpu.memory_space<vmem>>, vector<16xf32>,
      %get3A_3312 = vector.shape_cast %get3A_3311 : vector<16xf32> to vector<16xf32>
      %get3A_3313 = arith.constant 112 : index
      %get3A_3314 = tpu.vector_load %arg9[%get3A_3313] {strides = array<i32>} : memref<256xf32, #tpu.memory_space<vmem>>, vector<16xf32>,
      %get3A_3315 = vector.shape_cast %get3A_3314 : vector<16xf32> to vector<16xf32>
      %sub3A_3316 = arith.subf %get3A_3312, %get3A_3315 : vector<16xf32>
      %get3A_3317 = arith.constant 112 : index
      %get3A_3318 = tpu.vector_load %arg10[%get3A_3317] {strides = array<i32>} : memref<256xf32, #tpu.memory_space<vmem>>, vector<16xf32>,
      %get3A_3319 = vector.shape_cast %get3A_3318 : vector<16xf32> to vector<16xf32>
      %sub3A_3320 = arith.subf %sub3A_3316, %get3A_3319 : vector<16xf32>
      %mul3A_3321 = arith.constant 1.23031496E-4 : f32
      %mul3A_3322 = vector.broadcast %mul3A_3321 : f32 to vector<16xf32>
      %mul3A_3323 = arith.mulf %sub3A_3320, %mul3A_3322 : vector<16xf32>
      %swap3A_3324 = arith.constant 0 : i32
      %swap3A_3325 = arith.index_cast %swap3A_3324 : i32 to index
      %swap3A_3326 = arith.constant 112 : index
      %swap3A_3327 = tpu.vector_load %arg12[%swap3A_3325, %swap3A_3326] {strides = array<i32>} : memref<1x256xf32, #tpu.memory_space<vmem>>, vector<1x16xf32>,
      %swap3A_3328 = vector.shape_cast %swap3A_3327 : vector<1x16xf32> to vector<16xf32>
      %swap3A_3329 = vector.shape_cast %mul3A_3323 : vector<16xf32> to vector<1x16xf32>
      tpu.vector_store %arg12[%swap3A_3325, %swap3A_3326], %swap3A_3329 {strides = array<i32>} : memref<1x256xf32, #tpu.memory_space<vmem>>, vector<1x16xf32>,
      %get3A_3330 = arith.constant 128 : index
      %get3A_3331 = tpu.vector_load %arg11[%get3A_3330] {strides = array<i32>} : memref<256xf32, #tpu.memory_space<vmem>>, vector<16xf32>,
      %get3A_3332 = vector.shape_cast %get3A_3331 : vector<16xf32> to vector<16xf32>
      %get3A_3333 = arith.constant 128 : index
      %get3A_3334 = tpu.vector_load %arg9[%get3A_3333] {strides = array<i32>} : memref<256xf32, #tpu.memory_space<vmem>>, vector<16xf32>,
      %get3A_3335 = vector.shape_cast %get3A_3334 : vector<16xf32> to vector<16xf32>
      %sub3A_3336 = arith.subf %get3A_3332, %get3A_3335 : vector<16xf32>
      %get3A_3337 = arith.constant 128 : index
      %get3A_3338 = tpu.vector_load %arg10[%get3A_3337] {strides = array<i32>} : memref<256xf32, #tpu.memory_space<vmem>>, vector<16xf32>,
      %get3A_3339 = vector.shape_cast %get3A_3338 : vector<16xf32> to vector<16xf32>
      %sub3A_3340 = arith.subf %sub3A_3336, %get3A_3339 : vector<16xf32>
      %mul3A_3341 = arith.constant 1.23031496E-4 : f32
      %mul3A_3342 = vector.broadcast %mul3A_3341 : f32 to vector<16xf32>
      %mul3A_3343 = arith.mulf %sub3A_3340, %mul3A_3342 : vector<16xf32>
      %swap3A_3344 = arith.constant 0 : i32
      %swap3A_3345 = arith.index_cast %swap3A_3344 : i32 to index
      %swap3A_3346 = arith.constant 128 : index
      %swap3A_3347 = tpu.vector_load %arg12[%swap3A_3345, %swap3A_3346] {strides = array<i32>} : memref<1x256xf32, #tpu.memory_space<vmem>>, vector<1x16xf32>,
      %swap3A_3348 = vector.shape_cast %swap3A_3347 : vector<1x16xf32> to vector<16xf32>
      %swap3A_3349 = vector.shape_cast %mul3A_3343 : vector<16xf32> to vector<1x16xf32>
      tpu.vector_store %arg12[%swap3A_3345, %swap3A_3346], %swap3A_3349 {strides = array<i32>} : memref<1x256xf32, #tpu.memory_space<vmem>>, vector<1x16xf32>,
      %get3A_3350 = arith.constant 144 : index
      %get3A_3351 = tpu.vector_load %arg11[%get3A_3350] {strides = array<i32>} : memref<256xf32, #tpu.memory_space<vmem>>, vector<16xf32>,
      %get3A_3352 = vector.shape_cast %get3A_3351 : vector<16xf32> to vector<16xf32>
      %get3A_3353 = arith.constant 144 : index
      %get3A_3354 = tpu.vector_load %arg9[%get3A_3353] {strides = array<i32>} : memref<256xf32, #tpu.memory_space<vmem>>, vector<16xf32>,
      %get3A_3355 = vector.shape_cast %get3A_3354 : vector<16xf32> to vector<16xf32>
      %sub3A_3356 = arith.subf %get3A_3352, %get3A_3355 : vector<16xf32>
      %get3A_3357 = arith.constant 144 : index
      %get3A_3358 = tpu.vector_load %arg10[%get3A_3357] {strides = array<i32>} : memref<256xf32, #tpu.memory_space<vmem>>, vector<16xf32>,
      %get3A_3359 = vector.shape_cast %get3A_3358 : vector<16xf32> to vector<16xf32>
      %sub3A_3360 = arith.subf %sub3A_3356, %get3A_3359 : vector<16xf32>
      %mul3A_3361 = arith.constant 1.23031496E-4 : f32
      %mul3A_3362 = vector.broadcast %mul3A_3361 : f32 to vector<16xf32>
      %mul3A_3363 = arith.mulf %sub3A_3360, %mul3A_3362 : vector<16xf32>
      %swap3A_3364 = arith.constant 0 : i32
      %swap3A_3365 = arith.index_cast %swap3A_3364 : i32 to index
      %swap3A_3366 = arith.constant 144 : index
      %swap3A_3367 = tpu.vector_load %arg12[%swap3A_3365, %swap3A_3366] {strides = array<i32>} : memref<1x256xf32, #tpu.memory_space<vmem>>, vector<1x16xf32>,
      %swap3A_3368 = vector.shape_cast %swap3A_3367 : vector<1x16xf32> to vector<16xf32>
      %swap3A_3369 = vector.shape_cast %mul3A_3363 : vector<16xf32> to vector<1x16xf32>
      tpu.vector_store %arg12[%swap3A_3365, %swap3A_3366], %swap3A_3369 {strides = array<i32>} : memref<1x256xf32, #tpu.memory_space<vmem>>, vector<1x16xf32>,
      %get3A_3370 = arith.constant 160 : index
      %get3A_3371 = tpu.vector_load %arg11[%get3A_3370] {strides = array<i32>} : memref<256xf32, #tpu.memory_space<vmem>>, vector<16xf32>,
      %get3A_3372 = vector.shape_cast %get3A_3371 : vector<16xf32> to vector<16xf32>
      %get3A_3373 = arith.constant 160 : index
      %get3A_3374 = tpu.vector_load %arg9[%get3A_3373] {strides = array<i32>} : memref<256xf32, #tpu.memory_space<vmem>>, vector<16xf32>,
      %get3A_3375 = vector.shape_cast %get3A_3374 : vector<16xf32> to vector<16xf32>
      %sub3A_3376 = arith.subf %get3A_3372, %get3A_3375 : vector<16xf32>
      %get3A_3377 = arith.constant 160 : index
      %get3A_3378 = tpu.vector_load %arg10[%get3A_3377] {strides = array<i32>} : memref<256xf32, #tpu.memory_space<vmem>>, vector<16xf32>,
      %get3A_3379 = vector.shape_cast %get3A_3378 : vector<16xf32> to vector<16xf32>
      %sub3A_3380 = arith.subf %sub3A_3376, %get3A_3379 : vector<16xf32>
      %mul3A_3381 = arith.constant 1.23031496E-4 : f32
      %mul3A_3382 = vector.broadcast %mul3A_3381 : f32 to vector<16xf32>
      %mul3A_3383 = arith.mulf %sub3A_3380, %mul3A_3382 : vector<16xf32>
      %swap3A_3384 = arith.constant 0 : i32
      %swap3A_3385 = arith.index_cast %swap3A_3384 : i32 to index
      %swap3A_3386 = arith.constant 160 : index
      %swap3A_3387 = tpu.vector_load %arg12[%swap3A_3385, %swap3A_3386] {strides = array<i32>} : memref<1x256xf32, #tpu.memory_space<vmem>>, vector<1x16xf32>,
      %swap3A_3388 = vector.shape_cast %swap3A_3387 : vector<1x16xf32> to vector<16xf32>
      %swap3A_3389 = vector.shape_cast %mul3A_3383 : vector<16xf32> to vector<1x16xf32>
      tpu.vector_store %arg12[%swap3A_3385, %swap3A_3386], %swap3A_3389 {strides = array<i32>} : memref<1x256xf32, #tpu.memory_space<vmem>>, vector<1x16xf32>,
      %get3A_3390 = arith.constant 176 : index
      %get3A_3391 = tpu.vector_load %arg11[%get3A_3390] {strides = array<i32>} : memref<256xf32, #tpu.memory_space<vmem>>, vector<16xf32>,
      %get3A_3392 = vector.shape_cast %get3A_3391 : vector<16xf32> to vector<16xf32>
      %get3A_3393 = arith.constant 176 : index
      %get3A_3394 = tpu.vector_load %arg9[%get3A_3393] {strides = array<i32>} : memref<256xf32, #tpu.memory_space<vmem>>, vector<16xf32>,
      %get3A_3395 = vector.shape_cast %get3A_3394 : vector<16xf32> to vector<16xf32>
      %sub3A_3396 = arith.subf %get3A_3392, %get3A_3395 : vector<16xf32>
      %get3A_3397 = arith.constant 176 : index
      %get3A_3398 = tpu.vector_load %arg10[%get3A_3397] {strides = array<i32>} : memref<256xf32, #tpu.memory_space<vmem>>, vector<16xf32>,
      %get3A_3399 = vector.shape_cast %get3A_3398 : vector<16xf32> to vector<16xf32>
      %sub3A_3400 = arith.subf %sub3A_3396, %get3A_3399 : vector<16xf32>
      %mul3A_3401 = arith.constant 1.23031496E-4 : f32
      %mul3A_3402 = vector.broadcast %mul3A_3401 : f32 to vector<16xf32>
      %mul3A_3403 = arith.mulf %sub3A_3400, %mul3A_3402 : vector<16xf32>
      %swap3A_3404 = arith.constant 0 : i32
      %swap3A_3405 = arith.index_cast %swap3A_3404 : i32 to index
      %swap3A_3406 = arith.constant 176 : index
      %swap3A_3407 = tpu.vector_load %arg12[%swap3A_3405, %swap3A_3406] {strides = array<i32>} : memref<1x256xf32, #tpu.memory_space<vmem>>, vector<1x16xf32>,
      %swap3A_3408 = vector.shape_cast %swap3A_3407 : vector<1x16xf32> to vector<16xf32>
      %swap3A_3409 = vector.shape_cast %mul3A_3403 : vector<16xf32> to vector<1x16xf32>
      tpu.vector_store %arg12[%swap3A_3405, %swap3A_3406], %swap3A_3409 {strides = array<i32>} : memref<1x256xf32, #tpu.memory_space<vmem>>, vector<1x16xf32>,
      %get3A_3410 = arith.constant 192 : index
      %get3A_3411 = tpu.vector_load %arg11[%get3A_3410] {strides = array<i32>} : memref<256xf32, #tpu.memory_space<vmem>>, vector<16xf32>,
      %get3A_3412 = vector.shape_cast %get3A_3411 : vector<16xf32> to vector<16xf32>
      %get3A_3413 = arith.constant 192 : index
      %get3A_3414 = tpu.vector_load %arg9[%get3A_3413] {strides = array<i32>} : memref<256xf32, #tpu.memory_space<vmem>>, vector<16xf32>,
      %get3A_3415 = vector.shape_cast %get3A_3414 : vector<16xf32> to vector<16xf32>
      %sub3A_3416 = arith.subf %get3A_3412, %get3A_3415 : vector<16xf32>
      %get3A_3417 = arith.constant 192 : index
      %get3A_3418 = tpu.vector_load %arg10[%get3A_3417] {strides = array<i32>} : memref<256xf32, #tpu.memory_space<vmem>>, vector<16xf32>,
      %get3A_3419 = vector.shape_cast %get3A_3418 : vector<16xf32> to vector<16xf32>
      %sub3A_3420 = arith.subf %sub3A_3416, %get3A_3419 : vector<16xf32>
      %mul3A_3421 = arith.constant 1.23031496E-4 : f32
      %mul3A_3422 = vector.broadcast %mul3A_3421 : f32 to vector<16xf32>
      %mul3A_3423 = arith.mulf %sub3A_3420, %mul3A_3422 : vector<16xf32>
      %swap3A_3424 = arith.constant 0 : i32
      %swap3A_3425 = arith.index_cast %swap3A_3424 : i32 to index
      %swap3A_3426 = arith.constant 192 : index
      %swap3A_3427 = tpu.vector_load %arg12[%swap3A_3425, %swap3A_3426] {strides = array<i32>} : memref<1x256xf32, #tpu.memory_space<vmem>>, vector<1x16xf32>,
      %swap3A_3428 = vector.shape_cast %swap3A_3427 : vector<1x16xf32> to vector<16xf32>
      %swap3A_3429 = vector.shape_cast %mul3A_3423 : vector<16xf32> to vector<1x16xf32>
      tpu.vector_store %arg12[%swap3A_3425, %swap3A_3426], %swap3A_3429 {strides = array<i32>} : memref<1x256xf32, #tpu.memory_space<vmem>>, vector<1x16xf32>,
      %get3A_3430 = arith.constant 208 : index
      %get3A_3431 = tpu.vector_load %arg11[%get3A_3430] {strides = array<i32>} : memref<256xf32, #tpu.memory_space<vmem>>, vector<16xf32>,
      %get3A_3432 = vector.shape_cast %get3A_3431 : vector<16xf32> to vector<16xf32>
      %get3A_3433 = arith.constant 208 : index
      %get3A_3434 = tpu.vector_load %arg9[%get3A_3433] {strides = array<i32>} : memref<256xf32, #tpu.memory_space<vmem>>, vector<16xf32>,
      %get3A_3435 = vector.shape_cast %get3A_3434 : vector<16xf32> to vector<16xf32>
      %sub3A_3436 = arith.subf %get3A_3432, %get3A_3435 : vector<16xf32>
      %get3A_3437 = arith.constant 208 : index
      %get3A_3438 = tpu.vector_load %arg10[%get3A_3437] {strides = array<i32>} : memref<256xf32, #tpu.memory_space<vmem>>, vector<16xf32>,
      %get3A_3439 = vector.shape_cast %get3A_3438 : vector<16xf32> to vector<16xf32>
      %sub3A_3440 = arith.subf %sub3A_3436, %get3A_3439 : vector<16xf32>
      %mul3A_3441 = arith.constant 1.23031496E-4 : f32
      %mul3A_3442 = vector.broadcast %mul3A_3441 : f32 to vector<16xf32>
      %mul3A_3443 = arith.mulf %sub3A_3440, %mul3A_3442 : vector<16xf32>
      %swap3A_3444 = arith.constant 0 : i32
      %swap3A_3445 = arith.index_cast %swap3A_3444 : i32 to index
      %swap3A_3446 = arith.constant 208 : index
      %swap3A_3447 = tpu.vector_load %arg12[%swap3A_3445, %swap3A_3446] {strides = array<i32>} : memref<1x256xf32, #tpu.memory_space<vmem>>, vector<1x16xf32>,
      %swap3A_3448 = vector.shape_cast %swap3A_3447 : vector<1x16xf32> to vector<16xf32>
      %swap3A_3449 = vector.shape_cast %mul3A_3443 : vector<16xf32> to vector<1x16xf32>
      tpu.vector_store %arg12[%swap3A_3445, %swap3A_3446], %swap3A_3449 {strides = array<i32>} : memref<1x256xf32, #tpu.memory_space<vmem>>, vector<1x16xf32>,
      %get3A_3450 = arith.constant 224 : index
      %get3A_3451 = tpu.vector_load %arg11[%get3A_3450] {strides = array<i32>} : memref<256xf32, #tpu.memory_space<vmem>>, vector<16xf32>,
      %get3A_3452 = vector.shape_cast %get3A_3451 : vector<16xf32> to vector<16xf32>
      %get3A_3453 = arith.constant 224 : index
      %get3A_3454 = tpu.vector_load %arg9[%get3A_3453] {strides = array<i32>} : memref<256xf32, #tpu.memory_space<vmem>>, vector<16xf32>,
      %get3A_3455 = vector.shape_cast %get3A_3454 : vector<16xf32> to vector<16xf32>
      %sub3A_3456 = arith.subf %get3A_3452, %get3A_3455 : vector<16xf32>
      %get3A_3457 = arith.constant 224 : index
      %get3A_3458 = tpu.vector_load %arg10[%get3A_3457] {strides = array<i32>} : memref<256xf32, #tpu.memory_space<vmem>>, vector<16xf32>,
      %get3A_3459 = vector.shape_cast %get3A_3458 : vector<16xf32> to vector<16xf32>
      %sub3A_3460 = arith.subf %sub3A_3456, %get3A_3459 : vector<16xf32>
      %mul3A_3461 = arith.constant 1.23031496E-4 : f32
      %mul3A_3462 = vector.broadcast %mul3A_3461 : f32 to vector<16xf32>
      %mul3A_3463 = arith.mulf %sub3A_3460, %mul3A_3462 : vector<16xf32>
      %swap3A_3464 = arith.constant 0 : i32
      %swap3A_3465 = arith.index_cast %swap3A_3464 : i32 to index
      %swap3A_3466 = arith.constant 224 : index
      %swap3A_3467 = tpu.vector_load %arg12[%swap3A_3465, %swap3A_3466] {strides = array<i32>} : memref<1x256xf32, #tpu.memory_space<vmem>>, vector<1x16xf32>,
      %swap3A_3468 = vector.shape_cast %swap3A_3467 : vector<1x16xf32> to vector<16xf32>
      %swap3A_3469 = vector.shape_cast %mul3A_3463 : vector<16xf32> to vector<1x16xf32>
      tpu.vector_store %arg12[%swap3A_3465, %swap3A_3466], %swap3A_3469 {strides = array<i32>} : memref<1x256xf32, #tpu.memory_space<vmem>>, vector<1x16xf32>,
      %get3A_3470 = arith.constant 240 : index
      %get3A_3471 = tpu.vector_load %arg11[%get3A_3470] {strides = array<i32>} : memref<256xf32, #tpu.memory_space<vmem>>, vector<16xf32>,
      %get3A_3472 = vector.shape_cast %get3A_3471 : vector<16xf32> to vector<16xf32>
      %get3A_3473 = arith.constant 240 : index
      %get3A_3474 = tpu.vector_load %arg9[%get3A_3473] {strides = array<i32>} : memref<256xf32, #tpu.memory_space<vmem>>, vector<16xf32>,
      %get3A_3475 = vector.shape_cast %get3A_3474 : vector<16xf32> to vector<16xf32>
      %sub3A_3476 = arith.subf %get3A_3472, %get3A_3475 : vector<16xf32>
      %get3A_3477 = arith.constant 240 : index
      %get3A_3478 = tpu.vector_load %arg10[%get3A_3477] {strides = array<i32>} : memref<256xf32, #tpu.memory_space<vmem>>, vector<16xf32>,
      %get3A_3479 = vector.shape_cast %get3A_3478 : vector<16xf32> to vector<16xf32>
      %sub3A_3480 = arith.subf %sub3A_3476, %get3A_3479 : vector<16xf32>
      %mul3A_3481 = arith.constant 1.23031496E-4 : f32
      %mul3A_3482 = vector.broadcast %mul3A_3481 : f32 to vector<16xf32>
      %mul3A_3483 = arith.mulf %sub3A_3480, %mul3A_3482 : vector<16xf32>
      %swap3A_3484 = arith.constant 0 : i32
      %swap3A_3485 = arith.index_cast %swap3A_3484 : i32 to index
      %swap3A_3486 = arith.constant 240 : index
      %swap3A_3487 = tpu.vector_load %arg12[%swap3A_3485, %swap3A_3486] {strides = array<i32>} : memref<1x256xf32, #tpu.memory_space<vmem>>, vector<1x16xf32>,
      %swap3A_3488 = vector.shape_cast %swap3A_3487 : vector<1x16xf32> to vector<16xf32>
      %swap3A_3489 = vector.shape_cast %mul3A_3483 : vector<16xf32> to vector<1x16xf32>
      tpu.vector_store %arg12[%swap3A_3485, %swap3A_3486], %swap3A_3489 {strides = array<i32>} : memref<1x256xf32, #tpu.memory_space<vmem>>, vector<1x16xf32>,
      "tpu.region"() ({
        %run_scoped3A = tpu.sem_alloc : memref<!tpu.dma_semaphore, #tpu.memory_space<semaphore_mem>>
        %dma_start3A_3490 = arith.constant 0 : i32
        %dma_start3A_3491 = arith.constant 0 : i32
        %dma_start3A_3492 = tpu.memref_slice %arg6[%add3A, %dma_start3A_3490, %dma_start3A_3491] : memref<16x1x256xf32, #tpu.memory_space<hbm>> -> memref<1x1x256xf32, #tpu.memory_space<hbm>>
        %dma_start3A_3493 = tpu.memref_squeeze %dma_start3A_3492 : memref<1x1x256xf32, #tpu.memory_space<hbm>> -> memref<1x256xf32, #tpu.memory_space<hbm>>
        %dma_start3A_3494 = arith.constant 0 : i32
        %dma_start3A_3495 = arith.constant 0 : i32
        %dma_start3A_3496 = tpu.memref_slice %arg6[%add3A, %dma_start3A_3494, %dma_start3A_3495] : memref<16x1x256xf32, #tpu.memory_space<hbm>> -> memref<1x1x256xf32, #tpu.memory_space<hbm>>
        %dma_start3A_3497 = tpu.memref_squeeze %dma_start3A_3496 : memref<1x1x256xf32, #tpu.memory_space<hbm>> -> memref<1x256xf32, #tpu.memory_space<hbm>>
        tpu.enqueue_dma source(%arg12 : memref<1x256xf32, #tpu.memory_space<vmem>>) target(%dma_start3A_3497 : memref<1x256xf32, #tpu.memory_space<hbm>>) target_semaphore(%run_scoped3A : memref<!tpu.dma_semaphore, #tpu.memory_space<semaphore_mem>>)
        %dma_wait3A_3498 = arith.constant 0 : i32
        %dma_wait3A_3499 = arith.constant 0 : i32
        %dma_wait3A_3500 = tpu.memref_slice %arg6[%add3A, %dma_wait3A_3498, %dma_wait3A_3499] : memref<16x1x256xf32, #tpu.memory_space<hbm>> -> memref<1x1x256xf32, #tpu.memory_space<hbm>>
        %dma_wait3A_3501 = tpu.memref_squeeze %dma_wait3A_3500 : memref<1x1x256xf32, #tpu.memory_space<hbm>> -> memref<1x256xf32, #tpu.memory_space<hbm>>
        %dma_wait3A_3502 = arith.constant 0 : i32
        %dma_wait3A_3503 = arith.constant 0 : i32
        %dma_wait3A_3504 = tpu.memref_slice %arg6[%add3A, %dma_wait3A_3502, %dma_wait3A_3503] : memref<16x1x256xf32, #tpu.memory_space<hbm>> -> memref<1x1x256xf32, #tpu.memory_space<hbm>>
        %dma_wait3A_3505 = tpu.memref_squeeze %dma_wait3A_3504 : memref<1x1x256xf32, #tpu.memory_space<hbm>> -> memref<1x256xf32, #tpu.memory_space<hbm>>
        tpu.wait_dma2 semaphore(%run_scoped3A : memref<!tpu.dma_semaphore, #tpu.memory_space<semaphore_mem>>) src(%arg12 : memref<1x256xf32, #tpu.memory_space<vmem>>) dst(%dma_wait3A_3505 : memref<1x256xf32, #tpu.memory_space<hbm>>)
        tpu.yield
      }) : () -> ()
    } else {
    }
    return
  }
}

module attributes {stable_mosaic.version = 14 : i64} {
  func.func @_topk_body(%arg0: memref<16x8192xf32, #tpu.memory_space<vmem>>, %arg1: memref<16x64xi32, #tpu.memory_space<vmem>>) attributes {dimension_semantics = [], scalar_prefetch = 0 : i64, scratch_operands = 0 : i64, tpu.core_type = #tpu.core_type<tc>} {
    %get3A = arith.constant 0 : index
    %get3A_0 = arith.constant 0 : index
    %get3A_1 = vector.load %arg0[%get3A, %get3A_0] : memref<16x8192xf32, #tpu.memory_space<vmem>>, vector<16x8192xf32>
    %iota3A = tpu.iota {dimensions = array<i32: 1>} : vector<16x8192xi32>
    %iota3A_2 = tpu.iota {dimensions = array<i32: 1>} : vector<16x64xi32>
    %iota3A_3 = tpu.iota {dimensions = array<i32: 0>} : vector<16x64xi32>
    %mul3A = arith.constant 8192 : i32
    %mul3A_4 = vector.broadcast %mul3A : i32 to vector<16x64xi32>
    %mul3A_5 = arith.muli %iota3A_3, %mul3A_4 : vector<16x64xi32>
    %broadcast_in_dim3A = arith.constant 0 : i32
    %broadcast_in_dim3A_6 = vector.broadcast %broadcast_in_dim3A : i32 to vector<16x64xi32>
    %scan3A = arith.constant 0 : i32
    %scan3A_7 = arith.constant 64 : i32
    %scan3A_8 = arith.addi %scan3A, %scan3A_7 : i32
    %scan3A_9 = arith.constant 1 : i32
    %scan3A_10:2 = scf.for %scan3A_14 = %scan3A to %scan3A_8 step %scan3A_9 iter_args(%scan3A_15 = %get3A_1, %scan3A_16 = %broadcast_in_dim3A_6) -> (vector<16x8192xf32>, vector<16x64xi32>)  : i32 {
      %reduce_max3A = arith.constant dense<0xFF800000> : vector<16xf32>
      %reduce_max3A_17 = vector.multi_reduction <maximumf>, %scan3A_15, %reduce_max3A [1] : vector<16x8192xf32> to vector<16xf32>
      %broadcast_in_dim3A_18 = vector.shape_cast %reduce_max3A_17 : vector<16xf32> to vector<16x1xf32>
      %ge3A = vector.broadcast %broadcast_in_dim3A_18 : vector<16x1xf32> to vector<16x8192xf32>
      %ge3A_19 = arith.cmpf oge, %scan3A_15, %ge3A : vector<16x8192xf32>
      %jit3A = arith.constant 8192 : i32
      %broadcast_in_dim3A_20 = vector.broadcast %jit3A : i32 to vector<16x8192xi32>
      %select_n3A = arith.select %ge3A_19, %iota3A, %broadcast_in_dim3A_20 : vector<16x8192xi1>, vector<16x8192xi32>
      %reduce_min3A = arith.constant dense<2147483647> : vector<16xi32>
      %reduce_min3A_21 = vector.multi_reduction <minsi>, %select_n3A, %reduce_min3A [1] : vector<16x8192xi32> to vector<16xi32>
      %broadcast_in_dim3A_22 = vector.shape_cast %reduce_min3A_21 : vector<16xi32> to vector<16x1xi32>
      %eq3A = vector.broadcast %scan3A_14 : i32 to vector<16x64xi32>
      %eq3A_23 = arith.cmpi eq, %iota3A_2, %eq3A : vector<16x64xi32>
      %broadcast_in_dim3A_24 = vector.shape_cast %broadcast_in_dim3A_22 : vector<16x1xi32> to vector<16x1xi32>
      %broadcast_in_dim3A_25 = vector.broadcast %broadcast_in_dim3A_24 : vector<16x1xi32> to vector<16x64xi32>
      %select_n3A_26 = arith.select %eq3A_23, %broadcast_in_dim3A_25, %scan3A_16 : vector<16x64xi1>, vector<16x64xi32>
      %eq3A_27 = vector.broadcast %broadcast_in_dim3A_22 : vector<16x1xi32> to vector<16x8192xi32>
      %eq3A_28 = arith.cmpi eq, %iota3A, %eq3A_27 : vector<16x8192xi32>
      %jit3A_29 = arith.constant 0xFF800000 : f32
      %broadcast_in_dim3A_30 = vector.broadcast %jit3A_29 : f32 to vector<16x8192xf32>
      %select_n3A_31 = arith.select %eq3A_28, %broadcast_in_dim3A_30, %scan3A_15 : vector<16x8192xi1>, vector<16x8192xf32>
      scf.yield %select_n3A_31, %select_n3A_26 : vector<16x8192xf32>, vector<16x64xi32>
    }
    %scan3A_11 = arith.constant 64 : i32
    %add3A = arith.addi %scan3A_10#1, %mul3A_5 : vector<16x64xi32>
    %swap3A = arith.constant 0 : index
    %swap3A_12 = arith.constant 0 : index
    %swap3A_13 = vector.load %arg1[%swap3A, %swap3A_12] : memref<16x64xi32, #tpu.memory_space<vmem>>, vector<16x64xi32>
    tpu.vector_store %arg1[%swap3A, %swap3A_12], %add3A {strides = array<i32>} : memref<16x64xi32, #tpu.memory_space<vmem>>, vector<16x64xi32>,
    return
  }
}

module attributes {stable_mosaic.version = 14 : i64} {
  func.func @_score_sum_body(%arg0: i32, %arg1: memref<16x512x256xf32, #tpu.memory_space<vmem>>, %arg2: memref<256x64xf32, #tpu.memory_space<vmem>>, %arg3: memref<1x64xf32, #tpu.memory_space<vmem>>, %arg4: memref<64x128xf32, #tpu.memory_space<vmem>>, %arg5: memref<1x1xf32, #tpu.memory_space<vmem>>, %arg6: memref<16x512xf32, #tpu.memory_space<vmem>>, %arg7: memref<16x256xf32, #tpu.memory_space<vmem>>) attributes {dimension_semantics = [#tpu.dimension_semantics<arbitrary>], iteration_bounds = array<i64: 16>, scalar_prefetch = 0 : i64, scratch_operands = 0 : i64, tpu.core_type = #tpu.core_type<tc>, window_params = [{transform_indices = @transform_0, window_bounds = array<i64: 16, 512, 256>}, {pipeline_mode = #tpu.pipeline_mode<synchronous>, transform_indices = @transform_1, window_bounds = array<i64: 256, 64>}, {pipeline_mode = #tpu.pipeline_mode<synchronous>, transform_indices = @transform_2, window_bounds = array<i64: 1, 64>}, {pipeline_mode = #tpu.pipeline_mode<synchronous>, transform_indices = @transform_3, window_bounds = array<i64: 64, 128>}, {pipeline_mode = #tpu.pipeline_mode<synchronous>, transform_indices = @transform_4, window_bounds = array<i64: 1, 1>}, {transform_indices = @transform_5, window_bounds = array<i64: 16, 512>}, {pipeline_mode = #tpu.pipeline_mode<synchronous>, transform_indices = @transform_6, window_bounds = array<i64: 16, 256>}]} {
    %get3A = arith.constant 0 : index
    %get3A_0 = arith.constant 0 : index
    %get3A_1 = arith.constant 0 : index
    %get3A_2 = vector.load %arg1[%get3A, %get3A_0, %get3A_1] : memref<16x512x256xf32, #tpu.memory_space<vmem>>, vector<16x512x256xf32>
    %reshape3A = vector.shape_cast %get3A_2 : vector<16x512x256xf32> to vector<8192x256xf32>
    %reduce_sum3A = arith.constant dense<0.000000e+00> : vector<8192xf32>
    %reduce_sum3A_3 = vector.multi_reduction <add>, %reshape3A, %reduce_sum3A [1] : vector<8192x256xf32> to vector<8192xf32>
    %broadcast_in_dim3A = vector.shape_cast %reduce_sum3A_3 : vector<8192xf32> to vector<8192x1xf32>
    %mul3A = arith.constant 3.906250e-03 : f32
    %mul3A_4 = vector.broadcast %mul3A : f32 to vector<8192x1xf32>
    %mul3A_5 = arith.mulf %broadcast_in_dim3A, %mul3A_4 : vector<8192x1xf32>
    %sub3A = vector.broadcast %mul3A_5 : vector<8192x1xf32> to vector<8192x256xf32>
    %sub3A_6 = arith.subf %reshape3A, %sub3A : vector<8192x256xf32>
    %mul3A_7 = arith.mulf %sub3A_6, %sub3A_6 : vector<8192x256xf32>
    %reduce_sum3A_8 = arith.constant dense<0.000000e+00> : vector<8192xf32>
    %reduce_sum3A_9 = vector.multi_reduction <add>, %mul3A_7, %reduce_sum3A_8 [1] : vector<8192x256xf32> to vector<8192xf32>
    %broadcast_in_dim3A_10 = vector.shape_cast %reduce_sum3A_9 : vector<8192xf32> to vector<8192x1xf32>
    %mul3A_11 = arith.constant 3.906250e-03 : f32
    %mul3A_12 = vector.broadcast %mul3A_11 : f32 to vector<8192x1xf32>
    %mul3A_13 = arith.mulf %broadcast_in_dim3A_10, %mul3A_12 : vector<8192x1xf32>
    %add3A = arith.constant 9.99999974E-6 : f32
    %add3A_14 = vector.broadcast %add3A : f32 to vector<8192x1xf32>
    %add3A_15 = arith.addf %mul3A_13, %add3A_14 : vector<8192x1xf32>
    %rsqrt3A = math.rsqrt %add3A_15 : vector<8192x1xf32>
    %mul3A_16 = vector.broadcast %rsqrt3A : vector<8192x1xf32> to vector<8192x256xf32>
    %mul3A_17 = arith.mulf %sub3A_6, %mul3A_16 : vector<8192x256xf32>
    %get3A_18 = arith.constant 0 : index
    %get3A_19 = arith.constant 0 : index
    %get3A_20 = vector.load %arg2[%get3A_18, %get3A_19] : memref<256x64xf32, #tpu.memory_space<vmem>>, vector<256x64xf32>
    %dot_general3A = arith.constant dense<0.000000e+00> : vector<8192x64xf32>
    %dot_general3A_21 = tpu.matmul %mul3A_17, %get3A_20, %dot_general3A {dimension_numbers = #tpu.dot_dimension_numbers<[1], [0], [0], [1], [0, 0, 1, 1], [], []>, transpose_lhs_hint = false} : vector<8192x256xf32>, vector<256x64xf32>, vector<8192x64xf32> -> vector<8192x64xf32>
    %get3A_22 = arith.constant 0 : index
    %get3A_23 = arith.constant 0 : index
    %get3A_24 = vector.load %arg3[%get3A_22, %get3A_23] : memref<1x64xf32, #tpu.memory_space<vmem>>, vector<1x64xf32>
    %add3A_25 = vector.broadcast %get3A_24 : vector<1x64xf32> to vector<8192x64xf32>
    %add3A_26 = arith.addf %dot_general3A_21, %add3A_25 : vector<8192x64xf32>
    %max3A = arith.constant 0.000000e+00 : f32
    %max3A_27 = vector.broadcast %max3A : f32 to vector<8192x64xf32>
    %max3A_28 = arith.maximumf %add3A_26, %max3A_27 : vector<8192x64xf32>
    %get3A_29 = arith.constant 0 : index
    %get3A_30 = arith.constant 0 : index
    %get3A_31 = vector.load %arg4[%get3A_29, %get3A_30] : memref<64x128xf32, #tpu.memory_space<vmem>>, vector<64x128xf32>
    %dot_general3A_32 = arith.constant dense<0.000000e+00> : vector<8192x128xf32>
    %dot_general3A_33 = tpu.matmul %max3A_28, %get3A_31, %dot_general3A_32 {dimension_numbers = #tpu.dot_dimension_numbers<[1], [0], [0], [1], [0, 0, 1, 1], [], []>, transpose_lhs_hint = false} : vector<8192x64xf32>, vector<64x128xf32>, vector<8192x128xf32> -> vector<8192x128xf32>
    %slice3A = vector.extract_strided_slice %dot_general3A_33 {offsets = [0, 0], sizes = [8192, 1], strides = [1, 1]} : vector<8192x128xf32> to vector<8192x1xf32>
    %get3A_34 = arith.constant 0 : index
    %get3A_35 = arith.constant 0 : index
    %get3A_36 = vector.load %arg5[%get3A_34, %get3A_35] : memref<1x1xf32, #tpu.memory_space<vmem>>, vector<1x1xf32>
    %get3A_37 = vector.extract %get3A_36[0, 0] : f32 from vector<1x1xf32>
    %add3A_38 = vector.broadcast %get3A_37 : f32 to vector<8192x1xf32>
    %add3A_39 = arith.addf %slice3A, %add3A_38 : vector<8192x1xf32>
    %reshape3A_40 = vector.shape_cast %add3A_39 : vector<8192x1xf32> to vector<16x512xf32>
    %swap3A = arith.constant 0 : index
    %swap3A_41 = arith.constant 0 : index
    %swap3A_42 = vector.load %arg6[%swap3A, %swap3A_41] : memref<16x512xf32, #tpu.memory_space<vmem>>, vector<16x512xf32>
    tpu.vector_store %arg6[%swap3A, %swap3A_41], %reshape3A_40 {strides = array<i32>} : memref<16x512xf32, #tpu.memory_space<vmem>>, vector<16x512xf32>,
    %eq3A = arith.constant 0 : i32
    %eq3A_43 = arith.cmpi eq, %arg0, %eq3A : i32
    %convert_element_type3A = arith.extui %eq3A_43 : i1 to i32
    %cond3A = arith.constant 0 : i32
    %cond3A_44 = arith.cmpi ne, %convert_element_type3A, %cond3A : i32
    scf.if %cond3A_44 {
      %broadcast_in_dim3A_54 = arith.constant 0.000000e+00 : f32
      %broadcast_in_dim3A_55 = vector.broadcast %broadcast_in_dim3A_54 : f32 to vector<16x256xf32>
      %swap3A_56 = arith.constant 0 : index
      %swap3A_57 = arith.constant 0 : index
      %swap3A_58 = vector.load %arg7[%swap3A_56, %swap3A_57] : memref<16x256xf32, #tpu.memory_space<vmem>>, vector<16x256xf32>
      tpu.vector_store %arg7[%swap3A_56, %swap3A_57], %broadcast_in_dim3A_55 {strides = array<i32>} : memref<16x256xf32, #tpu.memory_space<vmem>>, vector<16x256xf32>,
    } else {
    }
    %get3A_45 = arith.constant 0 : index
    %get3A_46 = arith.constant 0 : index
    %get3A_47 = vector.load %arg7[%get3A_45, %get3A_46] : memref<16x256xf32, #tpu.memory_space<vmem>>, vector<16x256xf32>
    %reduce_sum3A_48 = arith.constant dense<0.000000e+00> : vector<16x256xf32>
    %reduce_sum3A_49 = vector.multi_reduction <add>, %get3A_2, %reduce_sum3A_48 [1] : vector<16x512x256xf32> to vector<16x256xf32>
    %add3A_50 = arith.addf %get3A_47, %reduce_sum3A_49 : vector<16x256xf32>
    %swap3A_51 = arith.constant 0 : index
    %swap3A_52 = arith.constant 0 : index
    %swap3A_53 = vector.load %arg7[%swap3A_51, %swap3A_52] : memref<16x256xf32, #tpu.memory_space<vmem>>, vector<16x256xf32>
    tpu.vector_store %arg7[%swap3A_51, %swap3A_52], %add3A_50 {strides = array<i32>} : memref<16x256xf32, #tpu.memory_space<vmem>>, vector<16x256xf32>,
    return
  }
  func.func @transform_0(%arg0: i32) -> (i32, i32, i32) {
    %c0_i32 = arith.constant 0 : i32
    %c0_i32_0 = arith.constant 0 : i32
    %c0_i32_1 = arith.constant 0 : i32
    return %c0_i32, %arg0, %c0_i32_0 : i32, i32, i32
  }
  func.func @transform_1(%arg0: i32) -> (i32, i32) {
    %c0_i32 = arith.constant 0 : i32
    %c0_i32_0 = arith.constant 0 : i32
    %c0_i32_1 = arith.constant 0 : i32
    return %c0_i32, %c0_i32_0 : i32, i32
  }
  func.func @transform_2(%arg0: i32) -> (i32, i32) {
    %c0_i32 = arith.constant 0 : i32
    %c0_i32_0 = arith.constant 0 : i32
    %c0_i32_1 = arith.constant 0 : i32
    return %c0_i32, %c0_i32_0 : i32, i32
  }
  func.func @transform_3(%arg0: i32) -> (i32, i32) {
    %c0_i32 = arith.constant 0 : i32
    %c0_i32_0 = arith.constant 0 : i32
    %c0_i32_1 = arith.constant 0 : i32
    return %c0_i32, %c0_i32_0 : i32, i32
  }
  func.func @transform_4(%arg0: i32) -> (i32, i32) {
    %c0_i32 = arith.constant 0 : i32
    %c0_i32_0 = arith.constant 0 : i32
    %c0_i32_1 = arith.constant 0 : i32
    return %c0_i32, %c0_i32_0 : i32, i32
  }
  func.func @transform_5(%arg0: i32) -> (i32, i32) {
    %c0_i32 = arith.constant 0 : i32
    %c0_i32_0 = arith.constant 0 : i32
    return %c0_i32, %arg0 : i32, i32
  }
  func.func @transform_6(%arg0: i32) -> (i32, i32) {
    %c0_i32 = arith.constant 0 : i32
    %c0_i32_0 = arith.constant 0 : i32
    %c0_i32_1 = arith.constant 0 : i32
    return %c0_i32, %c0_i32_0 : i32, i32
  }
}

</mosaic_0001>

<sc_bundles>
// kernel: kernel.5.cloned.1.call-start
scs
__scs_entry_jumppad:
0x0: {  	(pc) =	sbr.rel $0x88, $3  }
0x1: {  	(tag) =	ssettag $0x0;
	lr =	simm.s32 $0x1  }
0x2: {  	[smem:$0x3F9A] =	sst lr;
	_ =	strace $0xD0000000  }
0x3: {  	_ = 	snop  }
0x4: {  	_ = 	snop  }
0x5: {  	_ = 	snop  }
0x6: {  	_ = 	snop  }
0x7: {  	_ = 	snop  }
__scs_overlays_trampoline_lowered:
0x8: {  	[smem:$0x3FA9] =	sst s0  }
0x9: {  	[smem:$0x3FAA] =	sst s1  }
0xa: {  	[smem:$0x3FAB] =	sst s2  }
0xb: {  	[smem:$0x3FAC] =	sst s3  }
0xc: {  	[smem:$0x3FAD] =	sst s4  }
0xd: {  	[smem:$0x3FAE] =	sst s5  }
0xe: {  	[smem:$0x3FAF] =	sst s6  }
0xf: {  	[smem:$0x3FB0] =	sst s7  }
0x10: {  	[smem:$0x3FB1] =	sst s8  }
0x11: {  	[smem:$0x3FB2] =	sst s9;
	s0 =	simm.s32 @!p0 $0x0  }
0x12: {  	s1 =	sld [smem:$0x3F98];
	s0 =	simm.s32 @p0 $0x1  }
0x13: {  	[smem:$0x3FB3] =	sst s0;
	s0 =	simm.s32 @!p1 $0x0  }
0x14: {  	s2 =	sld [smem:$0x3F97];
	s0 =	simm.s32 @p1 $0x1  }
0x15: {  	[smem:$0x3FB4] =	sst s0;
	s0 =	simm.s32 @!p2 $0x0  }
0x16: {  	s3 =	sld [smem:$0x3FDB];
	s0 =	simm.s32 @p2 $0x1  }
0x17: {  	s4 =	simm.s32 $0x1BF5;
	[smem:$0x3FB6] =	sst s0  }
0x18: {  	s0 =	sld [smem:$0x3F99];
	_ =	swait.ge [sflag:s4], $0x0  }
0x19: {  	s7 =	sld [smem:$0x3F9A]  }
0x1a: {  	s8 =	sadd.s32 $0xFFFFE003, lr  }
0x1b: {  	s9 =	sadd.s32 $0xFFFFFEF7, lr;
	s5 =	simm.s32 $0xFFFFFFFF;
	p2 =	slt.u32 s8, $0xFFFFF086  }
0x1c: {  	p1 =	slt.u32 s9, $0xF7A;
	s5 =	simm.s32 @!p2 $0x0  }
0x1d: {  	s5 =	simm.s32 @p1 $0x1;
	p0 =	seq.s32 s7, s2  }
0x1e: {  	s7 =	smul.u32 @!p0 $0xF7A, s2;
	p2 =	seq.s32 @!p0 s5, $0x0  }
0x1f: {  	s9 =	smul.u32 $0xF7A, s1;
	s8 =	simm.s32 @!p0 $0x1BF5;
	p2 =	por !p2, p0  }
0x20: {  	[sflag:s8] =	ssyncset.s32 @!p0 $0xFFFFF086;
	s6 =	sadd.s32 @!p0 s3, s7;
	s7 =	simm.s32 @!p0 $0x108  }
0x21: {  	s3 =	sadd.s32 s3, s9;
	s6 =	sadd.s32 @!p0 $0x88, s6;
	s7 =	simm.s32 @p2 $0x1082  }
0x22: {  	[simem:s7], [sflag:s8] =	dma.local @!p0 [hbm:s6], $0xF7A  }
0x23: {  	s9 =	sor.u32 $0xD0000000, s2;
	s6 =	simm.s32 $0x108;
	_ =	swait.ge @!p0 [sflag:s8], $0x0  }
0x24: {  	s3 =	sadd.s32 $0x88, s3;
	s6 =	simm.s32 @!p1 $0x1082;
	[sflag:s4] =	ssyncset.s32 $0xFFFFF086  }
0x25: {  	[simem:s6], [sflag:s4] =	dma.local [hbm:s3], $0xF7A  }
0x26: {  	[smem:$0x3F9A] =	sst s1;
	(tag) =	ssettag s2;
	_ =	strace s9  }
0x27: {  	s1 =	sld [smem:$0x3FAA]  }
0x28: {  	s2 =	sld [smem:$0x3FAB]  }
0x29: {  	s4 =	sld [smem:$0x3FAD]  }
0x2a: {  	p0 =	seq.s32 s5, $0x0;
	s5 =	sld [smem:$0x3FAE]  }
0x2b: {  	s6 =	sld [smem:$0x3FAF]  }
0x2c: {  	s7 =	sld [smem:$0x3FB0]  }
0x2d: {  	s3 =	simm.s32 $0x108;
	s8 =	sld [smem:$0x3FB1]  }
0x2e: {  	s3 =	simm.s32 @!p0 $0x1082;
	s9 =	sld [smem:$0x3FB2]  }
0x2f: {  	lr =	sadd.s32 s0, s3;
	s0 =	sld [smem:$0x3FA9]  }
0x30: {  	s3 =	sld [smem:$0x3FAC]  }
0x31: {  	[smem:$0x3FB5] =	sst s10  }
0x32: {  	s10 =	sld [smem:$0x3FB3];
	_ =	sdelay $0x3  }
0x33: {  	p0 =	seq.s32 s10, $0x1;
	s10 =	sld [smem:$0x3FB5];
	_ =	sdelay $0x3  }
0x34: {  	[smem:$0x3FB5] =	sst s10  }
0x35: {  	s10 =	sld [smem:$0x3FB4];
	_ =	sdelay $0x3  }
0x36: {  	p1 =	seq.s32 s10, $0x1;
	s10 =	sld [smem:$0x3FB5];
	_ =	sdelay $0x3  }
0x37: {  	[smem:$0x3FB5] =	sst s10  }
0x38: {  	s10 =	sld [smem:$0x3FB6]  }
0x39: {  	_ = 	snop;
	(pc) =	sbr.ind lr, $3  }
0x3a: {  	_ = 	snop  }
0x3b: {  	_ = 	snop  }
0x3c: {  	p2 =	seq.s32 s10, $0x1;
	s10 =	sld [smem:$0x3FB5]  }
0x3d: {  	_ =	shalt  }
0x3e: {  	_ =	shalt  }
0x3f: {  	_ =	shalt  }
0x40: {  	_ =	shalt  }
0x41: {  	_ =	shalt  }
0x42: {  	_ =	shalt  }
0x43: {  	_ =	shalt  }
0x44: {  	_ =	shalt  }
0x45: {  	_ =	shalt  }
0x46: {  	_ =	shalt  }
0x47: {  	_ =	shalt  }
0x48: {  	_ =	shalt  }
0x49: {  	_ =	shalt  }
0x4a: {  	_ =	shalt  }
0x4b: {  	_ =	shalt  }
0x4c: {  	_ =	shalt  }
0x4d: {  	_ =	shalt  }
0x4e: {  	_ =	shalt  }
0x4f: {  	_ =	shalt  }
0x50: {  	_ =	shalt  }
0x51: {  	_ =	shalt  }
0x52: {  	_ =	shalt  }
0x53: {  	_ =	shalt  }
0x54: {  	_ =	shalt  }
0x55: {  	_ =	shalt  }
0x56: {  	_ =	shalt  }
0x57: {  	_ =	shalt  }
0x58: {  	_ =	shalt  }
0x59: {  	_ =	shalt  }
0x5a: {  	_ =	shalt  }
0x5b: {  	_ =	shalt  }
0x5c: {  	_ =	shalt  }
0x5d: {  	_ =	shalt  }
0x5e: {  	_ =	shalt  }
0x5f: {  	_ =	shalt  }
0x60: {  	_ =	shalt  }
0x61: {  	_ =	shalt  }
0x62: {  	_ =	shalt  }
0x63: {  	_ =	shalt  }
0x64: {  	_ =	shalt  }
0x65: {  	_ =	shalt  }
0x66: {  	_ =	shalt  }
0x67: {  	_ =	shalt  }
0x68: {  	_ =	shalt  }
0x69: {  	_ =	shalt  }
0x6a: {  	_ =	shalt  }
0x6b: {  	_ =	shalt  }
0x6c: {  	_ =	shalt  }
0x6d: {  	_ =	shalt  }
0x6e: {  	_ =	shalt  }
0x6f: {  	_ =	shalt  }
0x70: {  	_ =	shalt  }
0x71: {  	_ =	shalt  }
0x72: {  	_ =	shalt  }
0x73: {  	_ =	shalt  }
0x74: {  	_ =	shalt  }
0x75: {  	_ =	shalt  }
0x76: {  	_ =	shalt  }
0x77: {  	_ =	shalt  }
0x78: {  	_ =	shalt  }
0x79: {  	_ =	shalt  }
0x7a: {  	_ =	shalt  }
0x7b: {  	_ =	shalt  }
0x7c: {  	_ =	shalt  }
0x7d: {  	_ =	shalt  }
0x7e: {  	_ =	shalt  }
0x7f: {  	_ =	shalt  }
0x80: {  	_ =	shalt  }
0x81: {  	_ =	shalt  }
0x82: {  	_ =	shalt  }
0x83: {  	_ =	shalt  }
0x84: {  	_ =	shalt  }
0x85: {  	_ =	shalt  }
0x86: {  	_ =	shalt  }
0x87: {  	_ =	shalt  }
.Lfunc_end0:
.L_simem_size_0:
called_computation_lowered:
.L_overlay_start_0:
0x88: {  	s2 =	sld [smem:$0x3FD9]  }
0x89: {  	s3 =	sld [smem:$0x3FFE];
	_ =	sdelay $0x1  }
0x8a: {  	s1 =	srdreg.scid  }
0x8b: {  	s0 =	sand.u32 $0x1, s1  }
0x8c: {  	s17 =	sshll.u32 s0, $0xA;
	s2 =	sadd.s32 s3, s2  }
0x8d: {  	s2 =	sadd.s32 s2, s17  }
0x8e: {  	[smem:$0x3FC1] =	sst s2  }
0x8f: {  	_ = 	snop  }
0x90: {  	s2 =	sld [smem:$0x3FC9]  }
0x91: {  	s18 =	sld [smem:$0x3FD0];
	(tm) =	ssettm $0x1  }
0x92: {  	s4 =	sld [smem:$0x3FFB];
	_ =	sdelay $0x3  }
0x93: {  	_ =	strace s4  }
0x94: {  	s4 =	sld [smem:$0x3FFC];
	_ =	sdelay $0x3  }
0x95: {  	_ =	strace s4  }
0x96: {  	s4 =	sld [smem:$0x3FFD];
	_ =	sdelay $0x3  }
0x97: {  	_ =	strace s4  }
0x98: {  	_ =	strace $0x8FFFFFFF  }
0x99: {  	s19 =	sld [smem:$0x3FDB];
	_ =	sdelay $0x1  }
0x9a: {  	s5 =	simm.s32 $_scs_section_size  }
0x9b: {  	s6 =	simm.s32 $_size__tile_overlayer_lowered;
	s7 =	simm.s32 $_tile_overlayer_lowered  }
0x9c: {  	s22 =	simm.s32 $0x1BFF;
	s21 =	sshll.u32 s7, $0x1;
	s4 =	sadd.s32 s5, s19  }
0x9d: {  	s8 =	simm.s32 $0x0;
	s20 =	sshll.u32 s6, $0x1;
	s6 =	sadd.s32 s21, s4  }
0x9e: {  	[timem:s8], [sflag:s22] =	dma.local [hbm:s6], s20  }
0x9f: {  	_ =	swait.ge [sflag:s22], s20  }
0xa0: {  	s5 =	ssub.s32 $0x0, s20;
	[sflag:s22] =	ssyncset.done $0x0  }
0xa1: {  	[sflag:s22] =	ssyncadd.s32 s5;
	_ =	sdelay $0x1  }
0xa2: {  	s23 =	simm.s32 $0x1B8B  }
0xa3: {  	_ =	swait.ge [sflag:s23], $0x1  }
0xa4: {  	[sflag:s23] =	ssyncset.done $0x0  }
0xa5: {  	s25 =	simm.s32 $0x1B8E;
	s24 =	sld [smem:$0x3FFE];
	[sflag:s23] =	ssyncadd.s32 $0xFFFFFFFF  }
0xa6: {  	s26 =	simm.s32 $execute0_lowered;
	[smem:$0x3FD2] =	sst s25  }
0xa7: {  	s6 =	sshll.u32 s26, $0x1;
	_ =	strace $0x80000046;
	[dreg:$0x1] =	wrdreg $0xFFFFFFFF  }
0xa8: {  	s28 =	simm.s32 $_size_execute0_lowered;
	s4 =	sadd.s32 s4, s6;
	[dreg:$0x0] =	wrdreg $0x0  }
0xa9: {  	s6 =	sshll.u32 s28, $0x1;
	[dreg:$0x2] =	wrdreg s4  }
0xaa: {  	[dreg:$0x3] =	wrdreg s6  }
0xab: {  	[dreg:$0x4] =	wrdreg $0xC0  }
0xac: {  	_ =	task [dreg:s8], $0x5FFFF  }
0xad: {  	[dreg:$0x1] =	wrdreg $0xFFFFFFFF  }
0xae: {  	[dreg:$0x0] =	wrdreg $0x60  }
0xaf: {  	[dreg:$0x2] =	wrdreg s2  }
0xb0: {  	[dreg:$0x3] =	wrdreg s24  }
0xb1: {  	[dreg:$0x4] =	wrdreg s18  }
0xb2: {  	[dreg:$0x5] =	wrdreg $0x24800  }
0xb3: {  	[dreg:$0x6] =	wrdreg $0x9  }
0xb4: {  	_ =	task.clear_ibuf [dreg:s8], $0x7FFFF;
	_ =	strace $0x90000046  }
0xb5: {  	s29 =	simm.s32 $0x9;
	_ =	strace $0x80000048  }
0xb6: {  	_ =	swait.ge [sflag:s29], $0x1  }
0xb7: {  	[sflag:s29] =	ssyncadd.s32 $0xFFFFFFFF  }
0xb8: {  	_ =	strace $0x90000048  }
0xb9: {  	_ =	sfence  }
0xba: {  	s30 =	sld [smem:$0x0];
	_ =	sdelay $0x2  }
0xbb: {  	s31 =	sshll.u32 s1, $0xD;
	s1 =	sshrl.u32 s1, $0x2  }
0xbc: {  	s3 =	sand.u32 $0x4000, s31;
	s1 =	sadd.s32 s1, s30  }
0xbd: {  	s0 =	sor.u32 s3, s0;
	s1 =	sshll.u32 s1, $0x11  }
0xbe: {  	s0 =	sor.u32 s1, s0  }
0xbf: {  	s0 =	sadd.s32 $0x8F2B, s0  }
0xc0: {  	[sflag:s0] =	ssyncadd.remote.s32 $0x1  }
0xc1: {  	_ =	sfence.sel $0xFFFF  }
0xc2: {  	[dreg:$0x0] =	wrdreg $0xFFFFFFFF;
	(pc) =	sbr.abs _section_cstart, $3  }
0xc3: {  	[dreg:$0x1] =	wrdreg $0xFFFFFFFF  }
0xc4: {  	_ =	task.clear_ibuf [dreg:s8], $0x2FFFF;
	_ =	strace $0x9FFFFFFF  }
0xc5: {  	(tm) =	ssettm $0x7FFFFFFF  }
tec
execute0_lowered:
.L_overlay_start_1:
0x0: {  	(tag) =	ssettag $0x1  }
0x1: {  	s1 =	rddreg [dreg:$0x0]  }
0x2: {  	s4 =	rddreg [dreg:$0x1]  }
0x3: {  	s5 =	rddreg [dreg:$0x2]  }
0x4: {  	s6 =	rddreg [dreg:$0x3]  }
0x5: {  	s0 =	rddreg [dreg:$0x4]  }
0x6: {  	s3 =	simm.s32 $0x0;
	s7 =	srdreg.scid;
	s2 =	stileid.u32  }
0x7: {  	s15 =	simm.s32 $0x1880;
	s16 =	simm.s32 $0x1;
	s17 =	simm.s32 $0x400  }
0x8: {  	s18 =	simm.s32 $0x2080;
	s19 =	simm.s32 $0x2180;
	s20 =	simm.s32 $0x2280  }
0x9: {  	s21 =	simm.s32 $0x2380;
	[smem:$0x7FF] =	sst s3;
	s7 =	sand.u32 $0x1, s7  }
0xa: {  	s11 =	sand.u32 $0x1, s2;
	s9 =	sshrl.u32 s2, $0x1;
	s26 =	sshll.u32 s2, $0x8  }
0xb: {  	s28 =	sshll.u32 s2, $0x7;
	s8 =	sshll.u32 s7, $0x3;
	_ =	strace $0x80000047  }
0xc: {  	s10 =	sshll.u32 s11, $0x2;
	s24 =	ssub.s32 $0x2, s7;
	s7 =	sshll.u32 s7, $0xC  }
0xd: {  	s29 =	sshll.u32 s11, $0xA;
	s30 =	sand.u32 $0x300, s28;
	s31 =	sand.u32 $0x380, s28  }
0xe: {  	p0 =	sne.s32 s11, $0x0;
	s11 =	simm.s32 $0x2;
	s8 =	sor.u32 s9, s8  }
0xf: {  	s23 =	sadd.s32 s10, s4;
	s14 =	sshrl.u32 s24, $0x1;
	s6 =	sadd.s32 s7, s6  }
0x10: {  	s5 =	sadd.s32 s5, s29;
	s12 =	sshll.u32 s8, $0x3;
	s13 =	sshll.u32 s8, $0x5  }
0x11: {  	s10 =	ssub.s32 s24, s14;
	s8 =	sshll.u32 s8, $0xB;
	s14 =	simm.s32 $0x1080  }
.Ltmp0:
0x12: {  	v0 =	vlaneseq.u32;
	s9 =	sadd.s32 s12, s23;
	s25 =	sadd.s32 s13, s4;
	(pc) =	sbr.rel .LBB2_1-.Ltmp0, $4  }
0x13: {  	v1 =	vand.u32 $0x7, v0;
	v63 =	vshrl.u32 v0, $0x3;
	s5 =	sadd.s32 s8, s5;
	s4 =	sadd.s32 $0x800, s9;
	s9 =	sand.u32 $0x800, s26  }
0x14: {  	v0 =	vor.u32 $0x8, v0;
	[tilespmem:$0x1FFD0] =	vst v1;
	v1 =	vmul.u32 $0x8, v63;
	s10 =	smax.u32 s10, $0x1;
	s12 =	simm.s32 $0x80;
	s6 =	sadd.s32 s9, s6  }
0x15: {  	[tilespmem:$0x1FFF0] =	vst v0;
	s13 =	simm.s32 $0x880;
	s8 =	sadd.s32 $0xA00, s25;
	s9 =	sadd.s32 s30, s6  }
0x16: {  	vm0 =	vmmov $0xffff;
	[tilespmem:$0x1FFE0] =	vst v1;
	s6 =	sadd.s32 s31, s6;
	s7 =	sadd.s32 $0x80, s9;
	s9 =	sadd.s32 $0xC00, s25  }
.LBB2_3:
0x17: {  	s10 =	sadd.s32 $0xFFFFFFFF, s10  }
0x18: {  	p1 =	sne.s32 s10, $0x0  }
.Ltmp1:
0x19: {  	_ = 	snop;
	(pc) =	sbr.rel @!p1 .LBB2_4-.Ltmp1, $1  }
0x1a: {  	_ =	sdelay $0x3  }
.LBB2_1:
0x1b: {  	[tilespmem:s3], [sflag:$0x2] =	stream.linear.gather [hbm4b:s4+s3], $0x20, $0x38;
	[tilespmem:$0x2680] =	vst v63  }
0x1c: {  	_ =	swait.ge [sflag:s11], $0x20  }
0x1d: {  	[sflag:s11] =	ssyncset.done $0x0  }
0x1e: {  	[sflag:s11] =	ssyncadd.s32 $0xFFFFFFE0  }
0x1f: {  	v0 =	vld [tilespmem:$0x0];
	_ =	sdelay $0x2  }
0x20: {  	v2 =	vld [tilespmem:$0x1FFD0]  }
0x21: {  	v3 =	vld [tilespmem:$0x1FFE0]  }
0x22: {  	v4 =	vld [tilespmem:$0x1FFF0];
	v1 =	vshll.u32 v0, $0x1  }
0x23: {  	v0 =	vand.u32 $0x7, v0;
	v1 =	vand.u32 $0xFFFFFFF0, v1  }
0x24: {  	v0 =	vor.u32 v0, v1  }
0x25: {  	v1 =	vperm.xlane v0, v2;
	_ =	sdelay $0x1  }
0x26: {  	v0 =	vperm.xlane v0, v4;
	v1 =	vadd.s32 v3, v1;
	_ =	sdelay $0x1  }
0x27: {  	v0 =	vadd.s32 v3, v0;
	_ =	sdelay $0x2  }
0x28: {  	[tilespmem:s12], [sflag:$0x1] =	stream.indirect_vreg.gather [hbm4b:s1+s3], $0x80, v1, vm0, $0xb8;
	[tilespmem:$0x2680] =	vst v63  }
0x29: {  	_ = 	snop  }
0x2a: {  	[tilespmem:s13], [sflag:$0x1] =	stream.indirect_vreg.gather [hbm4b:s1+s3], $0x80, v0, vm0, $0xb8;
	[tilespmem:$0x2680] =	vst v63  }
0x2b: {  	v0 =	vld [tilespmem:$0x10];
	_ =	sdelay $0x4  }
0x2c: {  	v63 =	vshll.u32 v0, $0x1  }
0x2d: {  	v0 =	vand.u32 $0x7, v0;
	v1 =	vand.u32 $0xFFFFFFF0, v63  }
0x2e: {  	v0 =	vor.u32 v0, v1  }
0x2f: {  	v1 =	vperm.xlane v0, v2;
	_ =	sdelay $0x1  }
0x30: {  	v0 =	vperm.xlane v0, v4;
	v1 =	vadd.s32 v3, v1;
	_ =	sdelay $0x1  }
0x31: {  	v0 =	vadd.s32 v3, v0;
	_ =	sdelay $0x2  }
0x32: {  	[tilespmem:s14], [sflag:$0x1] =	stream.indirect_vreg.gather [hbm4b:s1+s3], $0x80, v1, vm0, $0xb8;
	[tilespmem:$0x2680] =	vst v63  }
0x33: {  	_ = 	snop  }
0x34: {  	[tilespmem:s15], [sflag:$0x1] =	stream.indirect_vreg.gather [hbm4b:s1+s3], $0x80, v0, vm0, $0xb8;
	[tilespmem:$0x2680] =	vst v63  }
0x35: {  	_ =	swait.ge [sflag:s16], $0x2000  }
0x36: {  	[sflag:s16] =	ssyncset.done $0x0  }
0x37: {  	[sflag:s16] =	ssyncadd.s32 $0xFFFFE000  }
0x38: {  	[hbm4b:s5+s3] =	stream.linear.scatter [tilespmem:s12], [sflag:$0x2], $0x2000, $0x38;
	[tilespmem:$0x2680] =	vst v63  }
0x39: {  	_ =	swait.ge [sflag:s11], $0x2000  }
0x3a: {  	[sflag:s11] =	ssyncset.done $0x0  }
0x3b: {  	[sflag:s11] =	ssyncadd.s32 $0xFFFFE000  }
0x3c: {  	v52 =	vld [tilespmem:$0x80]  }
0x3d: {  	v49 =	vld [tilespmem:$0x100]  }
0x3e: {  	v27 =	vld [tilespmem:$0x180]  }
0x3f: {  	v31 =	vld [tilespmem:$0x200]  }
0x40: {  	v5 =	vld [tilespmem:$0x280]  }
0x41: {  	v6 =	vld [tilespmem:$0x300]  }
0x42: {  	v7 =	vld [tilespmem:$0x380]  }
0x43: {  	v8 =	vld [tilespmem:$0x400]  }
0x44: {  	v9 =	vld [tilespmem:$0x880]  }
0x45: {  	v10 =	vld [tilespmem:$0x900]  }
0x46: {  	v11 =	vld [tilespmem:$0x980]  }
0x47: {  	v12 =	vld [tilespmem:$0xA00]  }
0x48: {  	v13 =	vld [tilespmem:$0xA80]  }
0x49: {  	v14 =	vld [tilespmem:$0xB00]  }
0x4a: {  	v15 =	vld [tilespmem:$0xB80];
	[tilespmem:$0x1EDE0] =	vst v5  }
0x4b: {  	v16 =	vld [tilespmem:$0xC00];
	[tilespmem:$0x1EDF0] =	vst v6  }
0x4c: {  	v17 =	vld [tilespmem:$0x1080];
	[tilespmem:$0x1EE00] =	vst v7  }
0x4d: {  	v18 =	vld [tilespmem:$0x1100];
	[tilespmem:$0x1EE10] =	vst v8  }
0x4e: {  	v19 =	vld [tilespmem:$0x1180];
	[tilespmem:$0x1EE20] =	vst v9  }
0x4f: {  	v20 =	vld [tilespmem:$0x1200];
	[tilespmem:$0x1EE30] =	vst v10  }
0x50: {  	v21 =	vld [tilespmem:$0x1280];
	[tilespmem:$0x1EE40] =	vst v11  }
0x51: {  	v22 =	vld [tilespmem:$0x1300];
	[tilespmem:$0x1EE60] =	vst v12  }
0x52: {  	v23 =	vld [tilespmem:$0x1380];
	[tilespmem:$0x1EE80] =	vst v13  }
0x53: {  	v24 =	vld [tilespmem:$0x1400];
	[tilespmem:$0x1EEA0] =	vst v14  }
0x54: {  	v25 =	vld [tilespmem:$0x1880];
	[tilespmem:$0x1EEC0] =	vst v15  }
0x55: {  	v26 =	vld [tilespmem:$0x1900];
	[tilespmem:$0x1EEE0] =	vst v16  }
0x56: {  	v28 =	vld [tilespmem:$0x1980];
	[tilespmem:$0x1EF00] =	vst v17  }
0x57: {  	v29 =	vld [tilespmem:$0x1A00];
	[tilespmem:$0x1EF30] =	vst v18  }
0x58: {  	v30 =	vld [tilespmem:$0x1A80];
	[tilespmem:$0x1EF60] =	vst v19  }
0x59: {  	v32 =	vld [tilespmem:$0x1B00];
	[tilespmem:$0x1EF90] =	vst v20  }
0x5a: {  	v33 =	vld [tilespmem:$0x1B80];
	[tilespmem:$0x1EFC0] =	vst v21  }
0x5b: {  	v34 =	vld [tilespmem:$0x1C00];
	[tilespmem:$0x1EFF0] =	vst v22  }
0x5c: {  	v38 =	vld [tilespmem:$0x310];
	[tilespmem:$0x1F020] =	vst v23  }
0x5d: {  	v42 =	vld [tilespmem:$0x390];
	[tilespmem:$0x1F060] =	vst v24  }
0x5e: {  	v47 =	vld [tilespmem:$0x410];
	[tilespmem:$0x1F0A0] =	vst v25  }
0x5f: {  	v55 =	vld [tilespmem:$0x890];
	[tilespmem:$0x1F0E0] =	vst v26  }
0x60: {  	v35 =	vld [tilespmem:$0x990];
	[tilespmem:$0x1F120] =	vst v28  }
0x61: {  	v36 =	vld [tilespmem:$0xA10];
	[tilespmem:$0x1F160] =	vst v29  }
0x62: {  	v37 =	vld [tilespmem:$0xA90];
	[tilespmem:$0x1F1A0] =	vst v30  }
0x63: {  	v39 =	vld [tilespmem:$0xB10];
	[tilespmem:$0x1F1E0] =	vst v32  }
0x64: {  	v40 =	vld [tilespmem:$0xB90];
	[tilespmem:$0x1F220] =	vst v33  }
0x65: {  	v41 =	vld [tilespmem:$0xC10];
	[tilespmem:$0x1F260] =	vst v34  }
0x66: {  	v43 =	vld [tilespmem:$0x1090];
	[tilespmem:$0x1EE50] =	vst v35  }
0x67: {  	v44 =	vld [tilespmem:$0x1110];
	[tilespmem:$0x1EE70] =	vst v36  }
0x68: {  	v45 =	vld [tilespmem:$0x1190];
	[tilespmem:$0x1EE90] =	vst v37  }
0x69: {  	v46 =	vld [tilespmem:$0x1210];
	[tilespmem:$0x1EEB0] =	vst v39  }
0x6a: {  	v48 =	vld [tilespmem:$0x1290];
	[tilespmem:$0x1EED0] =	vst v40  }
0x6b: {  	v50 =	vld [tilespmem:$0x1310];
	[tilespmem:$0x1EEF0] =	vst v41  }
0x6c: {  	v51 =	vld [tilespmem:$0x1390];
	[tilespmem:$0x1EF20] =	vst v43  }
0x6d: {  	v53 =	vld [tilespmem:$0x1410];
	[tilespmem:$0x1EF50] =	vst v44  }
0x6e: {  	v54 =	vld [tilespmem:$0x1890];
	[tilespmem:$0x1EF80] =	vst v45  }
0x6f: {  	v56 =	vld [tilespmem:$0x1910];
	[tilespmem:$0x1EFB0] =	vst v46  }
0x70: {  	v57 =	vld [tilespmem:$0x1990];
	[tilespmem:$0x1EFE0] =	vst v48  }
0x71: {  	v58 =	vld [tilespmem:$0x1A10];
	[tilespmem:$0x1F010] =	vst v50  }
0x72: {  	v24 =	vld [tilespmem:$0x90];
	[tilespmem:$0x1F040] =	vst v51  }
0x73: {  	v21 =	vld [tilespmem:$0x110];
	[tilespmem:$0x1F080] =	vst v53  }
0x74: {  	v26 =	vld [tilespmem:$0x190];
	[tilespmem:$0x1F0C0] =	vst v54  }
0x75: {  	v30 =	vld [tilespmem:$0x210];
	[tilespmem:$0x1F100] =	vst v56  }
0x76: {  	v34 =	vld [tilespmem:$0x290];
	[tilespmem:$0x1F140] =	vst v57  }
0x77: {  	v23 =	vld [tilespmem:$0x910];
	[tilespmem:$0x1F180] =	vst v58  }
0x78: {  	v0 =	vld [tilespmem:$0x1A90]  }
0x79: {  	v59 =	vld [tilespmem:$0x1B10]  }
0x7a: {  	v60 =	vld [tilespmem:$0x1B90]  }
0x7b: {  	v61 =	vld [tilespmem:$0x1C10]  }
0x7c: {  	v8 =	vld [tilespmem:$0xA0]  }
0x7d: {  	v7 =	vld [tilespmem:$0x120]  }
0x7e: {  	v10 =	vld [tilespmem:$0x1A0]  }
0x7f: {  	v12 =	vld [tilespmem:$0x220]  }
0x80: {  	v14 =	vld [tilespmem:$0x2A0]  }
0x81: {  	v16 =	vld [tilespmem:$0x320]  }
0x82: {  	v18 =	vld [tilespmem:$0x3A0]  }
0x83: {  	v22 =	vld [tilespmem:$0x420]  }
0x84: {  	v28 =	vld [tilespmem:$0x8A0]  }
0x85: {  	v32 =	vld [tilespmem:$0x920]  }
0x86: {  	v36 =	vld [tilespmem:$0x9A0]  }
0x87: {  	v40 =	vld [tilespmem:$0xA20]  }
0x88: {  	v43 =	vld [tilespmem:$0xAA0]  }
0x89: {  	v51 =	vld [tilespmem:$0xB20]  }
0x8a: {  	v56 =	vld [tilespmem:$0xBA0]  }
0x8b: {  	v62 =	vld [tilespmem:$0xC20]  }
0x8c: {  	v63 =	vld [tilespmem:$0x10A0]  }
0x8d: {  	v4 =	vld [tilespmem:$0x1120]  }
0x8e: {  	v5 =	vld [tilespmem:$0x11A0]  }
0x8f: {  	v6 =	vld [tilespmem:$0x1220]  }
0x90: {  	v9 =	vld [tilespmem:$0x12A0]  }
0x91: {  	[tilespmem:$0x1EF40] =	vst v63;
	v63 =	vld [tilespmem:$0x140]  }
0x92: {  	v11 =	vld [tilespmem:$0x1320]  }
0x93: {  	v13 =	vld [tilespmem:$0x13A0]  }
0x94: {  	v15 =	vld [tilespmem:$0x1420]  }
0x95: {  	v17 =	vld [tilespmem:$0x18A0]  }
0x96: {  	[tilespmem:$0x1F2C0] =	vst v63;
	v63 =	vld [tilespmem:$0xBC0]  }
0x97: {  	v19 =	vld [tilespmem:$0x1920]  }
0x98: {  	v20 =	vld [tilespmem:$0x19A0]  }
0x99: {  	v25 =	vld [tilespmem:$0x1A20]  }
0x9a: {  	v29 =	vld [tilespmem:$0x1AA0]  }
0x9b: {  	[tilespmem:$0x1F550] =	vst v63;
	v63 =	vld [tilespmem:$0x1A40]  }
0x9c: {  	v33 =	vld [tilespmem:$0x1B20]  }
0x9d: {  	v35 =	vld [tilespmem:$0x1BA0]  }
0x9e: {  	v37 =	vld [tilespmem:$0x1C20]  }
0x9f: {  	v1 =	vld [tilespmem:$0xB0]  }
0xa0: {  	[tilespmem:$0x1F890] =	vst v63;
	v63 =	vld [tilespmem:$0x8D0]  }
0xa1: {  	v2 =	vld [tilespmem:$0x1B0]  }
0xa2: {  	v3 =	vld [tilespmem:$0x230]  }
0xa3: {  	v41 =	vld [tilespmem:$0x1130]  }
0xa4: {  	v45 =	vld [tilespmem:$0x11B0]  }
0xa5: {  	[tilespmem:$0x1F410] =	vst v63;
	v63 =	vld [tilespmem:$0x1350]  }
0xa6: {  	v53 =	vld [tilespmem:$0x1230]  }
0xa7: {  	v39 =	vld [tilespmem:$0x13B0]  }
0xa8: {  	v44 =	vld [tilespmem:$0x1430]  }
0xa9: {  	v46 =	vld [tilespmem:$0x18B0]  }
0xaa: {  	[tilespmem:$0x1F730] =	vst v63;
	v63 =	vld [tilespmem:$0x360]  }
0xab: {  	v48 =	vld [tilespmem:$0x1930]  }
0xac: {  	v50 =	vld [tilespmem:$0x19B0]  }
0xad: {  	v54 =	vld [tilespmem:$0x1A30]  }
0xae: {  	v49 =	vadd.f32 v49, v52;
	v57 =	vld [tilespmem:$0x1AB0]  }
0xaf: {  	[tilespmem:$0x1F3A0] =	vst v63;
	v63 =	vld [tilespmem:$0xBE0]  }
0xb0: {  	v58 =	vld [tilespmem:$0x1B30];
	v52 =	vadd.f32 v27, v49  }
0xb1: {  	v49 =	vld [tilespmem:$0x1480]  }
0xb2: {  	v27 =	vadd.f32 v31, v52;
	v31 =	vld [tilespmem:$0x1000]  }
0xb3: {  	v52 =	vld [tilespmem:$0x1EDE0]  }
0xb4: {  	[tilespmem:$0x1F5A0] =	vst v63;
	v63 =	vld [tilespmem:$0x1460]  }
0xb5: {  	v21 =	vadd.f32 v21, v24;
	v24 =	vld [tilespmem:$0x1EDF0]  }
0xb6: {  	[tilespmem:$0x1F1C0] =	vst v0;
	v0 =	vld [tilespmem:$0x130]  }
0xb7: {  	[tilespmem:$0x1EF70] =	vst v4;
	v4 =	vld [tilespmem:$0x2B0]  }
0xb8: {  	[tilespmem:$0x1EFA0] =	vst v5;
	v5 =	vld [tilespmem:$0x330]  }
0xb9: {  	[tilespmem:$0x1F7E0] =	vst v63;
	v63 =	vld [tilespmem:$0x970]  }
0xba: {  	[tilespmem:$0x1EFD0] =	vst v6;
	v6 =	vld [tilespmem:$0x3B0]  }
0xbb: {  	[tilespmem:$0x1F000] =	vst v9;
	v9 =	vld [tilespmem:$0x430]  }
0xbc: {  	[tilespmem:$0x1F030] =	vst v11;
	v11 =	vld [tilespmem:$0x8B0]  }
0xbd: {  	[tilespmem:$0x1F070] =	vst v13;
	v13 =	vld [tilespmem:$0x930]  }
0xbe: {  	[tilespmem:$0x1F480] =	vst v63;
	v63 =	vld [tilespmem:$0x9F0]  }
0xbf: {  	[tilespmem:$0x1F0B0] =	vst v15;
	v15 =	vld [tilespmem:$0x9B0]  }
0xc0: {  	[tilespmem:$0x1F0F0] =	vst v17;
	v17 =	vld [tilespmem:$0xA30]  }
0xc1: {  	[tilespmem:$0x1F130] =	vst v19;
	v19 =	vld [tilespmem:$0xAB0]  }
0xc2: {  	[tilespmem:$0x1F1B0] =	vst v25;
	v25 =	vld [tilespmem:$0xB30]  }
0xc3: {  	[tilespmem:$0x1F4C0] =	vst v63;
	v63 =	vld [tilespmem:$0xA70]  }
0xc4: {  	[tilespmem:$0x1F1F0] =	vst v29;
	v29 =	vld [tilespmem:$0xBB0]  }
0xc5: {  	[tilespmem:$0x1F230] =	vst v33;
	v33 =	vld [tilespmem:$0xC30]  }
0xc6: {  	[tilespmem:$0x1F2A0] =	vst v37;
	v37 =	vld [tilespmem:$0x10B0]  }
0xc7: {  	[tilespmem:$0x1F200] =	vst v59;
	v59 =	vld [tilespmem:$0x12B0]  }
0xc8: {  	[tilespmem:$0x1F500] =	vst v63;
	v63 =	vld [tilespmem:$0xAF0]  }
0xc9: {  	[tilespmem:$0x1F170] =	vst v20;
	v20 =	vld [tilespmem:$0x1330]  }
0xca: {  	[tilespmem:$0x1F240] =	vst v60;
	v60 =	vld [tilespmem:$0x1BB0]  }
0xcb: {  	[tilespmem:$0x1F280] =	vst v61;
	v61 =	vld [tilespmem:$0x1C30]  }
0xcc: {  	[tilespmem:$0x1EF10] =	vst v62;
	v62 =	vld [tilespmem:$0xC0]  }
0xcd: {  	[tilespmem:$0x1F540] =	vst v63;
	v63 =	vld [tilespmem:$0xB70]  }
0xce: {  	[tilespmem:$0x1F270] =	vst v35;
	v35 =	vld [tilespmem:$0x1C0]  }
0xcf: {  	[tilespmem:$0x1F090] =	vst v39;
	v39 =	vld [tilespmem:$0x240]  }
0xd0: {  	[tilespmem:$0x1F0D0] =	vst v44;
	v44 =	vld [tilespmem:$0x2C0]  }
0xd1: {  	[tilespmem:$0x1F110] =	vst v46;
	v46 =	vld [tilespmem:$0x340]  }
0xd2: {  	[tilespmem:$0x1F580] =	vst v63;
	v63 =	vld [tilespmem:$0xBF0]  }
0xd3: {  	[tilespmem:$0x1F150] =	vst v48;
	v48 =	vld [tilespmem:$0x3C0]  }
0xd4: {  	[tilespmem:$0x1F190] =	vst v50;
	v50 =	vld [tilespmem:$0x440]  }
0xd5: {  	[tilespmem:$0x1F1D0] =	vst v54;
	v54 =	vld [tilespmem:$0x8C0]  }
0xd6: {  	[tilespmem:$0x1F210] =	vst v57;
	v57 =	vld [tilespmem:$0x940]  }
0xd7: {  	[tilespmem:$0x1F5C0] =	vst v63;
	v63 =	vld [tilespmem:$0xC70]  }
0xd8: {  	[tilespmem:$0x1F250] =	vst v58;
	v58 =	vld [tilespmem:$0x9C0]  }
0xd9: {  	v7 =	vadd.f32 v7, v8;
	v21 =	vadd.f32 v26, v21;
	v26 =	vld [tilespmem:$0xF80]  }
0xda: {  	[tilespmem:$0x1FBB0] =	vst v49;
	v49 =	vld [tilespmem:$0x1800]  }
0xdb: {  	v7 =	vadd.f32 v10, v7;
	v10 =	vld [tilespmem:$0x1500]  }
0xdc: {  	[tilespmem:$0x1F600] =	vst v63;
	v63 =	vld [tilespmem:$0x10F0]  }
0xdd: {  	v8 =	vadd.f32 v30, v21;
	v21 =	vld [tilespmem:$0x1580]  }
0xde: {  	v30 =	vld [tilespmem:$0x1680]  }
0xdf: {  	[tilespmem:$0x1FB90] =	vst v31;
	v31 =	vld [tilespmem:$0x1EE00]  }
0xe0: {  	[tilespmem:$0x1F290] =	vst v60;
	v60 =	vld [tilespmem:$0xA40]  }
0xe1: {  	[tilespmem:$0x1F640] =	vst v63;
	v63 =	vld [tilespmem:$0x1170]  }
0xe2: {  	[tilespmem:$0x1F2D0] =	vst v61;
	v61 =	vld [tilespmem:$0xAC0]  }
0xe3: {  	[tilespmem:$0x1F2B0] =	vst v62;
	v62 =	vld [tilespmem:$0xB40]  }
0xe4: {  	[tilespmem:$0x1F300] =	vst v35;
	v35 =	vld [tilespmem:$0xC40]  }
0xe5: {  	[tilespmem:$0x1F320] =	vst v39;
	v39 =	vld [tilespmem:$0x10C0]  }
0xe6: {  	[tilespmem:$0x1F680] =	vst v63;
	v63 =	vld [tilespmem:$0x11F0]  }
0xe7: {  	[tilespmem:$0x1F340] =	vst v44;
	v44 =	vld [tilespmem:$0x1140]  }
0xe8: {  	[tilespmem:$0x1F360] =	vst v46;
	v46 =	vld [tilespmem:$0x11C0]  }
0xe9: {  	[tilespmem:$0x1F390] =	vst v48;
	v48 =	vld [tilespmem:$0x1240]  }
0xea: {  	[tilespmem:$0x1F3C0] =	vst v50;
	v50 =	vld [tilespmem:$0x12C0]  }
0xeb: {  	[tilespmem:$0x1F6C0] =	vst v63;
	v63 =	vld [tilespmem:$0x1270]  }
0xec: {  	[tilespmem:$0x1F3F0] =	vst v54;
	v54 =	vld [tilespmem:$0x1340]  }
0xed: {  	[tilespmem:$0x1F420] =	vst v57;
	v57 =	vld [tilespmem:$0x13C0]  }
0xee: {  	[tilespmem:$0x1F450] =	vst v58;
	v58 =	vld [tilespmem:$0x1440]  }
0xef: {  	[tilespmem:$0x1F050] =	vst v20;
	v20 =	vld [tilespmem:$0x270]  }
0xf0: {  	[tilespmem:$0x1F700] =	vst v63;
	v63 =	vld [tilespmem:$0x12F0]  }
0xf1: {  	v0 =	vadd.f32 v0, v1;
	v1 =	vadd.f32 v52, v27;
	v52 =	vld [tilespmem:$0x1C80]  }
0xf2: {  	[tilespmem:$0x1FB70] =	vst v26;
	v26 =	vld [tilespmem:$0x1600]  }
0xf3: {  	[tilespmem:$0x1FCE0] =	vst v49;
	v49 =	vld [tilespmem:$0x1EEE0]  }
0xf4: {  	[tilespmem:$0x1FBD0] =	vst v10;
	v10 =	vld [tilespmem:$0x1D80]  }
0xf5: {  	[tilespmem:$0x1F740] =	vst v63;
	v63 =	vld [tilespmem:$0x1370]  }
0xf6: {  	v1 =	vadd.f32 v24, v1;
	v24 =	vld [tilespmem:$0x1EE60]  }
0xf7: {  	[tilespmem:$0x1FBF0] =	vst v21;
	v21 =	vld [tilespmem:$0x1F00]  }
0xf8: {  	[tilespmem:$0x1FC50] =	vst v30;
	v30 =	vld [tilespmem:$0x1EE90]  }
0xf9: {  	v1 =	vadd.f32 v31, v1;
	v31 =	vld [tilespmem:$0x1EEA0]  }
0xfa: {  	[tilespmem:$0x1F780] =	vst v63;
	v63 =	vld [tilespmem:$0x13F0]  }
0xfb: {  	[tilespmem:$0x1F490] =	vst v60;
	v60 =	vld [tilespmem:$0x18C0]  }
0xfc: {  	[tilespmem:$0x1F4D0] =	vst v61;
	v61 =	vld [tilespmem:$0x1940]  }
0xfd: {  	[tilespmem:$0x1F510] =	vst v62;
	v62 =	vld [tilespmem:$0x19C0]  }
0xfe: {  	[tilespmem:$0x1F590] =	vst v35;
	v35 =	vld [tilespmem:$0x1AC0]  }
0xff: {  	[tilespmem:$0x1F7C0] =	vst v63;
	v63 =	vld [tilespmem:$0x1470]  }
0x100: {  	[tilespmem:$0x1F5D0] =	vst v39;
	v39 =	vld [tilespmem:$0x1B40]  }
0x101: {  	[tilespmem:$0x1F610] =	vst v44;
	v44 =	vld [tilespmem:$0x1BC0]  }
0x102: {  	[tilespmem:$0x1F650] =	vst v46;
	v46 =	vld [tilespmem:$0x1C40]  }
0x103: {  	[tilespmem:$0x1F690] =	vst v48;
	v48 =	vld [tilespmem:$0xD0]  }
0x104: {  	[tilespmem:$0x1F800] =	vst v63;
	v63 =	vld [tilespmem:$0x18F0]  }
0x105: {  	[tilespmem:$0x1F6D0] =	vst v50;
	v50 =	vld [tilespmem:$0x150]  }
0x106: {  	[tilespmem:$0x1F710] =	vst v54;
	v54 =	vld [tilespmem:$0x1D0]  }
0x107: {  	[tilespmem:$0x1F750] =	vst v57;
	v57 =	vld [tilespmem:$0x250]  }
0x108: {  	[tilespmem:$0x1F790] =	vst v58;
	v58 =	vld [tilespmem:$0x2D0]  }
0x109: {  	[tilespmem:$0x1F840] =	vst v63;
	v63 =	vld [tilespmem:$0x1970]  }
0x10a: {  	[tilespmem:$0x1FD10] =	vst v52;
	v52 =	vld [tilespmem:$0x810]  }
0x10b: {  	[tilespmem:$0x1FC20] =	vst v26;
	v26 =	vld [tilespmem:$0x2000]  }
0x10c: {  	[tilespmem:$0x1FD70] =	vst v10;
	v10 =	vld [tilespmem:$0x1EF20]  }
0x10d: {  	[tilespmem:$0x1FE00] =	vst v21;
	v21 =	vld [tilespmem:$0x1EF80]  }
0x10e: {  	[tilespmem:$0x1F880] =	vst v63;
	v63 =	vld [tilespmem:$0x19F0]  }
0x10f: {  	[tilespmem:$0x1F7D0] =	vst v60;
	v60 =	vld [tilespmem:$0x350]  }
0x110: {  	[tilespmem:$0x1F810] =	vst v61;
	v61 =	vld [tilespmem:$0x3D0]  }
0x111: {  	[tilespmem:$0x1F850] =	vst v62;
	v62 =	vld [tilespmem:$0x450]  }
0x112: {  	[tilespmem:$0x1F8D0] =	vst v35;
	v35 =	vld [tilespmem:$0x950]  }
0x113: {  	[tilespmem:$0x1F8C0] =	vst v63;
	v63 =	vld [tilespmem:$0x1A70]  }
0x114: {  	[tilespmem:$0x1F910] =	vst v39;
	v39 =	vld [tilespmem:$0x9D0]  }
0x115: {  	v0 =	vadd.f32 v2, v0;
	[tilespmem:$0x1F950] =	vst v44;
	v44 =	vld [tilespmem:$0xA50]  }
0x116: {  	[tilespmem:$0x1F990] =	vst v46;
	v46 =	vld [tilespmem:$0xAD0]  }
0x117: {  	v0 =	vadd.f32 v3, v0;
	[tilespmem:$0x1F2E0] =	vst v48;
	v48 =	vld [tilespmem:$0xB50]  }
0x118: {  	[tilespmem:$0x1F900] =	vst v63;
	v63 =	vld [tilespmem:$0x1AF0]  }
0x119: {  	v0 =	vadd.f32 v4, v0;
	[tilespmem:$0x1F2F0] =	vst v50;
	v50 =	vld [tilespmem:$0xBD0]  }
0x11a: {  	[tilespmem:$0x1F310] =	vst v54;
	v54 =	vld [tilespmem:$0xC50]  }
0x11b: {  	v0 =	vadd.f32 v5, v0;
	[tilespmem:$0x1F330] =	vst v57;
	v57 =	vld [tilespmem:$0x10D0]  }
0x11c: {  	[tilespmem:$0x1F350] =	vst v58;
	v58 =	vld [tilespmem:$0x1150]  }
0x11d: {  	v0 =	vadd.f32 v6, v0;
	[tilespmem:$0x1F940] =	vst v63;
	v63 =	vld [tilespmem:$0x1B70]  }
0x11e: {  	[tilespmem:$0x1FAA0] =	vst v52;
	v52 =	vld [tilespmem:$0x1F050]  }
0x11f: {  	[tilespmem:$0x1FE60] =	vst v26;
	v26 =	vld [tilespmem:$0x510];
	v0 =	vadd.f32 v9, v0  }
0x120: {  	v9 =	vld [tilespmem:$0xD10]  }
0x121: {  	v0 =	vadd.f32 v11, v0;
	v11 =	vld [tilespmem:$0xD90]  }
0x122: {  	[tilespmem:$0x1F980] =	vst v63;
	v63 =	vld [tilespmem:$0x1BF0]  }
0x123: {  	[tilespmem:$0x1F380] =	vst v60;
	v60 =	vld [tilespmem:$0x11D0]  }
0x124: {  	[tilespmem:$0x1F3B0] =	vst v61;
	v61 =	vld [tilespmem:$0x1250]  }
0x125: {  	[tilespmem:$0x1F3E0] =	vst v62;
	v62 =	vld [tilespmem:$0x12D0]  }
0x126: {  	[tilespmem:$0x1F440] =	vst v35;
	v35 =	vld [tilespmem:$0x13D0]  }
0x127: {  	[tilespmem:$0x1F9C0] =	vst v63;
	v63 =	vld [tilespmem:$0x1C70]  }
0x128: {  	[tilespmem:$0x1F470] =	vst v39;
	v39 =	vld [tilespmem:$0x1450]  }
0x129: {  	[tilespmem:$0x1F4B0] =	vst v44;
	v44 =	vld [tilespmem:$0x18D0]  }
0x12a: {  	[tilespmem:$0x1F4F0] =	vst v46;
	v46 =	vld [tilespmem:$0x1950]  }
0x12b: {  	[tilespmem:$0x1F530] =	vst v48;
	v48 =	vld [tilespmem:$0x19D0]  }
0x12c: {  	[tilespmem:$0x1FA00] =	vst v63;
	v63 =	vld [tilespmem:$0x480]  }
0x12d: {  	[tilespmem:$0x1F570] =	vst v50;
	v50 =	vld [tilespmem:$0x1A50]  }
0x12e: {  	[tilespmem:$0x1F5B0] =	vst v54;
	v54 =	vld [tilespmem:$0x1AD0]  }
0x12f: {  	[tilespmem:$0x1F5F0] =	vst v57;
	v57 =	vld [tilespmem:$0x1B50]  }
0x130: {  	[tilespmem:$0x1F630] =	vst v58;
	v58 =	vld [tilespmem:$0x1BD0]  }
0x131: {  	[tilespmem:$0x1F9E0] =	vst v63;
	v63 =	vld [tilespmem:$0x500]  }
0x132: {  	v0 =	vadd.f32 v13, v0;
	v13 =	vld [tilespmem:$0x1EF40]  }
0x133: {  	[tilespmem:$0x1FAE0] =	vst v9;
	v9 =	vld [tilespmem:$0x1C90]  }
0x134: {  	v0 =	vadd.f32 v15, v0;
	v15 =	vld [tilespmem:$0x1EF50]  }
0x135: {  	[tilespmem:$0x1FB00] =	vst v11;
	v11 =	vld [tilespmem:$0x1F0B0]  }
0x136: {  	[tilespmem:$0x1F9F0] =	vst v63;
	v63 =	vld [tilespmem:$0x580]  }
0x137: {  	[tilespmem:$0x1F670] =	vst v60;
	v60 =	vld [tilespmem:$0x1C50]  }
0x138: {  	[tilespmem:$0x1F870] =	vst v48;
	v48 =	vld [tilespmem:$0xE0]  }
0x139: {  	[tilespmem:$0x1F830] =	vst v46;
	v46 =	vld [tilespmem:$0x160]  }
0x13a: {  	[tilespmem:$0x1F930] =	vst v57;
	v57 =	vld [tilespmem:$0x1E0]  }
0x13b: {  	[tilespmem:$0x1FA10] =	vst v63;
	v63 =	vld [tilespmem:$0x600]  }
0x13c: {  	[tilespmem:$0x1F6F0] =	vst v62;
	v62 =	vld [tilespmem:$0x260]  }
0x13d: {  	[tilespmem:$0x1F6B0] =	vst v61;
	v61 =	vld [tilespmem:$0x2E0]  }
0x13e: {  	[tilespmem:$0x1F770] =	vst v35;
	v35 =	vld [tilespmem:$0x3E0]  }
0x13f: {  	[tilespmem:$0x1F7B0] =	vst v39;
	v39 =	vld [tilespmem:$0x460]  }
0x140: {  	[tilespmem:$0x1FA20] =	vst v63;
	v63 =	vld [tilespmem:$0x680]  }
0x141: {  	[tilespmem:$0x1F7F0] =	vst v44;
	v44 =	vld [tilespmem:$0x8E0]  }
0x142: {  	[tilespmem:$0x1F8B0] =	vst v50;
	v50 =	vld [tilespmem:$0x960]  }
0x143: {  	[tilespmem:$0x1F8F0] =	vst v54;
	v54 =	vld [tilespmem:$0x9E0]  }
0x144: {  	[tilespmem:$0x1F970] =	vst v58;
	v58 =	vld [tilespmem:$0xA60];
	v0 =	vadd.f32 v17, v0  }
0x145: {  	[tilespmem:$0x1FA40] =	vst v63;
	v63 =	vld [tilespmem:$0x700]  }
0x146: {  	v17 =	vld [tilespmem:$0x1EF60];
	v0 =	vadd.f32 v19, v0  }
0x147: {  	v19 =	vld [tilespmem:$0xF10]  }
0x148: {  	v0 =	vadd.f32 v25, v0;
	v25 =	vld [tilespmem:$0x1010]  }
0x149: {  	[tilespmem:$0x1F9B0] =	vst v60;
	v60 =	vld [tilespmem:$0xAE0]  }
0x14a: {  	[tilespmem:$0x1FA60] =	vst v63;
	v63 =	vld [tilespmem:$0x780]  }
0x14b: {  	[tilespmem:$0x1F370] =	vst v61;
	v61 =	vld [tilespmem:$0xB60]  }
0x14c: {  	[tilespmem:$0x1F3D0] =	vst v35;
	v35 =	vld [tilespmem:$0xC60]  }
0x14d: {  	[tilespmem:$0x1F400] =	vst v39;
	v39 =	vld [tilespmem:$0x10E0]  }
0x14e: {  	[tilespmem:$0x1F430] =	vst v44;
	v44 =	vld [tilespmem:$0x1160]  }
0x14f: {  	[tilespmem:$0x1FA70] =	vst v63;
	v63 =	vld [tilespmem:$0x800]  }
0x150: {  	[tilespmem:$0x1F460] =	vst v50;
	v50 =	vld [tilespmem:$0x11E0]  }
0x151: {  	[tilespmem:$0x1F4A0] =	vst v54;
	v54 =	vld [tilespmem:$0x1260]  }
0x152: {  	[tilespmem:$0x1F4E0] =	vst v58;
	v58 =	vld [tilespmem:$0x12E0]  }
0x153: {  	v0 =	vadd.f32 v29, v0;
	v29 =	vld [tilespmem:$0x1EFC0]  }
0x154: {  	[tilespmem:$0x1FA90] =	vst v63;
	v63 =	vld [tilespmem:$0xC80]  }
0x155: {  	v0 =	vadd.f32 v33, v0;
	v33 =	vld [tilespmem:$0x1590]  }
0x156: {  	[tilespmem:$0x1F520] =	vst v60;
	v60 =	vld [tilespmem:$0x1360]  }
0x157: {  	[tilespmem:$0x1F560] =	vst v61;
	v61 =	vld [tilespmem:$0x13E0]  }
0x158: {  	[tilespmem:$0x1F5E0] =	vst v35;
	v35 =	vld [tilespmem:$0x18E0]  }
0x159: {  	[tilespmem:$0x1FAB0] =	vst v63;
	v63 =	vld [tilespmem:$0xD00]  }
0x15a: {  	[tilespmem:$0x1F620] =	vst v39;
	v39 =	vld [tilespmem:$0x1960]  }
0x15b: {  	[tilespmem:$0x1F660] =	vst v44;
	v44 =	vld [tilespmem:$0x19E0]  }
0x15c: {  	[tilespmem:$0x1F6A0] =	vst v50;
	v50 =	vld [tilespmem:$0x1A60]  }
0x15d: {  	[tilespmem:$0x1F6E0] =	vst v54;
	v54 =	vld [tilespmem:$0x1AE0]  }
0x15e: {  	v0 =	vadd.f32 v37, v0;
	[tilespmem:$0x1FAD0] =	vst v63;
	v63 =	vld [tilespmem:$0xD80]  }
0x15f: {  	[tilespmem:$0x1F720] =	vst v58;
	v58 =	vld [tilespmem:$0x1B60]  }
0x160: {  	v37 =	vld [tilespmem:$0x1F000];
	v0 =	vadd.f32 v41, v0  }
0x161: {  	v41 =	vld [tilespmem:$0x1F010]  }
0x162: {  	v0 =	vadd.f32 v45, v0;
	v45 =	vld [tilespmem:$0x1F030]  }
0x163: {  	[tilespmem:$0x1FAF0] =	vst v63;
	v63 =	vld [tilespmem:$0xE00]  }
0x164: {  	[tilespmem:$0x1F760] =	vst v60;
	v60 =	vld [tilespmem:$0x1BE0]  }
0x165: {  	[tilespmem:$0x1F7A0] =	vst v61;
	v61 =	vld [tilespmem:$0x1C60]  }
0x166: {  	[tilespmem:$0x1F920] =	vst v54;
	v54 =	vld [tilespmem:$0x1F0]  }
0x167: {  	[tilespmem:$0x1F820] =	vst v35;
	v35 =	vld [tilespmem:$0x2F0]  }
0x168: {  	[tilespmem:$0x1FB10] =	vst v63;
	v63 =	vld [tilespmem:$0xE80]  }
0x169: {  	[tilespmem:$0x1F860] =	vst v39;
	v39 =	vld [tilespmem:$0x370]  }
0x16a: {  	[tilespmem:$0x1F8A0] =	vst v44;
	v44 =	vld [tilespmem:$0x3F0]  }
0x16b: {  	[tilespmem:$0x1F8E0] =	vst v50;
	v50 =	vld [tilespmem:$0x470]  }
0x16c: {  	[tilespmem:$0x1F960] =	vst v58;
	v58 =	vld [tilespmem:$0x8F0]  }
0x16d: {  	v0 =	vadd.f32 v53, v0;
	[tilespmem:$0x1FB30] =	vst v63;
	v63 =	vld [tilespmem:$0xF00]  }
0x16e: {  	v53 =	vld [tilespmem:$0x1790]  }
0x16f: {  	v0 =	vadd.f32 v59, v0;
	v59 =	vld [tilespmem:$0x1810]  }
0x170: {  	[tilespmem:$0x1F9D0] =	vst v61;
	v61 =	vld [tilespmem:$0xF0]  }
0x171: {  	[tilespmem:$0x1F9A0] =	vst v60;
	v60 =	vld [tilespmem:$0x170]  }
0x172: {  	[tilespmem:$0x1FB50] =	vst v63;
	v63 =	vadd.f32 v12, v7;
	v12 =	vadd.f32 v34, v8;
	v34 =	vld [tilespmem:$0x1700]  }
0x173: {  	v8 =	vld [tilespmem:$0x1D00]  }
0x174: {  	v27 =	vadd.f32 v38, v12;
	v38 =	vld [tilespmem:$0x1780]  }
0x175: {  	v2 =	vadd.f32 v14, v63;
	v63 =	vld [tilespmem:$0x1EE20]  }
0x176: {  	v12 =	vld [tilespmem:$0x1EE30]  }
0x177: {  	v14 =	vld [tilespmem:$0x1E00]  }
0x178: {  	v3 =	vadd.f32 v42, v27;
	v42 =	vld [tilespmem:$0x1EE10]  }
0x179: {  	v2 =	vadd.f32 v16, v2;
	v16 =	vld [tilespmem:$0x1E80]  }
0x17a: {  	v27 =	vld [tilespmem:$0x1EE70]  }
0x17b: {  	[tilespmem:$0x1FC80] =	vst v34;
	v34 =	vld [tilespmem:$0x490]  }
0x17c: {  	[tilespmem:$0x1FD40] =	vst v8;
	v8 =	vld [tilespmem:$0x1EF10]  }
0x17d: {  	v2 =	vadd.f32 v18, v2;
	v18 =	vld [tilespmem:$0x1EE40]  }
0x17e: {  	v3 =	vadd.f32 v47, v3;
	v47 =	vld [tilespmem:$0x790]  }
0x17f: {  	[tilespmem:$0x1FCB0] =	vst v38;
	v38 =	vld [tilespmem:$0x590]  }
0x180: {  	[tilespmem:$0x1FDA0] =	vst v14;
	v14 =	vld [tilespmem:$0xE10]  }
0x181: {  	v2 =	vadd.f32 v22, v2;
	v22 =	vld [tilespmem:$0x1EE50]  }
0x182: {  	v3 =	vadd.f32 v55, v3;
	v55 =	vld [tilespmem:$0x1EEF0]  }
0x183: {  	v1 =	vadd.f32 v42, v1;
	v42 =	vld [tilespmem:$0x1EEC0]  }
0x184: {  	[tilespmem:$0x1FDD0] =	vst v16;
	v16 =	vld [tilespmem:$0xE90]  }
0x185: {  	v3 =	vadd.f32 v23, v3;
	v23 =	vld [tilespmem:$0x1F80]  }
0x186: {  	v2 =	vadd.f32 v28, v2;
	v28 =	vld [tilespmem:$0x1EE80]  }
0x187: {  	v1 =	vadd.f32 v63, v1;
	v63 =	vld [tilespmem:$0x1EF00]  }
0x188: {  	[tilespmem:$0x1FA80] =	vst v47;
	v47 =	vld [tilespmem:$0x1710]  }
0x189: {  	v2 =	vadd.f32 v32, v2;
	v32 =	vld [tilespmem:$0x610]  }
0x18a: {  	v1 =	vadd.f32 v12, v1;
	v12 =	vld [tilespmem:$0x1EF30]  }
0x18b: {  	v3 =	vadd.f32 v22, v3;
	v22 =	vld [tilespmem:$0xF90]  }
0x18c: {  	v2 =	vadd.f32 v36, v2;
	v36 =	vld [tilespmem:$0x1EEB0]  }
0x18d: {  	v1 =	vadd.f32 v18, v1;
	v18 =	vld [tilespmem:$0x1EF70]  }
0x18e: {  	[tilespmem:$0x1FE30] =	vst v23;
	v23 =	vld [tilespmem:$0x1EF90]  }
0x18f: {  	v3 =	vadd.f32 v27, v3;
	v27 =	vld [tilespmem:$0x1EFB0]  }
0x190: {  	v2 =	vadd.f32 v40, v2;
	v40 =	vld [tilespmem:$0x690]  }
0x191: {  	v1 =	vadd.f32 v24, v1;
	v24 =	vld [tilespmem:$0x1EFA0]  }
0x192: {  	[tilespmem:$0x1FD30] =	vst v9;
	v3 =	vadd.f32 v30, v3;
	v30 =	vld [tilespmem:$0x1EFD0]  }
0x193: {  	[tilespmem:$0x1FA30] =	vst v32;
	v32 =	vld [tilespmem:$0x1EFE0]  }
0x194: {  	[tilespmem:$0x1FB60] =	vst v19;
	v2 =	vadd.f32 v43, v2;
	v43 =	vld [tilespmem:$0x1EED0]  }
0x195: {  	[tilespmem:$0x1FBA0] =	vst v25;
	v1 =	vadd.f32 v28, v1;
	v28 =	vld [tilespmem:$0x1490]  }
0x196: {  	[tilespmem:$0x1FC10] =	vst v33;
	v3 =	vadd.f32 v36, v3;
	v36 =	vld [tilespmem:$0x1EFF0]  }
0x197: {  	[tilespmem:$0x1FCD0] =	vst v53;
	v2 =	vadd.f32 v51, v2;
	v51 =	vld [tilespmem:$0x710]  }
0x198: {  	[tilespmem:$0x1FD00] =	vst v59;
	v1 =	vadd.f32 v31, v1;
	v31 =	vld [tilespmem:$0x1510]  }
0x199: {  	[tilespmem:$0x1FA50] =	vst v40;
	v40 =	vld [tilespmem:$0x1610]  }
0x19a: {  	[tilespmem:$0x1FB20] =	vst v14;
	v2 =	vadd.f32 v56, v2;
	v56 =	vld [tilespmem:$0xC90]  }
0x19b: {  	[tilespmem:$0x1FB40] =	vst v16;
	v1 =	vadd.f32 v42, v1;
	v42 =	vld [tilespmem:$0x1690]  }
0x19c: {  	[tilespmem:$0x1FCA0] =	vst v47;
	v3 =	vadd.f32 v43, v3;
	v43 =	vld [tilespmem:$0x1F020]  }
0x19d: {  	[tilespmem:$0x1FB80] =	vst v22;
	v2 =	vadd.f32 v8, v2;
	v8 =	vld [tilespmem:$0x1F090]  }
0x19e: {  	[tilespmem:$0x1FBC0] =	vst v28;
	v1 =	vadd.f32 v49, v1;
	v49 =	vld [tilespmem:$0x1F040]  }
0x19f: {  	v3 =	vadd.f32 v55, v3;
	v55 =	vld [tilespmem:$0x1F060];
	[tilespmem:$0x1FBE0] =	vst v31  }
0x1a0: {  	[tilespmem:$0x1FAC0] =	vst v56;
	v56 =	vld [tilespmem:$0x1F070]  }
0x1a1: {  	[tilespmem:$0x1FC40] =	vst v40;
	v1 =	vadd.f32 v63, v1;
	v63 =	vld [tilespmem:$0x1F080]  }
0x1a2: {  	v3 =	vadd.f32 v10, v3;
	v10 =	vld [tilespmem:$0x1F0A0];
	[tilespmem:$0x1FC70] =	vst v42  }
0x1a3: {  	v1 =	vadd.f32 v12, v1;
	v12 =	vld [tilespmem:$0x1D10]  }
0x1a4: {  	v2 =	vadd.f32 v13, v2;
	v13 =	vld [tilespmem:$0x1F0C0]  }
0x1a5: {  	v14 =	vld [tilespmem:$0x1F0D0]  }
0x1a6: {  	v3 =	vadd.f32 v15, v3;
	v15 =	vld [tilespmem:$0x1D90]  }
0x1a7: {  	v16 =	vld [tilespmem:$0x1F0E0]  }
0x1a8: {  	v2 =	vadd.f32 v18, v2;
	v18 =	vld [tilespmem:$0x1E10]  }
0x1a9: {  	v19 =	vld [tilespmem:$0x1F100]  }
0x1aa: {  	v22 =	vld [tilespmem:$0x1E90]  }
0x1ab: {  	v25 =	vld [tilespmem:$0x1F10]  }
0x1ac: {  	v28 =	vld [tilespmem:$0x1F150]  }
0x1ad: {  	v31 =	vld [tilespmem:$0x1F170]  }
0x1ae: {  	v33 =	vld [tilespmem:$0x1F180]  }
0x1af: {  	v40 =	vld [tilespmem:$0x1F1B0]  }
0x1b0: {  	v42 =	vld [tilespmem:$0x1F1D0]  }
0x1b1: {  	v47 =	vld [tilespmem:$0x1F200]  }
0x1b2: {  	v0 =	vadd.f32 v52, v0;
	v52 =	vld [tilespmem:$0x1F220]  }
0x1b3: {  	v53 =	vld [tilespmem:$0x1F230]  }
0x1b4: {  	v59 =	vld [tilespmem:$0x1F260]  }
0x1b5: {  	v4 =	vld [tilespmem:$0x1F280]  }
0x1b6: {  	v5 =	vld [tilespmem:$0x1F290]  }
0x1b7: {  	v6 =	vld [tilespmem:$0x1F2A0]  }
0x1b8: {  	v7 =	vld [tilespmem:$0x1F2B0]  }
0x1b9: {  	v0 =	vadd.f32 v8, v0;
	v8 =	vld [tilespmem:$0x1F2C0]  }
0x1ba: {  	v9 =	vld [tilespmem:$0x1F2D0]  }
0x1bb: {  	v2 =	vadd.f32 v24, v2;
	v24 =	vld [tilespmem:$0x1F130]  }
0x1bc: {  	v1 =	vadd.f32 v17, v1;
	v17 =	vld [tilespmem:$0x1F0F0]  }
0x1bd: {  	v3 =	vadd.f32 v21, v3;
	v21 =	vld [tilespmem:$0x1F110]  }
0x1be: {  	v2 =	vadd.f32 v30, v2;
	v30 =	vld [tilespmem:$0x1F160]  }
0x1bf: {  	v1 =	vadd.f32 v23, v1;
	v23 =	vld [tilespmem:$0x1F120]  }
0x1c0: {  	v3 =	vadd.f32 v27, v3;
	v27 =	vld [tilespmem:$0x1F140]  }
0x1c1: {  	v2 =	vadd.f32 v37, v2;
	v37 =	vld [tilespmem:$0x1F1A0]  }
0x1c2: {  	[tilespmem:$0x1FDF0] =	vst v22;
	v22 =	vld [tilespmem:$0x520]  }
0x1c3: {  	[tilespmem:$0x1FD60] =	vst v12;
	v12 =	vld [tilespmem:$0x1F300]  }
0x1c4: {  	v0 =	vadd.f32 v14, v0;
	v14 =	vld [tilespmem:$0x1F310]  }
0x1c5: {  	[tilespmem:$0x1FDC0] =	vst v18;
	v18 =	vld [tilespmem:$0x1F340]  }
0x1c6: {  	[tilespmem:$0x1FE20] =	vst v25;
	v25 =	vld [tilespmem:$0x1520]  }
0x1c7: {  	[tilespmem:$0x1FD90] =	vst v15;
	v15 =	vadd.f32 v60, v61;
	v60 =	vld [tilespmem:$0x1F3E0]  }
0x1c8: {  	v61 =	vld [tilespmem:$0x17A0]  }
0x1c9: {  	v1 =	vadd.f32 v29, v1;
	v29 =	vld [tilespmem:$0x1F90]  }
0x1ca: {  	v3 =	vadd.f32 v32, v3;
	v32 =	vld [tilespmem:$0x2010]  }
0x1cb: {  	v2 =	vadd.f32 v45, v2;
	v45 =	vld [tilespmem:$0x1F1F0]  }
0x1cc: {  	v0 =	vadd.f32 v21, v0;
	v21 =	vld [tilespmem:$0x1F360]  }
0x1cd: {  	v1 =	vadd.f32 v36, v1;
	v36 =	vld [tilespmem:$0x1F190]  }
0x1ce: {  	v3 =	vadd.f32 v41, v3;
	v41 =	vld [tilespmem:$0x1F1C0]  }
0x1cf: {  	v0 =	vadd.f32 v28, v0;
	v28 =	vld [tilespmem:$0x6A0]  }
0x1d0: {  	v2 =	vadd.f32 v56, v2;
	v56 =	vld [tilespmem:$0x1F250]  }
0x1d1: {  	v1 =	vadd.f32 v43, v1;
	v43 =	vld [tilespmem:$0x1F1E0]  }
0x1d2: {  	v3 =	vadd.f32 v49, v3;
	v49 =	vld [tilespmem:$0x1F210]  }
0x1d3: {  	[tilespmem:$0x1FC00] =	vst v25;
	v25 =	vld [tilespmem:$0x1F4A0]  }
0x1d4: {  	[tilespmem:$0x1FCF0] =	vst v61;
	v61 =	vld [tilespmem:$0x1F580]  }
0x1d5: {  	[tilespmem:$0x1FE50] =	vst v29;
	v29 =	vld [tilespmem:$0x5A0]  }
0x1d6: {  	v2 =	vadd.f32 v11, v2;
	v11 =	vld [tilespmem:$0x1F2F0]  }
0x1d7: {  	[tilespmem:$0x1FE80] =	vst v32;
	v32 =	vld [tilespmem:$0xEA0]  }
0x1d8: {  	v1 =	vadd.f32 v55, v1;
	v55 =	vld [tilespmem:$0x1F240]  }
0x1d9: {  	v3 =	vadd.f32 v63, v3;
	v63 =	vld [tilespmem:$0x1F270]  }
0x1da: {  	v0 =	vadd.f32 v36, v0;
	v36 =	vld [tilespmem:$0x4A0]  }
0x1db: {  	v2 =	vadd.f32 v17, v2;
	v17 =	vld [tilespmem:$0x1F330]  }
0x1dc: {  	v1 =	vadd.f32 v10, v1;
	v10 =	vld [tilespmem:$0x1F2E0]  }
0x1dd: {  	v3 =	vadd.f32 v13, v3;
	v13 =	vadd.f32 v46, v48;
	v46 =	vld [tilespmem:$0x1F3A0]  }
0x1de: {  	v48 =	vld [tilespmem:$0x1F3B0]  }
0x1df: {  	v0 =	vadd.f32 v42, v0;
	v42 =	vld [tilespmem:$0xF20]  }
0x1e0: {  	v2 =	vadd.f32 v24, v2;
	v24 =	vld [tilespmem:$0x1F370]  }
0x1e1: {  	v1 =	vadd.f32 v16, v1;
	v16 =	vld [tilespmem:$0x1F320]  }
0x1e2: {  	v3 =	vadd.f32 v19, v3;
	v19 =	vld [tilespmem:$0x1F350]  }
0x1e3: {  	v2 =	vadd.f32 v31, v2;
	v31 =	vld [tilespmem:$0x820]  }
0x1e4: {  	v0 =	vadd.f32 v49, v0;
	v49 =	vld [tilespmem:$0x16A0]  }
0x1e5: {  	v1 =	vadd.f32 v23, v1;
	v23 =	vld [tilespmem:$0x620]  }
0x1e6: {  	v3 =	vadd.f32 v27, v3;
	v27 =	vld [tilespmem:$0x720]  }
0x1e7: {  	v22 =	vadd.f32 v22, v36;
	v36 =	vld [tilespmem:$0xE40]  }
0x1e8: {  	v0 =	vadd.f32 v56, v0;
	v56 =	vld [tilespmem:$0xD20]  }
0x1e9: {  	v2 =	vadd.f32 v40, v2;
	v40 =	vld [tilespmem:$0x1F390]  }
0x1ea: {  	v1 =	vadd.f32 v30, v1;
	v30 =	vld [tilespmem:$0x7A0]  }
0x1eb: {  	v3 =	vadd.f32 v33, v3;
	v33 =	vld [tilespmem:$0x1F380]  }
0x1ec: {  	v22 =	vadd.f32 v29, v22;
	v29 =	vld [tilespmem:$0x1FA30]  }
0x1ed: {  	v2 =	vadd.f32 v45, v2;
	v45 =	vld [tilespmem:$0xFA0]  }
0x1ee: {  	v0 =	vadd.f32 v5, v0;
	v5 =	vld [tilespmem:$0x630]  }
0x1ef: {  	v3 =	vadd.f32 v41, v3;
	v41 =	vld [tilespmem:$0xCA0]  }
0x1f0: {  	v1 =	vadd.f32 v37, v1;
	v37 =	vld [tilespmem:$0x15A0]  }
0x1f1: {  	[tilespmem:$0x1FC90] =	vst v49;
	v49 =	vld [tilespmem:$0x1F510]  }
0x1f2: {  	v2 =	vadd.f32 v53, v2;
	v53 =	vld [tilespmem:$0x1F3D0]  }
0x1f3: {  	v0 =	vadd.f32 v9, v0;
	v9 =	vld [tilespmem:$0x1F410]  }
0x1f4: {  	v1 =	vadd.f32 v43, v1;
	v43 =	vld [tilespmem:$0x1020]  }
0x1f5: {  	v3 =	vadd.f32 v47, v3;
	v47 =	vld [tilespmem:$0x1620]  }
0x1f6: {  	v23 =	vadd.f32 v23, v22;
	[tilespmem:$0x1FF40] =	vst v0;
	v0 =	vadd.f32 v11, v10;
	v10 =	vld [tilespmem:$0x1CA0]  }
0x1f7: {  	v11 =	vld [tilespmem:$0x1F420]  }
0x1f8: {  	v22 =	vadd.f32 v28, v23;
	v28 =	vld [tilespmem:$0x1040]  }
0x1f9: {  	v23 =	vld [tilespmem:$0x1FA70]  }
0x1fa: {  	v3 =	vadd.f32 v55, v3;
	v55 =	vld [tilespmem:$0xE20]  }
0x1fb: {  	v1 =	vadd.f32 v52, v1;
	v52 =	vld [tilespmem:$0x1F3C0]  }
0x1fc: {  	v0 =	vadd.f32 v14, v0;
	v14 =	vld [tilespmem:$0x1F440]  }
0x1fd: {  	[tilespmem:$0x1FC30] =	vst v37;
	v37 =	vld [tilespmem:$0x1F4C0]  }
0x1fe: {  	v1 =	vadd.f32 v59, v1;
	v59 =	vld [tilespmem:$0xDA0]  }
0x1ff: {  	v0 =	vadd.f32 v17, v0;
	[tilespmem:$0x1FC60] =	vst v47;
	v17 =	vld [tilespmem:$0x1F460]  }
0x200: {  	v47 =	vld [tilespmem:$0x1F4F0];
	[tilespmem:$0x1FF00] =	vst v1;
	v1 =	vadd.f32 v63, v2  }
0x201: {  	v2 =	vadd.f32 v4, v3;
	v3 =	vadd.f32 v54, v15;
	v54 =	vld [tilespmem:$0x1720]  }
0x202: {  	v63 =	vld [tilespmem:$0x1F400]  }
0x203: {  	v15 =	vld [tilespmem:$0x1DA0]  }
0x204: {  	v4 =	vld [tilespmem:$0x5B0]  }
0x205: {  	[tilespmem:$0x1FD50] =	vst v10;
	v10 =	vld [tilespmem:$0x1F5B0]  }
0x206: {  	v0 =	vadd.f32 v19, v0;
	v19 =	vld [tilespmem:$0x1F470]  }
0x207: {  	[tilespmem:$0x1FF20] =	vst v2;
	v2 =	vadd.f32 v57, v13;
	v57 =	vld [tilespmem:$0x14A0]  }
0x208: {  	v13 =	vld [tilespmem:$0x1D20]  }
0x209: {  	v3 =	vadd.f32 v20, v3;
	v20 =	vld [tilespmem:$0x1F480]  }
0x20a: {  	v1 =	vadd.f32 v6, v1;
	v0 =	vadd.f32 v33, v0;
	v33 =	vld [tilespmem:$0x1F20]  }
0x20b: {  	v2 =	vadd.f32 v62, v2;
	v62 =	vld [tilespmem:$0x1F3F0]  }
0x20c: {  	[tilespmem:$0x1FF30] =	vst v1;
	v1 =	vadd.f32 v8, v7;
	v8 =	vld [tilespmem:$0x1820]  }
0x20d: {  	v3 =	vadd.f32 v35, v3;
	v35 =	vld [tilespmem:$0x1F4B0]  }
0x20e: {  	v0 =	vadd.f32 v48, v0;
	v48 =	vld [tilespmem:$0x1F500]  }
0x20f: {  	[tilespmem:$0x1FCC0] =	vst v54;
	v54 =	vld [tilespmem:$0x1F550]  }
0x210: {  	[tilespmem:$0x1FDB0] =	vst v15;
	v15 =	vld [tilespmem:$0x1F5F0]  }
0x211: {  	v1 =	vadd.f32 v12, v1;
	v12 =	vld [tilespmem:$0x1F430]  }
0x212: {  	v2 =	vadd.f32 v24, v2;
	v24 =	vld [tilespmem:$0x1F490]  }
0x213: {  	v3 =	vadd.f32 v39, v3;
	v39 =	vld [tilespmem:$0x1FA0]  }
0x214: {  	v0 =	vadd.f32 v60, v0;
	v60 =	vld [tilespmem:$0x1F570]  }
0x215: {  	[tilespmem:$0x1FD80] =	vst v13;
	v13 =	vld [tilespmem:$0x1F5E0]  }
0x216: {  	v1 =	vadd.f32 v16, v1;
	v16 =	vld [tilespmem:$0x1F450]  }
0x217: {  	v3 =	vadd.f32 v44, v3;
	v44 =	vld [tilespmem:$0x1F4E0]  }
0x218: {  	v2 =	vadd.f32 v46, v2;
	v46 =	vld [tilespmem:$0x2020]  }
0x219: {  	[tilespmem:$0x1FE40] =	vst v33;
	v33 =	vld [tilespmem:$0x1F640]  }
0x21a: {  	v0 =	vadd.f32 v9, v0;
	v9 =	vld [tilespmem:$0x1F5A0]  }
0x21b: {  	v1 =	vadd.f32 v18, v1;
	v18 =	vld [tilespmem:$0x1E20]  }
0x21c: {  	v3 =	vadd.f32 v50, v3;
	v50 =	vld [tilespmem:$0x1F520]  }
0x21d: {  	v2 =	vadd.f32 v53, v2;
	v53 =	vld [tilespmem:$0x1F540]  }
0x21e: {  	[tilespmem:$0x1FE70] =	vst v39;
	v39 =	vld [tilespmem:$0x830]  }
0x21f: {  	v0 =	vadd.f32 v14, v0;
	v1 =	vadd.f32 v21, v1;
	v21 =	vld [tilespmem:$0x1EA0]  }
0x220: {  	v3 =	vadd.f32 v58, v3;
	v58 =	vld [tilespmem:$0x1F560]  }
0x221: {  	v0 =	vadd.f32 v19, v0;
	v19 =	vld [tilespmem:$0x6B0]  }
0x222: {  	[tilespmem:$0x1FE90] =	vst v46;
	v46 =	vld [tilespmem:$0x1F660]  }
0x223: {  	v2 =	vadd.f32 v63, v2;
	v1 =	vadd.f32 v40, v1;
	v40 =	vld [tilespmem:$0x1F4D0]  }
0x224: {  	v3 =	vadd.f32 v20, v3;
	v20 =	vld [tilespmem:$0x7B0]  }
0x225: {  	v2 =	vadd.f32 v12, v2;
	v12 =	vld [tilespmem:$0x1F5D0]  }
0x226: {  	[tilespmem:$0x1FDE0] =	vst v18;
	v18 =	vld [tilespmem:$0x1F610]  }
0x227: {  	v0 =	vadd.f32 v35, v0;
	v35 =	vld [tilespmem:$0x1F650]  }
0x228: {  	v3 =	vadd.f32 v37, v3;
	v37 =	vld [tilespmem:$0x4B0]  }
0x229: {  	v1 =	vadd.f32 v52, v1;
	v2 =	vadd.f32 v17, v2;
	v52 =	vld [tilespmem:$0x1F530]  }
0x22a: {  	[tilespmem:$0x1FE10] =	vst v21;
	v21 =	vld [tilespmem:$0x1F620]  }
0x22b: {  	v1 =	vadd.f32 v62, v1;
	v2 =	vadd.f32 v25, v2;
	v62 =	vld [tilespmem:$0x1F590]  }
0x22c: {  	v3 =	vadd.f32 v48, v3;
	v48 =	vld [tilespmem:$0x1F670]  }
0x22d: {  	v0 =	vadd.f32 v47, v0;
	v2 =	vadd.f32 v44, v2;
	v44 =	vld [tilespmem:$0x530]  }
0x22e: {  	v1 =	vadd.f32 v11, v1;
	v11 =	vld [tilespmem:$0x1F5C0]  }
0x22f: {  	v3 =	vadd.f32 v53, v3;
	v53 =	vld [tilespmem:$0x1F6A0];
	v0 =	vadd.f32 v52, v0  }
0x230: {  	v1 =	vadd.f32 v16, v1;
	v2 =	vadd.f32 v50, v2;
	v16 =	vld [tilespmem:$0x1F600]  }
0x231: {  	v52 =	vld [tilespmem:$0x1F690];
	v3 =	vadd.f32 v61, v3  }
0x232: {  	v61 =	vld [tilespmem:$0x1F6C0];
	v6 =	vadd.f32 v60, v0;
	v2 =	vadd.f32 v58, v2  }
0x233: {  	v1 =	vadd.f32 v24, v1;
	v24 =	vld [tilespmem:$0x1F630];
	v3 =	vadd.f32 v11, v3  }
0x234: {  	v58 =	vld [tilespmem:$0x1F6B0];
	v6 =	vadd.f32 v10, v6;
	v2 =	vadd.f32 v9, v2  }
0x235: {  	v1 =	vadd.f32 v40, v1;
	v17 =	vadd.f32 v16, v3;
	v3 =	vld [tilespmem:$0xD30]  }
0x236: {  	v6 =	vadd.f32 v15, v6;
	v14 =	vadd.f32 v13, v2;
	v2 =	vld [tilespmem:$0xCB0]  }
0x237: {  	v1 =	vadd.f32 v49, v1;
	v49 =	vld [tilespmem:$0x1F680]  }
0x238: {  	v25 =	vadd.f32 v24, v6;
	v6 =	vld [tilespmem:$0xDB0]  }
0x239: {  	v9 =	vadd.f32 v33, v17;
	v33 =	vld [tilespmem:$0x1F700]  }
0x23a: {  	v1 =	vadd.f32 v54, v1;
	v54 =	vld [tilespmem:$0x730]  }
0x23b: {  	[tilespmem:$0x1FD20] =	vst v8;
	v8 =	vadd.f32 v21, v14;
	v21 =	vld [tilespmem:$0x1F6E0]  }
0x23c: {  	v10 =	vadd.f32 v48, v25;
	v25 =	vld [tilespmem:$0x1F6F0]  }
0x23d: {  	v47 =	vadd.f32 v46, v8;
	v8 =	vld [tilespmem:$0xEB0]  }
0x23e: {  	v63 =	vadd.f32 v62, v1;
	v62 =	vld [tilespmem:$0x1F6D0]  }
0x23f: {  	v46 =	vld [tilespmem:$0x1F720]  }
0x240: {  	v50 =	vadd.f32 v49, v9;
	v9 =	vld [tilespmem:$0xF30]  }
0x241: {  	v60 =	vadd.f32 v58, v10;
	v10 =	vld [tilespmem:$0xFB0]  }
0x242: {  	v49 =	vld [tilespmem:$0x1F740]  }
0x243: {  	v58 =	vld [tilespmem:$0x1F770]  }
0x244: {  	v7 =	vadd.f32 v12, v63;
	v12 =	vadd.f32 v53, v47;
	v47 =	vld [tilespmem:$0x1F730]  }
0x245: {  	v53 =	vld [tilespmem:$0x1F760]  }
0x246: {  	v13 =	vadd.f32 v61, v50;
	v50 =	vld [tilespmem:$0x1F750]  }
0x247: {  	v61 =	vld [tilespmem:$0x1F790]  }
0x248: {  	v24 =	vadd.f32 v21, v12;
	v12 =	vld [tilespmem:$0x14B0]  }
0x249: {  	v7 =	vadd.f32 v18, v7;
	v14 =	vadd.f32 v25, v60;
	v60 =	vld [tilespmem:$0x1F780]  }
0x24a: {  	v25 =	vld [tilespmem:$0x1E30]  }
0x24b: {  	v40 =	vadd.f32 v35, v7;
	v7 =	vld [tilespmem:$0xE30]  }
0x24c: {  	v35 =	vadd.f32 v33, v13;
	v13 =	vld [tilespmem:$0x1530]  }
0x24d: {  	v16 =	vadd.f32 v46, v24;
	v46 =	vld [tilespmem:$0x1F7B0]  }
0x24e: {  	v24 =	vld [tilespmem:$0x17B0]  }
0x24f: {  	v33 =	vld [tilespmem:$0x1CB0]  }
0x250: {  	v48 =	vadd.f32 v47, v14;
	v14 =	vld [tilespmem:$0x15B0]  }
0x251: {  	v47 =	vld [tilespmem:$0x1F7C0]  }
0x252: {  	v11 =	vadd.f32 v52, v40;
	v40 =	vld [tilespmem:$0x1F710]  }
0x253: {  	v17 =	vadd.f32 v49, v35;
	v49 =	vld [tilespmem:$0x1F7E0]  }
0x254: {  	v16 =	vadd.f32 v53, v16;
	v53 =	vld [tilespmem:$0x1F800]  }
0x255: {  	v18 =	vadd.f32 v58, v48;
	v48 =	vld [tilespmem:$0x1F7D0]  }
0x256: {  	v63 =	vadd.f32 v62, v11;
	v11 =	vld [tilespmem:$0x1030]  }
0x257: {  	v17 =	vadd.f32 v60, v17;
	v62 =	vld [tilespmem:$0x1F7A0]  }
0x258: {  	v60 =	vld [tilespmem:$0x1F810];
	v15 =	vadd.f32 v40, v63  }
0x259: {  	v17 =	vadd.f32 v47, v17;
	v47 =	vld [tilespmem:$0x1EB0]  }
0x25a: {  	v40 =	vld [tilespmem:$0x1630];
	v52 =	vadd.f32 v50, v15  }
0x25b: {  	v58 =	vadd.f32 v53, v17;
	v17 =	vld [tilespmem:$0x1D30]  }
0x25c: {  	v21 =	vadd.f32 v61, v52;
	v52 =	vld [tilespmem:$0x1F7F0]  }
0x25d: {  	v15 =	vld [tilespmem:$0x16B0];
	v63 =	vadd.f32 v62, v16  }
0x25e: {  	v16 =	vld [tilespmem:$0x1730]  }
0x25f: {  	v18 =	vadd.f32 v46, v18;
	v50 =	vadd.f32 v49, v63;
	v63 =	vld [tilespmem:$0x1F830]  }
0x260: {  	v62 =	vld [tilespmem:$0x1830]  }
0x261: {  	v18 =	vadd.f32 v52, v18;
	v52 =	vld [tilespmem:$0x1F870]  }
0x262: {  	v61 =	vld [tilespmem:$0x1F820]  }
0x263: {  	v49 =	vld [tilespmem:$0x1F850];
	v21 =	vadd.f32 v48, v21  }
0x264: {  	v48 =	vld [tilespmem:$0x1F840];
	v18 =	vadd.f32 v63, v18  }
0x265: {  	v21 =	vadd.f32 v60, v21;
	v60 =	vld [tilespmem:$0x1DB0]  }
0x266: {  	v53 =	vadd.f32 v52, v18;
	v18 =	vld [tilespmem:$0x1F8B0]  }
0x267: {  	v35 =	vadd.f32 v61, v50;
	v61 =	vld [tilespmem:$0x1F890]  }
0x268: {  	v50 =	vld [tilespmem:$0x1F860]  }
0x269: {  	v52 =	vld [tilespmem:$0x1F8D0]  }
0x26a: {  	v21 =	vadd.f32 v49, v21;
	v46 =	vadd.f32 v48, v58;
	v58 =	vld [tilespmem:$0x1F880]  }
0x26b: {  	v48 =	vadd.f32 v18, v53;
	v18 =	vld [tilespmem:$0x1F910]  }
0x26c: {  	v63 =	vld [tilespmem:$0x1F8A0];
	v21 =	vadd.f32 v61, v21  }
0x26d: {  	v49 =	vld [tilespmem:$0x1F8C0]  }
0x26e: {  	v21 =	vadd.f32 v52, v21;
	v53 =	vld [tilespmem:$0x1F8E0]  }
0x26f: {  	v35 =	vadd.f32 v50, v35;
	v50 =	vld [tilespmem:$0x1F30]  }
0x270: {  	v52 =	vadd.f32 v18, v21;
	v18 =	vld [tilespmem:$0x1F950]  }
0x271: {  	v46 =	vadd.f32 v58, v46;
	v35 =	vadd.f32 v63, v35;
	v58 =	vld [tilespmem:$0x1F8F0]  }
0x272: {  	v63 =	vld [tilespmem:$0x1F900]  }
0x273: {  	v35 =	vadd.f32 v53, v35;
	v53 =	vld [tilespmem:$0x1F930]  }
0x274: {  	v61 =	vld [tilespmem:$0x1FB0]  }
0x275: {  	v52 =	vadd.f32 v18, v52;
	v18 =	vld [tilespmem:$0x1F970]  }
0x276: {  	v46 =	vadd.f32 v49, v46;
	v48 =	vadd.f32 v58, v48;
	v21 =	vld [tilespmem:$0x1F920]  }
0x277: {  	v58 =	vld [tilespmem:$0x4C0]  }
0x278: {  	v46 =	vadd.f32 v63, v46;
	v63 =	vld [tilespmem:$0x1F940];
	v48 =	vadd.f32 v53, v48  }
0x279: {  	v53 =	vld [tilespmem:$0x1F960]  }
0x27a: {  	v48 =	vadd.f32 v18, v48;
	v18 =	vld [tilespmem:$0x1F990]  }
0x27b: {  	v35 =	vadd.f32 v21, v35;
	v21 =	vld [tilespmem:$0x540]  }
0x27c: {  	v49 =	vld [tilespmem:$0x2030]  }
0x27d: {  	v46 =	vadd.f32 v63, v46;
	v63 =	vld [tilespmem:$0x5C0]  }
0x27e: {  	v0 =	vadd.f32 v53, v35;
	v35 =	vld [tilespmem:$0x640]  }
0x27f: {  	v1 =	vadd.f32 v18, v52;
	v18 =	vld [tilespmem:$0x1F9B0]  }
0x280: {  	v53 =	vld [tilespmem:$0x1F980];
	v21 =	vadd.f32 v21, v58  }
0x281: {  	v58 =	vld [tilespmem:$0x5F0]  }
0x282: {  	v21 =	vadd.f32 v63, v21;
	v63 =	vld [tilespmem:$0x6F0]  }
0x283: {  	v52 =	vld [tilespmem:$0x1F9A0]  }
0x284: {  	[tilespmem:$0x1FF50] =	vst v1;
	v1 =	vadd.f32 v18, v48;
	v18 =	vld [tilespmem:$0x1F9C0]  }
0x285: {  	v48 =	vld [tilespmem:$0x1F9D0]  }
0x286: {  	v46 =	vadd.f32 v53, v46;
	v53 =	vld [tilespmem:$0x6C0]  }
0x287: {  	v21 =	vadd.f32 v35, v21;
	v35 =	vld [tilespmem:$0x860]  }
0x288: {  	v0 =	vadd.f32 v52, v0;
	v52 =	vld [tilespmem:$0x740]  }
0x289: {  	[tilespmem:$0x1FF70] =	vst v1;
	v1 =	vadd.f32 v18, v46;
	v46 =	vld [tilespmem:$0x7C0]  }
0x28a: {  	v0 =	vadd.f32 v48, v0;
	v18 =	vld [tilespmem:$0x1FA00]  }
0x28b: {  	v48 =	vld [tilespmem:$0x1F9F0]  }
0x28c: {  	v21 =	vadd.f32 v53, v21;
	[tilespmem:$0x1FF80] =	vst v0;
	v0 =	vld [tilespmem:$0x1F9E0]  }
0x28d: {  	v53 =	vld [tilespmem:$0xDE0]  }
0x28e: {  	v21 =	vadd.f32 v52, v21;
	v52 =	vld [tilespmem:$0xD70]  }
0x28f: {  	v1 =	vadd.f32 v18, v1;
	v18 =	vld [tilespmem:$0x1FA60]  }
0x290: {  	v21 =	vadd.f32 v46, v21;
	v46 =	vld [tilespmem:$0x870]  }
0x291: {  	v0 =	vadd.f32 v48, v0;
	v48 =	vld [tilespmem:$0x840]  }
0x292: {  	[tilespmem:$0x1FFA0] =	vst v1;
	v1 =	vadd.f32 v26, v34;
	v26 =	vld [tilespmem:$0xCC0]  }
0x293: {  	v34 =	vld [tilespmem:$0x1FA10]  }
0x294: {  	v1 =	vadd.f32 v38, v1;
	v38 =	vadd.f32 v44, v37;
	v37 =	vld [tilespmem:$0xDC0]  }
0x295: {  	v44 =	vld [tilespmem:$0x1FA20]  }
0x296: {  	v1 =	vadd.f32 v29, v1;
	v29 =	vld [tilespmem:$0xEC0]  }
0x297: {  	v4 =	vadd.f32 v4, v38;
	v38 =	vld [tilespmem:$0x1FA40]  }
0x298: {  	v0 =	vadd.f32 v34, v0;
	v34 =	vld [tilespmem:$0xD40]  }
0x299: {  	v21 =	vadd.f32 v48, v21;
	v48 =	vld [tilespmem:$0x15E0]  }
0x29a: {  	v4 =	vadd.f32 v5, v4;
	v5 =	vadd.f32 v27, v22;
	v27 =	vld [tilespmem:$0x1540]  }
0x29b: {  	v22 =	vld [tilespmem:$0x1FA80]  }
0x29c: {  	v0 =	vadd.f32 v44, v0;
	v44 =	vld [tilespmem:$0x1FA50]  }
0x29d: {  	v21 =	vadd.f32 v26, v21;
	v26 =	vld [tilespmem:$0xF60]  }
0x29e: {  	v5 =	vadd.f32 v30, v5;
	v30 =	vld [tilespmem:$0x1FAA0]  }
0x29f: {  	v4 =	vadd.f32 v19, v4;
	v19 =	vld [tilespmem:$0x1FB10]  }
0x2a0: {  	v0 =	vadd.f32 v38, v0;
	v38 =	vld [tilespmem:$0xF40]  }
0x2a1: {  	v4 =	vadd.f32 v54, v4;
	v54 =	vld [tilespmem:$0x15C0]  }
0x2a2: {  	v5 =	vadd.f32 v31, v5;
	v31 =	vld [tilespmem:$0x1FAD0]  }
0x2a3: {  	[tilespmem:$0x1FEA0] =	vst v27;
	v27 =	vld [tilespmem:$0x1640]  }
0x2a4: {  	v0 =	vadd.f32 v18, v0;
	v18 =	vld [tilespmem:$0x1DC0]  }
0x2a5: {  	v1 =	vadd.f32 v44, v1;
	v44 =	vld [tilespmem:$0xFC0]  }
0x2a6: {  	v5 =	vadd.f32 v41, v5;
	v41 =	vld [tilespmem:$0x1FB00]  }
0x2a7: {  	v4 =	vadd.f32 v20, v4;
	v0 =	vadd.f32 v23, v0;
	v23 =	vld [tilespmem:$0x1FA90]  }
0x2a8: {  	v1 =	vadd.f32 v51, v1;
	v51 =	vld [tilespmem:$0x14C0]  }
0x2a9: {  	v4 =	vadd.f32 v39, v4;
	v39 =	vld [tilespmem:$0x17C0]  }
0x2aa: {  	v1 =	vadd.f32 v22, v1;
	v22 =	vld [tilespmem:$0x16C0]  }
0x2ab: {  	[tilespmem:$0x1FEB0] =	vst v27;
	v27 =	vld [tilespmem:$0x1740]  }
0x2ac: {  	v2 =	vadd.f32 v2, v4;
	[tilespmem:$0x1FF10] =	vst v18;
	v18 =	vld [tilespmem:$0x2040]  }
0x2ad: {  	v4 =	vld [tilespmem:$0x750]  }
0x2ae: {  	v0 =	vadd.f32 v23, v0;
	v23 =	vld [tilespmem:$0x1FAB0];
	v2 =	vadd.f32 v3, v2  }
0x2af: {  	v1 =	vadd.f32 v30, v1;
	v30 =	vld [tilespmem:$0x1FAC0]  }
0x2b0: {  	v2 =	vadd.f32 v6, v2;
	v6 =	vld [tilespmem:$0x7D0]  }
0x2b1: {  	[tilespmem:$0x1FEC0] =	vst v22;
	v22 =	vld [tilespmem:$0x1840]  }
0x2b2: {  	[tilespmem:$0x1FED0] =	vst v27;
	v27 =	vld [tilespmem:$0x1CC0]  }
0x2b3: {  	[tilespmem:$0x1FFC0] =	vst v18;
	v18 =	vld [tilespmem:$0x1FC40]  }
0x2b4: {  	v2 =	vadd.f32 v7, v2;
	v7 =	vld [tilespmem:$0x850]  }
0x2b5: {  	v0 =	vadd.f32 v23, v0;
	v23 =	vld [tilespmem:$0x1FAE0]  }
0x2b6: {  	v1 =	vadd.f32 v30, v1;
	v30 =	vld [tilespmem:$0x1FAF0]  }
0x2b7: {  	v2 =	vadd.f32 v8, v2;
	v8 =	vld [tilespmem:$0x650]  }
0x2b8: {  	v0 =	vadd.f32 v31, v0;
	v31 =	vadd.f32 v56, v5;
	v56 =	vld [tilespmem:$0x1D40]  }
0x2b9: {  	v5 =	vld [tilespmem:$0x5D0]  }
0x2ba: {  	[tilespmem:$0x1FEE0] =	vst v22;
	v22 =	vld [tilespmem:$0x1FB20]  }
0x2bb: {  	[tilespmem:$0x1FEF0] =	vst v27;
	v27 =	vld [tilespmem:$0x1FB30]  }
0x2bc: {  	v2 =	vadd.f32 v9, v2;
	v9 =	vld [tilespmem:$0xD50]  }
0x2bd: {  	v20 =	vadd.f32 v59, v31;
	v59 =	vld [tilespmem:$0x1E40]  }
0x2be: {  	v31 =	vld [tilespmem:$0x1FB40]  }
0x2bf: {  	v1 =	vadd.f32 v23, v1;
	v23 =	vld [tilespmem:$0x1EC0]  }
0x2c0: {  	v0 =	vadd.f32 v30, v0;
	v30 =	vld [tilespmem:$0x1F40]  }
0x2c1: {  	v2 =	vadd.f32 v10, v2;
	v10 =	vld [tilespmem:$0xED0]  }
0x2c2: {  	v3 =	vadd.f32 v55, v20;
	v55 =	vld [tilespmem:$0x1FB50]  }
0x2c3: {  	v20 =	vld [tilespmem:$0x1FB70]  }
0x2c4: {  	v1 =	vadd.f32 v41, v1;
	v41 =	vld [tilespmem:$0x1FC0]  }
0x2c5: {  	v0 =	vadd.f32 v19, v0;
	v19 =	vld [tilespmem:$0x1FB60]  }
0x2c6: {  	v2 =	vadd.f32 v11, v2;
	v11 =	vld [tilespmem:$0x15D0]  }
0x2c7: {  	v3 =	vadd.f32 v32, v3;
	v32 =	vld [tilespmem:$0x1FBC0]  }
0x2c8: {  	v1 =	vadd.f32 v22, v1;
	v22 =	vld [tilespmem:$0x1FB80]  }
0x2c9: {  	v0 =	vadd.f32 v27, v0;
	v27 =	vld [tilespmem:$0x1FBA0]  }
0x2ca: {  	v2 =	vadd.f32 v12, v2;
	v12 =	vld [tilespmem:$0xDD0]  }
0x2cb: {  	[tilespmem:$0x1FF90] =	vst v30;
	v30 =	vld [tilespmem:$0x4D0]  }
0x2cc: {  	[tilespmem:$0x1FF60] =	vst v23;
	v23 =	vld [tilespmem:$0x1FB90]  }
0x2cd: {  	v3 =	vadd.f32 v42, v3;
	v42 =	vld [tilespmem:$0x1FBE0]  }
0x2ce: {  	v1 =	vadd.f32 v31, v1;
	v31 =	vld [tilespmem:$0x1FBB0]  }
0x2cf: {  	v0 =	vadd.f32 v55, v0;
	v55 =	vld [tilespmem:$0x1FC10]  }
0x2d0: {  	v2 =	vadd.f32 v13, v2;
	v13 =	vld [tilespmem:$0x1FC30]  }
0x2d1: {  	[tilespmem:$0x1FFB0] =	vst v41;
	v41 =	vld [tilespmem:$0x1FBD0]  }
0x2d2: {  	v3 =	vadd.f32 v45, v3;
	v45 =	vld [tilespmem:$0x1FC00]  }
0x2d3: {  	v0 =	vadd.f32 v20, v0;
	v20 =	vld [tilespmem:$0x550]  }
0x2d4: {  	v1 =	vadd.f32 v19, v1;
	v19 =	vld [tilespmem:$0xCD0]  }
0x2d5: {  	v2 =	vadd.f32 v14, v2;
	v14 =	vld [tilespmem:$0x1FCC0]  }
0x2d6: {  	v3 =	vadd.f32 v43, v3;
	v43 =	vld [tilespmem:$0x1FBF0]  }
0x2d7: {  	v0 =	vadd.f32 v23, v0;
	v23 =	vld [tilespmem:$0x6D0]  }
0x2d8: {  	v1 =	vadd.f32 v22, v1;
	v22 =	vld [tilespmem:$0x1FC50]  }
0x2d9: {  	v2 =	vadd.f32 v40, v2;
	v40 =	vld [tilespmem:$0x1FC90]  }
0x2da: {  	v3 =	vadd.f32 v57, v3;
	v57 =	vld [tilespmem:$0x1FC20]  }
0x2db: {  	v1 =	vadd.f32 v27, v1;
	v27 =	vld [tilespmem:$0x1FC60]  }
0x2dc: {  	v0 =	vadd.f32 v31, v0;
	v31 =	vld [tilespmem:$0x1FC70]  }
0x2dd: {  	v2 =	vadd.f32 v15, v2;
	v15 =	vld [tilespmem:$0x1FCD0]  }
0x2de: {  	v3 =	vadd.f32 v45, v3;
	v45 =	vld [tilespmem:$0xF50]  }
0x2df: {  	v20 =	vadd.f32 v20, v30;
	v30 =	vld [tilespmem:$0xF70]  }
0x2e0: {  	v1 =	vadd.f32 v32, v1;
	v32 =	vld [tilespmem:$0x1FC80]  }
0x2e1: {  	v0 =	vadd.f32 v41, v0;
	v41 =	vld [tilespmem:$0x1FCA0]  }
0x2e2: {  	v2 =	vadd.f32 v16, v2;
	v16 =	vld [tilespmem:$0x1FCE0]  }
0x2e3: {  	v3 =	vadd.f32 v13, v3;
	v13 =	vld [tilespmem:$0x14D0]  }
0x2e4: {  	v5 =	vadd.f32 v5, v20;
	v20 =	vld [tilespmem:$0x6E0]  }
0x2e5: {  	v0 =	vadd.f32 v43, v0;
	v43 =	vld [tilespmem:$0xFD0]  }
0x2e6: {  	v1 =	vadd.f32 v42, v1;
	v42 =	vld [tilespmem:$0x1050]  }
0x2e7: {  	v2 =	vadd.f32 v24, v2;
	v24 =	vld [tilespmem:$0x1FD10];
	v0 =	vadd.f32 v57, v0  }
0x2e8: {  	v1 =	vadd.f32 v55, v1;
	v55 =	vld [tilespmem:$0x1FCB0]  }
0x2e9: {  	v3 =	vadd.f32 v27, v3;
	v27 =	vld [tilespmem:$0x1FD20];
	v0 =	vadd.f32 v22, v0  }
0x2ea: {  	v57 =	vld [tilespmem:$0xE50];
	v1 =	vadd.f32 v18, v1  }
0x2eb: {  	v2 =	vadd.f32 v62, v2;
	v62 =	vld [tilespmem:$0x1FD50];
	v0 =	vadd.f32 v32, v0  }
0x2ec: {  	v18 =	vld [tilespmem:$0x1FCF0];
	v1 =	vadd.f32 v31, v1  }
0x2ed: {  	v3 =	vadd.f32 v40, v3;
	v22 =	vld [tilespmem:$0x1FD00];
	v0 =	vadd.f32 v55, v0  }
0x2ee: {  	v1 =	vadd.f32 v41, v1;
	v55 =	vld [tilespmem:$0x1FD40]  }
0x2ef: {  	v3 =	vadd.f32 v14, v3;
	v31 =	vld [tilespmem:$0x1FD30];
	v0 =	vadd.f32 v16, v0  }
0x2f0: {  	v40 =	vld [tilespmem:$0x1650];
	v1 =	vadd.f32 v15, v1  }
0x2f1: {  	v14 =	vadd.f32 v18, v3;
	v18 =	vld [tilespmem:$0x1FD60];
	v0 =	vadd.f32 v24, v0  }
0x2f2: {  	v2 =	vadd.f32 v33, v2;
	v33 =	vld [tilespmem:$0x1FD80];
	v1 =	vadd.f32 v22, v1  }
0x2f3: {  	v0 =	vadd.f32 v55, v0;
	v55 =	vld [tilespmem:$0x1FD90]  }
0x2f4: {  	v32 =	vld [tilespmem:$0x1750];
	v1 =	vadd.f32 v31, v1  }
0x2f5: {  	v2 =	vadd.f32 v17, v2;
	v17 =	vld [tilespmem:$0x1FDE0]  }
0x2f6: {  	v5 =	vadd.f32 v8, v5;
	v41 =	vld [tilespmem:$0x1550];
	v1 =	vadd.f32 v18, v1  }
0x2f7: {  	v22 =	vld [tilespmem:$0x1FD70]  }
0x2f8: {  	v5 =	vadd.f32 v23, v5;
	v1 =	vadd.f32 v55, v1;
	v55 =	vld [tilespmem:$0x1FDC0]  }
0x2f9: {  	v18 =	vld [tilespmem:$0x1FDA0]  }
0x2fa: {  	v4 =	vadd.f32 v4, v5;
	v2 =	vadd.f32 v60, v2;
	v60 =	vld [tilespmem:$0x1FDD0]  }
0x2fb: {  	v3 =	vld [tilespmem:$0x16D0]  }
0x2fc: {  	v4 =	vadd.f32 v6, v4;
	v15 =	vld [tilespmem:$0x1E50];
	v0 =	vadd.f32 v22, v0  }
0x2fd: {  	v14 =	vadd.f32 v27, v14;
	v1 =	vadd.f32 v55, v1;
	v55 =	vld [tilespmem:$0x1FE00]  }
0x2fe: {  	v4 =	vadd.f32 v7, v4;
	v22 =	vld [tilespmem:$0x1FDB0];
	v16 =	vadd.f32 v18, v0  }
0x2ff: {  	v2 =	vadd.f32 v25, v2;
	v25 =	vld [tilespmem:$0x1FE20];
	v14 =	vadd.f32 v62, v14  }
0x300: {  	v27 =	vld [tilespmem:$0x1850];
	v16 =	vadd.f32 v60, v16  }
0x301: {  	v4 =	vadd.f32 v19, v4;
	v19 =	vld [tilespmem:$0x1FED0];
	v14 =	vadd.f32 v33, v14  }
0x302: {  	v16 =	vadd.f32 v55, v16;
	v55 =	vld [tilespmem:$0x1FE30]  }
0x303: {  	v14 =	vadd.f32 v22, v14;
	v22 =	vld [tilespmem:$0x1FDF0]  }
0x304: {  	v24 =	vld [tilespmem:$0x1CD0]  }
0x305: {  	v2 =	vadd.f32 v47, v2;
	v47 =	vld [tilespmem:$0x4E0]  }
0x306: {  	v62 =	vld [tilespmem:$0x1D50];
	v4 =	vadd.f32 v9, v4  }
0x307: {  	v16 =	vadd.f32 v55, v16;
	v55 =	vld [tilespmem:$0x1FE50]  }
0x308: {  	v31 =	vld [tilespmem:$0x17D0];
	v4 =	vadd.f32 v12, v4;
	v1 =	vadd.f32 v22, v1  }
0x309: {  	v2 =	vadd.f32 v50, v2;
	v50 =	vld [tilespmem:$0x4F0]  }
0x30a: {  	v4 =	vadd.f32 v57, v4;
	v22 =	vld [tilespmem:$0x1FE10];
	v1 =	vadd.f32 v25, v1  }
0x30b: {  	v25 =	vld [tilespmem:$0x1FE40]  }
0x30c: {  	v4 =	vadd.f32 v10, v4;
	v1 =	vadd.f32 v55, v1;
	v55 =	vld [tilespmem:$0x1FE60]  }
0x30d: {  	v33 =	vld [tilespmem:$0x1DD0];
	v17 =	vadd.f32 v17, v14  }
0x30e: {  	v2 =	vadd.f32 v61, v2;
	v61 =	vld [tilespmem:$0x5E0];
	v4 =	vadd.f32 v45, v4  }
0x30f: {  	v57 =	vld [tilespmem:$0x1760];
	v17 =	vadd.f32 v22, v17  }
0x310: {  	v18 =	vld [tilespmem:$0x1ED0];
	v4 =	vadd.f32 v43, v4  }
0x311: {  	v0 =	vadd.f32 v25, v17;
	v17 =	vadd.f32 v55, v16;
	v55 =	vld [tilespmem:$0x1FE70]  }
0x312: {  	v45 =	vld [tilespmem:$0x14F0];
	v4 =	vadd.f32 v42, v4  }
0x313: {  	v60 =	vld [tilespmem:$0x1FD0]  }
0x314: {  	v43 =	vld [tilespmem:$0x1FF40];
	v4 =	vadd.f32 v13, v4  }
0x315: {  	v14 =	vld [tilespmem:$0x1F50]  }
0x316: {  	v4 =	vadd.f32 v41, v4;
	v0 =	vadd.f32 v55, v0;
	v55 =	vld [tilespmem:$0x1FE80]  }
0x317: {  	v42 =	vld [tilespmem:$0x1EF0]  }
0x318: {  	v41 =	vld [tilespmem:$0x1FF30];
	v4 =	vadd.f32 v11, v4  }
0x319: {  	v22 =	vld [tilespmem:$0x2050]  }
0x31a: {  	v4 =	vadd.f32 v40, v4;
	v25 =	vld [tilespmem:$0x560]  }
0x31b: {  	v1 =	vadd.f32 v55, v1;
	v55 =	vld [tilespmem:$0x1FE90]  }
0x31c: {  	v40 =	vld [tilespmem:$0x1EE0];
	v3 =	vadd.f32 v3, v4  }
0x31d: {  	v16 =	vld [tilespmem:$0x570]  }
0x31e: {  	v3 =	vadd.f32 v32, v3;
	v32 =	vld [tilespmem:$0x1DE0]  }
0x31f: {  	v25 =	vadd.f32 v25, v47;
	v47 =	vld [tilespmem:$0x670]  }
0x320: {  	v0 =	vadd.f32 v55, v0;
	v55 =	vld [tilespmem:$0x660]  }
0x321: {  	v3 =	vadd.f32 v31, v3;
	v31 =	vld [tilespmem:$0x1D70]  }
0x322: {  	v25 =	vadd.f32 v61, v25;
	v61 =	vld [tilespmem:$0x7F0];
	v16 =	vadd.f32 v16, v50  }
0x323: {  	v50 =	vld [tilespmem:$0x760]  }
0x324: {  	v2 =	vadd.f32 v49, v2;
	v49 =	vadd.f32 v58, v16;
	v58 =	vld [tilespmem:$0x7E0]  }
0x325: {  	v25 =	vadd.f32 v55, v25;
	v55 =	vld [tilespmem:$0x770]  }
0x326: {  	v8 =	vadd.f32 v47, v49;
	v47 =	vld [tilespmem:$0xCE0]  }
0x327: {  	v49 =	vld [tilespmem:$0xCF0];
	v20 =	vadd.f32 v20, v25  }
0x328: {  	v63 =	vadd.f32 v63, v8;
	v25 =	vld [tilespmem:$0xEF0]  }
0x329: {  	v16 =	vadd.f32 v50, v20;
	v50 =	vld [tilespmem:$0xD60]  }
0x32a: {  	v5 =	vadd.f32 v55, v63;
	v63 =	vld [tilespmem:$0xE70]  }
0x32b: {  	v55 =	vadd.f32 v34, v21;
	v21 =	vld [tilespmem:$0xEE0]  }
0x32c: {  	v34 =	vld [tilespmem:$0xFE0];
	v16 =	vadd.f32 v58, v16  }
0x32d: {  	v58 =	vld [tilespmem:$0xDF0];
	v5 =	vadd.f32 v61, v5  }
0x32e: {  	v61 =	vld [tilespmem:$0xE60];
	v8 =	vadd.f32 v35, v16  }
0x32f: {  	v20 =	vadd.f32 v37, v55;
	v37 =	vld [tilespmem:$0x1060];
	v5 =	vadd.f32 v46, v5  }
0x330: {  	v55 =	vld [tilespmem:$0x16F0];
	v6 =	vadd.f32 v47, v8  }
0x331: {  	v23 =	vadd.f32 v36, v20;
	v36 =	vld [tilespmem:$0xFF0];
	v5 =	vadd.f32 v49, v5  }
0x332: {  	v46 =	vld [tilespmem:$0x1560];
	v6 =	vadd.f32 v50, v6  }
0x333: {  	v20 =	vld [tilespmem:$0x17F0];
	v5 =	vadd.f32 v52, v5  }
0x334: {  	v47 =	vld [tilespmem:$0x1570];
	v16 =	vadd.f32 v29, v23;
	v6 =	vadd.f32 v53, v6  }
0x335: {  	v49 =	vld [tilespmem:$0x1FEA0];
	v5 =	vadd.f32 v58, v5  }
0x336: {  	v23 =	vld [tilespmem:$0x1870];
	v35 =	vadd.f32 v38, v16;
	v6 =	vadd.f32 v61, v6  }
0x337: {  	v29 =	vld [tilespmem:$0x1D60];
	v5 =	vadd.f32 v63, v5  }
0x338: {  	v50 =	vld [tilespmem:$0x15F0];
	v10 =	vadd.f32 v44, v35;
	v6 =	vadd.f32 v21, v6  }
0x339: {  	v38 =	vld [tilespmem:$0x1070];
	v5 =	vadd.f32 v25, v5  }
0x33a: {  	v52 =	vld [tilespmem:$0x1670];
	v10 =	vadd.f32 v28, v10;
	v6 =	vadd.f32 v26, v6  }
0x33b: {  	v44 =	vld [tilespmem:$0x14E0];
	v5 =	vadd.f32 v30, v5  }
0x33c: {  	v16 =	vld [tilespmem:$0x17E0];
	v10 =	vadd.f32 v51, v10;
	v6 =	vadd.f32 v34, v6  }
0x33d: {  	v53 =	vld [tilespmem:$0x16E0];
	v5 =	vadd.f32 v36, v5  }
0x33e: {  	v58 =	vld [tilespmem:$0x1FEC0];
	v10 =	vadd.f32 v49, v10;
	v6 =	vadd.f32 v37, v6  }
0x33f: {  	v35 =	vld [tilespmem:$0x1E60];
	v5 =	vadd.f32 v38, v5  }
0x340: {  	v10 =	vadd.f32 v54, v10;
	v54 =	vld [tilespmem:$0x1FEB0];
	v6 =	vadd.f32 v44, v6  }
0x341: {  	v51 =	vld [tilespmem:$0x1660];
	v5 =	vadd.f32 v45, v5  }
0x342: {  	v61 =	vld [tilespmem:$0x1770];
	v6 =	vadd.f32 v46, v6  }
0x343: {  	v28 =	vld [tilespmem:$0x1CF0];
	v5 =	vadd.f32 v47, v5  }
0x344: {  	v21 =	vld [tilespmem:$0x1860];
	v6 =	vadd.f32 v48, v6  }
0x345: {  	v25 =	vld [tilespmem:$0x1CE0];
	v10 =	vadd.f32 v54, v10;
	v5 =	vadd.f32 v50, v5  }
0x346: {  	v26 =	vld [tilespmem:$0x1FEE0];
	v6 =	vadd.f32 v51, v6  }
0x347: {  	v30 =	vld [tilespmem:$0x1FEF0];
	v10 =	vadd.f32 v58, v10;
	v63 =	vadd.f32 v52, v5  }
0x348: {  	v49 =	vld [tilespmem:$0x1FE0];
	v6 =	vadd.f32 v53, v6  }
0x349: {  	v34 =	vld [tilespmem:$0x1DF0];
	v10 =	vadd.f32 v19, v10;
	v4 =	vadd.f32 v55, v63  }
0x34a: {  	v36 =	vld [tilespmem:$0x1FF00];
	v6 =	vadd.f32 v57, v6  }
0x34b: {  	v37 =	vld [tilespmem:$0x1FF10];
	v10 =	vadd.f32 v39, v10;
	v4 =	vadd.f32 v61, v4  }
0x34c: {  	v3 =	vadd.f32 v27, v3;
	v38 =	vld [tilespmem:$0x1E70];
	v5 =	vadd.f32 v16, v6  }
0x34d: {  	v44 =	vld [tilespmem:$0x1F60];
	v10 =	vadd.f32 v26, v10;
	v4 =	vadd.f32 v20, v4  }
0x34e: {  	v3 =	vadd.f32 v24, v3;
	v45 =	vld [tilespmem:$0x1FF50];
	v5 =	vadd.f32 v21, v5  }
0x34f: {  	v46 =	vld [tilespmem:$0x1FF60];
	v10 =	vadd.f32 v30, v10;
	v4 =	vadd.f32 v23, v4  }
0x350: {  	v3 =	vadd.f32 v62, v3;
	v47 =	vld [tilespmem:$0x1F70];
	v5 =	vadd.f32 v25, v5  }
0x351: {  	v48 =	vld [tilespmem:$0x1FF70];
	v10 =	vadd.f32 v56, v10;
	v4 =	vadd.f32 v28, v4  }
0x352: {  	[tilespmem:$0x2130] =	vst v2;
	v3 =	vadd.f32 v33, v3;
	v50 =	vld [tilespmem:$0x1FF80];
	v5 =	vadd.f32 v29, v5  }
0x353: {  	[tilespmem:$0x20B0] =	vst v43;
	v51 =	vld [tilespmem:$0x1FF90];
	v10 =	vadd.f32 v37, v10;
	v4 =	vadd.f32 v31, v4  }
0x354: {  	[tilespmem:$0x20A0] =	vst v41;
	v3 =	vadd.f32 v15, v3;
	v52 =	vld [tilespmem:$0x1FF0];
	v5 =	vadd.f32 v32, v5  }
0x355: {  	[tilespmem:$0x2100] =	vst v17;
	v39 =	vld [tilespmem:$0x1FF20];
	v10 =	vadd.f32 v59, v10;
	v4 =	vadd.f32 v34, v4  }
0x356: {  	v3 =	vadd.f32 v18, v3;
	[tilespmem:$0x2110] =	vst v1;
	v55 =	vld [tilespmem:$0x1FFB0];
	v5 =	vadd.f32 v35, v5  }
0x357: {  	[tilespmem:$0x2120] =	vst v0;
	v53 =	vld [tilespmem:$0x1FFA0];
	v10 =	vadd.f32 v46, v10;
	v4 =	vadd.f32 v38, v4  }
0x358: {  	v3 =	vadd.f32 v14, v3;
	[tilespmem:$0x2080] =	vst v36;
	v59 =	vld [tilespmem:$0x1FFC0];
	v5 =	vadd.f32 v40, v5  }
0x359: {  	v54 =	vld [tilespmem:$0x2060];
	[tilespmem:$0x20C0] =	vst v45;
	v10 =	vadd.f32 v51, v10;
	v4 =	vadd.f32 v42, v4  }
0x35a: {  	[tilespmem:$0x20D0] =	vst v48;
	v57 =	vadd.f32 v60, v3;
	v56 =	vld [tilespmem:$0x2070];
	v5 =	vadd.f32 v44, v5  }
0x35b: {  	[tilespmem:$0x20E0] =	vst v50;
	v10 =	vadd.f32 v55, v10;
	v58 =	vadd.f32 v47, v4  }
0x35c: {  	v1 =	vadd.f32 v22, v57;
	[tilespmem:$0x2090] =	vst v39;
	v60 =	vadd.f32 v49, v5  }
0x35d: {  	[tilespmem:$0x20F0] =	vst v53;
	v0 =	vadd.f32 v59, v10;
	v61 =	vadd.f32 v52, v58  }
0x35e: {  	[tilespmem:$0x2150] =	vst v1;
	v62 =	vadd.f32 v54, v60  }
0x35f: {  	[tilespmem:$0x2140] =	vst v0;
	v63 =	vadd.f32 v56, v61  }
0x360: {  	[tilespmem:$0x2160] =	vst v62  }
0x361: {  	[tilespmem:$0x2170] =	vst v63  }
0x362: {  	[spmem:s6] =	stream.strided.scatter [tilespmem:s18], [sflag:$0x2], $0x100, s17, s12, $0x38;
	[tilespmem:$0x2680] =	vst v63  }
.Ltmp2:
0x363: {  	_ =	swait.ge [sflag:s11], $0x100;
	(pc) =	sbr.rel @p0 .LBB2_3-.Ltmp2, $3  }
0x364: {  	[sflag:s11] =	ssyncset.done $0x0  }
0x365: {  	[sflag:s11] =	ssyncadd.s32 $0xFFFFFF00  }
0x366: {  	[bflag:$0x0] =	sbarrier.arrive $0xFFFF;
	_ =	sdelay $0x1  }
0x367: {  	[tilespmem:s19], [sflag:$0x2] =	stream.strided.gather [spmem:s7], $0x100, s17, s12, $0x38;
	[tilespmem:$0x2680] =	vst v63  }
0x368: {  	_ =	swait.ge [sflag:s11], $0x100  }
0x369: {  	[sflag:s11] =	ssyncset.done $0x0  }
0x36a: {  	[sflag:s11] =	ssyncadd.s32 $0xFFFFFF00  }
0x36b: {  	[tilespmem:s20], [sflag:$0x2] =	stream.linear.gather [hbm4b:s8+s3], $0x100, $0x38;
	[tilespmem:$0x2680] =	vst v63  }
0x36c: {  	_ =	swait.ge [sflag:s11], $0x100  }
0x36d: {  	[sflag:s11] =	ssyncset.done $0x0  }
0x36e: {  	[sflag:s11] =	ssyncadd.s32 $0xFFFFFF00  }
0x36f: {  	v0 =	vld [tilespmem:$0x2280]  }
0x370: {  	v1 =	vld [tilespmem:$0x2080]  }
0x371: {  	v2 =	vld [tilespmem:$0x2180]  }
0x372: {  	v3 =	vld [tilespmem:$0x2290]  }
0x373: {  	v4 =	vld [tilespmem:$0x2090]  }
0x374: {  	v5 =	vld [tilespmem:$0x2190]  }
0x375: {  	v6 =	vld [tilespmem:$0x22A0]  }
0x376: {  	v7 =	vld [tilespmem:$0x20A0]  }
0x377: {  	v8 =	vld [tilespmem:$0x21A0]  }
0x378: {  	v9 =	vld [tilespmem:$0x22B0]  }
0x379: {  	v10 =	vld [tilespmem:$0x20B0]  }
0x37a: {  	v11 =	vld [tilespmem:$0x21B0]  }
0x37b: {  	v12 =	vld [tilespmem:$0x22C0]  }
0x37c: {  	v13 =	vld [tilespmem:$0x20C0]  }
0x37d: {  	v14 =	vld [tilespmem:$0x21C0]  }
0x37e: {  	v15 =	vld [tilespmem:$0x22D0]  }
0x37f: {  	v16 =	vld [tilespmem:$0x20D0]  }
0x380: {  	v17 =	vld [tilespmem:$0x21D0]  }
0x381: {  	v18 =	vld [tilespmem:$0x22E0]  }
0x382: {  	v19 =	vld [tilespmem:$0x20E0]  }
0x383: {  	v20 =	vld [tilespmem:$0x21E0]  }
0x384: {  	v21 =	vld [tilespmem:$0x22F0]  }
0x385: {  	v22 =	vld [tilespmem:$0x20F0]  }
0x386: {  	v23 =	vld [tilespmem:$0x21F0]  }
0x387: {  	v24 =	vld [tilespmem:$0x2300]  }
0x388: {  	v25 =	vld [tilespmem:$0x2100]  }
0x389: {  	v26 =	vld [tilespmem:$0x2200]  }
0x38a: {  	v27 =	vld [tilespmem:$0x2310]  }
0x38b: {  	v28 =	vld [tilespmem:$0x2110]  }
0x38c: {  	v30 =	vld [tilespmem:$0x2320]  }
0x38d: {  	v31 =	vld [tilespmem:$0x2120]  }
0x38e: {  	v33 =	vld [tilespmem:$0x2330]  }
0x38f: {  	v34 =	vld [tilespmem:$0x2130]  }
0x390: {  	v56 =	vld [tilespmem:$0x2230]  }
0x391: {  	v57 =	vld [tilespmem:$0x2340]  }
0x392: {  	v59 =	vld [tilespmem:$0x2140];
	v0 =	vsub.f32 v0, v1  }
0x393: {  	v61 =	vld [tilespmem:$0x2240];
	v3 =	vsub.f32 v3, v4;
	v58 =	vsub.f32 v6, v7  }
0x394: {  	v63 =	vld [tilespmem:$0x2350];
	v60 =	vsub.f32 v9, v10;
	v62 =	vsub.f32 v12, v13  }
0x395: {  	v41 =	vld [tilespmem:$0x2360];
	v16 =	vsub.f32 v15, v16;
	v0 =	vsub.f32 v0, v2  }
0x396: {  	v44 =	vld [tilespmem:$0x2160];
	v37 =	vsub.f32 v18, v19;
	v3 =	vsub.f32 v3, v5  }
0x397: {  	v47 =	vld [tilespmem:$0x2370];
	v52 =	vsub.f32 v33, v34;
	v2 =	vsub.f32 v58, v8;
	v0 =	vmul.f32 $1.230314960e-04, v0  }
0x398: {  	v50 =	vld [tilespmem:$0x2170];
	v40 =	vsub.f32 v21, v22;
	v5 =	vsub.f32 v60, v11;
	v3 =	vmul.f32 $1.230314960e-04, v3  }
0x399: {  	v53 =	vld [tilespmem:$0x2260];
	v43 =	vsub.f32 v24, v25;
	v1 =	vsub.f32 v52, v56;
	v2 =	vmul.f32 $1.230314960e-04, v2;
	[tilespmem:$0x2380] =	vst v0  }
0x39a: {  	v55 =	vld [tilespmem:$0x2270];
	v46 =	vsub.f32 v27, v28;
	v36 =	vsub.f32 v62, v14;
	v5 =	vmul.f32 $1.230314960e-04, v5;
	[tilespmem:$0x2390] =	vst v3  }
0x39b: {  	v35 =	vld [tilespmem:$0x2150];
	v4 =	vsub.f32 v57, v59;
	v39 =	vsub.f32 v16, v17;
	v1 =	vmul.f32 $1.230314960e-04, v1;
	[tilespmem:$0x23A0] =	vst v2  }
0x39c: {  	v29 =	vld [tilespmem:$0x2210];
	v42 =	vsub.f32 v37, v20;
	v58 =	vsub.f32 v41, v44;
	v0 =	vmul.f32 $1.230314960e-04, v36;
	[tilespmem:$0x23B0] =	vst v5  }
0x39d: {  	v32 =	vld [tilespmem:$0x2220];
	v45 =	vsub.f32 v40, v23;
	v60 =	vsub.f32 v47, v50;
	v3 =	vmul.f32 $1.230314960e-04, v39;
	[tilespmem:$0x2430] =	vst v1  }
0x39e: {  	v57 =	vsub.f32 v4, v61;
	v61 =	vsub.f32 v58, v53;
	v2 =	vmul.f32 $1.230314960e-04, v42;
	[tilespmem:$0x23C0] =	vst v0  }
0x39f: {  	v38 =	vld [tilespmem:$0x2250];
	v49 =	vsub.f32 v30, v31;
	v62 =	vsub.f32 v60, v55;
	v5 =	vmul.f32 $1.230314960e-04, v45;
	[tilespmem:$0x23D0] =	vst v3  }
0x3a0: {  	v48 =	vsub.f32 v43, v26;
	v56 =	vsub.f32 v63, v35;
	v63 =	vmul.f32 $1.230314960e-04, v61;
	[tilespmem:$0x23E0] =	vst v2  }
0x3a1: {  	v51 =	vsub.f32 v46, v29;
	v1 =	vmul.f32 $1.230314960e-04, v62;
	[tilespmem:$0x23F0] =	vst v5  }
0x3a2: {  	v54 =	vsub.f32 v49, v32;
	v0 =	vmul.f32 $1.230314960e-04, v48;
	[tilespmem:$0x2460] =	vst v63  }
0x3a3: {  	v3 =	vmul.f32 $1.230314960e-04, v51;
	[tilespmem:$0x2470] =	vst v1  }
0x3a4: {  	v59 =	vsub.f32 v56, v38;
	v2 =	vmul.f32 $1.230314960e-04, v54;
	[tilespmem:$0x2400] =	vst v0  }
0x3a5: {  	[tilespmem:$0x2410] =	vst v3;
	v0 =	vmul.f32 $1.230314960e-04, v57  }
0x3a6: {  	[tilespmem:$0x2420] =	vst v2;
	v3 =	vmul.f32 $1.230314960e-04, v59  }
0x3a7: {  	[tilespmem:$0x2440] =	vst v0  }
.Ltmp3:
0x3a8: {  	[tilespmem:$0x2450] =	vst v3;
	(pc) =	sbr.rel .LBB2_3-.Ltmp3, $4  }
0x3a9: {  	[hbm4b:s9+s3] =	stream.linear.scatter [tilespmem:s21], [sflag:$0x2], $0x100, $0x38;
	[tilespmem:$0x2680] =	vst v63  }
0x3aa: {  	_ =	swait.ge [sflag:s11], $0x100  }
0x3ab: {  	[sflag:s11] =	ssyncset.done $0x0  }
0x3ac: {  	[sflag:s11] =	ssyncadd.s32 $0xFFFFFF00  }
.LBB2_4:
0x3ad: {  	_ =	sfence.sel $0x180000  }
0x3ae: {  	[bflag:$0x0] =	sbarrier.arrive $0xFFFF  }
0x3af: {  	p0 =	sne.s32 s2, $0x0;
	_ =	strace $0x90000047  }
0x3b0: {  	s0 =	sadd.s32 @!p0 $0x100000, s0;
	[bflag:$0x2] =	sbarrier.arrive $0xFFFF  }
0x3b1: {  	[sflag:s0] =	ssyncadd.tile.s32 @!p0 $0x1;
	_ =	shalt  }
.Lfunc_end2:
_tile_overlayer_lowered:
.L_overlay_start_2:
0x3b2: {  	(tag) =	ssettag $0x2  }
0x3b3: {  	s0 =	rddreg [dreg:$0x0];
	s2 =	stileid.u32  }
0x3b4: {  	s1 =	rddreg [dreg:$0x1];
	p0 =	sne.s32 s2, $0x0  }
0x3b5: {  	s3 =	rddreg [dreg:$0x2];
	[bflag:$0x3] =	sbarrier.arrive $0xFFFF;
	s2 =	simm.s32 @!p0 $0x1C02  }
0x3b6: {  	[timem:s3], [sflag:s2] =	dma.local @!p0 [hbm:s0], s1  }
0x3b7: {  	s0 =	simm.s32 @!p0 $0x2  }
0x3b8: {  	_ =	swait.ge @!p0 [sflag:s0], s1  }
0x3b9: {  	s1 =	ssub.s32 @!p0 $0x0, s1;
	[sflag:s0] =	ssyncset.done @!p0 $0x0  }
0x3ba: {  	[sflag:s0] =	ssyncadd.s32 @!p0 s1  }
0x3bb: {  	[bflag:$0x3] =	sbarrier.arrive $0xFFFF  }
0x3bc: {  	_ =	shalt  }

</sc_bundles>
